<compile_context>
chip_gen: v7x
topology: tpu7x:2x2x1
jax: 0.10.2.dev20260603
libtpu: 0.0.44.dev20260713+nightly
codegen_flags: <defaults>
</compile_context>

<pallas_src>
import functools

import jax
import jax.numpy as jnp
from jax import lax
from jax.experimental import pallas as pl
from jax.experimental.pallas import tpu as pltpu
from jax.experimental.pallas import tpu_sc as plsc

_EMB = 32
_NC, _NS = 2, 16
_NW = _NC * _NS
_BLK = 128


def _sc_gather_native(x4, table, B, H):
    n_blocks = (B // _BLK) * H
    per_w = n_blocks // _NW
    bb = B // _BLK
    mesh = plsc.VectorSubcoreMesh(
        core_axis_name="c", subcore_axis_name="s",
        num_cores=_NC, num_subcores=_NS)

    @functools.partial(
        pl.kernel,
        out_type=jax.ShapeDtypeStruct((H, _EMB // 8, bb, 8 * _BLK),
                                      jnp.float32),
        mesh=mesh,
        scratch_types=[
            pltpu.VMEM((_BLK,), jnp.int32),
            pltpu.VMEM((_BLK,), jnp.int32),
            pltpu.VMEM((_BLK, _EMB), jnp.float32),
            pltpu.VMEM((_BLK, _EMB), jnp.float32),
            pltpu.VMEM((_EMB * _BLK,), jnp.float32),
            pltpu.VMEM((_EMB * _BLK,), jnp.float32),
        ] + [pltpu.SemaphoreType.DMA] * 6,
        compiler_params=pltpu.CompilerParams(
            use_tc_tiling_on_sc=False, needs_layout_passes=False),
    )
    def k(x4_hbm, table_hbm, out_hbm,
          idx0, idx1, rows0, rows1, tr0, tr1,
          is0, is1, gs0, gs1, ss0, ss1):
        idx_v = (idx0, idx1)
        rows_v = (rows0, rows1)
        tr_v = (tr0, tr1)
        idx_sem = (is0, is1)
        gat_sem = (gs0, gs1)
        st_sem = (ss0, ss1)
        wid = lax.axis_index("s") * _NC + lax.axis_index("c")
        base = wid * per_w

        def hb(g):
            blk = base + g
            return blk // bb, blk % bb

        def idx_desc(g, s):
            h, b_hi = hb(g)
            return pltpu.make_async_copy(
                x4_hbm.at[h // 8, b_hi, h % 8], idx_v[s], idx_sem[s])

        def gat_desc(s):
            return pltpu.make_async_copy(
                table_hbm.at[idx_v[s]], rows_v[s], gat_sem[s])

        def st_desc(g, s, e_hi):
            h, b_hi = hb(g)
            return pltpu.make_async_copy(
                tr_v[s].at[pl.ds(e_hi * 8 * _BLK, 8 * _BLK)],
                out_hbm.at[h, e_hi, b_hi], st_sem[s])

        def st_start(g, s):
            for e_hi in range(4):
                st_desc(g, s, e_hi).start()

        def st_wait(g, s):
            for e_hi in range(4):
                st_desc(g, s, e_hi).wait()

        lanes = lax.iota(jnp.int32, 16)

        col0 = lanes * _BLK
        col1 = (16 + lanes) * _BLK

        def transpose(s):
            rows, tr = rows_v[s], tr_v[s]

            @plsc.parallel_loop(jnp.int32(0), jnp.int32(_BLK // 4))
            def jloop(j4):
                for jo in range(4):
                    j = j4 * 4 + jo
                    plsc.store_scatter(tr, [col0 + j],
                                       rows[j, pl.ds(0, 16)])
                    plsc.store_scatter(tr, [col1 + j],
                                       rows[j, pl.ds(16, 16)])

        n = per_w

        idx_desc(0, 0).start()
        idx_desc(1, 1).start()
        idx_desc(0, 0).wait()
        gat_desc(0).start()

        gat_desc(0).wait()
        idx_desc(1, 1).wait()
        gat_desc(1).start()
        transpose(0)
        st_start(0, 0)
        idx_desc(2, 0).start()

        gat_desc(1).wait()
        idx_desc(2, 0).wait()
        gat_desc(0).start()
        transpose(1)
        st_start(1, 1)
        idx_desc(3, 1).start()

        @pl.loop(0, (n - 4) // 2)
        def main(t):
            for b in (0, 1):
                g = 2 + 2 * t + b
                s, s1 = b, 1 - b
                gat_desc(s).wait()
                idx_desc(g + 1, s1).wait()
                gat_desc(s1).start()
                st_wait(g - 2, s)
                transpose(s)
                st_start(g, s)
                idx_desc(g + 2, s).start()

        s, s1 = (n - 2) % 2, (n - 1) % 2
        gat_desc(s).wait()
        idx_desc(n - 1, s1).wait()
        gat_desc(s1).start()
        st_wait(n - 4, s)
        transpose(s)
        st_start(n - 2, s)

        gat_desc(s1).wait()
        st_wait(n - 3, s1)
        transpose(s1)
        st_start(n - 1, s1)

        st_wait(n - 2, s)
        st_wait(n - 1, s1)

    return k(x4, table)


def kernel(x, W):
    B, H = x.shape
    x4 = (x.astype(jnp.int32).T
          .reshape(H // 8, 8, B // _BLK, _BLK)
          .transpose(0, 2, 1, 3))
    out4 = _sc_gather_native(x4, W, B, H)
    return (out4.reshape(H, _EMB // 8, B // _BLK, 8, _BLK)
            .transpose(2, 4, 0, 1, 3)
            .reshape(B, H, _EMB))

# --- scband reference (transcript-rebuilt; emitter-appended) ---
"""Pipeline reference for scband-output-embedding-4157528342587 (READ-ONLY COPY).

The authoritative reference and input builder live on the scoring server;
editing this copy changes nothing except your own understanding.
"""

import jax, jax.numpy as jnp
import numpy as np

VOCAB = 1000000
EMB_DIM = 32
BATCH = 16384
HIST = 200

def setup_inputs(seed: int = 0) -> dict:
    key = jax.random.key(seed)
    k1, k2 = jax.random.split(key)
    x = jax.random.randint(k1, (BATCH, HIST), 0, VOCAB, dtype=jnp.int64 if jax.config.read('jax_enable_x64') else jnp.int32)
    W = 0.02 * jax.random.normal(k2, (VOCAB, EMB_DIM), dtype=jnp.float32)
    return {"x": x, "W": W}

def reference(x, W):
    # torch.nn.Embedding forward: gather rows of the table by index
    idx = x.astype(jnp.int32)
    return jnp.take(W, idx, axis=0)

if __name__ == "__main__":
    import jax
    _d = setup_inputs()
    print(jax.jit(kernel)(*tuple(_d.values())))

</pallas_src>

<mosaic_0001>
#map = affine_map<(d0, d1) -> (0, 0, 0, 0)>
#map1 = affine_map<(d0, d1) -> (0, 0)>
module attributes {stable_mosaic.version = 14 : i64} {
  func.func @k(%arg0: i32, %arg1: i32, %arg2: memref<25x128x8x128xi32, #tpu.memory_space<hbm>>, %arg3: memref<1000000x32xf32, #tpu.memory_space<hbm>>, %arg4: memref<200x4x128x1024xf32, #tpu.memory_space<hbm>>, %arg5: memref<128xi32, #tpu.memory_space<vmem>>, %arg6: memref<128xi32, #tpu.memory_space<vmem>>, %arg7: memref<128x32xf32, #tpu.memory_space<vmem>>, %arg8: memref<128x32xf32, #tpu.memory_space<vmem>>, %arg9: memref<4096xf32, #tpu.memory_space<vmem>>, %arg10: memref<4096xf32, #tpu.memory_space<vmem>>, %arg11: memref<!tpu.dma_semaphore, #tpu.memory_space<semaphore_mem>>, %arg12: memref<!tpu.dma_semaphore, #tpu.memory_space<semaphore_mem>>, %arg13: memref<!tpu.dma_semaphore, #tpu.memory_space<semaphore_mem>>, %arg14: memref<!tpu.dma_semaphore, #tpu.memory_space<semaphore_mem>>, %arg15: memref<!tpu.dma_semaphore, #tpu.memory_space<semaphore_mem>>, %arg16: memref<!tpu.dma_semaphore, #tpu.memory_space<semaphore_mem>>) attributes {dimension_semantics = [#tpu.dimension_semantics<core_parallel>, #tpu.dimension_semantics<subcore_parallel>], iteration_bounds = array<i64: 2, 16>, scalar_prefetch = 0 : i64, scratch_operands = 12 : i64, tpu.core_type = #tpu.core_type<sc_vector_subcore>, window_params = [{transform_indices = #map}, {transform_indices = #map1}, {transform_indices = #map}]} {
    %mul3A = arith.constant 2 : i32
    %mul3A_0 = arith.muli %arg1, %mul3A : i32
    %add3A = arith.addi %mul3A_0, %arg0 : i32
    %mul3A_1 = arith.constant 800 : i32
    %mul3A_2 = arith.muli %add3A, %mul3A_1 : i32
    %iota3A = tpu.iota {dimensions = array<i32: 0>} : vector<16xi32>
    %mul3A_3 = arith.constant 128 : i32
    %mul3A_4 = vector.broadcast %mul3A_3 : i32 to vector<16xi32>
    %mul3A_5 = arith.muli %iota3A, %mul3A_4 : vector<16xi32>
    %add3A_6 = arith.constant 16 : i32
    %add3A_7 = vector.broadcast %add3A_6 : i32 to vector<16xi32>
    %add3A_8 = arith.addi %add3A_7, %iota3A : vector<16xi32>
    %mul3A_9 = arith.constant 128 : i32
    %mul3A_10 = vector.broadcast %mul3A_9 : i32 to vector<16xi32>
    %mul3A_11 = arith.muli %add3A_8, %mul3A_10 : vector<16xi32>
    %add3A_12 = arith.constant 0 : i32
    %add3A_13 = arith.addi %mul3A_2, %add3A_12 : i32
    %jit3A = arith.constant 128 : i32
    %div3A = arith.divsi %add3A_13, %jit3A : i32
    %sign3A = arith.constant 0 : i32
    %sign3A_14 = arith.cmpi sgt, %add3A_13, %sign3A : i32
    %sign3A_15 = arith.extui %sign3A_14 : i1 to i32
    %sign3A_16 = arith.constant 0 : i32
    %sign3A_17 = arith.cmpi slt, %add3A_13, %sign3A_16 : i32
    %sign3A_18 = arith.extui %sign3A_17 : i1 to i32
    %sign3A_19 = arith.subi %sign3A_15, %sign3A_18 : i32
    %sign3A_20 = arith.constant 0 : i32
    %sign3A_21 = arith.cmpi sgt, %jit3A, %sign3A_20 : i32
    %sign3A_22 = arith.extui %sign3A_21 : i1 to i32
    %sign3A_23 = arith.constant 0 : i32
    %sign3A_24 = arith.cmpi slt, %jit3A, %sign3A_23 : i32
    %sign3A_25 = arith.extui %sign3A_24 : i1 to i32
    %sign3A_26 = arith.subi %sign3A_22, %sign3A_25 : i32
    %ne3A = arith.cmpi ne, %sign3A_19, %sign3A_26 : i32
    %rem3A = arith.remsi %add3A_13, %jit3A : i32
    %ne3A_27 = arith.constant 0 : i32
    %ne3A_28 = arith.cmpi ne, %rem3A, %ne3A_27 : i32
    %and3A = arith.andi %ne3A, %ne3A_28 : i1
    %sub3A = arith.constant 1 : i32
    %sub3A_29 = arith.subi %div3A, %sub3A : i32
    %select_n3A = arith.select %and3A, %sub3A_29, %div3A : i32
    %jit3A_30 = arith.constant 128 : i32
    %eq3A = arith.constant 0 : i32
    %eq3A_31 = arith.cmpi eq, %jit3A_30, %eq3A : i32
    %jit3A_32 = arith.constant 1 : i32
    %select_n3A_33 = arith.select %eq3A_31, %jit3A_32, %jit3A_30 : i32
    %rem3A_34 = arith.remsi %add3A_13, %select_n3A_33 : i32
    %ne3A_35 = arith.constant 0 : i32
    %ne3A_36 = arith.cmpi ne, %rem3A_34, %ne3A_35 : i32
    %lt3A = arith.constant 0 : i32
    %lt3A_37 = arith.cmpi slt, %rem3A_34, %lt3A : i32
    %lt3A_38 = arith.constant 0 : i32
    %lt3A_39 = arith.cmpi slt, %select_n3A_33, %lt3A_38 : i32
    %ne3A_40 = arith.xori %lt3A_37, %lt3A_39 : i1
    %and3A_41 = arith.andi %ne3A_40, %ne3A_36 : i1
    %add3A_42 = arith.addi %rem3A_34, %select_n3A_33 : i32
    %select_n3A_43 = arith.select %and3A_41, %add3A_42, %rem3A_34 : i32
    %jit3A_44 = arith.constant 8 : i32
    %div3A_45 = arith.divsi %select_n3A, %jit3A_44 : i32
    %sign3A_46 = arith.constant 0 : i32
    %sign3A_47 = arith.cmpi sgt, %select_n3A, %sign3A_46 : i32
    %sign3A_48 = arith.extui %sign3A_47 : i1 to i32
    %sign3A_49 = arith.constant 0 : i32
    %sign3A_50 = arith.cmpi slt, %select_n3A, %sign3A_49 : i32
    %sign3A_51 = arith.extui %sign3A_50 : i1 to i32
    %sign3A_52 = arith.subi %sign3A_48, %sign3A_51 : i32
    %sign3A_53 = arith.constant 0 : i32
    %sign3A_54 = arith.cmpi sgt, %jit3A_44, %sign3A_53 : i32
    %sign3A_55 = arith.extui %sign3A_54 : i1 to i32
    %sign3A_56 = arith.constant 0 : i32
    %sign3A_57 = arith.cmpi slt, %jit3A_44, %sign3A_56 : i32
    %sign3A_58 = arith.extui %sign3A_57 : i1 to i32
    %sign3A_59 = arith.subi %sign3A_55, %sign3A_58 : i32
    %ne3A_60 = arith.cmpi ne, %sign3A_52, %sign3A_59 : i32
    %rem3A_61 = arith.remsi %select_n3A, %jit3A_44 : i32
    %ne3A_62 = arith.constant 0 : i32
    %ne3A_63 = arith.cmpi ne, %rem3A_61, %ne3A_62 : i32
    %and3A_64 = arith.andi %ne3A_60, %ne3A_63 : i1
    %sub3A_65 = arith.constant 1 : i32
    %sub3A_66 = arith.subi %div3A_45, %sub3A_65 : i32
    %select_n3A_67 = arith.select %and3A_64, %sub3A_66, %div3A_45 : i32
    %jit3A_68 = arith.constant 8 : i32
    %eq3A_69 = arith.constant 0 : i32
    %eq3A_70 = arith.cmpi eq, %jit3A_68, %eq3A_69 : i32
    %jit3A_71 = arith.constant 1 : i32
    %select_n3A_72 = arith.select %eq3A_70, %jit3A_71, %jit3A_68 : i32
    %rem3A_73 = arith.remsi %select_n3A, %select_n3A_72 : i32
    %ne3A_74 = arith.constant 0 : i32
    %ne3A_75 = arith.cmpi ne, %rem3A_73, %ne3A_74 : i32
    %lt3A_76 = arith.constant 0 : i32
    %lt3A_77 = arith.cmpi slt, %rem3A_73, %lt3A_76 : i32
    %lt3A_78 = arith.constant 0 : i32
    %lt3A_79 = arith.cmpi slt, %select_n3A_72, %lt3A_78 : i32
    %ne3A_80 = arith.xori %lt3A_77, %lt3A_79 : i1
    %and3A_81 = arith.andi %ne3A_80, %ne3A_75 : i1
    %add3A_82 = arith.addi %rem3A_73, %select_n3A_72 : i32
    %select_n3A_83 = arith.select %and3A_81, %add3A_82, %rem3A_73 : i32
    %dma_start3A = arith.constant 0 : i32
    %dma_start3A_84 = tpu.memref_slice %arg2[%select_n3A_67, %select_n3A_43, %select_n3A_83, %dma_start3A] : memref<25x128x8x128xi32, #tpu.memory_space<hbm>> -> memref<1x1x1x128xi32, #tpu.memory_space<hbm>>
    %dma_start3A_85 = tpu.memref_squeeze %dma_start3A_84 : memref<1x1x1x128xi32, #tpu.memory_space<hbm>> -> memref<128xi32, #tpu.memory_space<hbm>>
    %dma_start3A_86 = arith.constant 0 : i32
    %dma_start3A_87 = tpu.memref_slice %arg2[%select_n3A_67, %select_n3A_43, %select_n3A_83, %dma_start3A_86] : memref<25x128x8x128xi32, #tpu.memory_space<hbm>> -> memref<1x1x1x128xi32, #tpu.memory_space<hbm>>
    %dma_start3A_88 = tpu.memref_squeeze %dma_start3A_87 : memref<1x1x1x128xi32, #tpu.memory_space<hbm>> -> memref<128xi32, #tpu.memory_space<hbm>>
    tpu.enqueue_dma source(%dma_start3A_88 : memref<128xi32, #tpu.memory_space<hbm>>) target(%arg5 : memref<128xi32, #tpu.memory_space<vmem>>) target_semaphore(%arg11 : memref<!tpu.dma_semaphore, #tpu.memory_space<semaphore_mem>>)
    %add3A_89 = arith.constant 1 : i32
    %add3A_90 = arith.addi %mul3A_2, %add3A_89 : i32
    %jit3A_91 = arith.constant 128 : i32
    %div3A_92 = arith.divsi %add3A_90, %jit3A_91 : i32
    %sign3A_93 = arith.constant 0 : i32
    %sign3A_94 = arith.cmpi sgt, %add3A_90, %sign3A_93 : i32
    %sign3A_95 = arith.extui %sign3A_94 : i1 to i32
    %sign3A_96 = arith.constant 0 : i32
    %sign3A_97 = arith.cmpi slt, %add3A_90, %sign3A_96 : i32
    %sign3A_98 = arith.extui %sign3A_97 : i1 to i32
    %sign3A_99 = arith.subi %sign3A_95, %sign3A_98 : i32
    %sign3A_100 = arith.constant 0 : i32
    %sign3A_101 = arith.cmpi sgt, %jit3A_91, %sign3A_100 : i32
    %sign3A_102 = arith.extui %sign3A_101 : i1 to i32
    %sign3A_103 = arith.constant 0 : i32
    %sign3A_104 = arith.cmpi slt, %jit3A_91, %sign3A_103 : i32
    %sign3A_105 = arith.extui %sign3A_104 : i1 to i32
    %sign3A_106 = arith.subi %sign3A_102, %sign3A_105 : i32
    %ne3A_107 = arith.cmpi ne, %sign3A_99, %sign3A_106 : i32
    %rem3A_108 = arith.remsi %add3A_90, %jit3A_91 : i32
    %ne3A_109 = arith.constant 0 : i32
    %ne3A_110 = arith.cmpi ne, %rem3A_108, %ne3A_109 : i32
    %and3A_111 = arith.andi %ne3A_107, %ne3A_110 : i1
    %sub3A_112 = arith.constant 1 : i32
    %sub3A_113 = arith.subi %div3A_92, %sub3A_112 : i32
    %select_n3A_114 = arith.select %and3A_111, %sub3A_113, %div3A_92 : i32
    %jit3A_115 = arith.constant 128 : i32
    %eq3A_116 = arith.constant 0 : i32
    %eq3A_117 = arith.cmpi eq, %jit3A_115, %eq3A_116 : i32
    %jit3A_118 = arith.constant 1 : i32
    %select_n3A_119 = arith.select %eq3A_117, %jit3A_118, %jit3A_115 : i32
    %rem3A_120 = arith.remsi %add3A_90, %select_n3A_119 : i32
    %ne3A_121 = arith.constant 0 : i32
    %ne3A_122 = arith.cmpi ne, %rem3A_120, %ne3A_121 : i32
    %lt3A_123 = arith.constant 0 : i32
    %lt3A_124 = arith.cmpi slt, %rem3A_120, %lt3A_123 : i32
    %lt3A_125 = arith.constant 0 : i32
    %lt3A_126 = arith.cmpi slt, %select_n3A_119, %lt3A_125 : i32
    %ne3A_127 = arith.xori %lt3A_124, %lt3A_126 : i1
    %and3A_128 = arith.andi %ne3A_127, %ne3A_122 : i1
    %add3A_129 = arith.addi %rem3A_120, %select_n3A_119 : i32
    %select_n3A_130 = arith.select %and3A_128, %add3A_129, %rem3A_120 : i32
    %jit3A_131 = arith.constant 8 : i32
    %div3A_132 = arith.divsi %select_n3A_114, %jit3A_131 : i32
    %sign3A_133 = arith.constant 0 : i32
    %sign3A_134 = arith.cmpi sgt, %select_n3A_114, %sign3A_133 : i32
    %sign3A_135 = arith.extui %sign3A_134 : i1 to i32
    %sign3A_136 = arith.constant 0 : i32
    %sign3A_137 = arith.cmpi slt, %select_n3A_114, %sign3A_136 : i32
    %sign3A_138 = arith.extui %sign3A_137 : i1 to i32
    %sign3A_139 = arith.subi %sign3A_135, %sign3A_138 : i32
    %sign3A_140 = arith.constant 0 : i32
    %sign3A_141 = arith.cmpi sgt, %jit3A_131, %sign3A_140 : i32
    %sign3A_142 = arith.extui %sign3A_141 : i1 to i32
    %sign3A_143 = arith.constant 0 : i32
    %sign3A_144 = arith.cmpi slt, %jit3A_131, %sign3A_143 : i32
    %sign3A_145 = arith.extui %sign3A_144 : i1 to i32
    %sign3A_146 = arith.subi %sign3A_142, %sign3A_145 : i32
    %ne3A_147 = arith.cmpi ne, %sign3A_139, %sign3A_146 : i32
    %rem3A_148 = arith.remsi %select_n3A_114, %jit3A_131 : i32
    %ne3A_149 = arith.constant 0 : i32
    %ne3A_150 = arith.cmpi ne, %rem3A_148, %ne3A_149 : i32
    %and3A_151 = arith.andi %ne3A_147, %ne3A_150 : i1
    %sub3A_152 = arith.constant 1 : i32
    %sub3A_153 = arith.subi %div3A_132, %sub3A_152 : i32
    %select_n3A_154 = arith.select %and3A_151, %sub3A_153, %div3A_132 : i32
    %jit3A_155 = arith.constant 8 : i32
    %eq3A_156 = arith.constant 0 : i32
    %eq3A_157 = arith.cmpi eq, %jit3A_155, %eq3A_156 : i32
    %jit3A_158 = arith.constant 1 : i32
    %select_n3A_159 = arith.select %eq3A_157, %jit3A_158, %jit3A_155 : i32
    %rem3A_160 = arith.remsi %select_n3A_114, %select_n3A_159 : i32
    %ne3A_161 = arith.constant 0 : i32
    %ne3A_162 = arith.cmpi ne, %rem3A_160, %ne3A_161 : i32
    %lt3A_163 = arith.constant 0 : i32
    %lt3A_164 = arith.cmpi slt, %rem3A_160, %lt3A_163 : i32
    %lt3A_165 = arith.constant 0 : i32
    %lt3A_166 = arith.cmpi slt, %select_n3A_159, %lt3A_165 : i32
    %ne3A_167 = arith.xori %lt3A_164, %lt3A_166 : i1
    %and3A_168 = arith.andi %ne3A_167, %ne3A_162 : i1
    %add3A_169 = arith.addi %rem3A_160, %select_n3A_159 : i32
    %select_n3A_170 = arith.select %and3A_168, %add3A_169, %rem3A_160 : i32
    %dma_start3A_171 = arith.constant 0 : i32
    %dma_start3A_172 = tpu.memref_slice %arg2[%select_n3A_154, %select_n3A_130, %select_n3A_170, %dma_start3A_171] : memref<25x128x8x128xi32, #tpu.memory_space<hbm>> -> memref<1x1x1x128xi32, #tpu.memory_space<hbm>>
    %dma_start3A_173 = tpu.memref_squeeze %dma_start3A_172 : memref<1x1x1x128xi32, #tpu.memory_space<hbm>> -> memref<128xi32, #tpu.memory_space<hbm>>
    %dma_start3A_174 = arith.constant 0 : i32
    %dma_start3A_175 = tpu.memref_slice %arg2[%select_n3A_154, %select_n3A_130, %select_n3A_170, %dma_start3A_174] : memref<25x128x8x128xi32, #tpu.memory_space<hbm>> -> memref<1x1x1x128xi32, #tpu.memory_space<hbm>>
    %dma_start3A_176 = tpu.memref_squeeze %dma_start3A_175 : memref<1x1x1x128xi32, #tpu.memory_space<hbm>> -> memref<128xi32, #tpu.memory_space<hbm>>
    tpu.enqueue_dma source(%dma_start3A_176 : memref<128xi32, #tpu.memory_space<hbm>>) target(%arg6 : memref<128xi32, #tpu.memory_space<vmem>>) target_semaphore(%arg12 : memref<!tpu.dma_semaphore, #tpu.memory_space<semaphore_mem>>)
    %add3A_177 = arith.constant 0 : i32
    %add3A_178 = arith.addi %mul3A_2, %add3A_177 : i32
    %jit3A_179 = arith.constant 128 : i32
    %div3A_180 = arith.divsi %add3A_178, %jit3A_179 : i32
    %sign3A_181 = arith.constant 0 : i32
    %sign3A_182 = arith.cmpi sgt, %add3A_178, %sign3A_181 : i32
    %sign3A_183 = arith.extui %sign3A_182 : i1 to i32
    %sign3A_184 = arith.constant 0 : i32
    %sign3A_185 = arith.cmpi slt, %add3A_178, %sign3A_184 : i32
    %sign3A_186 = arith.extui %sign3A_185 : i1 to i32
    %sign3A_187 = arith.subi %sign3A_183, %sign3A_186 : i32
    %sign3A_188 = arith.constant 0 : i32
    %sign3A_189 = arith.cmpi sgt, %jit3A_179, %sign3A_188 : i32
    %sign3A_190 = arith.extui %sign3A_189 : i1 to i32
    %sign3A_191 = arith.constant 0 : i32
    %sign3A_192 = arith.cmpi slt, %jit3A_179, %sign3A_191 : i32
    %sign3A_193 = arith.extui %sign3A_192 : i1 to i32
    %sign3A_194 = arith.subi %sign3A_190, %sign3A_193 : i32
    %ne3A_195 = arith.cmpi ne, %sign3A_187, %sign3A_194 : i32
    %rem3A_196 = arith.remsi %add3A_178, %jit3A_179 : i32
    %ne3A_197 = arith.constant 0 : i32
    %ne3A_198 = arith.cmpi ne, %rem3A_196, %ne3A_197 : i32
    %and3A_199 = arith.andi %ne3A_195, %ne3A_198 : i1
    %sub3A_200 = arith.constant 1 : i32
    %sub3A_201 = arith.subi %div3A_180, %sub3A_200 : i32
    %select_n3A_202 = arith.select %and3A_199, %sub3A_201, %div3A_180 : i32
    %jit3A_203 = arith.constant 128 : i32
    %eq3A_204 = arith.constant 0 : i32
    %eq3A_205 = arith.cmpi eq, %jit3A_203, %eq3A_204 : i32
    %jit3A_206 = arith.constant 1 : i32
    %select_n3A_207 = arith.select %eq3A_205, %jit3A_206, %jit3A_203 : i32
    %rem3A_208 = arith.remsi %add3A_178, %select_n3A_207 : i32
    %ne3A_209 = arith.constant 0 : i32
    %ne3A_210 = arith.cmpi ne, %rem3A_208, %ne3A_209 : i32
    %lt3A_211 = arith.constant 0 : i32
    %lt3A_212 = arith.cmpi slt, %rem3A_208, %lt3A_211 : i32
    %lt3A_213 = arith.constant 0 : i32
    %lt3A_214 = arith.cmpi slt, %select_n3A_207, %lt3A_213 : i32
    %ne3A_215 = arith.xori %lt3A_212, %lt3A_214 : i1
    %and3A_216 = arith.andi %ne3A_215, %ne3A_210 : i1
    %add3A_217 = arith.addi %rem3A_208, %select_n3A_207 : i32
    %select_n3A_218 = arith.select %and3A_216, %add3A_217, %rem3A_208 : i32
    %jit3A_219 = arith.constant 8 : i32
    %div3A_220 = arith.divsi %select_n3A_202, %jit3A_219 : i32
    %sign3A_221 = arith.constant 0 : i32
    %sign3A_222 = arith.cmpi sgt, %select_n3A_202, %sign3A_221 : i32
    %sign3A_223 = arith.extui %sign3A_222 : i1 to i32
    %sign3A_224 = arith.constant 0 : i32
    %sign3A_225 = arith.cmpi slt, %select_n3A_202, %sign3A_224 : i32
    %sign3A_226 = arith.extui %sign3A_225 : i1 to i32
    %sign3A_227 = arith.subi %sign3A_223, %sign3A_226 : i32
    %sign3A_228 = arith.constant 0 : i32
    %sign3A_229 = arith.cmpi sgt, %jit3A_219, %sign3A_228 : i32
    %sign3A_230 = arith.extui %sign3A_229 : i1 to i32
    %sign3A_231 = arith.constant 0 : i32
    %sign3A_232 = arith.cmpi slt, %jit3A_219, %sign3A_231 : i32
    %sign3A_233 = arith.extui %sign3A_232 : i1 to i32
    %sign3A_234 = arith.subi %sign3A_230, %sign3A_233 : i32
    %ne3A_235 = arith.cmpi ne, %sign3A_227, %sign3A_234 : i32
    %rem3A_236 = arith.remsi %select_n3A_202, %jit3A_219 : i32
    %ne3A_237 = arith.constant 0 : i32
    %ne3A_238 = arith.cmpi ne, %rem3A_236, %ne3A_237 : i32
    %and3A_239 = arith.andi %ne3A_235, %ne3A_238 : i1
    %sub3A_240 = arith.constant 1 : i32
    %sub3A_241 = arith.subi %div3A_220, %sub3A_240 : i32
    %select_n3A_242 = arith.select %and3A_239, %sub3A_241, %div3A_220 : i32
    %jit3A_243 = arith.constant 8 : i32
    %eq3A_244 = arith.constant 0 : i32
    %eq3A_245 = arith.cmpi eq, %jit3A_243, %eq3A_244 : i32
    %jit3A_246 = arith.constant 1 : i32
    %select_n3A_247 = arith.select %eq3A_245, %jit3A_246, %jit3A_243 : i32
    %rem3A_248 = arith.remsi %select_n3A_202, %select_n3A_247 : i32
    %ne3A_249 = arith.constant 0 : i32
    %ne3A_250 = arith.cmpi ne, %rem3A_248, %ne3A_249 : i32
    %lt3A_251 = arith.constant 0 : i32
    %lt3A_252 = arith.cmpi slt, %rem3A_248, %lt3A_251 : i32
    %lt3A_253 = arith.constant 0 : i32
    %lt3A_254 = arith.cmpi slt, %select_n3A_247, %lt3A_253 : i32
    %ne3A_255 = arith.xori %lt3A_252, %lt3A_254 : i1
    %and3A_256 = arith.andi %ne3A_255, %ne3A_250 : i1
    %add3A_257 = arith.addi %rem3A_248, %select_n3A_247 : i32
    %select_n3A_258 = arith.select %and3A_256, %add3A_257, %rem3A_248 : i32
    %dma_wait3A = arith.constant 0 : i32
    %dma_wait3A_259 = tpu.memref_slice %arg2[%select_n3A_242, %select_n3A_218, %select_n3A_258, %dma_wait3A] : memref<25x128x8x128xi32, #tpu.memory_space<hbm>> -> memref<1x1x1x128xi32, #tpu.memory_space<hbm>>
    %dma_wait3A_260 = tpu.memref_squeeze %dma_wait3A_259 : memref<1x1x1x128xi32, #tpu.memory_space<hbm>> -> memref<128xi32, #tpu.memory_space<hbm>>
    %dma_wait3A_261 = arith.constant 0 : i32
    %dma_wait3A_262 = tpu.memref_slice %arg2[%select_n3A_242, %select_n3A_218, %select_n3A_258, %dma_wait3A_261] : memref<25x128x8x128xi32, #tpu.memory_space<hbm>> -> memref<1x1x1x128xi32, #tpu.memory_space<hbm>>
    %dma_wait3A_263 = tpu.memref_squeeze %dma_wait3A_262 : memref<1x1x1x128xi32, #tpu.memory_space<hbm>> -> memref<128xi32, #tpu.memory_space<hbm>>
    tpu.wait_dma2 semaphore(%arg11 : memref<!tpu.dma_semaphore, #tpu.memory_space<semaphore_mem>>) src(%dma_wait3A_263 : memref<128xi32, #tpu.memory_space<hbm>>) dst(%arg5 : memref<128xi32, #tpu.memory_space<vmem>>)
    %dma_start3A_264 = arith.constant 0 : i32
    %dma_start3A_265 = arith.constant 0 : i32
    %dma_start3A_266 = tpu.memref_slice %arg3[%dma_start3A_264, %dma_start3A_265] : memref<1000000x32xf32, #tpu.memory_space<hbm>> -> memref<1000000x32xf32, #tpu.memory_space<hbm>>
    tpu.enqueue_indirect_dma source(%dma_start3A_266 : memref<1000000x32xf32, #tpu.memory_space<hbm>>) target(%arg7 : memref<128x32xf32, #tpu.memory_space<vmem>>) offsets(%arg5 : memref<128xi32, #tpu.memory_space<vmem>>) semaphore(%arg13 : memref<!tpu.dma_semaphore, #tpu.memory_space<semaphore_mem>>)
    %dma_wait3A_267 = arith.constant 0 : i32
    %dma_wait3A_268 = arith.constant 0 : i32
    %dma_wait3A_269 = tpu.memref_slice %arg3[%dma_wait3A_267, %dma_wait3A_268] : memref<1000000x32xf32, #tpu.memory_space<hbm>> -> memref<1000000x32xf32, #tpu.memory_space<hbm>>
    tpu.wait_indirect_dma semaphore(%arg13 : memref<!tpu.dma_semaphore, #tpu.memory_space<semaphore_mem>>) src(%dma_wait3A_269 : memref<1000000x32xf32, #tpu.memory_space<hbm>>) dst(%arg7 : memref<128x32xf32, #tpu.memory_space<vmem>>)
    %add3A_270 = arith.constant 1 : i32
    %add3A_271 = arith.addi %mul3A_2, %add3A_270 : i32
    %jit3A_272 = arith.constant 128 : i32
    %div3A_273 = arith.divsi %add3A_271, %jit3A_272 : i32
    %sign3A_274 = arith.constant 0 : i32
    %sign3A_275 = arith.cmpi sgt, %add3A_271, %sign3A_274 : i32
    %sign3A_276 = arith.extui %sign3A_275 : i1 to i32
    %sign3A_277 = arith.constant 0 : i32
    %sign3A_278 = arith.cmpi slt, %add3A_271, %sign3A_277 : i32
    %sign3A_279 = arith.extui %sign3A_278 : i1 to i32
    %sign3A_280 = arith.subi %sign3A_276, %sign3A_279 : i32
    %sign3A_281 = arith.constant 0 : i32
    %sign3A_282 = arith.cmpi sgt, %jit3A_272, %sign3A_281 : i32
    %sign3A_283 = arith.extui %sign3A_282 : i1 to i32
    %sign3A_284 = arith.constant 0 : i32
    %sign3A_285 = arith.cmpi slt, %jit3A_272, %sign3A_284 : i32
    %sign3A_286 = arith.extui %sign3A_285 : i1 to i32
    %sign3A_287 = arith.subi %sign3A_283, %sign3A_286 : i32
    %ne3A_288 = arith.cmpi ne, %sign3A_280, %sign3A_287 : i32
    %rem3A_289 = arith.remsi %add3A_271, %jit3A_272 : i32
    %ne3A_290 = arith.constant 0 : i32
    %ne3A_291 = arith.cmpi ne, %rem3A_289, %ne3A_290 : i32
    %and3A_292 = arith.andi %ne3A_288, %ne3A_291 : i1
    %sub3A_293 = arith.constant 1 : i32
    %sub3A_294 = arith.subi %div3A_273, %sub3A_293 : i32
    %select_n3A_295 = arith.select %and3A_292, %sub3A_294, %div3A_273 : i32
    %jit3A_296 = arith.constant 128 : i32
    %eq3A_297 = arith.constant 0 : i32
    %eq3A_298 = arith.cmpi eq, %jit3A_296, %eq3A_297 : i32
    %jit3A_299 = arith.constant 1 : i32
    %select_n3A_300 = arith.select %eq3A_298, %jit3A_299, %jit3A_296 : i32
    %rem3A_301 = arith.remsi %add3A_271, %select_n3A_300 : i32
    %ne3A_302 = arith.constant 0 : i32
    %ne3A_303 = arith.cmpi ne, %rem3A_301, %ne3A_302 : i32
    %lt3A_304 = arith.constant 0 : i32
    %lt3A_305 = arith.cmpi slt, %rem3A_301, %lt3A_304 : i32
    %lt3A_306 = arith.constant 0 : i32
    %lt3A_307 = arith.cmpi slt, %select_n3A_300, %lt3A_306 : i32
    %ne3A_308 = arith.xori %lt3A_305, %lt3A_307 : i1
    %and3A_309 = arith.andi %ne3A_308, %ne3A_303 : i1
    %add3A_310 = arith.addi %rem3A_301, %select_n3A_300 : i32
    %select_n3A_311 = arith.select %and3A_309, %add3A_310, %rem3A_301 : i32
    %jit3A_312 = arith.constant 8 : i32
    %div3A_313 = arith.divsi %select_n3A_295, %jit3A_312 : i32
    %sign3A_314 = arith.constant 0 : i32
    %sign3A_315 = arith.cmpi sgt, %select_n3A_295, %sign3A_314 : i32
    %sign3A_316 = arith.extui %sign3A_315 : i1 to i32
    %sign3A_317 = arith.constant 0 : i32
    %sign3A_318 = arith.cmpi slt, %select_n3A_295, %sign3A_317 : i32
    %sign3A_319 = arith.extui %sign3A_318 : i1 to i32
    %sign3A_320 = arith.subi %sign3A_316, %sign3A_319 : i32
    %sign3A_321 = arith.constant 0 : i32
    %sign3A_322 = arith.cmpi sgt, %jit3A_312, %sign3A_321 : i32
    %sign3A_323 = arith.extui %sign3A_322 : i1 to i32
    %sign3A_324 = arith.constant 0 : i32
    %sign3A_325 = arith.cmpi slt, %jit3A_312, %sign3A_324 : i32
    %sign3A_326 = arith.extui %sign3A_325 : i1 to i32
    %sign3A_327 = arith.subi %sign3A_323, %sign3A_326 : i32
    %ne3A_328 = arith.cmpi ne, %sign3A_320, %sign3A_327 : i32
    %rem3A_329 = arith.remsi %select_n3A_295, %jit3A_312 : i32
    %ne3A_330 = arith.constant 0 : i32
    %ne3A_331 = arith.cmpi ne, %rem3A_329, %ne3A_330 : i32
    %and3A_332 = arith.andi %ne3A_328, %ne3A_331 : i1
    %sub3A_333 = arith.constant 1 : i32
    %sub3A_334 = arith.subi %div3A_313, %sub3A_333 : i32
    %select_n3A_335 = arith.select %and3A_332, %sub3A_334, %div3A_313 : i32
    %jit3A_336 = arith.constant 8 : i32
    %eq3A_337 = arith.constant 0 : i32
    %eq3A_338 = arith.cmpi eq, %jit3A_336, %eq3A_337 : i32
    %jit3A_339 = arith.constant 1 : i32
    %select_n3A_340 = arith.select %eq3A_338, %jit3A_339, %jit3A_336 : i32
    %rem3A_341 = arith.remsi %select_n3A_295, %select_n3A_340 : i32
    %ne3A_342 = arith.constant 0 : i32
    %ne3A_343 = arith.cmpi ne, %rem3A_341, %ne3A_342 : i32
    %lt3A_344 = arith.constant 0 : i32
    %lt3A_345 = arith.cmpi slt, %rem3A_341, %lt3A_344 : i32
    %lt3A_346 = arith.constant 0 : i32
    %lt3A_347 = arith.cmpi slt, %select_n3A_340, %lt3A_346 : i32
    %ne3A_348 = arith.xori %lt3A_345, %lt3A_347 : i1
    %and3A_349 = arith.andi %ne3A_348, %ne3A_343 : i1
    %add3A_350 = arith.addi %rem3A_341, %select_n3A_340 : i32
    %select_n3A_351 = arith.select %and3A_349, %add3A_350, %rem3A_341 : i32
    %dma_wait3A_352 = arith.constant 0 : i32
    %dma_wait3A_353 = tpu.memref_slice %arg2[%select_n3A_335, %select_n3A_311, %select_n3A_351, %dma_wait3A_352] : memref<25x128x8x128xi32, #tpu.memory_space<hbm>> -> memref<1x1x1x128xi32, #tpu.memory_space<hbm>>
    %dma_wait3A_354 = tpu.memref_squeeze %dma_wait3A_353 : memref<1x1x1x128xi32, #tpu.memory_space<hbm>> -> memref<128xi32, #tpu.memory_space<hbm>>
    %dma_wait3A_355 = arith.constant 0 : i32
    %dma_wait3A_356 = tpu.memref_slice %arg2[%select_n3A_335, %select_n3A_311, %select_n3A_351, %dma_wait3A_355] : memref<25x128x8x128xi32, #tpu.memory_space<hbm>> -> memref<1x1x1x128xi32, #tpu.memory_space<hbm>>
    %dma_wait3A_357 = tpu.memref_squeeze %dma_wait3A_356 : memref<1x1x1x128xi32, #tpu.memory_space<hbm>> -> memref<128xi32, #tpu.memory_space<hbm>>
    tpu.wait_dma2 semaphore(%arg12 : memref<!tpu.dma_semaphore, #tpu.memory_space<semaphore_mem>>) src(%dma_wait3A_357 : memref<128xi32, #tpu.memory_space<hbm>>) dst(%arg6 : memref<128xi32, #tpu.memory_space<vmem>>)
    %dma_start3A_358 = arith.constant 0 : i32
    %dma_start3A_359 = arith.constant 0 : i32
    %dma_start3A_360 = tpu.memref_slice %arg3[%dma_start3A_358, %dma_start3A_359] : memref<1000000x32xf32, #tpu.memory_space<hbm>> -> memref<1000000x32xf32, #tpu.memory_space<hbm>>
    tpu.enqueue_indirect_dma source(%dma_start3A_360 : memref<1000000x32xf32, #tpu.memory_space<hbm>>) target(%arg8 : memref<128x32xf32, #tpu.memory_space<vmem>>) offsets(%arg6 : memref<128xi32, #tpu.memory_space<vmem>>) semaphore(%arg14 : memref<!tpu.dma_semaphore, #tpu.memory_space<semaphore_mem>>)
    %parallel_loop3A = arith.constant 0 : i32
    %parallel_loop3A_361 = arith.constant 32 : i32
    %parallel_loop3A_362 = arith.constant 1 : i32
    scf.for %parallel_loop3A_2439 = %parallel_loop3A to %parallel_loop3A_361 step %parallel_loop3A_362  : i32 {
      %parallel_loop3A_2440 = arith.constant 4 : i32
      %parallel_loop3A_2441 = arith.muli %parallel_loop3A_2439, %parallel_loop3A_2440 : i32
      %parallel_loop3A_2442 = arith.constant 0 : i32
      %parallel_loop3A_2443 = arith.addi %parallel_loop3A_2441, %parallel_loop3A_2442 : i32
      %parallel_loop3A_2444 = vector.broadcast %parallel_loop3A_2443 : i32 to vector<16xi32>
      %parallel_loop3A_2445 = arith.addi %mul3A_5, %parallel_loop3A_2444 : vector<16xi32>
      %parallel_loop3A_2446 = arith.index_cast %parallel_loop3A_2443 : i32 to index
      %parallel_loop3A_2447 = arith.constant 0 : index
      %parallel_loop3A_2448 = tpu.vector_load %arg7[%parallel_loop3A_2446, %parallel_loop3A_2447] {strides = array<i32>} : memref<128x32xf32, #tpu.memory_space<vmem>>, vector<16xf32>,
      tpu.vector_store_idx %arg9[%parallel_loop3A_2445], %parallel_loop3A_2448 : memref<4096xf32, #tpu.memory_space<vmem>>[vector<16xi32>], vector<16xf32>,
      %parallel_loop3A_2449 = vector.broadcast %parallel_loop3A_2443 : i32 to vector<16xi32>
      %parallel_loop3A_2450 = arith.addi %mul3A_11, %parallel_loop3A_2449 : vector<16xi32>
      %parallel_loop3A_2451 = arith.index_cast %parallel_loop3A_2443 : i32 to index
      %parallel_loop3A_2452 = arith.constant 16 : index
      %parallel_loop3A_2453 = tpu.vector_load %arg7[%parallel_loop3A_2451, %parallel_loop3A_2452] {strides = array<i32>} : memref<128x32xf32, #tpu.memory_space<vmem>>, vector<16xf32>,
      tpu.vector_store_idx %arg9[%parallel_loop3A_2450], %parallel_loop3A_2453 : memref<4096xf32, #tpu.memory_space<vmem>>[vector<16xi32>], vector<16xf32>,
      %parallel_loop3A_2454 = arith.constant 4 : i32
      %parallel_loop3A_2455 = arith.muli %parallel_loop3A_2439, %parallel_loop3A_2454 : i32
      %parallel_loop3A_2456 = arith.constant 1 : i32
      %parallel_loop3A_2457 = arith.addi %parallel_loop3A_2455, %parallel_loop3A_2456 : i32
      %parallel_loop3A_2458 = vector.broadcast %parallel_loop3A_2457 : i32 to vector<16xi32>
      %parallel_loop3A_2459 = arith.addi %mul3A_5, %parallel_loop3A_2458 : vector<16xi32>
      %parallel_loop3A_2460 = arith.index_cast %parallel_loop3A_2457 : i32 to index
      %parallel_loop3A_2461 = arith.constant 0 : index
      %parallel_loop3A_2462 = tpu.vector_load %arg7[%parallel_loop3A_2460, %parallel_loop3A_2461] {strides = array<i32>} : memref<128x32xf32, #tpu.memory_space<vmem>>, vector<16xf32>,
      tpu.vector_store_idx %arg9[%parallel_loop3A_2459], %parallel_loop3A_2462 : memref<4096xf32, #tpu.memory_space<vmem>>[vector<16xi32>], vector<16xf32>,
      %parallel_loop3A_2463 = vector.broadcast %parallel_loop3A_2457 : i32 to vector<16xi32>
      %parallel_loop3A_2464 = arith.addi %mul3A_11, %parallel_loop3A_2463 : vector<16xi32>
      %parallel_loop3A_2465 = arith.index_cast %parallel_loop3A_2457 : i32 to index
      %parallel_loop3A_2466 = arith.constant 16 : index
      %parallel_loop3A_2467 = tpu.vector_load %arg7[%parallel_loop3A_2465, %parallel_loop3A_2466] {strides = array<i32>} : memref<128x32xf32, #tpu.memory_space<vmem>>, vector<16xf32>,
      tpu.vector_store_idx %arg9[%parallel_loop3A_2464], %parallel_loop3A_2467 : memref<4096xf32, #tpu.memory_space<vmem>>[vector<16xi32>], vector<16xf32>,
      %parallel_loop3A_2468 = arith.constant 4 : i32
      %parallel_loop3A_2469 = arith.muli %parallel_loop3A_2439, %parallel_loop3A_2468 : i32
      %parallel_loop3A_2470 = arith.constant 2 : i32
      %parallel_loop3A_2471 = arith.addi %parallel_loop3A_2469, %parallel_loop3A_2470 : i32
      %parallel_loop3A_2472 = vector.broadcast %parallel_loop3A_2471 : i32 to vector<16xi32>
      %parallel_loop3A_2473 = arith.addi %mul3A_5, %parallel_loop3A_2472 : vector<16xi32>
      %parallel_loop3A_2474 = arith.index_cast %parallel_loop3A_2471 : i32 to index
      %parallel_loop3A_2475 = arith.constant 0 : index
      %parallel_loop3A_2476 = tpu.vector_load %arg7[%parallel_loop3A_2474, %parallel_loop3A_2475] {strides = array<i32>} : memref<128x32xf32, #tpu.memory_space<vmem>>, vector<16xf32>,
      tpu.vector_store_idx %arg9[%parallel_loop3A_2473], %parallel_loop3A_2476 : memref<4096xf32, #tpu.memory_space<vmem>>[vector<16xi32>], vector<16xf32>,
      %parallel_loop3A_2477 = vector.broadcast %parallel_loop3A_2471 : i32 to vector<16xi32>
      %parallel_loop3A_2478 = arith.addi %mul3A_11, %parallel_loop3A_2477 : vector<16xi32>
      %parallel_loop3A_2479 = arith.index_cast %parallel_loop3A_2471 : i32 to index
      %parallel_loop3A_2480 = arith.constant 16 : index
      %parallel_loop3A_2481 = tpu.vector_load %arg7[%parallel_loop3A_2479, %parallel_loop3A_2480] {strides = array<i32>} : memref<128x32xf32, #tpu.memory_space<vmem>>, vector<16xf32>,
      tpu.vector_store_idx %arg9[%parallel_loop3A_2478], %parallel_loop3A_2481 : memref<4096xf32, #tpu.memory_space<vmem>>[vector<16xi32>], vector<16xf32>,
      %parallel_loop3A_2482 = arith.constant 4 : i32
      %parallel_loop3A_2483 = arith.muli %parallel_loop3A_2439, %parallel_loop3A_2482 : i32
      %parallel_loop3A_2484 = arith.constant 3 : i32
      %parallel_loop3A_2485 = arith.addi %parallel_loop3A_2483, %parallel_loop3A_2484 : i32
      %parallel_loop3A_2486 = vector.broadcast %parallel_loop3A_2485 : i32 to vector<16xi32>
      %parallel_loop3A_2487 = arith.addi %mul3A_5, %parallel_loop3A_2486 : vector<16xi32>
      %parallel_loop3A_2488 = arith.index_cast %parallel_loop3A_2485 : i32 to index
      %parallel_loop3A_2489 = arith.constant 0 : index
      %parallel_loop3A_2490 = tpu.vector_load %arg7[%parallel_loop3A_2488, %parallel_loop3A_2489] {strides = array<i32>} : memref<128x32xf32, #tpu.memory_space<vmem>>, vector<16xf32>,
      tpu.vector_store_idx %arg9[%parallel_loop3A_2487], %parallel_loop3A_2490 : memref<4096xf32, #tpu.memory_space<vmem>>[vector<16xi32>], vector<16xf32>,
      %parallel_loop3A_2491 = vector.broadcast %parallel_loop3A_2485 : i32 to vector<16xi32>
      %parallel_loop3A_2492 = arith.addi %mul3A_11, %parallel_loop3A_2491 : vector<16xi32>
      %parallel_loop3A_2493 = arith.index_cast %parallel_loop3A_2485 : i32 to index
      %parallel_loop3A_2494 = arith.constant 16 : index
      %parallel_loop3A_2495 = tpu.vector_load %arg7[%parallel_loop3A_2493, %parallel_loop3A_2494] {strides = array<i32>} : memref<128x32xf32, #tpu.memory_space<vmem>>, vector<16xf32>,
      tpu.vector_store_idx %arg9[%parallel_loop3A_2492], %parallel_loop3A_2495 : memref<4096xf32, #tpu.memory_space<vmem>>[vector<16xi32>], vector<16xf32>,
    } {sc.loop_unroll_factor = 1 : i64, sc.parallel_access}
    %add3A_363 = arith.constant 0 : i32
    %add3A_364 = arith.addi %mul3A_2, %add3A_363 : i32
    %jit3A_365 = arith.constant 128 : i32
    %div3A_366 = arith.divsi %add3A_364, %jit3A_365 : i32
    %sign3A_367 = arith.constant 0 : i32
    %sign3A_368 = arith.cmpi sgt, %add3A_364, %sign3A_367 : i32
    %sign3A_369 = arith.extui %sign3A_368 : i1 to i32
    %sign3A_370 = arith.constant 0 : i32
    %sign3A_371 = arith.cmpi slt, %add3A_364, %sign3A_370 : i32
    %sign3A_372 = arith.extui %sign3A_371 : i1 to i32
    %sign3A_373 = arith.subi %sign3A_369, %sign3A_372 : i32
    %sign3A_374 = arith.constant 0 : i32
    %sign3A_375 = arith.cmpi sgt, %jit3A_365, %sign3A_374 : i32
    %sign3A_376 = arith.extui %sign3A_375 : i1 to i32
    %sign3A_377 = arith.constant 0 : i32
    %sign3A_378 = arith.cmpi slt, %jit3A_365, %sign3A_377 : i32
    %sign3A_379 = arith.extui %sign3A_378 : i1 to i32
    %sign3A_380 = arith.subi %sign3A_376, %sign3A_379 : i32
    %ne3A_381 = arith.cmpi ne, %sign3A_373, %sign3A_380 : i32
    %rem3A_382 = arith.remsi %add3A_364, %jit3A_365 : i32
    %ne3A_383 = arith.constant 0 : i32
    %ne3A_384 = arith.cmpi ne, %rem3A_382, %ne3A_383 : i32
    %and3A_385 = arith.andi %ne3A_381, %ne3A_384 : i1
    %sub3A_386 = arith.constant 1 : i32
    %sub3A_387 = arith.subi %div3A_366, %sub3A_386 : i32
    %select_n3A_388 = arith.select %and3A_385, %sub3A_387, %div3A_366 : i32
    %jit3A_389 = arith.constant 128 : i32
    %eq3A_390 = arith.constant 0 : i32
    %eq3A_391 = arith.cmpi eq, %jit3A_389, %eq3A_390 : i32
    %jit3A_392 = arith.constant 1 : i32
    %select_n3A_393 = arith.select %eq3A_391, %jit3A_392, %jit3A_389 : i32
    %rem3A_394 = arith.remsi %add3A_364, %select_n3A_393 : i32
    %ne3A_395 = arith.constant 0 : i32
    %ne3A_396 = arith.cmpi ne, %rem3A_394, %ne3A_395 : i32
    %lt3A_397 = arith.constant 0 : i32
    %lt3A_398 = arith.cmpi slt, %rem3A_394, %lt3A_397 : i32
    %lt3A_399 = arith.constant 0 : i32
    %lt3A_400 = arith.cmpi slt, %select_n3A_393, %lt3A_399 : i32
    %ne3A_401 = arith.xori %lt3A_398, %lt3A_400 : i1
    %and3A_402 = arith.andi %ne3A_401, %ne3A_396 : i1
    %add3A_403 = arith.addi %rem3A_394, %select_n3A_393 : i32
    %select_n3A_404 = arith.select %and3A_402, %add3A_403, %rem3A_394 : i32
    %dma_start3A_405 = arith.constant 0 : i32
    %dma_start3A_406 = arith.constant 0 : i32
    %dma_start3A_407 = tpu.memref_slice %arg9[%dma_start3A_406] : memref<4096xf32, #tpu.memory_space<vmem>> -> memref<1024xf32, #tpu.memory_space<vmem>>
    %dma_start3A_408 = arith.constant 0 : i32
    %dma_start3A_409 = tpu.memref_slice %arg4[%select_n3A_388, %dma_start3A_405, %select_n3A_404, %dma_start3A_408] : memref<200x4x128x1024xf32, #tpu.memory_space<hbm>> -> memref<1x1x1x1024xf32, #tpu.memory_space<hbm>>
    %dma_start3A_410 = tpu.memref_squeeze %dma_start3A_409 : memref<1x1x1x1024xf32, #tpu.memory_space<hbm>> -> memref<1024xf32, #tpu.memory_space<hbm>>
    %dma_start3A_411 = arith.constant 0 : i32
    %dma_start3A_412 = tpu.memref_slice %arg4[%select_n3A_388, %dma_start3A_405, %select_n3A_404, %dma_start3A_411] : memref<200x4x128x1024xf32, #tpu.memory_space<hbm>> -> memref<1x1x1x1024xf32, #tpu.memory_space<hbm>>
    %dma_start3A_413 = tpu.memref_squeeze %dma_start3A_412 : memref<1x1x1x1024xf32, #tpu.memory_space<hbm>> -> memref<1024xf32, #tpu.memory_space<hbm>>
    %dma_start3A_414 = arith.constant 0 : i32
    %dma_start3A_415 = tpu.memref_slice %arg9[%dma_start3A_414] : memref<4096xf32, #tpu.memory_space<vmem>> -> memref<1024xf32, #tpu.memory_space<vmem>>
    tpu.enqueue_dma source(%dma_start3A_415 : memref<1024xf32, #tpu.memory_space<vmem>>) target(%dma_start3A_413 : memref<1024xf32, #tpu.memory_space<hbm>>) target_semaphore(%arg15 : memref<!tpu.dma_semaphore, #tpu.memory_space<semaphore_mem>>)
    %add3A_416 = arith.constant 0 : i32
    %add3A_417 = arith.addi %mul3A_2, %add3A_416 : i32
    %jit3A_418 = arith.constant 128 : i32
    %div3A_419 = arith.divsi %add3A_417, %jit3A_418 : i32
    %sign3A_420 = arith.constant 0 : i32
    %sign3A_421 = arith.cmpi sgt, %add3A_417, %sign3A_420 : i32
    %sign3A_422 = arith.extui %sign3A_421 : i1 to i32
    %sign3A_423 = arith.constant 0 : i32
    %sign3A_424 = arith.cmpi slt, %add3A_417, %sign3A_423 : i32
    %sign3A_425 = arith.extui %sign3A_424 : i1 to i32
    %sign3A_426 = arith.subi %sign3A_422, %sign3A_425 : i32
    %sign3A_427 = arith.constant 0 : i32
    %sign3A_428 = arith.cmpi sgt, %jit3A_418, %sign3A_427 : i32
    %sign3A_429 = arith.extui %sign3A_428 : i1 to i32
    %sign3A_430 = arith.constant 0 : i32
    %sign3A_431 = arith.cmpi slt, %jit3A_418, %sign3A_430 : i32
    %sign3A_432 = arith.extui %sign3A_431 : i1 to i32
    %sign3A_433 = arith.subi %sign3A_429, %sign3A_432 : i32
    %ne3A_434 = arith.cmpi ne, %sign3A_426, %sign3A_433 : i32
    %rem3A_435 = arith.remsi %add3A_417, %jit3A_418 : i32
    %ne3A_436 = arith.constant 0 : i32
    %ne3A_437 = arith.cmpi ne, %rem3A_435, %ne3A_436 : i32
    %and3A_438 = arith.andi %ne3A_434, %ne3A_437 : i1
    %sub3A_439 = arith.constant 1 : i32
    %sub3A_440 = arith.subi %div3A_419, %sub3A_439 : i32
    %select_n3A_441 = arith.select %and3A_438, %sub3A_440, %div3A_419 : i32
    %jit3A_442 = arith.constant 128 : i32
    %eq3A_443 = arith.constant 0 : i32
    %eq3A_444 = arith.cmpi eq, %jit3A_442, %eq3A_443 : i32
    %jit3A_445 = arith.constant 1 : i32
    %select_n3A_446 = arith.select %eq3A_444, %jit3A_445, %jit3A_442 : i32
    %rem3A_447 = arith.remsi %add3A_417, %select_n3A_446 : i32
    %ne3A_448 = arith.constant 0 : i32
    %ne3A_449 = arith.cmpi ne, %rem3A_447, %ne3A_448 : i32
    %lt3A_450 = arith.constant 0 : i32
    %lt3A_451 = arith.cmpi slt, %rem3A_447, %lt3A_450 : i32
    %lt3A_452 = arith.constant 0 : i32
    %lt3A_453 = arith.cmpi slt, %select_n3A_446, %lt3A_452 : i32
    %ne3A_454 = arith.xori %lt3A_451, %lt3A_453 : i1
    %and3A_455 = arith.andi %ne3A_454, %ne3A_449 : i1
    %add3A_456 = arith.addi %rem3A_447, %select_n3A_446 : i32
    %select_n3A_457 = arith.select %and3A_455, %add3A_456, %rem3A_447 : i32
    %dma_start3A_458 = arith.constant 1 : i32
    %dma_start3A_459 = arith.constant 1024 : i32
    %dma_start3A_460 = tpu.memref_slice %arg9[%dma_start3A_459] : memref<4096xf32, #tpu.memory_space<vmem>> -> memref<1024xf32, #tpu.memory_space<vmem>>
    %dma_start3A_461 = arith.constant 0 : i32
    %dma_start3A_462 = tpu.memref_slice %arg4[%select_n3A_441, %dma_start3A_458, %select_n3A_457, %dma_start3A_461] : memref<200x4x128x1024xf32, #tpu.memory_space<hbm>> -> memref<1x1x1x1024xf32, #tpu.memory_space<hbm>>
    %dma_start3A_463 = tpu.memref_squeeze %dma_start3A_462 : memref<1x1x1x1024xf32, #tpu.memory_space<hbm>> -> memref<1024xf32, #tpu.memory_space<hbm>>
    %dma_start3A_464 = arith.constant 0 : i32
    %dma_start3A_465 = tpu.memref_slice %arg4[%select_n3A_441, %dma_start3A_458, %select_n3A_457, %dma_start3A_464] : memref<200x4x128x1024xf32, #tpu.memory_space<hbm>> -> memref<1x1x1x1024xf32, #tpu.memory_space<hbm>>
    %dma_start3A_466 = tpu.memref_squeeze %dma_start3A_465 : memref<1x1x1x1024xf32, #tpu.memory_space<hbm>> -> memref<1024xf32, #tpu.memory_space<hbm>>
    %dma_start3A_467 = arith.constant 1024 : i32
    %dma_start3A_468 = tpu.memref_slice %arg9[%dma_start3A_467] : memref<4096xf32, #tpu.memory_space<vmem>> -> memref<1024xf32, #tpu.memory_space<vmem>>
    tpu.enqueue_dma source(%dma_start3A_468 : memref<1024xf32, #tpu.memory_space<vmem>>) target(%dma_start3A_466 : memref<1024xf32, #tpu.memory_space<hbm>>) target_semaphore(%arg15 : memref<!tpu.dma_semaphore, #tpu.memory_space<semaphore_mem>>)
    %add3A_469 = arith.constant 0 : i32
    %add3A_470 = arith.addi %mul3A_2, %add3A_469 : i32
    %jit3A_471 = arith.constant 128 : i32
    %div3A_472 = arith.divsi %add3A_470, %jit3A_471 : i32
    %sign3A_473 = arith.constant 0 : i32
    %sign3A_474 = arith.cmpi sgt, %add3A_470, %sign3A_473 : i32
    %sign3A_475 = arith.extui %sign3A_474 : i1 to i32
    %sign3A_476 = arith.constant 0 : i32
    %sign3A_477 = arith.cmpi slt, %add3A_470, %sign3A_476 : i32
    %sign3A_478 = arith.extui %sign3A_477 : i1 to i32
    %sign3A_479 = arith.subi %sign3A_475, %sign3A_478 : i32
    %sign3A_480 = arith.constant 0 : i32
    %sign3A_481 = arith.cmpi sgt, %jit3A_471, %sign3A_480 : i32
    %sign3A_482 = arith.extui %sign3A_481 : i1 to i32
    %sign3A_483 = arith.constant 0 : i32
    %sign3A_484 = arith.cmpi slt, %jit3A_471, %sign3A_483 : i32
    %sign3A_485 = arith.extui %sign3A_484 : i1 to i32
    %sign3A_486 = arith.subi %sign3A_482, %sign3A_485 : i32
    %ne3A_487 = arith.cmpi ne, %sign3A_479, %sign3A_486 : i32
    %rem3A_488 = arith.remsi %add3A_470, %jit3A_471 : i32
    %ne3A_489 = arith.constant 0 : i32
    %ne3A_490 = arith.cmpi ne, %rem3A_488, %ne3A_489 : i32
    %and3A_491 = arith.andi %ne3A_487, %ne3A_490 : i1
    %sub3A_492 = arith.constant 1 : i32
    %sub3A_493 = arith.subi %div3A_472, %sub3A_492 : i32
    %select_n3A_494 = arith.select %and3A_491, %sub3A_493, %div3A_472 : i32
    %jit3A_495 = arith.constant 128 : i32
    %eq3A_496 = arith.constant 0 : i32
    %eq3A_497 = arith.cmpi eq, %jit3A_495, %eq3A_496 : i32
    %jit3A_498 = arith.constant 1 : i32
    %select_n3A_499 = arith.select %eq3A_497, %jit3A_498, %jit3A_495 : i32
    %rem3A_500 = arith.remsi %add3A_470, %select_n3A_499 : i32
    %ne3A_501 = arith.constant 0 : i32
    %ne3A_502 = arith.cmpi ne, %rem3A_500, %ne3A_501 : i32
    %lt3A_503 = arith.constant 0 : i32
    %lt3A_504 = arith.cmpi slt, %rem3A_500, %lt3A_503 : i32
    %lt3A_505 = arith.constant 0 : i32
    %lt3A_506 = arith.cmpi slt, %select_n3A_499, %lt3A_505 : i32
    %ne3A_507 = arith.xori %lt3A_504, %lt3A_506 : i1
    %and3A_508 = arith.andi %ne3A_507, %ne3A_502 : i1
    %add3A_509 = arith.addi %rem3A_500, %select_n3A_499 : i32
    %select_n3A_510 = arith.select %and3A_508, %add3A_509, %rem3A_500 : i32
    %dma_start3A_511 = arith.constant 2 : i32
    %dma_start3A_512 = arith.constant 2048 : i32
    %dma_start3A_513 = tpu.memref_slice %arg9[%dma_start3A_512] : memref<4096xf32, #tpu.memory_space<vmem>> -> memref<1024xf32, #tpu.memory_space<vmem>>
    %dma_start3A_514 = arith.constant 0 : i32
    %dma_start3A_515 = tpu.memref_slice %arg4[%select_n3A_494, %dma_start3A_511, %select_n3A_510, %dma_start3A_514] : memref<200x4x128x1024xf32, #tpu.memory_space<hbm>> -> memref<1x1x1x1024xf32, #tpu.memory_space<hbm>>
    %dma_start3A_516 = tpu.memref_squeeze %dma_start3A_515 : memref<1x1x1x1024xf32, #tpu.memory_space<hbm>> -> memref<1024xf32, #tpu.memory_space<hbm>>
    %dma_start3A_517 = arith.constant 0 : i32
    %dma_start3A_518 = tpu.memref_slice %arg4[%select_n3A_494, %dma_start3A_511, %select_n3A_510, %dma_start3A_517] : memref<200x4x128x1024xf32, #tpu.memory_space<hbm>> -> memref<1x1x1x1024xf32, #tpu.memory_space<hbm>>
    %dma_start3A_519 = tpu.memref_squeeze %dma_start3A_518 : memref<1x1x1x1024xf32, #tpu.memory_space<hbm>> -> memref<1024xf32, #tpu.memory_space<hbm>>
    %dma_start3A_520 = arith.constant 2048 : i32
    %dma_start3A_521 = tpu.memref_slice %arg9[%dma_start3A_520] : memref<4096xf32, #tpu.memory_space<vmem>> -> memref<1024xf32, #tpu.memory_space<vmem>>
    tpu.enqueue_dma source(%dma_start3A_521 : memref<1024xf32, #tpu.memory_space<vmem>>) target(%dma_start3A_519 : memref<1024xf32, #tpu.memory_space<hbm>>) target_semaphore(%arg15 : memref<!tpu.dma_semaphore, #tpu.memory_space<semaphore_mem>>)
    %add3A_522 = arith.constant 0 : i32
    %add3A_523 = arith.addi %mul3A_2, %add3A_522 : i32
    %jit3A_524 = arith.constant 128 : i32
    %div3A_525 = arith.divsi %add3A_523, %jit3A_524 : i32
    %sign3A_526 = arith.constant 0 : i32
    %sign3A_527 = arith.cmpi sgt, %add3A_523, %sign3A_526 : i32
    %sign3A_528 = arith.extui %sign3A_527 : i1 to i32
    %sign3A_529 = arith.constant 0 : i32
    %sign3A_530 = arith.cmpi slt, %add3A_523, %sign3A_529 : i32
    %sign3A_531 = arith.extui %sign3A_530 : i1 to i32
    %sign3A_532 = arith.subi %sign3A_528, %sign3A_531 : i32
    %sign3A_533 = arith.constant 0 : i32
    %sign3A_534 = arith.cmpi sgt, %jit3A_524, %sign3A_533 : i32
    %sign3A_535 = arith.extui %sign3A_534 : i1 to i32
    %sign3A_536 = arith.constant 0 : i32
    %sign3A_537 = arith.cmpi slt, %jit3A_524, %sign3A_536 : i32
    %sign3A_538 = arith.extui %sign3A_537 : i1 to i32
    %sign3A_539 = arith.subi %sign3A_535, %sign3A_538 : i32
    %ne3A_540 = arith.cmpi ne, %sign3A_532, %sign3A_539 : i32
    %rem3A_541 = arith.remsi %add3A_523, %jit3A_524 : i32
    %ne3A_542 = arith.constant 0 : i32
    %ne3A_543 = arith.cmpi ne, %rem3A_541, %ne3A_542 : i32
    %and3A_544 = arith.andi %ne3A_540, %ne3A_543 : i1
    %sub3A_545 = arith.constant 1 : i32
    %sub3A_546 = arith.subi %div3A_525, %sub3A_545 : i32
    %select_n3A_547 = arith.select %and3A_544, %sub3A_546, %div3A_525 : i32
    %jit3A_548 = arith.constant 128 : i32
    %eq3A_549 = arith.constant 0 : i32
    %eq3A_550 = arith.cmpi eq, %jit3A_548, %eq3A_549 : i32
    %jit3A_551 = arith.constant 1 : i32
    %select_n3A_552 = arith.select %eq3A_550, %jit3A_551, %jit3A_548 : i32
    %rem3A_553 = arith.remsi %add3A_523, %select_n3A_552 : i32
    %ne3A_554 = arith.constant 0 : i32
    %ne3A_555 = arith.cmpi ne, %rem3A_553, %ne3A_554 : i32
    %lt3A_556 = arith.constant 0 : i32
    %lt3A_557 = arith.cmpi slt, %rem3A_553, %lt3A_556 : i32
    %lt3A_558 = arith.constant 0 : i32
    %lt3A_559 = arith.cmpi slt, %select_n3A_552, %lt3A_558 : i32
    %ne3A_560 = arith.xori %lt3A_557, %lt3A_559 : i1
    %and3A_561 = arith.andi %ne3A_560, %ne3A_555 : i1
    %add3A_562 = arith.addi %rem3A_553, %select_n3A_552 : i32
    %select_n3A_563 = arith.select %and3A_561, %add3A_562, %rem3A_553 : i32
    %dma_start3A_564 = arith.constant 3 : i32
    %dma_start3A_565 = arith.constant 3072 : i32
    %dma_start3A_566 = tpu.memref_slice %arg9[%dma_start3A_565] : memref<4096xf32, #tpu.memory_space<vmem>> -> memref<1024xf32, #tpu.memory_space<vmem>>
    %dma_start3A_567 = arith.constant 0 : i32
    %dma_start3A_568 = tpu.memref_slice %arg4[%select_n3A_547, %dma_start3A_564, %select_n3A_563, %dma_start3A_567] : memref<200x4x128x1024xf32, #tpu.memory_space<hbm>> -> memref<1x1x1x1024xf32, #tpu.memory_space<hbm>>
    %dma_start3A_569 = tpu.memref_squeeze %dma_start3A_568 : memref<1x1x1x1024xf32, #tpu.memory_space<hbm>> -> memref<1024xf32, #tpu.memory_space<hbm>>
    %dma_start3A_570 = arith.constant 0 : i32
    %dma_start3A_571 = tpu.memref_slice %arg4[%select_n3A_547, %dma_start3A_564, %select_n3A_563, %dma_start3A_570] : memref<200x4x128x1024xf32, #tpu.memory_space<hbm>> -> memref<1x1x1x1024xf32, #tpu.memory_space<hbm>>
    %dma_start3A_572 = tpu.memref_squeeze %dma_start3A_571 : memref<1x1x1x1024xf32, #tpu.memory_space<hbm>> -> memref<1024xf32, #tpu.memory_space<hbm>>
    %dma_start3A_573 = arith.constant 3072 : i32
    %dma_start3A_574 = tpu.memref_slice %arg9[%dma_start3A_573] : memref<4096xf32, #tpu.memory_space<vmem>> -> memref<1024xf32, #tpu.memory_space<vmem>>
    tpu.enqueue_dma source(%dma_start3A_574 : memref<1024xf32, #tpu.memory_space<vmem>>) target(%dma_start3A_572 : memref<1024xf32, #tpu.memory_space<hbm>>) target_semaphore(%arg15 : memref<!tpu.dma_semaphore, #tpu.memory_space<semaphore_mem>>)
    %add3A_575 = arith.constant 2 : i32
    %add3A_576 = arith.addi %mul3A_2, %add3A_575 : i32
    %jit3A_577 = arith.constant 128 : i32
    %div3A_578 = arith.divsi %add3A_576, %jit3A_577 : i32
    %sign3A_579 = arith.constant 0 : i32
    %sign3A_580 = arith.cmpi sgt, %add3A_576, %sign3A_579 : i32
    %sign3A_581 = arith.extui %sign3A_580 : i1 to i32
    %sign3A_582 = arith.constant 0 : i32
    %sign3A_583 = arith.cmpi slt, %add3A_576, %sign3A_582 : i32
    %sign3A_584 = arith.extui %sign3A_583 : i1 to i32
    %sign3A_585 = arith.subi %sign3A_581, %sign3A_584 : i32
    %sign3A_586 = arith.constant 0 : i32
    %sign3A_587 = arith.cmpi sgt, %jit3A_577, %sign3A_586 : i32
    %sign3A_588 = arith.extui %sign3A_587 : i1 to i32
    %sign3A_589 = arith.constant 0 : i32
    %sign3A_590 = arith.cmpi slt, %jit3A_577, %sign3A_589 : i32
    %sign3A_591 = arith.extui %sign3A_590 : i1 to i32
    %sign3A_592 = arith.subi %sign3A_588, %sign3A_591 : i32
    %ne3A_593 = arith.cmpi ne, %sign3A_585, %sign3A_592 : i32
    %rem3A_594 = arith.remsi %add3A_576, %jit3A_577 : i32
    %ne3A_595 = arith.constant 0 : i32
    %ne3A_596 = arith.cmpi ne, %rem3A_594, %ne3A_595 : i32
    %and3A_597 = arith.andi %ne3A_593, %ne3A_596 : i1
    %sub3A_598 = arith.constant 1 : i32
    %sub3A_599 = arith.subi %div3A_578, %sub3A_598 : i32
    %select_n3A_600 = arith.select %and3A_597, %sub3A_599, %div3A_578 : i32
    %jit3A_601 = arith.constant 128 : i32
    %eq3A_602 = arith.constant 0 : i32
    %eq3A_603 = arith.cmpi eq, %jit3A_601, %eq3A_602 : i32
    %jit3A_604 = arith.constant 1 : i32
    %select_n3A_605 = arith.select %eq3A_603, %jit3A_604, %jit3A_601 : i32
    %rem3A_606 = arith.remsi %add3A_576, %select_n3A_605 : i32
    %ne3A_607 = arith.constant 0 : i32
    %ne3A_608 = arith.cmpi ne, %rem3A_606, %ne3A_607 : i32
    %lt3A_609 = arith.constant 0 : i32
    %lt3A_610 = arith.cmpi slt, %rem3A_606, %lt3A_609 : i32
    %lt3A_611 = arith.constant 0 : i32
    %lt3A_612 = arith.cmpi slt, %select_n3A_605, %lt3A_611 : i32
    %ne3A_613 = arith.xori %lt3A_610, %lt3A_612 : i1
    %and3A_614 = arith.andi %ne3A_613, %ne3A_608 : i1
    %add3A_615 = arith.addi %rem3A_606, %select_n3A_605 : i32
    %select_n3A_616 = arith.select %and3A_614, %add3A_615, %rem3A_606 : i32
    %jit3A_617 = arith.constant 8 : i32
    %div3A_618 = arith.divsi %select_n3A_600, %jit3A_617 : i32
    %sign3A_619 = arith.constant 0 : i32
    %sign3A_620 = arith.cmpi sgt, %select_n3A_600, %sign3A_619 : i32
    %sign3A_621 = arith.extui %sign3A_620 : i1 to i32
    %sign3A_622 = arith.constant 0 : i32
    %sign3A_623 = arith.cmpi slt, %select_n3A_600, %sign3A_622 : i32
    %sign3A_624 = arith.extui %sign3A_623 : i1 to i32
    %sign3A_625 = arith.subi %sign3A_621, %sign3A_624 : i32
    %sign3A_626 = arith.constant 0 : i32
    %sign3A_627 = arith.cmpi sgt, %jit3A_617, %sign3A_626 : i32
    %sign3A_628 = arith.extui %sign3A_627 : i1 to i32
    %sign3A_629 = arith.constant 0 : i32
    %sign3A_630 = arith.cmpi slt, %jit3A_617, %sign3A_629 : i32
    %sign3A_631 = arith.extui %sign3A_630 : i1 to i32
    %sign3A_632 = arith.subi %sign3A_628, %sign3A_631 : i32
    %ne3A_633 = arith.cmpi ne, %sign3A_625, %sign3A_632 : i32
    %rem3A_634 = arith.remsi %select_n3A_600, %jit3A_617 : i32
    %ne3A_635 = arith.constant 0 : i32
    %ne3A_636 = arith.cmpi ne, %rem3A_634, %ne3A_635 : i32
    %and3A_637 = arith.andi %ne3A_633, %ne3A_636 : i1
    %sub3A_638 = arith.constant 1 : i32
    %sub3A_639 = arith.subi %div3A_618, %sub3A_638 : i32
    %select_n3A_640 = arith.select %and3A_637, %sub3A_639, %div3A_618 : i32
    %jit3A_641 = arith.constant 8 : i32
    %eq3A_642 = arith.constant 0 : i32
    %eq3A_643 = arith.cmpi eq, %jit3A_641, %eq3A_642 : i32
    %jit3A_644 = arith.constant 1 : i32
    %select_n3A_645 = arith.select %eq3A_643, %jit3A_644, %jit3A_641 : i32
    %rem3A_646 = arith.remsi %select_n3A_600, %select_n3A_645 : i32
    %ne3A_647 = arith.constant 0 : i32
    %ne3A_648 = arith.cmpi ne, %rem3A_646, %ne3A_647 : i32
    %lt3A_649 = arith.constant 0 : i32
    %lt3A_650 = arith.cmpi slt, %rem3A_646, %lt3A_649 : i32
    %lt3A_651 = arith.constant 0 : i32
    %lt3A_652 = arith.cmpi slt, %select_n3A_645, %lt3A_651 : i32
    %ne3A_653 = arith.xori %lt3A_650, %lt3A_652 : i1
    %and3A_654 = arith.andi %ne3A_653, %ne3A_648 : i1
    %add3A_655 = arith.addi %rem3A_646, %select_n3A_645 : i32
    %select_n3A_656 = arith.select %and3A_654, %add3A_655, %rem3A_646 : i32
    %dma_start3A_657 = arith.constant 0 : i32
    %dma_start3A_658 = tpu.memref_slice %arg2[%select_n3A_640, %select_n3A_616, %select_n3A_656, %dma_start3A_657] : memref<25x128x8x128xi32, #tpu.memory_space<hbm>> -> memref<1x1x1x128xi32, #tpu.memory_space<hbm>>
    %dma_start3A_659 = tpu.memref_squeeze %dma_start3A_658 : memref<1x1x1x128xi32, #tpu.memory_space<hbm>> -> memref<128xi32, #tpu.memory_space<hbm>>
    %dma_start3A_660 = arith.constant 0 : i32
    %dma_start3A_661 = tpu.memref_slice %arg2[%select_n3A_640, %select_n3A_616, %select_n3A_656, %dma_start3A_660] : memref<25x128x8x128xi32, #tpu.memory_space<hbm>> -> memref<1x1x1x128xi32, #tpu.memory_space<hbm>>
    %dma_start3A_662 = tpu.memref_squeeze %dma_start3A_661 : memref<1x1x1x128xi32, #tpu.memory_space<hbm>> -> memref<128xi32, #tpu.memory_space<hbm>>
    tpu.enqueue_dma source(%dma_start3A_662 : memref<128xi32, #tpu.memory_space<hbm>>) target(%arg5 : memref<128xi32, #tpu.memory_space<vmem>>) target_semaphore(%arg11 : memref<!tpu.dma_semaphore, #tpu.memory_space<semaphore_mem>>)
    %dma_wait3A_663 = arith.constant 0 : i32
    %dma_wait3A_664 = arith.constant 0 : i32
    %dma_wait3A_665 = tpu.memref_slice %arg3[%dma_wait3A_663, %dma_wait3A_664] : memref<1000000x32xf32, #tpu.memory_space<hbm>> -> memref<1000000x32xf32, #tpu.memory_space<hbm>>
    tpu.wait_indirect_dma semaphore(%arg14 : memref<!tpu.dma_semaphore, #tpu.memory_space<semaphore_mem>>) src(%dma_wait3A_665 : memref<1000000x32xf32, #tpu.memory_space<hbm>>) dst(%arg8 : memref<128x32xf32, #tpu.memory_space<vmem>>)
    %add3A_666 = arith.constant 2 : i32
    %add3A_667 = arith.addi %mul3A_2, %add3A_666 : i32
    %jit3A_668 = arith.constant 128 : i32
    %div3A_669 = arith.divsi %add3A_667, %jit3A_668 : i32
    %sign3A_670 = arith.constant 0 : i32
    %sign3A_671 = arith.cmpi sgt, %add3A_667, %sign3A_670 : i32
    %sign3A_672 = arith.extui %sign3A_671 : i1 to i32
    %sign3A_673 = arith.constant 0 : i32
    %sign3A_674 = arith.cmpi slt, %add3A_667, %sign3A_673 : i32
    %sign3A_675 = arith.extui %sign3A_674 : i1 to i32
    %sign3A_676 = arith.subi %sign3A_672, %sign3A_675 : i32
    %sign3A_677 = arith.constant 0 : i32
    %sign3A_678 = arith.cmpi sgt, %jit3A_668, %sign3A_677 : i32
    %sign3A_679 = arith.extui %sign3A_678 : i1 to i32
    %sign3A_680 = arith.constant 0 : i32
    %sign3A_681 = arith.cmpi slt, %jit3A_668, %sign3A_680 : i32
    %sign3A_682 = arith.extui %sign3A_681 : i1 to i32
    %sign3A_683 = arith.subi %sign3A_679, %sign3A_682 : i32
    %ne3A_684 = arith.cmpi ne, %sign3A_676, %sign3A_683 : i32
    %rem3A_685 = arith.remsi %add3A_667, %jit3A_668 : i32
    %ne3A_686 = arith.constant 0 : i32
    %ne3A_687 = arith.cmpi ne, %rem3A_685, %ne3A_686 : i32
    %and3A_688 = arith.andi %ne3A_684, %ne3A_687 : i1
    %sub3A_689 = arith.constant 1 : i32
    %sub3A_690 = arith.subi %div3A_669, %sub3A_689 : i32
    %select_n3A_691 = arith.select %and3A_688, %sub3A_690, %div3A_669 : i32
    %jit3A_692 = arith.constant 128 : i32
    %eq3A_693 = arith.constant 0 : i32
    %eq3A_694 = arith.cmpi eq, %jit3A_692, %eq3A_693 : i32
    %jit3A_695 = arith.constant 1 : i32
    %select_n3A_696 = arith.select %eq3A_694, %jit3A_695, %jit3A_692 : i32
    %rem3A_697 = arith.remsi %add3A_667, %select_n3A_696 : i32
    %ne3A_698 = arith.constant 0 : i32
    %ne3A_699 = arith.cmpi ne, %rem3A_697, %ne3A_698 : i32
    %lt3A_700 = arith.constant 0 : i32
    %lt3A_701 = arith.cmpi slt, %rem3A_697, %lt3A_700 : i32
    %lt3A_702 = arith.constant 0 : i32
    %lt3A_703 = arith.cmpi slt, %select_n3A_696, %lt3A_702 : i32
    %ne3A_704 = arith.xori %lt3A_701, %lt3A_703 : i1
    %and3A_705 = arith.andi %ne3A_704, %ne3A_699 : i1
    %add3A_706 = arith.addi %rem3A_697, %select_n3A_696 : i32
    %select_n3A_707 = arith.select %and3A_705, %add3A_706, %rem3A_697 : i32
    %jit3A_708 = arith.constant 8 : i32
    %div3A_709 = arith.divsi %select_n3A_691, %jit3A_708 : i32
    %sign3A_710 = arith.constant 0 : i32
    %sign3A_711 = arith.cmpi sgt, %select_n3A_691, %sign3A_710 : i32
    %sign3A_712 = arith.extui %sign3A_711 : i1 to i32
    %sign3A_713 = arith.constant 0 : i32
    %sign3A_714 = arith.cmpi slt, %select_n3A_691, %sign3A_713 : i32
    %sign3A_715 = arith.extui %sign3A_714 : i1 to i32
    %sign3A_716 = arith.subi %sign3A_712, %sign3A_715 : i32
    %sign3A_717 = arith.constant 0 : i32
    %sign3A_718 = arith.cmpi sgt, %jit3A_708, %sign3A_717 : i32
    %sign3A_719 = arith.extui %sign3A_718 : i1 to i32
    %sign3A_720 = arith.constant 0 : i32
    %sign3A_721 = arith.cmpi slt, %jit3A_708, %sign3A_720 : i32
    %sign3A_722 = arith.extui %sign3A_721 : i1 to i32
    %sign3A_723 = arith.subi %sign3A_719, %sign3A_722 : i32
    %ne3A_724 = arith.cmpi ne, %sign3A_716, %sign3A_723 : i32
    %rem3A_725 = arith.remsi %select_n3A_691, %jit3A_708 : i32
    %ne3A_726 = arith.constant 0 : i32
    %ne3A_727 = arith.cmpi ne, %rem3A_725, %ne3A_726 : i32
    %and3A_728 = arith.andi %ne3A_724, %ne3A_727 : i1
    %sub3A_729 = arith.constant 1 : i32
    %sub3A_730 = arith.subi %div3A_709, %sub3A_729 : i32
    %select_n3A_731 = arith.select %and3A_728, %sub3A_730, %div3A_709 : i32
    %jit3A_732 = arith.constant 8 : i32
    %eq3A_733 = arith.constant 0 : i32
    %eq3A_734 = arith.cmpi eq, %jit3A_732, %eq3A_733 : i32
    %jit3A_735 = arith.constant 1 : i32
    %select_n3A_736 = arith.select %eq3A_734, %jit3A_735, %jit3A_732 : i32
    %rem3A_737 = arith.remsi %select_n3A_691, %select_n3A_736 : i32
    %ne3A_738 = arith.constant 0 : i32
    %ne3A_739 = arith.cmpi ne, %rem3A_737, %ne3A_738 : i32
    %lt3A_740 = arith.constant 0 : i32
    %lt3A_741 = arith.cmpi slt, %rem3A_737, %lt3A_740 : i32
    %lt3A_742 = arith.constant 0 : i32
    %lt3A_743 = arith.cmpi slt, %select_n3A_736, %lt3A_742 : i32
    %ne3A_744 = arith.xori %lt3A_741, %lt3A_743 : i1
    %and3A_745 = arith.andi %ne3A_744, %ne3A_739 : i1
    %add3A_746 = arith.addi %rem3A_737, %select_n3A_736 : i32
    %select_n3A_747 = arith.select %and3A_745, %add3A_746, %rem3A_737 : i32
    %dma_wait3A_748 = arith.constant 0 : i32
    %dma_wait3A_749 = tpu.memref_slice %arg2[%select_n3A_731, %select_n3A_707, %select_n3A_747, %dma_wait3A_748] : memref<25x128x8x128xi32, #tpu.memory_space<hbm>> -> memref<1x1x1x128xi32, #tpu.memory_space<hbm>>
    %dma_wait3A_750 = tpu.memref_squeeze %dma_wait3A_749 : memref<1x1x1x128xi32, #tpu.memory_space<hbm>> -> memref<128xi32, #tpu.memory_space<hbm>>
    %dma_wait3A_751 = arith.constant 0 : i32
    %dma_wait3A_752 = tpu.memref_slice %arg2[%select_n3A_731, %select_n3A_707, %select_n3A_747, %dma_wait3A_751] : memref<25x128x8x128xi32, #tpu.memory_space<hbm>> -> memref<1x1x1x128xi32, #tpu.memory_space<hbm>>
    %dma_wait3A_753 = tpu.memref_squeeze %dma_wait3A_752 : memref<1x1x1x128xi32, #tpu.memory_space<hbm>> -> memref<128xi32, #tpu.memory_space<hbm>>
    tpu.wait_dma2 semaphore(%arg11 : memref<!tpu.dma_semaphore, #tpu.memory_space<semaphore_mem>>) src(%dma_wait3A_753 : memref<128xi32, #tpu.memory_space<hbm>>) dst(%arg5 : memref<128xi32, #tpu.memory_space<vmem>>)
    %dma_start3A_754 = arith.constant 0 : i32
    %dma_start3A_755 = arith.constant 0 : i32
    %dma_start3A_756 = tpu.memref_slice %arg3[%dma_start3A_754, %dma_start3A_755] : memref<1000000x32xf32, #tpu.memory_space<hbm>> -> memref<1000000x32xf32, #tpu.memory_space<hbm>>
    tpu.enqueue_indirect_dma source(%dma_start3A_756 : memref<1000000x32xf32, #tpu.memory_space<hbm>>) target(%arg7 : memref<128x32xf32, #tpu.memory_space<vmem>>) offsets(%arg5 : memref<128xi32, #tpu.memory_space<vmem>>) semaphore(%arg13 : memref<!tpu.dma_semaphore, #tpu.memory_space<semaphore_mem>>)
    %parallel_loop3A_757 = arith.constant 0 : i32
    %parallel_loop3A_758 = arith.constant 32 : i32
    %parallel_loop3A_759 = arith.constant 1 : i32
    scf.for %parallel_loop3A_2439 = %parallel_loop3A_757 to %parallel_loop3A_758 step %parallel_loop3A_759  : i32 {
      %parallel_loop3A_2440 = arith.constant 4 : i32
      %parallel_loop3A_2441 = arith.muli %parallel_loop3A_2439, %parallel_loop3A_2440 : i32
      %parallel_loop3A_2442 = arith.constant 0 : i32
      %parallel_loop3A_2443 = arith.addi %parallel_loop3A_2441, %parallel_loop3A_2442 : i32
      %parallel_loop3A_2444 = vector.broadcast %parallel_loop3A_2443 : i32 to vector<16xi32>
      %parallel_loop3A_2445 = arith.addi %mul3A_5, %parallel_loop3A_2444 : vector<16xi32>
      %parallel_loop3A_2446 = arith.index_cast %parallel_loop3A_2443 : i32 to index
      %parallel_loop3A_2447 = arith.constant 0 : index
      %parallel_loop3A_2448 = tpu.vector_load %arg8[%parallel_loop3A_2446, %parallel_loop3A_2447] {strides = array<i32>} : memref<128x32xf32, #tpu.memory_space<vmem>>, vector<16xf32>,
      tpu.vector_store_idx %arg10[%parallel_loop3A_2445], %parallel_loop3A_2448 : memref<4096xf32, #tpu.memory_space<vmem>>[vector<16xi32>], vector<16xf32>,
      %parallel_loop3A_2449 = vector.broadcast %parallel_loop3A_2443 : i32 to vector<16xi32>
      %parallel_loop3A_2450 = arith.addi %mul3A_11, %parallel_loop3A_2449 : vector<16xi32>
      %parallel_loop3A_2451 = arith.index_cast %parallel_loop3A_2443 : i32 to index
      %parallel_loop3A_2452 = arith.constant 16 : index
      %parallel_loop3A_2453 = tpu.vector_load %arg8[%parallel_loop3A_2451, %parallel_loop3A_2452] {strides = array<i32>} : memref<128x32xf32, #tpu.memory_space<vmem>>, vector<16xf32>,
      tpu.vector_store_idx %arg10[%parallel_loop3A_2450], %parallel_loop3A_2453 : memref<4096xf32, #tpu.memory_space<vmem>>[vector<16xi32>], vector<16xf32>,
      %parallel_loop3A_2454 = arith.constant 4 : i32
      %parallel_loop3A_2455 = arith.muli %parallel_loop3A_2439, %parallel_loop3A_2454 : i32
      %parallel_loop3A_2456 = arith.constant 1 : i32
      %parallel_loop3A_2457 = arith.addi %parallel_loop3A_2455, %parallel_loop3A_2456 : i32
      %parallel_loop3A_2458 = vector.broadcast %parallel_loop3A_2457 : i32 to vector<16xi32>
      %parallel_loop3A_2459 = arith.addi %mul3A_5, %parallel_loop3A_2458 : vector<16xi32>
      %parallel_loop3A_2460 = arith.index_cast %parallel_loop3A_2457 : i32 to index
      %parallel_loop3A_2461 = arith.constant 0 : index
      %parallel_loop3A_2462 = tpu.vector_load %arg8[%parallel_loop3A_2460, %parallel_loop3A_2461] {strides = array<i32>} : memref<128x32xf32, #tpu.memory_space<vmem>>, vector<16xf32>,
      tpu.vector_store_idx %arg10[%parallel_loop3A_2459], %parallel_loop3A_2462 : memref<4096xf32, #tpu.memory_space<vmem>>[vector<16xi32>], vector<16xf32>,
      %parallel_loop3A_2463 = vector.broadcast %parallel_loop3A_2457 : i32 to vector<16xi32>
      %parallel_loop3A_2464 = arith.addi %mul3A_11, %parallel_loop3A_2463 : vector<16xi32>
      %parallel_loop3A_2465 = arith.index_cast %parallel_loop3A_2457 : i32 to index
      %parallel_loop3A_2466 = arith.constant 16 : index
      %parallel_loop3A_2467 = tpu.vector_load %arg8[%parallel_loop3A_2465, %parallel_loop3A_2466] {strides = array<i32>} : memref<128x32xf32, #tpu.memory_space<vmem>>, vector<16xf32>,
      tpu.vector_store_idx %arg10[%parallel_loop3A_2464], %parallel_loop3A_2467 : memref<4096xf32, #tpu.memory_space<vmem>>[vector<16xi32>], vector<16xf32>,
      %parallel_loop3A_2468 = arith.constant 4 : i32
      %parallel_loop3A_2469 = arith.muli %parallel_loop3A_2439, %parallel_loop3A_2468 : i32
      %parallel_loop3A_2470 = arith.constant 2 : i32
      %parallel_loop3A_2471 = arith.addi %parallel_loop3A_2469, %parallel_loop3A_2470 : i32
      %parallel_loop3A_2472 = vector.broadcast %parallel_loop3A_2471 : i32 to vector<16xi32>
      %parallel_loop3A_2473 = arith.addi %mul3A_5, %parallel_loop3A_2472 : vector<16xi32>
      %parallel_loop3A_2474 = arith.index_cast %parallel_loop3A_2471 : i32 to index
      %parallel_loop3A_2475 = arith.constant 0 : index
      %parallel_loop3A_2476 = tpu.vector_load %arg8[%parallel_loop3A_2474, %parallel_loop3A_2475] {strides = array<i32>} : memref<128x32xf32, #tpu.memory_space<vmem>>, vector<16xf32>,
      tpu.vector_store_idx %arg10[%parallel_loop3A_2473], %parallel_loop3A_2476 : memref<4096xf32, #tpu.memory_space<vmem>>[vector<16xi32>], vector<16xf32>,
      %parallel_loop3A_2477 = vector.broadcast %parallel_loop3A_2471 : i32 to vector<16xi32>
      %parallel_loop3A_2478 = arith.addi %mul3A_11, %parallel_loop3A_2477 : vector<16xi32>
      %parallel_loop3A_2479 = arith.index_cast %parallel_loop3A_2471 : i32 to index
      %parallel_loop3A_2480 = arith.constant 16 : index
      %parallel_loop3A_2481 = tpu.vector_load %arg8[%parallel_loop3A_2479, %parallel_loop3A_2480] {strides = array<i32>} : memref<128x32xf32, #tpu.memory_space<vmem>>, vector<16xf32>,
      tpu.vector_store_idx %arg10[%parallel_loop3A_2478], %parallel_loop3A_2481 : memref<4096xf32, #tpu.memory_space<vmem>>[vector<16xi32>], vector<16xf32>,
      %parallel_loop3A_2482 = arith.constant 4 : i32
      %parallel_loop3A_2483 = arith.muli %parallel_loop3A_2439, %parallel_loop3A_2482 : i32
      %parallel_loop3A_2484 = arith.constant 3 : i32
      %parallel_loop3A_2485 = arith.addi %parallel_loop3A_2483, %parallel_loop3A_2484 : i32
      %parallel_loop3A_2486 = vector.broadcast %parallel_loop3A_2485 : i32 to vector<16xi32>
      %parallel_loop3A_2487 = arith.addi %mul3A_5, %parallel_loop3A_2486 : vector<16xi32>
      %parallel_loop3A_2488 = arith.index_cast %parallel_loop3A_2485 : i32 to index
      %parallel_loop3A_2489 = arith.constant 0 : index
      %parallel_loop3A_2490 = tpu.vector_load %arg8[%parallel_loop3A_2488, %parallel_loop3A_2489] {strides = array<i32>} : memref<128x32xf32, #tpu.memory_space<vmem>>, vector<16xf32>,
      tpu.vector_store_idx %arg10[%parallel_loop3A_2487], %parallel_loop3A_2490 : memref<4096xf32, #tpu.memory_space<vmem>>[vector<16xi32>], vector<16xf32>,
      %parallel_loop3A_2491 = vector.broadcast %parallel_loop3A_2485 : i32 to vector<16xi32>
      %parallel_loop3A_2492 = arith.addi %mul3A_11, %parallel_loop3A_2491 : vector<16xi32>
      %parallel_loop3A_2493 = arith.index_cast %parallel_loop3A_2485 : i32 to index
      %parallel_loop3A_2494 = arith.constant 16 : index
      %parallel_loop3A_2495 = tpu.vector_load %arg8[%parallel_loop3A_2493, %parallel_loop3A_2494] {strides = array<i32>} : memref<128x32xf32, #tpu.memory_space<vmem>>, vector<16xf32>,
      tpu.vector_store_idx %arg10[%parallel_loop3A_2492], %parallel_loop3A_2495 : memref<4096xf32, #tpu.memory_space<vmem>>[vector<16xi32>], vector<16xf32>,
    } {sc.loop_unroll_factor = 1 : i64, sc.parallel_access}
    %add3A_760 = arith.constant 1 : i32
    %add3A_761 = arith.addi %mul3A_2, %add3A_760 : i32
    %jit3A_762 = arith.constant 128 : i32
    %div3A_763 = arith.divsi %add3A_761, %jit3A_762 : i32
    %sign3A_764 = arith.constant 0 : i32
    %sign3A_765 = arith.cmpi sgt, %add3A_761, %sign3A_764 : i32
    %sign3A_766 = arith.extui %sign3A_765 : i1 to i32
    %sign3A_767 = arith.constant 0 : i32
    %sign3A_768 = arith.cmpi slt, %add3A_761, %sign3A_767 : i32
    %sign3A_769 = arith.extui %sign3A_768 : i1 to i32
    %sign3A_770 = arith.subi %sign3A_766, %sign3A_769 : i32
    %sign3A_771 = arith.constant 0 : i32
    %sign3A_772 = arith.cmpi sgt, %jit3A_762, %sign3A_771 : i32
    %sign3A_773 = arith.extui %sign3A_772 : i1 to i32
    %sign3A_774 = arith.constant 0 : i32
    %sign3A_775 = arith.cmpi slt, %jit3A_762, %sign3A_774 : i32
    %sign3A_776 = arith.extui %sign3A_775 : i1 to i32
    %sign3A_777 = arith.subi %sign3A_773, %sign3A_776 : i32
    %ne3A_778 = arith.cmpi ne, %sign3A_770, %sign3A_777 : i32
    %rem3A_779 = arith.remsi %add3A_761, %jit3A_762 : i32
    %ne3A_780 = arith.constant 0 : i32
    %ne3A_781 = arith.cmpi ne, %rem3A_779, %ne3A_780 : i32
    %and3A_782 = arith.andi %ne3A_778, %ne3A_781 : i1
    %sub3A_783 = arith.constant 1 : i32
    %sub3A_784 = arith.subi %div3A_763, %sub3A_783 : i32
    %select_n3A_785 = arith.select %and3A_782, %sub3A_784, %div3A_763 : i32
    %jit3A_786 = arith.constant 128 : i32
    %eq3A_787 = arith.constant 0 : i32
    %eq3A_788 = arith.cmpi eq, %jit3A_786, %eq3A_787 : i32
    %jit3A_789 = arith.constant 1 : i32
    %select_n3A_790 = arith.select %eq3A_788, %jit3A_789, %jit3A_786 : i32
    %rem3A_791 = arith.remsi %add3A_761, %select_n3A_790 : i32
    %ne3A_792 = arith.constant 0 : i32
    %ne3A_793 = arith.cmpi ne, %rem3A_791, %ne3A_792 : i32
    %lt3A_794 = arith.constant 0 : i32
    %lt3A_795 = arith.cmpi slt, %rem3A_791, %lt3A_794 : i32
    %lt3A_796 = arith.constant 0 : i32
    %lt3A_797 = arith.cmpi slt, %select_n3A_790, %lt3A_796 : i32
    %ne3A_798 = arith.xori %lt3A_795, %lt3A_797 : i1
    %and3A_799 = arith.andi %ne3A_798, %ne3A_793 : i1
    %add3A_800 = arith.addi %rem3A_791, %select_n3A_790 : i32
    %select_n3A_801 = arith.select %and3A_799, %add3A_800, %rem3A_791 : i32
    %dma_start3A_802 = arith.constant 0 : i32
    %dma_start3A_803 = arith.constant 0 : i32
    %dma_start3A_804 = tpu.memref_slice %arg10[%dma_start3A_803] : memref<4096xf32, #tpu.memory_space<vmem>> -> memref<1024xf32, #tpu.memory_space<vmem>>
    %dma_start3A_805 = arith.constant 0 : i32
    %dma_start3A_806 = tpu.memref_slice %arg4[%select_n3A_785, %dma_start3A_802, %select_n3A_801, %dma_start3A_805] : memref<200x4x128x1024xf32, #tpu.memory_space<hbm>> -> memref<1x1x1x1024xf32, #tpu.memory_space<hbm>>
    %dma_start3A_807 = tpu.memref_squeeze %dma_start3A_806 : memref<1x1x1x1024xf32, #tpu.memory_space<hbm>> -> memref<1024xf32, #tpu.memory_space<hbm>>
    %dma_start3A_808 = arith.constant 0 : i32
    %dma_start3A_809 = tpu.memref_slice %arg4[%select_n3A_785, %dma_start3A_802, %select_n3A_801, %dma_start3A_808] : memref<200x4x128x1024xf32, #tpu.memory_space<hbm>> -> memref<1x1x1x1024xf32, #tpu.memory_space<hbm>>
    %dma_start3A_810 = tpu.memref_squeeze %dma_start3A_809 : memref<1x1x1x1024xf32, #tpu.memory_space<hbm>> -> memref<1024xf32, #tpu.memory_space<hbm>>
    %dma_start3A_811 = arith.constant 0 : i32
    %dma_start3A_812 = tpu.memref_slice %arg10[%dma_start3A_811] : memref<4096xf32, #tpu.memory_space<vmem>> -> memref<1024xf32, #tpu.memory_space<vmem>>
    tpu.enqueue_dma source(%dma_start3A_812 : memref<1024xf32, #tpu.memory_space<vmem>>) target(%dma_start3A_810 : memref<1024xf32, #tpu.memory_space<hbm>>) target_semaphore(%arg16 : memref<!tpu.dma_semaphore, #tpu.memory_space<semaphore_mem>>)
    %add3A_813 = arith.constant 1 : i32
    %add3A_814 = arith.addi %mul3A_2, %add3A_813 : i32
    %jit3A_815 = arith.constant 128 : i32
    %div3A_816 = arith.divsi %add3A_814, %jit3A_815 : i32
    %sign3A_817 = arith.constant 0 : i32
    %sign3A_818 = arith.cmpi sgt, %add3A_814, %sign3A_817 : i32
    %sign3A_819 = arith.extui %sign3A_818 : i1 to i32
    %sign3A_820 = arith.constant 0 : i32
    %sign3A_821 = arith.cmpi slt, %add3A_814, %sign3A_820 : i32
    %sign3A_822 = arith.extui %sign3A_821 : i1 to i32
    %sign3A_823 = arith.subi %sign3A_819, %sign3A_822 : i32
    %sign3A_824 = arith.constant 0 : i32
    %sign3A_825 = arith.cmpi sgt, %jit3A_815, %sign3A_824 : i32
    %sign3A_826 = arith.extui %sign3A_825 : i1 to i32
    %sign3A_827 = arith.constant 0 : i32
    %sign3A_828 = arith.cmpi slt, %jit3A_815, %sign3A_827 : i32
    %sign3A_829 = arith.extui %sign3A_828 : i1 to i32
    %sign3A_830 = arith.subi %sign3A_826, %sign3A_829 : i32
    %ne3A_831 = arith.cmpi ne, %sign3A_823, %sign3A_830 : i32
    %rem3A_832 = arith.remsi %add3A_814, %jit3A_815 : i32
    %ne3A_833 = arith.constant 0 : i32
    %ne3A_834 = arith.cmpi ne, %rem3A_832, %ne3A_833 : i32
    %and3A_835 = arith.andi %ne3A_831, %ne3A_834 : i1
    %sub3A_836 = arith.constant 1 : i32
    %sub3A_837 = arith.subi %div3A_816, %sub3A_836 : i32
    %select_n3A_838 = arith.select %and3A_835, %sub3A_837, %div3A_816 : i32
    %jit3A_839 = arith.constant 128 : i32
    %eq3A_840 = arith.constant 0 : i32
    %eq3A_841 = arith.cmpi eq, %jit3A_839, %eq3A_840 : i32
    %jit3A_842 = arith.constant 1 : i32
    %select_n3A_843 = arith.select %eq3A_841, %jit3A_842, %jit3A_839 : i32
    %rem3A_844 = arith.remsi %add3A_814, %select_n3A_843 : i32
    %ne3A_845 = arith.constant 0 : i32
    %ne3A_846 = arith.cmpi ne, %rem3A_844, %ne3A_845 : i32
    %lt3A_847 = arith.constant 0 : i32
    %lt3A_848 = arith.cmpi slt, %rem3A_844, %lt3A_847 : i32
    %lt3A_849 = arith.constant 0 : i32
    %lt3A_850 = arith.cmpi slt, %select_n3A_843, %lt3A_849 : i32
    %ne3A_851 = arith.xori %lt3A_848, %lt3A_850 : i1
    %and3A_852 = arith.andi %ne3A_851, %ne3A_846 : i1
    %add3A_853 = arith.addi %rem3A_844, %select_n3A_843 : i32
    %select_n3A_854 = arith.select %and3A_852, %add3A_853, %rem3A_844 : i32
    %dma_start3A_855 = arith.constant 1 : i32
    %dma_start3A_856 = arith.constant 1024 : i32
    %dma_start3A_857 = tpu.memref_slice %arg10[%dma_start3A_856] : memref<4096xf32, #tpu.memory_space<vmem>> -> memref<1024xf32, #tpu.memory_space<vmem>>
    %dma_start3A_858 = arith.constant 0 : i32
    %dma_start3A_859 = tpu.memref_slice %arg4[%select_n3A_838, %dma_start3A_855, %select_n3A_854, %dma_start3A_858] : memref<200x4x128x1024xf32, #tpu.memory_space<hbm>> -> memref<1x1x1x1024xf32, #tpu.memory_space<hbm>>
    %dma_start3A_860 = tpu.memref_squeeze %dma_start3A_859 : memref<1x1x1x1024xf32, #tpu.memory_space<hbm>> -> memref<1024xf32, #tpu.memory_space<hbm>>
    %dma_start3A_861 = arith.constant 0 : i32
    %dma_start3A_862 = tpu.memref_slice %arg4[%select_n3A_838, %dma_start3A_855, %select_n3A_854, %dma_start3A_861] : memref<200x4x128x1024xf32, #tpu.memory_space<hbm>> -> memref<1x1x1x1024xf32, #tpu.memory_space<hbm>>
    %dma_start3A_863 = tpu.memref_squeeze %dma_start3A_862 : memref<1x1x1x1024xf32, #tpu.memory_space<hbm>> -> memref<1024xf32, #tpu.memory_space<hbm>>
    %dma_start3A_864 = arith.constant 1024 : i32
    %dma_start3A_865 = tpu.memref_slice %arg10[%dma_start3A_864] : memref<4096xf32, #tpu.memory_space<vmem>> -> memref<1024xf32, #tpu.memory_space<vmem>>
    tpu.enqueue_dma source(%dma_start3A_865 : memref<1024xf32, #tpu.memory_space<vmem>>) target(%dma_start3A_863 : memref<1024xf32, #tpu.memory_space<hbm>>) target_semaphore(%arg16 : memref<!tpu.dma_semaphore, #tpu.memory_space<semaphore_mem>>)
    %add3A_866 = arith.constant 1 : i32
    %add3A_867 = arith.addi %mul3A_2, %add3A_866 : i32
    %jit3A_868 = arith.constant 128 : i32
    %div3A_869 = arith.divsi %add3A_867, %jit3A_868 : i32
    %sign3A_870 = arith.constant 0 : i32
    %sign3A_871 = arith.cmpi sgt, %add3A_867, %sign3A_870 : i32
    %sign3A_872 = arith.extui %sign3A_871 : i1 to i32
    %sign3A_873 = arith.constant 0 : i32
    %sign3A_874 = arith.cmpi slt, %add3A_867, %sign3A_873 : i32
    %sign3A_875 = arith.extui %sign3A_874 : i1 to i32
    %sign3A_876 = arith.subi %sign3A_872, %sign3A_875 : i32
    %sign3A_877 = arith.constant 0 : i32
    %sign3A_878 = arith.cmpi sgt, %jit3A_868, %sign3A_877 : i32
    %sign3A_879 = arith.extui %sign3A_878 : i1 to i32
    %sign3A_880 = arith.constant 0 : i32
    %sign3A_881 = arith.cmpi slt, %jit3A_868, %sign3A_880 : i32
    %sign3A_882 = arith.extui %sign3A_881 : i1 to i32
    %sign3A_883 = arith.subi %sign3A_879, %sign3A_882 : i32
    %ne3A_884 = arith.cmpi ne, %sign3A_876, %sign3A_883 : i32
    %rem3A_885 = arith.remsi %add3A_867, %jit3A_868 : i32
    %ne3A_886 = arith.constant 0 : i32
    %ne3A_887 = arith.cmpi ne, %rem3A_885, %ne3A_886 : i32
    %and3A_888 = arith.andi %ne3A_884, %ne3A_887 : i1
    %sub3A_889 = arith.constant 1 : i32
    %sub3A_890 = arith.subi %div3A_869, %sub3A_889 : i32
    %select_n3A_891 = arith.select %and3A_888, %sub3A_890, %div3A_869 : i32
    %jit3A_892 = arith.constant 128 : i32
    %eq3A_893 = arith.constant 0 : i32
    %eq3A_894 = arith.cmpi eq, %jit3A_892, %eq3A_893 : i32
    %jit3A_895 = arith.constant 1 : i32
    %select_n3A_896 = arith.select %eq3A_894, %jit3A_895, %jit3A_892 : i32
    %rem3A_897 = arith.remsi %add3A_867, %select_n3A_896 : i32
    %ne3A_898 = arith.constant 0 : i32
    %ne3A_899 = arith.cmpi ne, %rem3A_897, %ne3A_898 : i32
    %lt3A_900 = arith.constant 0 : i32
    %lt3A_901 = arith.cmpi slt, %rem3A_897, %lt3A_900 : i32
    %lt3A_902 = arith.constant 0 : i32
    %lt3A_903 = arith.cmpi slt, %select_n3A_896, %lt3A_902 : i32
    %ne3A_904 = arith.xori %lt3A_901, %lt3A_903 : i1
    %and3A_905 = arith.andi %ne3A_904, %ne3A_899 : i1
    %add3A_906 = arith.addi %rem3A_897, %select_n3A_896 : i32
    %select_n3A_907 = arith.select %and3A_905, %add3A_906, %rem3A_897 : i32
    %dma_start3A_908 = arith.constant 2 : i32
    %dma_start3A_909 = arith.constant 2048 : i32
    %dma_start3A_910 = tpu.memref_slice %arg10[%dma_start3A_909] : memref<4096xf32, #tpu.memory_space<vmem>> -> memref<1024xf32, #tpu.memory_space<vmem>>
    %dma_start3A_911 = arith.constant 0 : i32
    %dma_start3A_912 = tpu.memref_slice %arg4[%select_n3A_891, %dma_start3A_908, %select_n3A_907, %dma_start3A_911] : memref<200x4x128x1024xf32, #tpu.memory_space<hbm>> -> memref<1x1x1x1024xf32, #tpu.memory_space<hbm>>
    %dma_start3A_913 = tpu.memref_squeeze %dma_start3A_912 : memref<1x1x1x1024xf32, #tpu.memory_space<hbm>> -> memref<1024xf32, #tpu.memory_space<hbm>>
    %dma_start3A_914 = arith.constant 0 : i32
    %dma_start3A_915 = tpu.memref_slice %arg4[%select_n3A_891, %dma_start3A_908, %select_n3A_907, %dma_start3A_914] : memref<200x4x128x1024xf32, #tpu.memory_space<hbm>> -> memref<1x1x1x1024xf32, #tpu.memory_space<hbm>>
    %dma_start3A_916 = tpu.memref_squeeze %dma_start3A_915 : memref<1x1x1x1024xf32, #tpu.memory_space<hbm>> -> memref<1024xf32, #tpu.memory_space<hbm>>
    %dma_start3A_917 = arith.constant 2048 : i32
    %dma_start3A_918 = tpu.memref_slice %arg10[%dma_start3A_917] : memref<4096xf32, #tpu.memory_space<vmem>> -> memref<1024xf32, #tpu.memory_space<vmem>>
    tpu.enqueue_dma source(%dma_start3A_918 : memref<1024xf32, #tpu.memory_space<vmem>>) target(%dma_start3A_916 : memref<1024xf32, #tpu.memory_space<hbm>>) target_semaphore(%arg16 : memref<!tpu.dma_semaphore, #tpu.memory_space<semaphore_mem>>)
    %add3A_919 = arith.constant 1 : i32
    %add3A_920 = arith.addi %mul3A_2, %add3A_919 : i32
    %jit3A_921 = arith.constant 128 : i32
    %div3A_922 = arith.divsi %add3A_920, %jit3A_921 : i32
    %sign3A_923 = arith.constant 0 : i32
    %sign3A_924 = arith.cmpi sgt, %add3A_920, %sign3A_923 : i32
    %sign3A_925 = arith.extui %sign3A_924 : i1 to i32
    %sign3A_926 = arith.constant 0 : i32
    %sign3A_927 = arith.cmpi slt, %add3A_920, %sign3A_926 : i32
    %sign3A_928 = arith.extui %sign3A_927 : i1 to i32
    %sign3A_929 = arith.subi %sign3A_925, %sign3A_928 : i32
    %sign3A_930 = arith.constant 0 : i32
    %sign3A_931 = arith.cmpi sgt, %jit3A_921, %sign3A_930 : i32
    %sign3A_932 = arith.extui %sign3A_931 : i1 to i32
    %sign3A_933 = arith.constant 0 : i32
    %sign3A_934 = arith.cmpi slt, %jit3A_921, %sign3A_933 : i32
    %sign3A_935 = arith.extui %sign3A_934 : i1 to i32
    %sign3A_936 = arith.subi %sign3A_932, %sign3A_935 : i32
    %ne3A_937 = arith.cmpi ne, %sign3A_929, %sign3A_936 : i32
    %rem3A_938 = arith.remsi %add3A_920, %jit3A_921 : i32
    %ne3A_939 = arith.constant 0 : i32
    %ne3A_940 = arith.cmpi ne, %rem3A_938, %ne3A_939 : i32
    %and3A_941 = arith.andi %ne3A_937, %ne3A_940 : i1
    %sub3A_942 = arith.constant 1 : i32
    %sub3A_943 = arith.subi %div3A_922, %sub3A_942 : i32
    %select_n3A_944 = arith.select %and3A_941, %sub3A_943, %div3A_922 : i32
    %jit3A_945 = arith.constant 128 : i32
    %eq3A_946 = arith.constant 0 : i32
    %eq3A_947 = arith.cmpi eq, %jit3A_945, %eq3A_946 : i32
    %jit3A_948 = arith.constant 1 : i32
    %select_n3A_949 = arith.select %eq3A_947, %jit3A_948, %jit3A_945 : i32
    %rem3A_950 = arith.remsi %add3A_920, %select_n3A_949 : i32
    %ne3A_951 = arith.constant 0 : i32
    %ne3A_952 = arith.cmpi ne, %rem3A_950, %ne3A_951 : i32
    %lt3A_953 = arith.constant 0 : i32
    %lt3A_954 = arith.cmpi slt, %rem3A_950, %lt3A_953 : i32
    %lt3A_955 = arith.constant 0 : i32
    %lt3A_956 = arith.cmpi slt, %select_n3A_949, %lt3A_955 : i32
    %ne3A_957 = arith.xori %lt3A_954, %lt3A_956 : i1
    %and3A_958 = arith.andi %ne3A_957, %ne3A_952 : i1
    %add3A_959 = arith.addi %rem3A_950, %select_n3A_949 : i32
    %select_n3A_960 = arith.select %and3A_958, %add3A_959, %rem3A_950 : i32
    %dma_start3A_961 = arith.constant 3 : i32
    %dma_start3A_962 = arith.constant 3072 : i32
    %dma_start3A_963 = tpu.memref_slice %arg10[%dma_start3A_962] : memref<4096xf32, #tpu.memory_space<vmem>> -> memref<1024xf32, #tpu.memory_space<vmem>>
    %dma_start3A_964 = arith.constant 0 : i32
    %dma_start3A_965 = tpu.memref_slice %arg4[%select_n3A_944, %dma_start3A_961, %select_n3A_960, %dma_start3A_964] : memref<200x4x128x1024xf32, #tpu.memory_space<hbm>> -> memref<1x1x1x1024xf32, #tpu.memory_space<hbm>>
    %dma_start3A_966 = tpu.memref_squeeze %dma_start3A_965 : memref<1x1x1x1024xf32, #tpu.memory_space<hbm>> -> memref<1024xf32, #tpu.memory_space<hbm>>
    %dma_start3A_967 = arith.constant 0 : i32
    %dma_start3A_968 = tpu.memref_slice %arg4[%select_n3A_944, %dma_start3A_961, %select_n3A_960, %dma_start3A_967] : memref<200x4x128x1024xf32, #tpu.memory_space<hbm>> -> memref<1x1x1x1024xf32, #tpu.memory_space<hbm>>
    %dma_start3A_969 = tpu.memref_squeeze %dma_start3A_968 : memref<1x1x1x1024xf32, #tpu.memory_space<hbm>> -> memref<1024xf32, #tpu.memory_space<hbm>>
    %dma_start3A_970 = arith.constant 3072 : i32
    %dma_start3A_971 = tpu.memref_slice %arg10[%dma_start3A_970] : memref<4096xf32, #tpu.memory_space<vmem>> -> memref<1024xf32, #tpu.memory_space<vmem>>
    tpu.enqueue_dma source(%dma_start3A_971 : memref<1024xf32, #tpu.memory_space<vmem>>) target(%dma_start3A_969 : memref<1024xf32, #tpu.memory_space<hbm>>) target_semaphore(%arg16 : memref<!tpu.dma_semaphore, #tpu.memory_space<semaphore_mem>>)
    %add3A_972 = arith.constant 3 : i32
    %add3A_973 = arith.addi %mul3A_2, %add3A_972 : i32
    %jit3A_974 = arith.constant 128 : i32
    %div3A_975 = arith.divsi %add3A_973, %jit3A_974 : i32
    %sign3A_976 = arith.constant 0 : i32
    %sign3A_977 = arith.cmpi sgt, %add3A_973, %sign3A_976 : i32
    %sign3A_978 = arith.extui %sign3A_977 : i1 to i32
    %sign3A_979 = arith.constant 0 : i32
    %sign3A_980 = arith.cmpi slt, %add3A_973, %sign3A_979 : i32
    %sign3A_981 = arith.extui %sign3A_980 : i1 to i32
    %sign3A_982 = arith.subi %sign3A_978, %sign3A_981 : i32
    %sign3A_983 = arith.constant 0 : i32
    %sign3A_984 = arith.cmpi sgt, %jit3A_974, %sign3A_983 : i32
    %sign3A_985 = arith.extui %sign3A_984 : i1 to i32
    %sign3A_986 = arith.constant 0 : i32
    %sign3A_987 = arith.cmpi slt, %jit3A_974, %sign3A_986 : i32
    %sign3A_988 = arith.extui %sign3A_987 : i1 to i32
    %sign3A_989 = arith.subi %sign3A_985, %sign3A_988 : i32
    %ne3A_990 = arith.cmpi ne, %sign3A_982, %sign3A_989 : i32
    %rem3A_991 = arith.remsi %add3A_973, %jit3A_974 : i32
    %ne3A_992 = arith.constant 0 : i32
    %ne3A_993 = arith.cmpi ne, %rem3A_991, %ne3A_992 : i32
    %and3A_994 = arith.andi %ne3A_990, %ne3A_993 : i1
    %sub3A_995 = arith.constant 1 : i32
    %sub3A_996 = arith.subi %div3A_975, %sub3A_995 : i32
    %select_n3A_997 = arith.select %and3A_994, %sub3A_996, %div3A_975 : i32
    %jit3A_998 = arith.constant 128 : i32
    %eq3A_999 = arith.constant 0 : i32
    %eq3A_1000 = arith.cmpi eq, %jit3A_998, %eq3A_999 : i32
    %jit3A_1001 = arith.constant 1 : i32
    %select_n3A_1002 = arith.select %eq3A_1000, %jit3A_1001, %jit3A_998 : i32
    %rem3A_1003 = arith.remsi %add3A_973, %select_n3A_1002 : i32
    %ne3A_1004 = arith.constant 0 : i32
    %ne3A_1005 = arith.cmpi ne, %rem3A_1003, %ne3A_1004 : i32
    %lt3A_1006 = arith.constant 0 : i32
    %lt3A_1007 = arith.cmpi slt, %rem3A_1003, %lt3A_1006 : i32
    %lt3A_1008 = arith.constant 0 : i32
    %lt3A_1009 = arith.cmpi slt, %select_n3A_1002, %lt3A_1008 : i32
    %ne3A_1010 = arith.xori %lt3A_1007, %lt3A_1009 : i1
    %and3A_1011 = arith.andi %ne3A_1010, %ne3A_1005 : i1
    %add3A_1012 = arith.addi %rem3A_1003, %select_n3A_1002 : i32
    %select_n3A_1013 = arith.select %and3A_1011, %add3A_1012, %rem3A_1003 : i32
    %jit3A_1014 = arith.constant 8 : i32
    %div3A_1015 = arith.divsi %select_n3A_997, %jit3A_1014 : i32
    %sign3A_1016 = arith.constant 0 : i32
    %sign3A_1017 = arith.cmpi sgt, %select_n3A_997, %sign3A_1016 : i32
    %sign3A_1018 = arith.extui %sign3A_1017 : i1 to i32
    %sign3A_1019 = arith.constant 0 : i32
    %sign3A_1020 = arith.cmpi slt, %select_n3A_997, %sign3A_1019 : i32
    %sign3A_1021 = arith.extui %sign3A_1020 : i1 to i32
    %sign3A_1022 = arith.subi %sign3A_1018, %sign3A_1021 : i32
    %sign3A_1023 = arith.constant 0 : i32
    %sign3A_1024 = arith.cmpi sgt, %jit3A_1014, %sign3A_1023 : i32
    %sign3A_1025 = arith.extui %sign3A_1024 : i1 to i32
    %sign3A_1026 = arith.constant 0 : i32
    %sign3A_1027 = arith.cmpi slt, %jit3A_1014, %sign3A_1026 : i32
    %sign3A_1028 = arith.extui %sign3A_1027 : i1 to i32
    %sign3A_1029 = arith.subi %sign3A_1025, %sign3A_1028 : i32
    %ne3A_1030 = arith.cmpi ne, %sign3A_1022, %sign3A_1029 : i32
    %rem3A_1031 = arith.remsi %select_n3A_997, %jit3A_1014 : i32
    %ne3A_1032 = arith.constant 0 : i32
    %ne3A_1033 = arith.cmpi ne, %rem3A_1031, %ne3A_1032 : i32
    %and3A_1034 = arith.andi %ne3A_1030, %ne3A_1033 : i1
    %sub3A_1035 = arith.constant 1 : i32
    %sub3A_1036 = arith.subi %div3A_1015, %sub3A_1035 : i32
    %select_n3A_1037 = arith.select %and3A_1034, %sub3A_1036, %div3A_1015 : i32
    %jit3A_1038 = arith.constant 8 : i32
    %eq3A_1039 = arith.constant 0 : i32
    %eq3A_1040 = arith.cmpi eq, %jit3A_1038, %eq3A_1039 : i32
    %jit3A_1041 = arith.constant 1 : i32
    %select_n3A_1042 = arith.select %eq3A_1040, %jit3A_1041, %jit3A_1038 : i32
    %rem3A_1043 = arith.remsi %select_n3A_997, %select_n3A_1042 : i32
    %ne3A_1044 = arith.constant 0 : i32
    %ne3A_1045 = arith.cmpi ne, %rem3A_1043, %ne3A_1044 : i32
    %lt3A_1046 = arith.constant 0 : i32
    %lt3A_1047 = arith.cmpi slt, %rem3A_1043, %lt3A_1046 : i32
    %lt3A_1048 = arith.constant 0 : i32
    %lt3A_1049 = arith.cmpi slt, %select_n3A_1042, %lt3A_1048 : i32
    %ne3A_1050 = arith.xori %lt3A_1047, %lt3A_1049 : i1
    %and3A_1051 = arith.andi %ne3A_1050, %ne3A_1045 : i1
    %add3A_1052 = arith.addi %rem3A_1043, %select_n3A_1042 : i32
    %select_n3A_1053 = arith.select %and3A_1051, %add3A_1052, %rem3A_1043 : i32
    %dma_start3A_1054 = arith.constant 0 : i32
    %dma_start3A_1055 = tpu.memref_slice %arg2[%select_n3A_1037, %select_n3A_1013, %select_n3A_1053, %dma_start3A_1054] : memref<25x128x8x128xi32, #tpu.memory_space<hbm>> -> memref<1x1x1x128xi32, #tpu.memory_space<hbm>>
    %dma_start3A_1056 = tpu.memref_squeeze %dma_start3A_1055 : memref<1x1x1x128xi32, #tpu.memory_space<hbm>> -> memref<128xi32, #tpu.memory_space<hbm>>
    %dma_start3A_1057 = arith.constant 0 : i32
    %dma_start3A_1058 = tpu.memref_slice %arg2[%select_n3A_1037, %select_n3A_1013, %select_n3A_1053, %dma_start3A_1057] : memref<25x128x8x128xi32, #tpu.memory_space<hbm>> -> memref<1x1x1x128xi32, #tpu.memory_space<hbm>>
    %dma_start3A_1059 = tpu.memref_squeeze %dma_start3A_1058 : memref<1x1x1x128xi32, #tpu.memory_space<hbm>> -> memref<128xi32, #tpu.memory_space<hbm>>
    tpu.enqueue_dma source(%dma_start3A_1059 : memref<128xi32, #tpu.memory_space<hbm>>) target(%arg6 : memref<128xi32, #tpu.memory_space<vmem>>) target_semaphore(%arg12 : memref<!tpu.dma_semaphore, #tpu.memory_space<semaphore_mem>>)
    %scan3A = arith.constant 0 : i32
    %scan3A_1060 = arith.constant 398 : i32
    %scan3A_1061 = arith.addi %scan3A, %scan3A_1060 : i32
    %scan3A_1062 = arith.constant 1 : i32
    scf.for %scan3A_2439 = %scan3A to %scan3A_1061 step %scan3A_1062  : i32 {
      %mul3A_2440 = arith.constant 1 : i32
      %mul3A_2441 = arith.muli %scan3A_2439, %mul3A_2440 : i32
      %add3A_2442 = arith.constant 0 : i32
      %add3A_2443 = arith.addi %add3A_2442, %mul3A_2441 : i32
      %mul3A_2444 = arith.constant 2 : i32
      %mul3A_2445 = arith.muli %mul3A_2444, %add3A_2443 : i32
      %add3A_2446 = arith.constant 2 : i32
      %add3A_2447 = arith.addi %add3A_2446, %mul3A_2445 : i32
      %add3A_2448 = arith.constant 0 : i32
      %add3A_2449 = arith.addi %add3A_2447, %add3A_2448 : i32
      %dma_wait3A_2450 = arith.constant 0 : i32
      %dma_wait3A_2451 = arith.constant 0 : i32
      %dma_wait3A_2452 = tpu.memref_slice %arg3[%dma_wait3A_2450, %dma_wait3A_2451] : memref<1000000x32xf32, #tpu.memory_space<hbm>> -> memref<1000000x32xf32, #tpu.memory_space<hbm>>
      tpu.wait_indirect_dma semaphore(%arg13 : memref<!tpu.dma_semaphore, #tpu.memory_space<semaphore_mem>>) src(%dma_wait3A_2452 : memref<1000000x32xf32, #tpu.memory_space<hbm>>) dst(%arg7 : memref<128x32xf32, #tpu.memory_space<vmem>>)
      %add3A_2453 = arith.constant 1 : i32
      %add3A_2454 = arith.addi %add3A_2449, %add3A_2453 : i32
      %add3A_2455 = arith.addi %mul3A_2, %add3A_2454 : i32
      %jit3A_2456 = arith.constant 128 : i32
      %div3A_2457 = arith.divsi %add3A_2455, %jit3A_2456 : i32
      %sign3A_2458 = arith.constant 0 : i32
      %sign3A_2459 = arith.cmpi sgt, %add3A_2455, %sign3A_2458 : i32
      %sign3A_2460 = arith.extui %sign3A_2459 : i1 to i32
      %sign3A_2461 = arith.constant 0 : i32
      %sign3A_2462 = arith.cmpi slt, %add3A_2455, %sign3A_2461 : i32
      %sign3A_2463 = arith.extui %sign3A_2462 : i1 to i32
      %sign3A_2464 = arith.subi %sign3A_2460, %sign3A_2463 : i32
      %sign3A_2465 = arith.constant 0 : i32
      %sign3A_2466 = arith.cmpi sgt, %jit3A_2456, %sign3A_2465 : i32
      %sign3A_2467 = arith.extui %sign3A_2466 : i1 to i32
      %sign3A_2468 = arith.constant 0 : i32
      %sign3A_2469 = arith.cmpi slt, %jit3A_2456, %sign3A_2468 : i32
      %sign3A_2470 = arith.extui %sign3A_2469 : i1 to i32
      %sign3A_2471 = arith.subi %sign3A_2467, %sign3A_2470 : i32
      %ne3A_2472 = arith.cmpi ne, %sign3A_2464, %sign3A_2471 : i32
      %rem3A_2473 = arith.remsi %add3A_2455, %jit3A_2456 : i32
      %ne3A_2474 = arith.constant 0 : i32
      %ne3A_2475 = arith.cmpi ne, %rem3A_2473, %ne3A_2474 : i32
      %and3A_2476 = arith.andi %ne3A_2472, %ne3A_2475 : i1
      %sub3A_2477 = arith.constant 1 : i32
      %sub3A_2478 = arith.subi %div3A_2457, %sub3A_2477 : i32
      %select_n3A_2479 = arith.select %and3A_2476, %sub3A_2478, %div3A_2457 : i32
      %jit3A_2480 = arith.constant 128 : i32
      %eq3A_2481 = arith.constant 0 : i32
      %eq3A_2482 = arith.cmpi eq, %jit3A_2480, %eq3A_2481 : i32
      %jit3A_2483 = arith.constant 1 : i32
      %select_n3A_2484 = arith.select %eq3A_2482, %jit3A_2483, %jit3A_2480 : i32
      %rem3A_2485 = arith.remsi %add3A_2455, %select_n3A_2484 : i32
      %ne3A_2486 = arith.constant 0 : i32
      %ne3A_2487 = arith.cmpi ne, %rem3A_2485, %ne3A_2486 : i32
      %lt3A_2488 = arith.constant 0 : i32
      %lt3A_2489 = arith.cmpi slt, %rem3A_2485, %lt3A_2488 : i32
      %lt3A_2490 = arith.constant 0 : i32
      %lt3A_2491 = arith.cmpi slt, %select_n3A_2484, %lt3A_2490 : i32
      %ne3A_2492 = arith.xori %lt3A_2489, %lt3A_2491 : i1
      %and3A_2493 = arith.andi %ne3A_2492, %ne3A_2487 : i1
      %add3A_2494 = arith.addi %rem3A_2485, %select_n3A_2484 : i32
      %select_n3A_2495 = arith.select %and3A_2493, %add3A_2494, %rem3A_2485 : i32
      %jit3A_2496 = arith.constant 8 : i32
      %div3A_2497 = arith.divsi %select_n3A_2479, %jit3A_2496 : i32
      %sign3A_2498 = arith.constant 0 : i32
      %sign3A_2499 = arith.cmpi sgt, %select_n3A_2479, %sign3A_2498 : i32
      %sign3A_2500 = arith.extui %sign3A_2499 : i1 to i32
      %sign3A_2501 = arith.constant 0 : i32
      %sign3A_2502 = arith.cmpi slt, %select_n3A_2479, %sign3A_2501 : i32
      %sign3A_2503 = arith.extui %sign3A_2502 : i1 to i32
      %sign3A_2504 = arith.subi %sign3A_2500, %sign3A_2503 : i32
      %sign3A_2505 = arith.constant 0 : i32
      %sign3A_2506 = arith.cmpi sgt, %jit3A_2496, %sign3A_2505 : i32
      %sign3A_2507 = arith.extui %sign3A_2506 : i1 to i32
      %sign3A_2508 = arith.constant 0 : i32
      %sign3A_2509 = arith.cmpi slt, %jit3A_2496, %sign3A_2508 : i32
      %sign3A_2510 = arith.extui %sign3A_2509 : i1 to i32
      %sign3A_2511 = arith.subi %sign3A_2507, %sign3A_2510 : i32
      %ne3A_2512 = arith.cmpi ne, %sign3A_2504, %sign3A_2511 : i32
      %rem3A_2513 = arith.remsi %select_n3A_2479, %jit3A_2496 : i32
      %ne3A_2514 = arith.constant 0 : i32
      %ne3A_2515 = arith.cmpi ne, %rem3A_2513, %ne3A_2514 : i32
      %and3A_2516 = arith.andi %ne3A_2512, %ne3A_2515 : i1
      %sub3A_2517 = arith.constant 1 : i32
      %sub3A_2518 = arith.subi %div3A_2497, %sub3A_2517 : i32
      %select_n3A_2519 = arith.select %and3A_2516, %sub3A_2518, %div3A_2497 : i32
      %jit3A_2520 = arith.constant 8 : i32
      %eq3A_2521 = arith.constant 0 : i32
      %eq3A_2522 = arith.cmpi eq, %jit3A_2520, %eq3A_2521 : i32
      %jit3A_2523 = arith.constant 1 : i32
      %select_n3A_2524 = arith.select %eq3A_2522, %jit3A_2523, %jit3A_2520 : i32
      %rem3A_2525 = arith.remsi %select_n3A_2479, %select_n3A_2524 : i32
      %ne3A_2526 = arith.constant 0 : i32
      %ne3A_2527 = arith.cmpi ne, %rem3A_2525, %ne3A_2526 : i32
      %lt3A_2528 = arith.constant 0 : i32
      %lt3A_2529 = arith.cmpi slt, %rem3A_2525, %lt3A_2528 : i32
      %lt3A_2530 = arith.constant 0 : i32
      %lt3A_2531 = arith.cmpi slt, %select_n3A_2524, %lt3A_2530 : i32
      %ne3A_2532 = arith.xori %lt3A_2529, %lt3A_2531 : i1
      %and3A_2533 = arith.andi %ne3A_2532, %ne3A_2527 : i1
      %add3A_2534 = arith.addi %rem3A_2525, %select_n3A_2524 : i32
      %select_n3A_2535 = arith.select %and3A_2533, %add3A_2534, %rem3A_2525 : i32
      %dma_wait3A_2536 = arith.constant 0 : i32
      %dma_wait3A_2537 = tpu.memref_slice %arg2[%select_n3A_2519, %select_n3A_2495, %select_n3A_2535, %dma_wait3A_2536] : memref<25x128x8x128xi32, #tpu.memory_space<hbm>> -> memref<1x1x1x128xi32, #tpu.memory_space<hbm>>
      %dma_wait3A_2538 = tpu.memref_squeeze %dma_wait3A_2537 : memref<1x1x1x128xi32, #tpu.memory_space<hbm>> -> memref<128xi32, #tpu.memory_space<hbm>>
      %dma_wait3A_2539 = arith.constant 0 : i32
      %dma_wait3A_2540 = tpu.memref_slice %arg2[%select_n3A_2519, %select_n3A_2495, %select_n3A_2535, %dma_wait3A_2539] : memref<25x128x8x128xi32, #tpu.memory_space<hbm>> -> memref<1x1x1x128xi32, #tpu.memory_space<hbm>>
      %dma_wait3A_2541 = tpu.memref_squeeze %dma_wait3A_2540 : memref<1x1x1x128xi32, #tpu.memory_space<hbm>> -> memref<128xi32, #tpu.memory_space<hbm>>
      tpu.wait_dma2 semaphore(%arg12 : memref<!tpu.dma_semaphore, #tpu.memory_space<semaphore_mem>>) src(%dma_wait3A_2541 : memref<128xi32, #tpu.memory_space<hbm>>) dst(%arg6 : memref<128xi32, #tpu.memory_space<vmem>>)
      %dma_start3A_2542 = arith.constant 0 : i32
      %dma_start3A_2543 = arith.constant 0 : i32
      %dma_start3A_2544 = tpu.memref_slice %arg3[%dma_start3A_2542, %dma_start3A_2543] : memref<1000000x32xf32, #tpu.memory_space<hbm>> -> memref<1000000x32xf32, #tpu.memory_space<hbm>>
      tpu.enqueue_indirect_dma source(%dma_start3A_2544 : memref<1000000x32xf32, #tpu.memory_space<hbm>>) target(%arg8 : memref<128x32xf32, #tpu.memory_space<vmem>>) offsets(%arg6 : memref<128xi32, #tpu.memory_space<vmem>>) semaphore(%arg14 : memref<!tpu.dma_semaphore, #tpu.memory_space<semaphore_mem>>)
      %sub3A_2545 = arith.constant 2 : i32
      %sub3A_2546 = arith.subi %add3A_2449, %sub3A_2545 : i32
      %add3A_2547 = arith.addi %mul3A_2, %sub3A_2546 : i32
      %jit3A_2548 = arith.constant 128 : i32
      %div3A_2549 = arith.divsi %add3A_2547, %jit3A_2548 : i32
      %sign3A_2550 = arith.constant 0 : i32
      %sign3A_2551 = arith.cmpi sgt, %add3A_2547, %sign3A_2550 : i32
      %sign3A_2552 = arith.extui %sign3A_2551 : i1 to i32
      %sign3A_2553 = arith.constant 0 : i32
      %sign3A_2554 = arith.cmpi slt, %add3A_2547, %sign3A_2553 : i32
      %sign3A_2555 = arith.extui %sign3A_2554 : i1 to i32
      %sign3A_2556 = arith.subi %sign3A_2552, %sign3A_2555 : i32
      %sign3A_2557 = arith.constant 0 : i32
      %sign3A_2558 = arith.cmpi sgt, %jit3A_2548, %sign3A_2557 : i32
      %sign3A_2559 = arith.extui %sign3A_2558 : i1 to i32
      %sign3A_2560 = arith.constant 0 : i32
      %sign3A_2561 = arith.cmpi slt, %jit3A_2548, %sign3A_2560 : i32
      %sign3A_2562 = arith.extui %sign3A_2561 : i1 to i32
      %sign3A_2563 = arith.subi %sign3A_2559, %sign3A_2562 : i32
      %ne3A_2564 = arith.cmpi ne, %sign3A_2556, %sign3A_2563 : i32
      %rem3A_2565 = arith.remsi %add3A_2547, %jit3A_2548 : i32
      %ne3A_2566 = arith.constant 0 : i32
      %ne3A_2567 = arith.cmpi ne, %rem3A_2565, %ne3A_2566 : i32
      %and3A_2568 = arith.andi %ne3A_2564, %ne3A_2567 : i1
      %sub3A_2569 = arith.constant 1 : i32
      %sub3A_2570 = arith.subi %div3A_2549, %sub3A_2569 : i32
      %select_n3A_2571 = arith.select %and3A_2568, %sub3A_2570, %div3A_2549 : i32
      %jit3A_2572 = arith.constant 128 : i32
      %eq3A_2573 = arith.constant 0 : i32
      %eq3A_2574 = arith.cmpi eq, %jit3A_2572, %eq3A_2573 : i32
      %jit3A_2575 = arith.constant 1 : i32
      %select_n3A_2576 = arith.select %eq3A_2574, %jit3A_2575, %jit3A_2572 : i32
      %rem3A_2577 = arith.remsi %add3A_2547, %select_n3A_2576 : i32
      %ne3A_2578 = arith.constant 0 : i32
      %ne3A_2579 = arith.cmpi ne, %rem3A_2577, %ne3A_2578 : i32
      %lt3A_2580 = arith.constant 0 : i32
      %lt3A_2581 = arith.cmpi slt, %rem3A_2577, %lt3A_2580 : i32
      %lt3A_2582 = arith.constant 0 : i32
      %lt3A_2583 = arith.cmpi slt, %select_n3A_2576, %lt3A_2582 : i32
      %ne3A_2584 = arith.xori %lt3A_2581, %lt3A_2583 : i1
      %and3A_2585 = arith.andi %ne3A_2584, %ne3A_2579 : i1
      %add3A_2586 = arith.addi %rem3A_2577, %select_n3A_2576 : i32
      %select_n3A_2587 = arith.select %and3A_2585, %add3A_2586, %rem3A_2577 : i32
      %dma_wait3A_2588 = arith.constant 0 : i32
      %dma_wait3A_2589 = arith.constant 0 : i32
      %dma_wait3A_2590 = tpu.memref_slice %arg9[%dma_wait3A_2589] : memref<4096xf32, #tpu.memory_space<vmem>> -> memref<1024xf32, #tpu.memory_space<vmem>>
      %dma_wait3A_2591 = arith.constant 0 : i32
      %dma_wait3A_2592 = tpu.memref_slice %arg4[%select_n3A_2571, %dma_wait3A_2588, %select_n3A_2587, %dma_wait3A_2591] : memref<200x4x128x1024xf32, #tpu.memory_space<hbm>> -> memref<1x1x1x1024xf32, #tpu.memory_space<hbm>>
      %dma_wait3A_2593 = tpu.memref_squeeze %dma_wait3A_2592 : memref<1x1x1x1024xf32, #tpu.memory_space<hbm>> -> memref<1024xf32, #tpu.memory_space<hbm>>
      %dma_wait3A_2594 = arith.constant 0 : i32
      %dma_wait3A_2595 = tpu.memref_slice %arg4[%select_n3A_2571, %dma_wait3A_2588, %select_n3A_2587, %dma_wait3A_2594] : memref<200x4x128x1024xf32, #tpu.memory_space<hbm>> -> memref<1x1x1x1024xf32, #tpu.memory_space<hbm>>
      %dma_wait3A_2596 = tpu.memref_squeeze %dma_wait3A_2595 : memref<1x1x1x1024xf32, #tpu.memory_space<hbm>> -> memref<1024xf32, #tpu.memory_space<hbm>>
      %dma_wait3A_2597 = arith.constant 0 : i32
      %dma_wait3A_2598 = tpu.memref_slice %arg9[%dma_wait3A_2597] : memref<4096xf32, #tpu.memory_space<vmem>> -> memref<1024xf32, #tpu.memory_space<vmem>>
      tpu.wait_dma2 semaphore(%arg15 : memref<!tpu.dma_semaphore, #tpu.memory_space<semaphore_mem>>) src(%dma_wait3A_2598 : memref<1024xf32, #tpu.memory_space<vmem>>) dst(%dma_wait3A_2596 : memref<1024xf32, #tpu.memory_space<hbm>>)
      %add3A_2599 = arith.addi %mul3A_2, %sub3A_2546 : i32
      %jit3A_2600 = arith.constant 128 : i32
      %div3A_2601 = arith.divsi %add3A_2599, %jit3A_2600 : i32
      %sign3A_2602 = arith.constant 0 : i32
      %sign3A_2603 = arith.cmpi sgt, %add3A_2599, %sign3A_2602 : i32
      %sign3A_2604 = arith.extui %sign3A_2603 : i1 to i32
      %sign3A_2605 = arith.constant 0 : i32
      %sign3A_2606 = arith.cmpi slt, %add3A_2599, %sign3A_2605 : i32
      %sign3A_2607 = arith.extui %sign3A_2606 : i1 to i32
      %sign3A_2608 = arith.subi %sign3A_2604, %sign3A_2607 : i32
      %sign3A_2609 = arith.constant 0 : i32
      %sign3A_2610 = arith.cmpi sgt, %jit3A_2600, %sign3A_2609 : i32
      %sign3A_2611 = arith.extui %sign3A_2610 : i1 to i32
      %sign3A_2612 = arith.constant 0 : i32
      %sign3A_2613 = arith.cmpi slt, %jit3A_2600, %sign3A_2612 : i32
      %sign3A_2614 = arith.extui %sign3A_2613 : i1 to i32
      %sign3A_2615 = arith.subi %sign3A_2611, %sign3A_2614 : i32
      %ne3A_2616 = arith.cmpi ne, %sign3A_2608, %sign3A_2615 : i32
      %rem3A_2617 = arith.remsi %add3A_2599, %jit3A_2600 : i32
      %ne3A_2618 = arith.constant 0 : i32
      %ne3A_2619 = arith.cmpi ne, %rem3A_2617, %ne3A_2618 : i32
      %and3A_2620 = arith.andi %ne3A_2616, %ne3A_2619 : i1
      %sub3A_2621 = arith.constant 1 : i32
      %sub3A_2622 = arith.subi %div3A_2601, %sub3A_2621 : i32
      %select_n3A_2623 = arith.select %and3A_2620, %sub3A_2622, %div3A_2601 : i32
      %jit3A_2624 = arith.constant 128 : i32
      %eq3A_2625 = arith.constant 0 : i32
      %eq3A_2626 = arith.cmpi eq, %jit3A_2624, %eq3A_2625 : i32
      %jit3A_2627 = arith.constant 1 : i32
      %select_n3A_2628 = arith.select %eq3A_2626, %jit3A_2627, %jit3A_2624 : i32
      %rem3A_2629 = arith.remsi %add3A_2599, %select_n3A_2628 : i32
      %ne3A_2630 = arith.constant 0 : i32
      %ne3A_2631 = arith.cmpi ne, %rem3A_2629, %ne3A_2630 : i32
      %lt3A_2632 = arith.constant 0 : i32
      %lt3A_2633 = arith.cmpi slt, %rem3A_2629, %lt3A_2632 : i32
      %lt3A_2634 = arith.constant 0 : i32
      %lt3A_2635 = arith.cmpi slt, %select_n3A_2628, %lt3A_2634 : i32
      %ne3A_2636 = arith.xori %lt3A_2633, %lt3A_2635 : i1
      %and3A_2637 = arith.andi %ne3A_2636, %ne3A_2631 : i1
      %add3A_2638 = arith.addi %rem3A_2629, %select_n3A_2628 : i32
      %select_n3A_2639 = arith.select %and3A_2637, %add3A_2638, %rem3A_2629 : i32
      %dma_wait3A_2640 = arith.constant 1 : i32
      %dma_wait3A_2641 = arith.constant 1024 : i32
      %dma_wait3A_2642 = tpu.memref_slice %arg9[%dma_wait3A_2641] : memref<4096xf32, #tpu.memory_space<vmem>> -> memref<1024xf32, #tpu.memory_space<vmem>>
      %dma_wait3A_2643 = arith.constant 0 : i32
      %dma_wait3A_2644 = tpu.memref_slice %arg4[%select_n3A_2623, %dma_wait3A_2640, %select_n3A_2639, %dma_wait3A_2643] : memref<200x4x128x1024xf32, #tpu.memory_space<hbm>> -> memref<1x1x1x1024xf32, #tpu.memory_space<hbm>>
      %dma_wait3A_2645 = tpu.memref_squeeze %dma_wait3A_2644 : memref<1x1x1x1024xf32, #tpu.memory_space<hbm>> -> memref<1024xf32, #tpu.memory_space<hbm>>
      %dma_wait3A_2646 = arith.constant 0 : i32
      %dma_wait3A_2647 = tpu.memref_slice %arg4[%select_n3A_2623, %dma_wait3A_2640, %select_n3A_2639, %dma_wait3A_2646] : memref<200x4x128x1024xf32, #tpu.memory_space<hbm>> -> memref<1x1x1x1024xf32, #tpu.memory_space<hbm>>
      %dma_wait3A_2648 = tpu.memref_squeeze %dma_wait3A_2647 : memref<1x1x1x1024xf32, #tpu.memory_space<hbm>> -> memref<1024xf32, #tpu.memory_space<hbm>>
      %dma_wait3A_2649 = arith.constant 1024 : i32
      %dma_wait3A_2650 = tpu.memref_slice %arg9[%dma_wait3A_2649] : memref<4096xf32, #tpu.memory_space<vmem>> -> memref<1024xf32, #tpu.memory_space<vmem>>
      tpu.wait_dma2 semaphore(%arg15 : memref<!tpu.dma_semaphore, #tpu.memory_space<semaphore_mem>>) src(%dma_wait3A_2650 : memref<1024xf32, #tpu.memory_space<vmem>>) dst(%dma_wait3A_2648 : memref<1024xf32, #tpu.memory_space<hbm>>)
      %add3A_2651 = arith.addi %mul3A_2, %sub3A_2546 : i32
      %jit3A_2652 = arith.constant 128 : i32
      %div3A_2653 = arith.divsi %add3A_2651, %jit3A_2652 : i32
      %sign3A_2654 = arith.constant 0 : i32
      %sign3A_2655 = arith.cmpi sgt, %add3A_2651, %sign3A_2654 : i32
      %sign3A_2656 = arith.extui %sign3A_2655 : i1 to i32
      %sign3A_2657 = arith.constant 0 : i32
      %sign3A_2658 = arith.cmpi slt, %add3A_2651, %sign3A_2657 : i32
      %sign3A_2659 = arith.extui %sign3A_2658 : i1 to i32
      %sign3A_2660 = arith.subi %sign3A_2656, %sign3A_2659 : i32
      %sign3A_2661 = arith.constant 0 : i32
      %sign3A_2662 = arith.cmpi sgt, %jit3A_2652, %sign3A_2661 : i32
      %sign3A_2663 = arith.extui %sign3A_2662 : i1 to i32
      %sign3A_2664 = arith.constant 0 : i32
      %sign3A_2665 = arith.cmpi slt, %jit3A_2652, %sign3A_2664 : i32
      %sign3A_2666 = arith.extui %sign3A_2665 : i1 to i32
      %sign3A_2667 = arith.subi %sign3A_2663, %sign3A_2666 : i32
      %ne3A_2668 = arith.cmpi ne, %sign3A_2660, %sign3A_2667 : i32
      %rem3A_2669 = arith.remsi %add3A_2651, %jit3A_2652 : i32
      %ne3A_2670 = arith.constant 0 : i32
      %ne3A_2671 = arith.cmpi ne, %rem3A_2669, %ne3A_2670 : i32
      %and3A_2672 = arith.andi %ne3A_2668, %ne3A_2671 : i1
      %sub3A_2673 = arith.constant 1 : i32
      %sub3A_2674 = arith.subi %div3A_2653, %sub3A_2673 : i32
      %select_n3A_2675 = arith.select %and3A_2672, %sub3A_2674, %div3A_2653 : i32
      %jit3A_2676 = arith.constant 128 : i32
      %eq3A_2677 = arith.constant 0 : i32
      %eq3A_2678 = arith.cmpi eq, %jit3A_2676, %eq3A_2677 : i32
      %jit3A_2679 = arith.constant 1 : i32
      %select_n3A_2680 = arith.select %eq3A_2678, %jit3A_2679, %jit3A_2676 : i32
      %rem3A_2681 = arith.remsi %add3A_2651, %select_n3A_2680 : i32
      %ne3A_2682 = arith.constant 0 : i32
      %ne3A_2683 = arith.cmpi ne, %rem3A_2681, %ne3A_2682 : i32
      %lt3A_2684 = arith.constant 0 : i32
      %lt3A_2685 = arith.cmpi slt, %rem3A_2681, %lt3A_2684 : i32
      %lt3A_2686 = arith.constant 0 : i32
      %lt3A_2687 = arith.cmpi slt, %select_n3A_2680, %lt3A_2686 : i32
      %ne3A_2688 = arith.xori %lt3A_2685, %lt3A_2687 : i1
      %and3A_2689 = arith.andi %ne3A_2688, %ne3A_2683 : i1
      %add3A_2690 = arith.addi %rem3A_2681, %select_n3A_2680 : i32
      %select_n3A_2691 = arith.select %and3A_2689, %add3A_2690, %rem3A_2681 : i32
      %dma_wait3A_2692 = arith.constant 2 : i32
      %dma_wait3A_2693 = arith.constant 2048 : i32
      %dma_wait3A_2694 = tpu.memref_slice %arg9[%dma_wait3A_2693] : memref<4096xf32, #tpu.memory_space<vmem>> -> memref<1024xf32, #tpu.memory_space<vmem>>
      %dma_wait3A_2695 = arith.constant 0 : i32
      %dma_wait3A_2696 = tpu.memref_slice %arg4[%select_n3A_2675, %dma_wait3A_2692, %select_n3A_2691, %dma_wait3A_2695] : memref<200x4x128x1024xf32, #tpu.memory_space<hbm>> -> memref<1x1x1x1024xf32, #tpu.memory_space<hbm>>
      %dma_wait3A_2697 = tpu.memref_squeeze %dma_wait3A_2696 : memref<1x1x1x1024xf32, #tpu.memory_space<hbm>> -> memref<1024xf32, #tpu.memory_space<hbm>>
      %dma_wait3A_2698 = arith.constant 0 : i32
      %dma_wait3A_2699 = tpu.memref_slice %arg4[%select_n3A_2675, %dma_wait3A_2692, %select_n3A_2691, %dma_wait3A_2698] : memref<200x4x128x1024xf32, #tpu.memory_space<hbm>> -> memref<1x1x1x1024xf32, #tpu.memory_space<hbm>>
      %dma_wait3A_2700 = tpu.memref_squeeze %dma_wait3A_2699 : memref<1x1x1x1024xf32, #tpu.memory_space<hbm>> -> memref<1024xf32, #tpu.memory_space<hbm>>
      %dma_wait3A_2701 = arith.constant 2048 : i32
      %dma_wait3A_2702 = tpu.memref_slice %arg9[%dma_wait3A_2701] : memref<4096xf32, #tpu.memory_space<vmem>> -> memref<1024xf32, #tpu.memory_space<vmem>>
      tpu.wait_dma2 semaphore(%arg15 : memref<!tpu.dma_semaphore, #tpu.memory_space<semaphore_mem>>) src(%dma_wait3A_2702 : memref<1024xf32, #tpu.memory_space<vmem>>) dst(%dma_wait3A_2700 : memref<1024xf32, #tpu.memory_space<hbm>>)
      %add3A_2703 = arith.addi %mul3A_2, %sub3A_2546 : i32
      %jit3A_2704 = arith.constant 128 : i32
      %div3A_2705 = arith.divsi %add3A_2703, %jit3A_2704 : i32
      %sign3A_2706 = arith.constant 0 : i32
      %sign3A_2707 = arith.cmpi sgt, %add3A_2703, %sign3A_2706 : i32
      %sign3A_2708 = arith.extui %sign3A_2707 : i1 to i32
      %sign3A_2709 = arith.constant 0 : i32
      %sign3A_2710 = arith.cmpi slt, %add3A_2703, %sign3A_2709 : i32
      %sign3A_2711 = arith.extui %sign3A_2710 : i1 to i32
      %sign3A_2712 = arith.subi %sign3A_2708, %sign3A_2711 : i32
      %sign3A_2713 = arith.constant 0 : i32
      %sign3A_2714 = arith.cmpi sgt, %jit3A_2704, %sign3A_2713 : i32
      %sign3A_2715 = arith.extui %sign3A_2714 : i1 to i32
      %sign3A_2716 = arith.constant 0 : i32
      %sign3A_2717 = arith.cmpi slt, %jit3A_2704, %sign3A_2716 : i32
      %sign3A_2718 = arith.extui %sign3A_2717 : i1 to i32
      %sign3A_2719 = arith.subi %sign3A_2715, %sign3A_2718 : i32
      %ne3A_2720 = arith.cmpi ne, %sign3A_2712, %sign3A_2719 : i32
      %rem3A_2721 = arith.remsi %add3A_2703, %jit3A_2704 : i32
      %ne3A_2722 = arith.constant 0 : i32
      %ne3A_2723 = arith.cmpi ne, %rem3A_2721, %ne3A_2722 : i32
      %and3A_2724 = arith.andi %ne3A_2720, %ne3A_2723 : i1
      %sub3A_2725 = arith.constant 1 : i32
      %sub3A_2726 = arith.subi %div3A_2705, %sub3A_2725 : i32
      %select_n3A_2727 = arith.select %and3A_2724, %sub3A_2726, %div3A_2705 : i32
      %jit3A_2728 = arith.constant 128 : i32
      %eq3A_2729 = arith.constant 0 : i32
      %eq3A_2730 = arith.cmpi eq, %jit3A_2728, %eq3A_2729 : i32
      %jit3A_2731 = arith.constant 1 : i32
      %select_n3A_2732 = arith.select %eq3A_2730, %jit3A_2731, %jit3A_2728 : i32
      %rem3A_2733 = arith.remsi %add3A_2703, %select_n3A_2732 : i32
      %ne3A_2734 = arith.constant 0 : i32
      %ne3A_2735 = arith.cmpi ne, %rem3A_2733, %ne3A_2734 : i32
      %lt3A_2736 = arith.constant 0 : i32
      %lt3A_2737 = arith.cmpi slt, %rem3A_2733, %lt3A_2736 : i32
      %lt3A_2738 = arith.constant 0 : i32
      %lt3A_2739 = arith.cmpi slt, %select_n3A_2732, %lt3A_2738 : i32
      %ne3A_2740 = arith.xori %lt3A_2737, %lt3A_2739 : i1
      %and3A_2741 = arith.andi %ne3A_2740, %ne3A_2735 : i1
      %add3A_2742 = arith.addi %rem3A_2733, %select_n3A_2732 : i32
      %select_n3A_2743 = arith.select %and3A_2741, %add3A_2742, %rem3A_2733 : i32
      %dma_wait3A_2744 = arith.constant 3 : i32
      %dma_wait3A_2745 = arith.constant 3072 : i32
      %dma_wait3A_2746 = tpu.memref_slice %arg9[%dma_wait3A_2745] : memref<4096xf32, #tpu.memory_space<vmem>> -> memref<1024xf32, #tpu.memory_space<vmem>>
      %dma_wait3A_2747 = arith.constant 0 : i32
      %dma_wait3A_2748 = tpu.memref_slice %arg4[%select_n3A_2727, %dma_wait3A_2744, %select_n3A_2743, %dma_wait3A_2747] : memref<200x4x128x1024xf32, #tpu.memory_space<hbm>> -> memref<1x1x1x1024xf32, #tpu.memory_space<hbm>>
      %dma_wait3A_2749 = tpu.memref_squeeze %dma_wait3A_2748 : memref<1x1x1x1024xf32, #tpu.memory_space<hbm>> -> memref<1024xf32, #tpu.memory_space<hbm>>
      %dma_wait3A_2750 = arith.constant 0 : i32
      %dma_wait3A_2751 = tpu.memref_slice %arg4[%select_n3A_2727, %dma_wait3A_2744, %select_n3A_2743, %dma_wait3A_2750] : memref<200x4x128x1024xf32, #tpu.memory_space<hbm>> -> memref<1x1x1x1024xf32, #tpu.memory_space<hbm>>
      %dma_wait3A_2752 = tpu.memref_squeeze %dma_wait3A_2751 : memref<1x1x1x1024xf32, #tpu.memory_space<hbm>> -> memref<1024xf32, #tpu.memory_space<hbm>>
      %dma_wait3A_2753 = arith.constant 3072 : i32
      %dma_wait3A_2754 = tpu.memref_slice %arg9[%dma_wait3A_2753] : memref<4096xf32, #tpu.memory_space<vmem>> -> memref<1024xf32, #tpu.memory_space<vmem>>
      tpu.wait_dma2 semaphore(%arg15 : memref<!tpu.dma_semaphore, #tpu.memory_space<semaphore_mem>>) src(%dma_wait3A_2754 : memref<1024xf32, #tpu.memory_space<vmem>>) dst(%dma_wait3A_2752 : memref<1024xf32, #tpu.memory_space<hbm>>)
      %parallel_loop3A_2755 = arith.constant 0 : i32
      %parallel_loop3A_2756 = arith.constant 32 : i32
      %parallel_loop3A_2757 = arith.constant 1 : i32
      scf.for %parallel_loop3A_3666 = %parallel_loop3A_2755 to %parallel_loop3A_2756 step %parallel_loop3A_2757  : i32 {
        %parallel_loop3A_3667 = arith.constant 4 : i32
        %parallel_loop3A_3668 = arith.muli %parallel_loop3A_3666, %parallel_loop3A_3667 : i32
        %parallel_loop3A_3669 = arith.constant 0 : i32
        %parallel_loop3A_3670 = arith.addi %parallel_loop3A_3668, %parallel_loop3A_3669 : i32
        %parallel_loop3A_3671 = vector.broadcast %parallel_loop3A_3670 : i32 to vector<16xi32>
        %parallel_loop3A_3672 = arith.addi %mul3A_5, %parallel_loop3A_3671 : vector<16xi32>
        %parallel_loop3A_3673 = arith.index_cast %parallel_loop3A_3670 : i32 to index
        %parallel_loop3A_3674 = arith.constant 0 : index
        %parallel_loop3A_3675 = tpu.vector_load %arg7[%parallel_loop3A_3673, %parallel_loop3A_3674] {strides = array<i32>} : memref<128x32xf32, #tpu.memory_space<vmem>>, vector<16xf32>,
        tpu.vector_store_idx %arg9[%parallel_loop3A_3672], %parallel_loop3A_3675 : memref<4096xf32, #tpu.memory_space<vmem>>[vector<16xi32>], vector<16xf32>,
        %parallel_loop3A_3676 = vector.broadcast %parallel_loop3A_3670 : i32 to vector<16xi32>
        %parallel_loop3A_3677 = arith.addi %mul3A_11, %parallel_loop3A_3676 : vector<16xi32>
        %parallel_loop3A_3678 = arith.index_cast %parallel_loop3A_3670 : i32 to index
        %parallel_loop3A_3679 = arith.constant 16 : index
        %parallel_loop3A_3680 = tpu.vector_load %arg7[%parallel_loop3A_3678, %parallel_loop3A_3679] {strides = array<i32>} : memref<128x32xf32, #tpu.memory_space<vmem>>, vector<16xf32>,
        tpu.vector_store_idx %arg9[%parallel_loop3A_3677], %parallel_loop3A_3680 : memref<4096xf32, #tpu.memory_space<vmem>>[vector<16xi32>], vector<16xf32>,
        %parallel_loop3A_3681 = arith.constant 4 : i32
        %parallel_loop3A_3682 = arith.muli %parallel_loop3A_3666, %parallel_loop3A_3681 : i32
        %parallel_loop3A_3683 = arith.constant 1 : i32
        %parallel_loop3A_3684 = arith.addi %parallel_loop3A_3682, %parallel_loop3A_3683 : i32
        %parallel_loop3A_3685 = vector.broadcast %parallel_loop3A_3684 : i32 to vector<16xi32>
        %parallel_loop3A_3686 = arith.addi %mul3A_5, %parallel_loop3A_3685 : vector<16xi32>
        %parallel_loop3A_3687 = arith.index_cast %parallel_loop3A_3684 : i32 to index
        %parallel_loop3A_3688 = arith.constant 0 : index
        %parallel_loop3A_3689 = tpu.vector_load %arg7[%parallel_loop3A_3687, %parallel_loop3A_3688] {strides = array<i32>} : memref<128x32xf32, #tpu.memory_space<vmem>>, vector<16xf32>,
        tpu.vector_store_idx %arg9[%parallel_loop3A_3686], %parallel_loop3A_3689 : memref<4096xf32, #tpu.memory_space<vmem>>[vector<16xi32>], vector<16xf32>,
        %parallel_loop3A_3690 = vector.broadcast %parallel_loop3A_3684 : i32 to vector<16xi32>
        %parallel_loop3A_3691 = arith.addi %mul3A_11, %parallel_loop3A_3690 : vector<16xi32>
        %parallel_loop3A_3692 = arith.index_cast %parallel_loop3A_3684 : i32 to index
        %parallel_loop3A_3693 = arith.constant 16 : index
        %parallel_loop3A_3694 = tpu.vector_load %arg7[%parallel_loop3A_3692, %parallel_loop3A_3693] {strides = array<i32>} : memref<128x32xf32, #tpu.memory_space<vmem>>, vector<16xf32>,
        tpu.vector_store_idx %arg9[%parallel_loop3A_3691], %parallel_loop3A_3694 : memref<4096xf32, #tpu.memory_space<vmem>>[vector<16xi32>], vector<16xf32>,
        %parallel_loop3A_3695 = arith.constant 4 : i32
        %parallel_loop3A_3696 = arith.muli %parallel_loop3A_3666, %parallel_loop3A_3695 : i32
        %parallel_loop3A_3697 = arith.constant 2 : i32
        %parallel_loop3A_3698 = arith.addi %parallel_loop3A_3696, %parallel_loop3A_3697 : i32
        %parallel_loop3A_3699 = vector.broadcast %parallel_loop3A_3698 : i32 to vector<16xi32>
        %parallel_loop3A_3700 = arith.addi %mul3A_5, %parallel_loop3A_3699 : vector<16xi32>
        %parallel_loop3A_3701 = arith.index_cast %parallel_loop3A_3698 : i32 to index
        %parallel_loop3A_3702 = arith.constant 0 : index
        %parallel_loop3A_3703 = tpu.vector_load %arg7[%parallel_loop3A_3701, %parallel_loop3A_3702] {strides = array<i32>} : memref<128x32xf32, #tpu.memory_space<vmem>>, vector<16xf32>,
        tpu.vector_store_idx %arg9[%parallel_loop3A_3700], %parallel_loop3A_3703 : memref<4096xf32, #tpu.memory_space<vmem>>[vector<16xi32>], vector<16xf32>,
        %parallel_loop3A_3704 = vector.broadcast %parallel_loop3A_3698 : i32 to vector<16xi32>
        %parallel_loop3A_3705 = arith.addi %mul3A_11, %parallel_loop3A_3704 : vector<16xi32>
        %parallel_loop3A_3706 = arith.index_cast %parallel_loop3A_3698 : i32 to index
        %parallel_loop3A_3707 = arith.constant 16 : index
        %parallel_loop3A_3708 = tpu.vector_load %arg7[%parallel_loop3A_3706, %parallel_loop3A_3707] {strides = array<i32>} : memref<128x32xf32, #tpu.memory_space<vmem>>, vector<16xf32>,
        tpu.vector_store_idx %arg9[%parallel_loop3A_3705], %parallel_loop3A_3708 : memref<4096xf32, #tpu.memory_space<vmem>>[vector<16xi32>], vector<16xf32>,
        %parallel_loop3A_3709 = arith.constant 4 : i32
        %parallel_loop3A_3710 = arith.muli %parallel_loop3A_3666, %parallel_loop3A_3709 : i32
        %parallel_loop3A_3711 = arith.constant 3 : i32
        %parallel_loop3A_3712 = arith.addi %parallel_loop3A_3710, %parallel_loop3A_3711 : i32
        %parallel_loop3A_3713 = vector.broadcast %parallel_loop3A_3712 : i32 to vector<16xi32>
        %parallel_loop3A_3714 = arith.addi %mul3A_5, %parallel_loop3A_3713 : vector<16xi32>
        %parallel_loop3A_3715 = arith.index_cast %parallel_loop3A_3712 : i32 to index
        %parallel_loop3A_3716 = arith.constant 0 : index
        %parallel_loop3A_3717 = tpu.vector_load %arg7[%parallel_loop3A_3715, %parallel_loop3A_3716] {strides = array<i32>} : memref<128x32xf32, #tpu.memory_space<vmem>>, vector<16xf32>,
        tpu.vector_store_idx %arg9[%parallel_loop3A_3714], %parallel_loop3A_3717 : memref<4096xf32, #tpu.memory_space<vmem>>[vector<16xi32>], vector<16xf32>,
        %parallel_loop3A_3718 = vector.broadcast %parallel_loop3A_3712 : i32 to vector<16xi32>
        %parallel_loop3A_3719 = arith.addi %mul3A_11, %parallel_loop3A_3718 : vector<16xi32>
        %parallel_loop3A_3720 = arith.index_cast %parallel_loop3A_3712 : i32 to index
        %parallel_loop3A_3721 = arith.constant 16 : index
        %parallel_loop3A_3722 = tpu.vector_load %arg7[%parallel_loop3A_3720, %parallel_loop3A_3721] {strides = array<i32>} : memref<128x32xf32, #tpu.memory_space<vmem>>, vector<16xf32>,
        tpu.vector_store_idx %arg9[%parallel_loop3A_3719], %parallel_loop3A_3722 : memref<4096xf32, #tpu.memory_space<vmem>>[vector<16xi32>], vector<16xf32>,
      } {sc.loop_unroll_factor = 1 : i64, sc.parallel_access}
      %add3A_2758 = arith.addi %mul3A_2, %add3A_2449 : i32
      %jit3A_2759 = arith.constant 128 : i32
      %div3A_2760 = arith.divsi %add3A_2758, %jit3A_2759 : i32
      %sign3A_2761 = arith.constant 0 : i32
      %sign3A_2762 = arith.cmpi sgt, %add3A_2758, %sign3A_2761 : i32
      %sign3A_2763 = arith.extui %sign3A_2762 : i1 to i32
      %sign3A_2764 = arith.constant 0 : i32
      %sign3A_2765 = arith.cmpi slt, %add3A_2758, %sign3A_2764 : i32
      %sign3A_2766 = arith.extui %sign3A_2765 : i1 to i32
      %sign3A_2767 = arith.subi %sign3A_2763, %sign3A_2766 : i32
      %sign3A_2768 = arith.constant 0 : i32
      %sign3A_2769 = arith.cmpi sgt, %jit3A_2759, %sign3A_2768 : i32
      %sign3A_2770 = arith.extui %sign3A_2769 : i1 to i32
      %sign3A_2771 = arith.constant 0 : i32
      %sign3A_2772 = arith.cmpi slt, %jit3A_2759, %sign3A_2771 : i32
      %sign3A_2773 = arith.extui %sign3A_2772 : i1 to i32
      %sign3A_2774 = arith.subi %sign3A_2770, %sign3A_2773 : i32
      %ne3A_2775 = arith.cmpi ne, %sign3A_2767, %sign3A_2774 : i32
      %rem3A_2776 = arith.remsi %add3A_2758, %jit3A_2759 : i32
      %ne3A_2777 = arith.constant 0 : i32
      %ne3A_2778 = arith.cmpi ne, %rem3A_2776, %ne3A_2777 : i32
      %and3A_2779 = arith.andi %ne3A_2775, %ne3A_2778 : i1
      %sub3A_2780 = arith.constant 1 : i32
      %sub3A_2781 = arith.subi %div3A_2760, %sub3A_2780 : i32
      %select_n3A_2782 = arith.select %and3A_2779, %sub3A_2781, %div3A_2760 : i32
      %jit3A_2783 = arith.constant 128 : i32
      %eq3A_2784 = arith.constant 0 : i32
      %eq3A_2785 = arith.cmpi eq, %jit3A_2783, %eq3A_2784 : i32
      %jit3A_2786 = arith.constant 1 : i32
      %select_n3A_2787 = arith.select %eq3A_2785, %jit3A_2786, %jit3A_2783 : i32
      %rem3A_2788 = arith.remsi %add3A_2758, %select_n3A_2787 : i32
      %ne3A_2789 = arith.constant 0 : i32
      %ne3A_2790 = arith.cmpi ne, %rem3A_2788, %ne3A_2789 : i32
      %lt3A_2791 = arith.constant 0 : i32
      %lt3A_2792 = arith.cmpi slt, %rem3A_2788, %lt3A_2791 : i32
      %lt3A_2793 = arith.constant 0 : i32
      %lt3A_2794 = arith.cmpi slt, %select_n3A_2787, %lt3A_2793 : i32
      %ne3A_2795 = arith.xori %lt3A_2792, %lt3A_2794 : i1
      %and3A_2796 = arith.andi %ne3A_2795, %ne3A_2790 : i1
      %add3A_2797 = arith.addi %rem3A_2788, %select_n3A_2787 : i32
      %select_n3A_2798 = arith.select %and3A_2796, %add3A_2797, %rem3A_2788 : i32
      %dma_start3A_2799 = arith.constant 0 : i32
      %dma_start3A_2800 = arith.constant 0 : i32
      %dma_start3A_2801 = tpu.memref_slice %arg9[%dma_start3A_2800] : memref<4096xf32, #tpu.memory_space<vmem>> -> memref<1024xf32, #tpu.memory_space<vmem>>
      %dma_start3A_2802 = arith.constant 0 : i32
      %dma_start3A_2803 = tpu.memref_slice %arg4[%select_n3A_2782, %dma_start3A_2799, %select_n3A_2798, %dma_start3A_2802] : memref<200x4x128x1024xf32, #tpu.memory_space<hbm>> -> memref<1x1x1x1024xf32, #tpu.memory_space<hbm>>
      %dma_start3A_2804 = tpu.memref_squeeze %dma_start3A_2803 : memref<1x1x1x1024xf32, #tpu.memory_space<hbm>> -> memref<1024xf32, #tpu.memory_space<hbm>>
      %dma_start3A_2805 = arith.constant 0 : i32
      %dma_start3A_2806 = tpu.memref_slice %arg4[%select_n3A_2782, %dma_start3A_2799, %select_n3A_2798, %dma_start3A_2805] : memref<200x4x128x1024xf32, #tpu.memory_space<hbm>> -> memref<1x1x1x1024xf32, #tpu.memory_space<hbm>>
      %dma_start3A_2807 = tpu.memref_squeeze %dma_start3A_2806 : memref<1x1x1x1024xf32, #tpu.memory_space<hbm>> -> memref<1024xf32, #tpu.memory_space<hbm>>
      %dma_start3A_2808 = arith.constant 0 : i32
      %dma_start3A_2809 = tpu.memref_slice %arg9[%dma_start3A_2808] : memref<4096xf32, #tpu.memory_space<vmem>> -> memref<1024xf32, #tpu.memory_space<vmem>>
      tpu.enqueue_dma source(%dma_start3A_2809 : memref<1024xf32, #tpu.memory_space<vmem>>) target(%dma_start3A_2807 : memref<1024xf32, #tpu.memory_space<hbm>>) target_semaphore(%arg15 : memref<!tpu.dma_semaphore, #tpu.memory_space<semaphore_mem>>)
      %add3A_2810 = arith.addi %mul3A_2, %add3A_2449 : i32
      %jit3A_2811 = arith.constant 128 : i32
      %div3A_2812 = arith.divsi %add3A_2810, %jit3A_2811 : i32
      %sign3A_2813 = arith.constant 0 : i32
      %sign3A_2814 = arith.cmpi sgt, %add3A_2810, %sign3A_2813 : i32
      %sign3A_2815 = arith.extui %sign3A_2814 : i1 to i32
      %sign3A_2816 = arith.constant 0 : i32
      %sign3A_2817 = arith.cmpi slt, %add3A_2810, %sign3A_2816 : i32
      %sign3A_2818 = arith.extui %sign3A_2817 : i1 to i32
      %sign3A_2819 = arith.subi %sign3A_2815, %sign3A_2818 : i32
      %sign3A_2820 = arith.constant 0 : i32
      %sign3A_2821 = arith.cmpi sgt, %jit3A_2811, %sign3A_2820 : i32
      %sign3A_2822 = arith.extui %sign3A_2821 : i1 to i32
      %sign3A_2823 = arith.constant 0 : i32
      %sign3A_2824 = arith.cmpi slt, %jit3A_2811, %sign3A_2823 : i32
      %sign3A_2825 = arith.extui %sign3A_2824 : i1 to i32
      %sign3A_2826 = arith.subi %sign3A_2822, %sign3A_2825 : i32
      %ne3A_2827 = arith.cmpi ne, %sign3A_2819, %sign3A_2826 : i32
      %rem3A_2828 = arith.remsi %add3A_2810, %jit3A_2811 : i32
      %ne3A_2829 = arith.constant 0 : i32
      %ne3A_2830 = arith.cmpi ne, %rem3A_2828, %ne3A_2829 : i32
      %and3A_2831 = arith.andi %ne3A_2827, %ne3A_2830 : i1
      %sub3A_2832 = arith.constant 1 : i32
      %sub3A_2833 = arith.subi %div3A_2812, %sub3A_2832 : i32
      %select_n3A_2834 = arith.select %and3A_2831, %sub3A_2833, %div3A_2812 : i32
      %jit3A_2835 = arith.constant 128 : i32
      %eq3A_2836 = arith.constant 0 : i32
      %eq3A_2837 = arith.cmpi eq, %jit3A_2835, %eq3A_2836 : i32
      %jit3A_2838 = arith.constant 1 : i32
      %select_n3A_2839 = arith.select %eq3A_2837, %jit3A_2838, %jit3A_2835 : i32
      %rem3A_2840 = arith.remsi %add3A_2810, %select_n3A_2839 : i32
      %ne3A_2841 = arith.constant 0 : i32
      %ne3A_2842 = arith.cmpi ne, %rem3A_2840, %ne3A_2841 : i32
      %lt3A_2843 = arith.constant 0 : i32
      %lt3A_2844 = arith.cmpi slt, %rem3A_2840, %lt3A_2843 : i32
      %lt3A_2845 = arith.constant 0 : i32
      %lt3A_2846 = arith.cmpi slt, %select_n3A_2839, %lt3A_2845 : i32
      %ne3A_2847 = arith.xori %lt3A_2844, %lt3A_2846 : i1
      %and3A_2848 = arith.andi %ne3A_2847, %ne3A_2842 : i1
      %add3A_2849 = arith.addi %rem3A_2840, %select_n3A_2839 : i32
      %select_n3A_2850 = arith.select %and3A_2848, %add3A_2849, %rem3A_2840 : i32
      %dma_start3A_2851 = arith.constant 1 : i32
      %dma_start3A_2852 = arith.constant 1024 : i32
      %dma_start3A_2853 = tpu.memref_slice %arg9[%dma_start3A_2852] : memref<4096xf32, #tpu.memory_space<vmem>> -> memref<1024xf32, #tpu.memory_space<vmem>>
      %dma_start3A_2854 = arith.constant 0 : i32
      %dma_start3A_2855 = tpu.memref_slice %arg4[%select_n3A_2834, %dma_start3A_2851, %select_n3A_2850, %dma_start3A_2854] : memref<200x4x128x1024xf32, #tpu.memory_space<hbm>> -> memref<1x1x1x1024xf32, #tpu.memory_space<hbm>>
      %dma_start3A_2856 = tpu.memref_squeeze %dma_start3A_2855 : memref<1x1x1x1024xf32, #tpu.memory_space<hbm>> -> memref<1024xf32, #tpu.memory_space<hbm>>
      %dma_start3A_2857 = arith.constant 0 : i32
      %dma_start3A_2858 = tpu.memref_slice %arg4[%select_n3A_2834, %dma_start3A_2851, %select_n3A_2850, %dma_start3A_2857] : memref<200x4x128x1024xf32, #tpu.memory_space<hbm>> -> memref<1x1x1x1024xf32, #tpu.memory_space<hbm>>
      %dma_start3A_2859 = tpu.memref_squeeze %dma_start3A_2858 : memref<1x1x1x1024xf32, #tpu.memory_space<hbm>> -> memref<1024xf32, #tpu.memory_space<hbm>>
      %dma_start3A_2860 = arith.constant 1024 : i32
      %dma_start3A_2861 = tpu.memref_slice %arg9[%dma_start3A_2860] : memref<4096xf32, #tpu.memory_space<vmem>> -> memref<1024xf32, #tpu.memory_space<vmem>>
      tpu.enqueue_dma source(%dma_start3A_2861 : memref<1024xf32, #tpu.memory_space<vmem>>) target(%dma_start3A_2859 : memref<1024xf32, #tpu.memory_space<hbm>>) target_semaphore(%arg15 : memref<!tpu.dma_semaphore, #tpu.memory_space<semaphore_mem>>)
      %add3A_2862 = arith.addi %mul3A_2, %add3A_2449 : i32
      %jit3A_2863 = arith.constant 128 : i32
      %div3A_2864 = arith.divsi %add3A_2862, %jit3A_2863 : i32
      %sign3A_2865 = arith.constant 0 : i32
      %sign3A_2866 = arith.cmpi sgt, %add3A_2862, %sign3A_2865 : i32
      %sign3A_2867 = arith.extui %sign3A_2866 : i1 to i32
      %sign3A_2868 = arith.constant 0 : i32
      %sign3A_2869 = arith.cmpi slt, %add3A_2862, %sign3A_2868 : i32
      %sign3A_2870 = arith.extui %sign3A_2869 : i1 to i32
      %sign3A_2871 = arith.subi %sign3A_2867, %sign3A_2870 : i32
      %sign3A_2872 = arith.constant 0 : i32
      %sign3A_2873 = arith.cmpi sgt, %jit3A_2863, %sign3A_2872 : i32
      %sign3A_2874 = arith.extui %sign3A_2873 : i1 to i32
      %sign3A_2875 = arith.constant 0 : i32
      %sign3A_2876 = arith.cmpi slt, %jit3A_2863, %sign3A_2875 : i32
      %sign3A_2877 = arith.extui %sign3A_2876 : i1 to i32
      %sign3A_2878 = arith.subi %sign3A_2874, %sign3A_2877 : i32
      %ne3A_2879 = arith.cmpi ne, %sign3A_2871, %sign3A_2878 : i32
      %rem3A_2880 = arith.remsi %add3A_2862, %jit3A_2863 : i32
      %ne3A_2881 = arith.constant 0 : i32
      %ne3A_2882 = arith.cmpi ne, %rem3A_2880, %ne3A_2881 : i32
      %and3A_2883 = arith.andi %ne3A_2879, %ne3A_2882 : i1
      %sub3A_2884 = arith.constant 1 : i32
      %sub3A_2885 = arith.subi %div3A_2864, %sub3A_2884 : i32
      %select_n3A_2886 = arith.select %and3A_2883, %sub3A_2885, %div3A_2864 : i32
      %jit3A_2887 = arith.constant 128 : i32
      %eq3A_2888 = arith.constant 0 : i32
      %eq3A_2889 = arith.cmpi eq, %jit3A_2887, %eq3A_2888 : i32
      %jit3A_2890 = arith.constant 1 : i32
      %select_n3A_2891 = arith.select %eq3A_2889, %jit3A_2890, %jit3A_2887 : i32
      %rem3A_2892 = arith.remsi %add3A_2862, %select_n3A_2891 : i32
      %ne3A_2893 = arith.constant 0 : i32
      %ne3A_2894 = arith.cmpi ne, %rem3A_2892, %ne3A_2893 : i32
      %lt3A_2895 = arith.constant 0 : i32
      %lt3A_2896 = arith.cmpi slt, %rem3A_2892, %lt3A_2895 : i32
      %lt3A_2897 = arith.constant 0 : i32
      %lt3A_2898 = arith.cmpi slt, %select_n3A_2891, %lt3A_2897 : i32
      %ne3A_2899 = arith.xori %lt3A_2896, %lt3A_2898 : i1
      %and3A_2900 = arith.andi %ne3A_2899, %ne3A_2894 : i1
      %add3A_2901 = arith.addi %rem3A_2892, %select_n3A_2891 : i32
      %select_n3A_2902 = arith.select %and3A_2900, %add3A_2901, %rem3A_2892 : i32
      %dma_start3A_2903 = arith.constant 2 : i32
      %dma_start3A_2904 = arith.constant 2048 : i32
      %dma_start3A_2905 = tpu.memref_slice %arg9[%dma_start3A_2904] : memref<4096xf32, #tpu.memory_space<vmem>> -> memref<1024xf32, #tpu.memory_space<vmem>>
      %dma_start3A_2906 = arith.constant 0 : i32
      %dma_start3A_2907 = tpu.memref_slice %arg4[%select_n3A_2886, %dma_start3A_2903, %select_n3A_2902, %dma_start3A_2906] : memref<200x4x128x1024xf32, #tpu.memory_space<hbm>> -> memref<1x1x1x1024xf32, #tpu.memory_space<hbm>>
      %dma_start3A_2908 = tpu.memref_squeeze %dma_start3A_2907 : memref<1x1x1x1024xf32, #tpu.memory_space<hbm>> -> memref<1024xf32, #tpu.memory_space<hbm>>
      %dma_start3A_2909 = arith.constant 0 : i32
      %dma_start3A_2910 = tpu.memref_slice %arg4[%select_n3A_2886, %dma_start3A_2903, %select_n3A_2902, %dma_start3A_2909] : memref<200x4x128x1024xf32, #tpu.memory_space<hbm>> -> memref<1x1x1x1024xf32, #tpu.memory_space<hbm>>
      %dma_start3A_2911 = tpu.memref_squeeze %dma_start3A_2910 : memref<1x1x1x1024xf32, #tpu.memory_space<hbm>> -> memref<1024xf32, #tpu.memory_space<hbm>>
      %dma_start3A_2912 = arith.constant 2048 : i32
      %dma_start3A_2913 = tpu.memref_slice %arg9[%dma_start3A_2912] : memref<4096xf32, #tpu.memory_space<vmem>> -> memref<1024xf32, #tpu.memory_space<vmem>>
      tpu.enqueue_dma source(%dma_start3A_2913 : memref<1024xf32, #tpu.memory_space<vmem>>) target(%dma_start3A_2911 : memref<1024xf32, #tpu.memory_space<hbm>>) target_semaphore(%arg15 : memref<!tpu.dma_semaphore, #tpu.memory_space<semaphore_mem>>)
      %add3A_2914 = arith.addi %mul3A_2, %add3A_2449 : i32
      %jit3A_2915 = arith.constant 128 : i32
      %div3A_2916 = arith.divsi %add3A_2914, %jit3A_2915 : i32
      %sign3A_2917 = arith.constant 0 : i32
      %sign3A_2918 = arith.cmpi sgt, %add3A_2914, %sign3A_2917 : i32
      %sign3A_2919 = arith.extui %sign3A_2918 : i1 to i32
      %sign3A_2920 = arith.constant 0 : i32
      %sign3A_2921 = arith.cmpi slt, %add3A_2914, %sign3A_2920 : i32
      %sign3A_2922 = arith.extui %sign3A_2921 : i1 to i32
      %sign3A_2923 = arith.subi %sign3A_2919, %sign3A_2922 : i32
      %sign3A_2924 = arith.constant 0 : i32
      %sign3A_2925 = arith.cmpi sgt, %jit3A_2915, %sign3A_2924 : i32
      %sign3A_2926 = arith.extui %sign3A_2925 : i1 to i32
      %sign3A_2927 = arith.constant 0 : i32
      %sign3A_2928 = arith.cmpi slt, %jit3A_2915, %sign3A_2927 : i32
      %sign3A_2929 = arith.extui %sign3A_2928 : i1 to i32
      %sign3A_2930 = arith.subi %sign3A_2926, %sign3A_2929 : i32
      %ne3A_2931 = arith.cmpi ne, %sign3A_2923, %sign3A_2930 : i32
      %rem3A_2932 = arith.remsi %add3A_2914, %jit3A_2915 : i32
      %ne3A_2933 = arith.constant 0 : i32
      %ne3A_2934 = arith.cmpi ne, %rem3A_2932, %ne3A_2933 : i32
      %and3A_2935 = arith.andi %ne3A_2931, %ne3A_2934 : i1
      %sub3A_2936 = arith.constant 1 : i32
      %sub3A_2937 = arith.subi %div3A_2916, %sub3A_2936 : i32
      %select_n3A_2938 = arith.select %and3A_2935, %sub3A_2937, %div3A_2916 : i32
      %jit3A_2939 = arith.constant 128 : i32
      %eq3A_2940 = arith.constant 0 : i32
      %eq3A_2941 = arith.cmpi eq, %jit3A_2939, %eq3A_2940 : i32
      %jit3A_2942 = arith.constant 1 : i32
      %select_n3A_2943 = arith.select %eq3A_2941, %jit3A_2942, %jit3A_2939 : i32
      %rem3A_2944 = arith.remsi %add3A_2914, %select_n3A_2943 : i32
      %ne3A_2945 = arith.constant 0 : i32
      %ne3A_2946 = arith.cmpi ne, %rem3A_2944, %ne3A_2945 : i32
      %lt3A_2947 = arith.constant 0 : i32
      %lt3A_2948 = arith.cmpi slt, %rem3A_2944, %lt3A_2947 : i32
      %lt3A_2949 = arith.constant 0 : i32
      %lt3A_2950 = arith.cmpi slt, %select_n3A_2943, %lt3A_2949 : i32
      %ne3A_2951 = arith.xori %lt3A_2948, %lt3A_2950 : i1
      %and3A_2952 = arith.andi %ne3A_2951, %ne3A_2946 : i1
      %add3A_2953 = arith.addi %rem3A_2944, %select_n3A_2943 : i32
      %select_n3A_2954 = arith.select %and3A_2952, %add3A_2953, %rem3A_2944 : i32
      %dma_start3A_2955 = arith.constant 3 : i32
      %dma_start3A_2956 = arith.constant 3072 : i32
      %dma_start3A_2957 = tpu.memref_slice %arg9[%dma_start3A_2956] : memref<4096xf32, #tpu.memory_space<vmem>> -> memref<1024xf32, #tpu.memory_space<vmem>>
      %dma_start3A_2958 = arith.constant 0 : i32
      %dma_start3A_2959 = tpu.memref_slice %arg4[%select_n3A_2938, %dma_start3A_2955, %select_n3A_2954, %dma_start3A_2958] : memref<200x4x128x1024xf32, #tpu.memory_space<hbm>> -> memref<1x1x1x1024xf32, #tpu.memory_space<hbm>>
      %dma_start3A_2960 = tpu.memref_squeeze %dma_start3A_2959 : memref<1x1x1x1024xf32, #tpu.memory_space<hbm>> -> memref<1024xf32, #tpu.memory_space<hbm>>
      %dma_start3A_2961 = arith.constant 0 : i32
      %dma_start3A_2962 = tpu.memref_slice %arg4[%select_n3A_2938, %dma_start3A_2955, %select_n3A_2954, %dma_start3A_2961] : memref<200x4x128x1024xf32, #tpu.memory_space<hbm>> -> memref<1x1x1x1024xf32, #tpu.memory_space<hbm>>
      %dma_start3A_2963 = tpu.memref_squeeze %dma_start3A_2962 : memref<1x1x1x1024xf32, #tpu.memory_space<hbm>> -> memref<1024xf32, #tpu.memory_space<hbm>>
      %dma_start3A_2964 = arith.constant 3072 : i32
      %dma_start3A_2965 = tpu.memref_slice %arg9[%dma_start3A_2964] : memref<4096xf32, #tpu.memory_space<vmem>> -> memref<1024xf32, #tpu.memory_space<vmem>>
      tpu.enqueue_dma source(%dma_start3A_2965 : memref<1024xf32, #tpu.memory_space<vmem>>) target(%dma_start3A_2963 : memref<1024xf32, #tpu.memory_space<hbm>>) target_semaphore(%arg15 : memref<!tpu.dma_semaphore, #tpu.memory_space<semaphore_mem>>)
      %add3A_2966 = arith.constant 2 : i32
      %add3A_2967 = arith.addi %add3A_2449, %add3A_2966 : i32
      %add3A_2968 = arith.addi %mul3A_2, %add3A_2967 : i32
      %jit3A_2969 = arith.constant 128 : i32
      %div3A_2970 = arith.divsi %add3A_2968, %jit3A_2969 : i32
      %sign3A_2971 = arith.constant 0 : i32
      %sign3A_2972 = arith.cmpi sgt, %add3A_2968, %sign3A_2971 : i32
      %sign3A_2973 = arith.extui %sign3A_2972 : i1 to i32
      %sign3A_2974 = arith.constant 0 : i32
      %sign3A_2975 = arith.cmpi slt, %add3A_2968, %sign3A_2974 : i32
      %sign3A_2976 = arith.extui %sign3A_2975 : i1 to i32
      %sign3A_2977 = arith.subi %sign3A_2973, %sign3A_2976 : i32
      %sign3A_2978 = arith.constant 0 : i32
      %sign3A_2979 = arith.cmpi sgt, %jit3A_2969, %sign3A_2978 : i32
      %sign3A_2980 = arith.extui %sign3A_2979 : i1 to i32
      %sign3A_2981 = arith.constant 0 : i32
      %sign3A_2982 = arith.cmpi slt, %jit3A_2969, %sign3A_2981 : i32
      %sign3A_2983 = arith.extui %sign3A_2982 : i1 to i32
      %sign3A_2984 = arith.subi %sign3A_2980, %sign3A_2983 : i32
      %ne3A_2985 = arith.cmpi ne, %sign3A_2977, %sign3A_2984 : i32
      %rem3A_2986 = arith.remsi %add3A_2968, %jit3A_2969 : i32
      %ne3A_2987 = arith.constant 0 : i32
      %ne3A_2988 = arith.cmpi ne, %rem3A_2986, %ne3A_2987 : i32
      %and3A_2989 = arith.andi %ne3A_2985, %ne3A_2988 : i1
      %sub3A_2990 = arith.constant 1 : i32
      %sub3A_2991 = arith.subi %div3A_2970, %sub3A_2990 : i32
      %select_n3A_2992 = arith.select %and3A_2989, %sub3A_2991, %div3A_2970 : i32
      %jit3A_2993 = arith.constant 128 : i32
      %eq3A_2994 = arith.constant 0 : i32
      %eq3A_2995 = arith.cmpi eq, %jit3A_2993, %eq3A_2994 : i32
      %jit3A_2996 = arith.constant 1 : i32
      %select_n3A_2997 = arith.select %eq3A_2995, %jit3A_2996, %jit3A_2993 : i32
      %rem3A_2998 = arith.remsi %add3A_2968, %select_n3A_2997 : i32
      %ne3A_2999 = arith.constant 0 : i32
      %ne3A_3000 = arith.cmpi ne, %rem3A_2998, %ne3A_2999 : i32
      %lt3A_3001 = arith.constant 0 : i32
      %lt3A_3002 = arith.cmpi slt, %rem3A_2998, %lt3A_3001 : i32
      %lt3A_3003 = arith.constant 0 : i32
      %lt3A_3004 = arith.cmpi slt, %select_n3A_2997, %lt3A_3003 : i32
      %ne3A_3005 = arith.xori %lt3A_3002, %lt3A_3004 : i1
      %and3A_3006 = arith.andi %ne3A_3005, %ne3A_3000 : i1
      %add3A_3007 = arith.addi %rem3A_2998, %select_n3A_2997 : i32
      %select_n3A_3008 = arith.select %and3A_3006, %add3A_3007, %rem3A_2998 : i32
      %jit3A_3009 = arith.constant 8 : i32
      %div3A_3010 = arith.divsi %select_n3A_2992, %jit3A_3009 : i32
      %sign3A_3011 = arith.constant 0 : i32
      %sign3A_3012 = arith.cmpi sgt, %select_n3A_2992, %sign3A_3011 : i32
      %sign3A_3013 = arith.extui %sign3A_3012 : i1 to i32
      %sign3A_3014 = arith.constant 0 : i32
      %sign3A_3015 = arith.cmpi slt, %select_n3A_2992, %sign3A_3014 : i32
      %sign3A_3016 = arith.extui %sign3A_3015 : i1 to i32
      %sign3A_3017 = arith.subi %sign3A_3013, %sign3A_3016 : i32
      %sign3A_3018 = arith.constant 0 : i32
      %sign3A_3019 = arith.cmpi sgt, %jit3A_3009, %sign3A_3018 : i32
      %sign3A_3020 = arith.extui %sign3A_3019 : i1 to i32
      %sign3A_3021 = arith.constant 0 : i32
      %sign3A_3022 = arith.cmpi slt, %jit3A_3009, %sign3A_3021 : i32
      %sign3A_3023 = arith.extui %sign3A_3022 : i1 to i32
      %sign3A_3024 = arith.subi %sign3A_3020, %sign3A_3023 : i32
      %ne3A_3025 = arith.cmpi ne, %sign3A_3017, %sign3A_3024 : i32
      %rem3A_3026 = arith.remsi %select_n3A_2992, %jit3A_3009 : i32
      %ne3A_3027 = arith.constant 0 : i32
      %ne3A_3028 = arith.cmpi ne, %rem3A_3026, %ne3A_3027 : i32
      %and3A_3029 = arith.andi %ne3A_3025, %ne3A_3028 : i1
      %sub3A_3030 = arith.constant 1 : i32
      %sub3A_3031 = arith.subi %div3A_3010, %sub3A_3030 : i32
      %select_n3A_3032 = arith.select %and3A_3029, %sub3A_3031, %div3A_3010 : i32
      %jit3A_3033 = arith.constant 8 : i32
      %eq3A_3034 = arith.constant 0 : i32
      %eq3A_3035 = arith.cmpi eq, %jit3A_3033, %eq3A_3034 : i32
      %jit3A_3036 = arith.constant 1 : i32
      %select_n3A_3037 = arith.select %eq3A_3035, %jit3A_3036, %jit3A_3033 : i32
      %rem3A_3038 = arith.remsi %select_n3A_2992, %select_n3A_3037 : i32
      %ne3A_3039 = arith.constant 0 : i32
      %ne3A_3040 = arith.cmpi ne, %rem3A_3038, %ne3A_3039 : i32
      %lt3A_3041 = arith.constant 0 : i32
      %lt3A_3042 = arith.cmpi slt, %rem3A_3038, %lt3A_3041 : i32
      %lt3A_3043 = arith.constant 0 : i32
      %lt3A_3044 = arith.cmpi slt, %select_n3A_3037, %lt3A_3043 : i32
      %ne3A_3045 = arith.xori %lt3A_3042, %lt3A_3044 : i1
      %and3A_3046 = arith.andi %ne3A_3045, %ne3A_3040 : i1
      %add3A_3047 = arith.addi %rem3A_3038, %select_n3A_3037 : i32
      %select_n3A_3048 = arith.select %and3A_3046, %add3A_3047, %rem3A_3038 : i32
      %dma_start3A_3049 = arith.constant 0 : i32
      %dma_start3A_3050 = tpu.memref_slice %arg2[%select_n3A_3032, %select_n3A_3008, %select_n3A_3048, %dma_start3A_3049] : memref<25x128x8x128xi32, #tpu.memory_space<hbm>> -> memref<1x1x1x128xi32, #tpu.memory_space<hbm>>
      %dma_start3A_3051 = tpu.memref_squeeze %dma_start3A_3050 : memref<1x1x1x128xi32, #tpu.memory_space<hbm>> -> memref<128xi32, #tpu.memory_space<hbm>>
      %dma_start3A_3052 = arith.constant 0 : i32
      %dma_start3A_3053 = tpu.memref_slice %arg2[%select_n3A_3032, %select_n3A_3008, %select_n3A_3048, %dma_start3A_3052] : memref<25x128x8x128xi32, #tpu.memory_space<hbm>> -> memref<1x1x1x128xi32, #tpu.memory_space<hbm>>
      %dma_start3A_3054 = tpu.memref_squeeze %dma_start3A_3053 : memref<1x1x1x128xi32, #tpu.memory_space<hbm>> -> memref<128xi32, #tpu.memory_space<hbm>>
      tpu.enqueue_dma source(%dma_start3A_3054 : memref<128xi32, #tpu.memory_space<hbm>>) target(%arg5 : memref<128xi32, #tpu.memory_space<vmem>>) target_semaphore(%arg11 : memref<!tpu.dma_semaphore, #tpu.memory_space<semaphore_mem>>)
      %mul3A_3055 = arith.constant 2 : i32
      %mul3A_3056 = arith.muli %mul3A_3055, %add3A_2443 : i32
      %add3A_3057 = arith.constant 2 : i32
      %add3A_3058 = arith.addi %add3A_3057, %mul3A_3056 : i32
      %add3A_3059 = arith.constant 1 : i32
      %add3A_3060 = arith.addi %add3A_3058, %add3A_3059 : i32
      %dma_wait3A_3061 = arith.constant 0 : i32
      %dma_wait3A_3062 = arith.constant 0 : i32
      %dma_wait3A_3063 = tpu.memref_slice %arg3[%dma_wait3A_3061, %dma_wait3A_3062] : memref<1000000x32xf32, #tpu.memory_space<hbm>> -> memref<1000000x32xf32, #tpu.memory_space<hbm>>
      tpu.wait_indirect_dma semaphore(%arg14 : memref<!tpu.dma_semaphore, #tpu.memory_space<semaphore_mem>>) src(%dma_wait3A_3063 : memref<1000000x32xf32, #tpu.memory_space<hbm>>) dst(%arg8 : memref<128x32xf32, #tpu.memory_space<vmem>>)
      %add3A_3064 = arith.constant 1 : i32
      %add3A_3065 = arith.addi %add3A_3060, %add3A_3064 : i32
      %add3A_3066 = arith.addi %mul3A_2, %add3A_3065 : i32
      %jit3A_3067 = arith.constant 128 : i32
      %div3A_3068 = arith.divsi %add3A_3066, %jit3A_3067 : i32
      %sign3A_3069 = arith.constant 0 : i32
      %sign3A_3070 = arith.cmpi sgt, %add3A_3066, %sign3A_3069 : i32
      %sign3A_3071 = arith.extui %sign3A_3070 : i1 to i32
      %sign3A_3072 = arith.constant 0 : i32
      %sign3A_3073 = arith.cmpi slt, %add3A_3066, %sign3A_3072 : i32
      %sign3A_3074 = arith.extui %sign3A_3073 : i1 to i32
      %sign3A_3075 = arith.subi %sign3A_3071, %sign3A_3074 : i32
      %sign3A_3076 = arith.constant 0 : i32
      %sign3A_3077 = arith.cmpi sgt, %jit3A_3067, %sign3A_3076 : i32
      %sign3A_3078 = arith.extui %sign3A_3077 : i1 to i32
      %sign3A_3079 = arith.constant 0 : i32
      %sign3A_3080 = arith.cmpi slt, %jit3A_3067, %sign3A_3079 : i32
      %sign3A_3081 = arith.extui %sign3A_3080 : i1 to i32
      %sign3A_3082 = arith.subi %sign3A_3078, %sign3A_3081 : i32
      %ne3A_3083 = arith.cmpi ne, %sign3A_3075, %sign3A_3082 : i32
      %rem3A_3084 = arith.remsi %add3A_3066, %jit3A_3067 : i32
      %ne3A_3085 = arith.constant 0 : i32
      %ne3A_3086 = arith.cmpi ne, %rem3A_3084, %ne3A_3085 : i32
      %and3A_3087 = arith.andi %ne3A_3083, %ne3A_3086 : i1
      %sub3A_3088 = arith.constant 1 : i32
      %sub3A_3089 = arith.subi %div3A_3068, %sub3A_3088 : i32
      %select_n3A_3090 = arith.select %and3A_3087, %sub3A_3089, %div3A_3068 : i32
      %jit3A_3091 = arith.constant 128 : i32
      %eq3A_3092 = arith.constant 0 : i32
      %eq3A_3093 = arith.cmpi eq, %jit3A_3091, %eq3A_3092 : i32
      %jit3A_3094 = arith.constant 1 : i32
      %select_n3A_3095 = arith.select %eq3A_3093, %jit3A_3094, %jit3A_3091 : i32
      %rem3A_3096 = arith.remsi %add3A_3066, %select_n3A_3095 : i32
      %ne3A_3097 = arith.constant 0 : i32
      %ne3A_3098 = arith.cmpi ne, %rem3A_3096, %ne3A_3097 : i32
      %lt3A_3099 = arith.constant 0 : i32
      %lt3A_3100 = arith.cmpi slt, %rem3A_3096, %lt3A_3099 : i32
      %lt3A_3101 = arith.constant 0 : i32
      %lt3A_3102 = arith.cmpi slt, %select_n3A_3095, %lt3A_3101 : i32
      %ne3A_3103 = arith.xori %lt3A_3100, %lt3A_3102 : i1
      %and3A_3104 = arith.andi %ne3A_3103, %ne3A_3098 : i1
      %add3A_3105 = arith.addi %rem3A_3096, %select_n3A_3095 : i32
      %select_n3A_3106 = arith.select %and3A_3104, %add3A_3105, %rem3A_3096 : i32
      %jit3A_3107 = arith.constant 8 : i32
      %div3A_3108 = arith.divsi %select_n3A_3090, %jit3A_3107 : i32
      %sign3A_3109 = arith.constant 0 : i32
      %sign3A_3110 = arith.cmpi sgt, %select_n3A_3090, %sign3A_3109 : i32
      %sign3A_3111 = arith.extui %sign3A_3110 : i1 to i32
      %sign3A_3112 = arith.constant 0 : i32
      %sign3A_3113 = arith.cmpi slt, %select_n3A_3090, %sign3A_3112 : i32
      %sign3A_3114 = arith.extui %sign3A_3113 : i1 to i32
      %sign3A_3115 = arith.subi %sign3A_3111, %sign3A_3114 : i32
      %sign3A_3116 = arith.constant 0 : i32
      %sign3A_3117 = arith.cmpi sgt, %jit3A_3107, %sign3A_3116 : i32
      %sign3A_3118 = arith.extui %sign3A_3117 : i1 to i32
      %sign3A_3119 = arith.constant 0 : i32
      %sign3A_3120 = arith.cmpi slt, %jit3A_3107, %sign3A_3119 : i32
      %sign3A_3121 = arith.extui %sign3A_3120 : i1 to i32
      %sign3A_3122 = arith.subi %sign3A_3118, %sign3A_3121 : i32
      %ne3A_3123 = arith.cmpi ne, %sign3A_3115, %sign3A_3122 : i32
      %rem3A_3124 = arith.remsi %select_n3A_3090, %jit3A_3107 : i32
      %ne3A_3125 = arith.constant 0 : i32
      %ne3A_3126 = arith.cmpi ne, %rem3A_3124, %ne3A_3125 : i32
      %and3A_3127 = arith.andi %ne3A_3123, %ne3A_3126 : i1
      %sub3A_3128 = arith.constant 1 : i32
      %sub3A_3129 = arith.subi %div3A_3108, %sub3A_3128 : i32
      %select_n3A_3130 = arith.select %and3A_3127, %sub3A_3129, %div3A_3108 : i32
      %jit3A_3131 = arith.constant 8 : i32
      %eq3A_3132 = arith.constant 0 : i32
      %eq3A_3133 = arith.cmpi eq, %jit3A_3131, %eq3A_3132 : i32
      %jit3A_3134 = arith.constant 1 : i32
      %select_n3A_3135 = arith.select %eq3A_3133, %jit3A_3134, %jit3A_3131 : i32
      %rem3A_3136 = arith.remsi %select_n3A_3090, %select_n3A_3135 : i32
      %ne3A_3137 = arith.constant 0 : i32
      %ne3A_3138 = arith.cmpi ne, %rem3A_3136, %ne3A_3137 : i32
      %lt3A_3139 = arith.constant 0 : i32
      %lt3A_3140 = arith.cmpi slt, %rem3A_3136, %lt3A_3139 : i32
      %lt3A_3141 = arith.constant 0 : i32
      %lt3A_3142 = arith.cmpi slt, %select_n3A_3135, %lt3A_3141 : i32
      %ne3A_3143 = arith.xori %lt3A_3140, %lt3A_3142 : i1
      %and3A_3144 = arith.andi %ne3A_3143, %ne3A_3138 : i1
      %add3A_3145 = arith.addi %rem3A_3136, %select_n3A_3135 : i32
      %select_n3A_3146 = arith.select %and3A_3144, %add3A_3145, %rem3A_3136 : i32
      %dma_wait3A_3147 = arith.constant 0 : i32
      %dma_wait3A_3148 = tpu.memref_slice %arg2[%select_n3A_3130, %select_n3A_3106, %select_n3A_3146, %dma_wait3A_3147] : memref<25x128x8x128xi32, #tpu.memory_space<hbm>> -> memref<1x1x1x128xi32, #tpu.memory_space<hbm>>
      %dma_wait3A_3149 = tpu.memref_squeeze %dma_wait3A_3148 : memref<1x1x1x128xi32, #tpu.memory_space<hbm>> -> memref<128xi32, #tpu.memory_space<hbm>>
      %dma_wait3A_3150 = arith.constant 0 : i32
      %dma_wait3A_3151 = tpu.memref_slice %arg2[%select_n3A_3130, %select_n3A_3106, %select_n3A_3146, %dma_wait3A_3150] : memref<25x128x8x128xi32, #tpu.memory_space<hbm>> -> memref<1x1x1x128xi32, #tpu.memory_space<hbm>>
      %dma_wait3A_3152 = tpu.memref_squeeze %dma_wait3A_3151 : memref<1x1x1x128xi32, #tpu.memory_space<hbm>> -> memref<128xi32, #tpu.memory_space<hbm>>
      tpu.wait_dma2 semaphore(%arg11 : memref<!tpu.dma_semaphore, #tpu.memory_space<semaphore_mem>>) src(%dma_wait3A_3152 : memref<128xi32, #tpu.memory_space<hbm>>) dst(%arg5 : memref<128xi32, #tpu.memory_space<vmem>>)
      %dma_start3A_3153 = arith.constant 0 : i32
      %dma_start3A_3154 = arith.constant 0 : i32
      %dma_start3A_3155 = tpu.memref_slice %arg3[%dma_start3A_3153, %dma_start3A_3154] : memref<1000000x32xf32, #tpu.memory_space<hbm>> -> memref<1000000x32xf32, #tpu.memory_space<hbm>>
      tpu.enqueue_indirect_dma source(%dma_start3A_3155 : memref<1000000x32xf32, #tpu.memory_space<hbm>>) target(%arg7 : memref<128x32xf32, #tpu.memory_space<vmem>>) offsets(%arg5 : memref<128xi32, #tpu.memory_space<vmem>>) semaphore(%arg13 : memref<!tpu.dma_semaphore, #tpu.memory_space<semaphore_mem>>)
      %sub3A_3156 = arith.constant 2 : i32
      %sub3A_3157 = arith.subi %add3A_3060, %sub3A_3156 : i32
      %add3A_3158 = arith.addi %mul3A_2, %sub3A_3157 : i32
      %jit3A_3159 = arith.constant 128 : i32
      %div3A_3160 = arith.divsi %add3A_3158, %jit3A_3159 : i32
      %sign3A_3161 = arith.constant 0 : i32
      %sign3A_3162 = arith.cmpi sgt, %add3A_3158, %sign3A_3161 : i32
      %sign3A_3163 = arith.extui %sign3A_3162 : i1 to i32
      %sign3A_3164 = arith.constant 0 : i32
      %sign3A_3165 = arith.cmpi slt, %add3A_3158, %sign3A_3164 : i32
      %sign3A_3166 = arith.extui %sign3A_3165 : i1 to i32
      %sign3A_3167 = arith.subi %sign3A_3163, %sign3A_3166 : i32
      %sign3A_3168 = arith.constant 0 : i32
      %sign3A_3169 = arith.cmpi sgt, %jit3A_3159, %sign3A_3168 : i32
      %sign3A_3170 = arith.extui %sign3A_3169 : i1 to i32
      %sign3A_3171 = arith.constant 0 : i32
      %sign3A_3172 = arith.cmpi slt, %jit3A_3159, %sign3A_3171 : i32
      %sign3A_3173 = arith.extui %sign3A_3172 : i1 to i32
      %sign3A_3174 = arith.subi %sign3A_3170, %sign3A_3173 : i32
      %ne3A_3175 = arith.cmpi ne, %sign3A_3167, %sign3A_3174 : i32
      %rem3A_3176 = arith.remsi %add3A_3158, %jit3A_3159 : i32
      %ne3A_3177 = arith.constant 0 : i32
      %ne3A_3178 = arith.cmpi ne, %rem3A_3176, %ne3A_3177 : i32
      %and3A_3179 = arith.andi %ne3A_3175, %ne3A_3178 : i1
      %sub3A_3180 = arith.constant 1 : i32
      %sub3A_3181 = arith.subi %div3A_3160, %sub3A_3180 : i32
      %select_n3A_3182 = arith.select %and3A_3179, %sub3A_3181, %div3A_3160 : i32
      %jit3A_3183 = arith.constant 128 : i32
      %eq3A_3184 = arith.constant 0 : i32
      %eq3A_3185 = arith.cmpi eq, %jit3A_3183, %eq3A_3184 : i32
      %jit3A_3186 = arith.constant 1 : i32
      %select_n3A_3187 = arith.select %eq3A_3185, %jit3A_3186, %jit3A_3183 : i32
      %rem3A_3188 = arith.remsi %add3A_3158, %select_n3A_3187 : i32
      %ne3A_3189 = arith.constant 0 : i32
      %ne3A_3190 = arith.cmpi ne, %rem3A_3188, %ne3A_3189 : i32
      %lt3A_3191 = arith.constant 0 : i32
      %lt3A_3192 = arith.cmpi slt, %rem3A_3188, %lt3A_3191 : i32
      %lt3A_3193 = arith.constant 0 : i32
      %lt3A_3194 = arith.cmpi slt, %select_n3A_3187, %lt3A_3193 : i32
      %ne3A_3195 = arith.xori %lt3A_3192, %lt3A_3194 : i1
      %and3A_3196 = arith.andi %ne3A_3195, %ne3A_3190 : i1
      %add3A_3197 = arith.addi %rem3A_3188, %select_n3A_3187 : i32
      %select_n3A_3198 = arith.select %and3A_3196, %add3A_3197, %rem3A_3188 : i32
      %dma_wait3A_3199 = arith.constant 0 : i32
      %dma_wait3A_3200 = arith.constant 0 : i32
      %dma_wait3A_3201 = tpu.memref_slice %arg10[%dma_wait3A_3200] : memref<4096xf32, #tpu.memory_space<vmem>> -> memref<1024xf32, #tpu.memory_space<vmem>>
      %dma_wait3A_3202 = arith.constant 0 : i32
      %dma_wait3A_3203 = tpu.memref_slice %arg4[%select_n3A_3182, %dma_wait3A_3199, %select_n3A_3198, %dma_wait3A_3202] : memref<200x4x128x1024xf32, #tpu.memory_space<hbm>> -> memref<1x1x1x1024xf32, #tpu.memory_space<hbm>>
      %dma_wait3A_3204 = tpu.memref_squeeze %dma_wait3A_3203 : memref<1x1x1x1024xf32, #tpu.memory_space<hbm>> -> memref<1024xf32, #tpu.memory_space<hbm>>
      %dma_wait3A_3205 = arith.constant 0 : i32
      %dma_wait3A_3206 = tpu.memref_slice %arg4[%select_n3A_3182, %dma_wait3A_3199, %select_n3A_3198, %dma_wait3A_3205] : memref<200x4x128x1024xf32, #tpu.memory_space<hbm>> -> memref<1x1x1x1024xf32, #tpu.memory_space<hbm>>
      %dma_wait3A_3207 = tpu.memref_squeeze %dma_wait3A_3206 : memref<1x1x1x1024xf32, #tpu.memory_space<hbm>> -> memref<1024xf32, #tpu.memory_space<hbm>>
      %dma_wait3A_3208 = arith.constant 0 : i32
      %dma_wait3A_3209 = tpu.memref_slice %arg10[%dma_wait3A_3208] : memref<4096xf32, #tpu.memory_space<vmem>> -> memref<1024xf32, #tpu.memory_space<vmem>>
      tpu.wait_dma2 semaphore(%arg16 : memref<!tpu.dma_semaphore, #tpu.memory_space<semaphore_mem>>) src(%dma_wait3A_3209 : memref<1024xf32, #tpu.memory_space<vmem>>) dst(%dma_wait3A_3207 : memref<1024xf32, #tpu.memory_space<hbm>>)
      %add3A_3210 = arith.addi %mul3A_2, %sub3A_3157 : i32
      %jit3A_3211 = arith.constant 128 : i32
      %div3A_3212 = arith.divsi %add3A_3210, %jit3A_3211 : i32
      %sign3A_3213 = arith.constant 0 : i32
      %sign3A_3214 = arith.cmpi sgt, %add3A_3210, %sign3A_3213 : i32
      %sign3A_3215 = arith.extui %sign3A_3214 : i1 to i32
      %sign3A_3216 = arith.constant 0 : i32
      %sign3A_3217 = arith.cmpi slt, %add3A_3210, %sign3A_3216 : i32
      %sign3A_3218 = arith.extui %sign3A_3217 : i1 to i32
      %sign3A_3219 = arith.subi %sign3A_3215, %sign3A_3218 : i32
      %sign3A_3220 = arith.constant 0 : i32
      %sign3A_3221 = arith.cmpi sgt, %jit3A_3211, %sign3A_3220 : i32
      %sign3A_3222 = arith.extui %sign3A_3221 : i1 to i32
      %sign3A_3223 = arith.constant 0 : i32
      %sign3A_3224 = arith.cmpi slt, %jit3A_3211, %sign3A_3223 : i32
      %sign3A_3225 = arith.extui %sign3A_3224 : i1 to i32
      %sign3A_3226 = arith.subi %sign3A_3222, %sign3A_3225 : i32
      %ne3A_3227 = arith.cmpi ne, %sign3A_3219, %sign3A_3226 : i32
      %rem3A_3228 = arith.remsi %add3A_3210, %jit3A_3211 : i32
      %ne3A_3229 = arith.constant 0 : i32
      %ne3A_3230 = arith.cmpi ne, %rem3A_3228, %ne3A_3229 : i32
      %and3A_3231 = arith.andi %ne3A_3227, %ne3A_3230 : i1
      %sub3A_3232 = arith.constant 1 : i32
      %sub3A_3233 = arith.subi %div3A_3212, %sub3A_3232 : i32
      %select_n3A_3234 = arith.select %and3A_3231, %sub3A_3233, %div3A_3212 : i32
      %jit3A_3235 = arith.constant 128 : i32
      %eq3A_3236 = arith.constant 0 : i32
      %eq3A_3237 = arith.cmpi eq, %jit3A_3235, %eq3A_3236 : i32
      %jit3A_3238 = arith.constant 1 : i32
      %select_n3A_3239 = arith.select %eq3A_3237, %jit3A_3238, %jit3A_3235 : i32
      %rem3A_3240 = arith.remsi %add3A_3210, %select_n3A_3239 : i32
      %ne3A_3241 = arith.constant 0 : i32
      %ne3A_3242 = arith.cmpi ne, %rem3A_3240, %ne3A_3241 : i32
      %lt3A_3243 = arith.constant 0 : i32
      %lt3A_3244 = arith.cmpi slt, %rem3A_3240, %lt3A_3243 : i32
      %lt3A_3245 = arith.constant 0 : i32
      %lt3A_3246 = arith.cmpi slt, %select_n3A_3239, %lt3A_3245 : i32
      %ne3A_3247 = arith.xori %lt3A_3244, %lt3A_3246 : i1
      %and3A_3248 = arith.andi %ne3A_3247, %ne3A_3242 : i1
      %add3A_3249 = arith.addi %rem3A_3240, %select_n3A_3239 : i32
      %select_n3A_3250 = arith.select %and3A_3248, %add3A_3249, %rem3A_3240 : i32
      %dma_wait3A_3251 = arith.constant 1 : i32
      %dma_wait3A_3252 = arith.constant 1024 : i32
      %dma_wait3A_3253 = tpu.memref_slice %arg10[%dma_wait3A_3252] : memref<4096xf32, #tpu.memory_space<vmem>> -> memref<1024xf32, #tpu.memory_space<vmem>>
      %dma_wait3A_3254 = arith.constant 0 : i32
      %dma_wait3A_3255 = tpu.memref_slice %arg4[%select_n3A_3234, %dma_wait3A_3251, %select_n3A_3250, %dma_wait3A_3254] : memref<200x4x128x1024xf32, #tpu.memory_space<hbm>> -> memref<1x1x1x1024xf32, #tpu.memory_space<hbm>>
      %dma_wait3A_3256 = tpu.memref_squeeze %dma_wait3A_3255 : memref<1x1x1x1024xf32, #tpu.memory_space<hbm>> -> memref<1024xf32, #tpu.memory_space<hbm>>
      %dma_wait3A_3257 = arith.constant 0 : i32
      %dma_wait3A_3258 = tpu.memref_slice %arg4[%select_n3A_3234, %dma_wait3A_3251, %select_n3A_3250, %dma_wait3A_3257] : memref<200x4x128x1024xf32, #tpu.memory_space<hbm>> -> memref<1x1x1x1024xf32, #tpu.memory_space<hbm>>
      %dma_wait3A_3259 = tpu.memref_squeeze %dma_wait3A_3258 : memref<1x1x1x1024xf32, #tpu.memory_space<hbm>> -> memref<1024xf32, #tpu.memory_space<hbm>>
      %dma_wait3A_3260 = arith.constant 1024 : i32
      %dma_wait3A_3261 = tpu.memref_slice %arg10[%dma_wait3A_3260] : memref<4096xf32, #tpu.memory_space<vmem>> -> memref<1024xf32, #tpu.memory_space<vmem>>
      tpu.wait_dma2 semaphore(%arg16 : memref<!tpu.dma_semaphore, #tpu.memory_space<semaphore_mem>>) src(%dma_wait3A_3261 : memref<1024xf32, #tpu.memory_space<vmem>>) dst(%dma_wait3A_3259 : memref<1024xf32, #tpu.memory_space<hbm>>)
      %add3A_3262 = arith.addi %mul3A_2, %sub3A_3157 : i32
      %jit3A_3263 = arith.constant 128 : i32
      %div3A_3264 = arith.divsi %add3A_3262, %jit3A_3263 : i32
      %sign3A_3265 = arith.constant 0 : i32
      %sign3A_3266 = arith.cmpi sgt, %add3A_3262, %sign3A_3265 : i32
      %sign3A_3267 = arith.extui %sign3A_3266 : i1 to i32
      %sign3A_3268 = arith.constant 0 : i32
      %sign3A_3269 = arith.cmpi slt, %add3A_3262, %sign3A_3268 : i32
      %sign3A_3270 = arith.extui %sign3A_3269 : i1 to i32
      %sign3A_3271 = arith.subi %sign3A_3267, %sign3A_3270 : i32
      %sign3A_3272 = arith.constant 0 : i32
      %sign3A_3273 = arith.cmpi sgt, %jit3A_3263, %sign3A_3272 : i32
      %sign3A_3274 = arith.extui %sign3A_3273 : i1 to i32
      %sign3A_3275 = arith.constant 0 : i32
      %sign3A_3276 = arith.cmpi slt, %jit3A_3263, %sign3A_3275 : i32
      %sign3A_3277 = arith.extui %sign3A_3276 : i1 to i32
      %sign3A_3278 = arith.subi %sign3A_3274, %sign3A_3277 : i32
      %ne3A_3279 = arith.cmpi ne, %sign3A_3271, %sign3A_3278 : i32
      %rem3A_3280 = arith.remsi %add3A_3262, %jit3A_3263 : i32
      %ne3A_3281 = arith.constant 0 : i32
      %ne3A_3282 = arith.cmpi ne, %rem3A_3280, %ne3A_3281 : i32
      %and3A_3283 = arith.andi %ne3A_3279, %ne3A_3282 : i1
      %sub3A_3284 = arith.constant 1 : i32
      %sub3A_3285 = arith.subi %div3A_3264, %sub3A_3284 : i32
      %select_n3A_3286 = arith.select %and3A_3283, %sub3A_3285, %div3A_3264 : i32
      %jit3A_3287 = arith.constant 128 : i32
      %eq3A_3288 = arith.constant 0 : i32
      %eq3A_3289 = arith.cmpi eq, %jit3A_3287, %eq3A_3288 : i32
      %jit3A_3290 = arith.constant 1 : i32
      %select_n3A_3291 = arith.select %eq3A_3289, %jit3A_3290, %jit3A_3287 : i32
      %rem3A_3292 = arith.remsi %add3A_3262, %select_n3A_3291 : i32
      %ne3A_3293 = arith.constant 0 : i32
      %ne3A_3294 = arith.cmpi ne, %rem3A_3292, %ne3A_3293 : i32
      %lt3A_3295 = arith.constant 0 : i32
      %lt3A_3296 = arith.cmpi slt, %rem3A_3292, %lt3A_3295 : i32
      %lt3A_3297 = arith.constant 0 : i32
      %lt3A_3298 = arith.cmpi slt, %select_n3A_3291, %lt3A_3297 : i32
      %ne3A_3299 = arith.xori %lt3A_3296, %lt3A_3298 : i1
      %and3A_3300 = arith.andi %ne3A_3299, %ne3A_3294 : i1
      %add3A_3301 = arith.addi %rem3A_3292, %select_n3A_3291 : i32
      %select_n3A_3302 = arith.select %and3A_3300, %add3A_3301, %rem3A_3292 : i32
      %dma_wait3A_3303 = arith.constant 2 : i32
      %dma_wait3A_3304 = arith.constant 2048 : i32
      %dma_wait3A_3305 = tpu.memref_slice %arg10[%dma_wait3A_3304] : memref<4096xf32, #tpu.memory_space<vmem>> -> memref<1024xf32, #tpu.memory_space<vmem>>
      %dma_wait3A_3306 = arith.constant 0 : i32
      %dma_wait3A_3307 = tpu.memref_slice %arg4[%select_n3A_3286, %dma_wait3A_3303, %select_n3A_3302, %dma_wait3A_3306] : memref<200x4x128x1024xf32, #tpu.memory_space<hbm>> -> memref<1x1x1x1024xf32, #tpu.memory_space<hbm>>
      %dma_wait3A_3308 = tpu.memref_squeeze %dma_wait3A_3307 : memref<1x1x1x1024xf32, #tpu.memory_space<hbm>> -> memref<1024xf32, #tpu.memory_space<hbm>>
      %dma_wait3A_3309 = arith.constant 0 : i32
      %dma_wait3A_3310 = tpu.memref_slice %arg4[%select_n3A_3286, %dma_wait3A_3303, %select_n3A_3302, %dma_wait3A_3309] : memref<200x4x128x1024xf32, #tpu.memory_space<hbm>> -> memref<1x1x1x1024xf32, #tpu.memory_space<hbm>>
      %dma_wait3A_3311 = tpu.memref_squeeze %dma_wait3A_3310 : memref<1x1x1x1024xf32, #tpu.memory_space<hbm>> -> memref<1024xf32, #tpu.memory_space<hbm>>
      %dma_wait3A_3312 = arith.constant 2048 : i32
      %dma_wait3A_3313 = tpu.memref_slice %arg10[%dma_wait3A_3312] : memref<4096xf32, #tpu.memory_space<vmem>> -> memref<1024xf32, #tpu.memory_space<vmem>>
      tpu.wait_dma2 semaphore(%arg16 : memref<!tpu.dma_semaphore, #tpu.memory_space<semaphore_mem>>) src(%dma_wait3A_3313 : memref<1024xf32, #tpu.memory_space<vmem>>) dst(%dma_wait3A_3311 : memref<1024xf32, #tpu.memory_space<hbm>>)
      %add3A_3314 = arith.addi %mul3A_2, %sub3A_3157 : i32
      %jit3A_3315 = arith.constant 128 : i32
      %div3A_3316 = arith.divsi %add3A_3314, %jit3A_3315 : i32
      %sign3A_3317 = arith.constant 0 : i32
      %sign3A_3318 = arith.cmpi sgt, %add3A_3314, %sign3A_3317 : i32
      %sign3A_3319 = arith.extui %sign3A_3318 : i1 to i32
      %sign3A_3320 = arith.constant 0 : i32
      %sign3A_3321 = arith.cmpi slt, %add3A_3314, %sign3A_3320 : i32
      %sign3A_3322 = arith.extui %sign3A_3321 : i1 to i32
      %sign3A_3323 = arith.subi %sign3A_3319, %sign3A_3322 : i32
      %sign3A_3324 = arith.constant 0 : i32
      %sign3A_3325 = arith.cmpi sgt, %jit3A_3315, %sign3A_3324 : i32
      %sign3A_3326 = arith.extui %sign3A_3325 : i1 to i32
      %sign3A_3327 = arith.constant 0 : i32
      %sign3A_3328 = arith.cmpi slt, %jit3A_3315, %sign3A_3327 : i32
      %sign3A_3329 = arith.extui %sign3A_3328 : i1 to i32
      %sign3A_3330 = arith.subi %sign3A_3326, %sign3A_3329 : i32
      %ne3A_3331 = arith.cmpi ne, %sign3A_3323, %sign3A_3330 : i32
      %rem3A_3332 = arith.remsi %add3A_3314, %jit3A_3315 : i32
      %ne3A_3333 = arith.constant 0 : i32
      %ne3A_3334 = arith.cmpi ne, %rem3A_3332, %ne3A_3333 : i32
      %and3A_3335 = arith.andi %ne3A_3331, %ne3A_3334 : i1
      %sub3A_3336 = arith.constant 1 : i32
      %sub3A_3337 = arith.subi %div3A_3316, %sub3A_3336 : i32
      %select_n3A_3338 = arith.select %and3A_3335, %sub3A_3337, %div3A_3316 : i32
      %jit3A_3339 = arith.constant 128 : i32
      %eq3A_3340 = arith.constant 0 : i32
      %eq3A_3341 = arith.cmpi eq, %jit3A_3339, %eq3A_3340 : i32
      %jit3A_3342 = arith.constant 1 : i32
      %select_n3A_3343 = arith.select %eq3A_3341, %jit3A_3342, %jit3A_3339 : i32
      %rem3A_3344 = arith.remsi %add3A_3314, %select_n3A_3343 : i32
      %ne3A_3345 = arith.constant 0 : i32
      %ne3A_3346 = arith.cmpi ne, %rem3A_3344, %ne3A_3345 : i32
      %lt3A_3347 = arith.constant 0 : i32
      %lt3A_3348 = arith.cmpi slt, %rem3A_3344, %lt3A_3347 : i32
      %lt3A_3349 = arith.constant 0 : i32
      %lt3A_3350 = arith.cmpi slt, %select_n3A_3343, %lt3A_3349 : i32
      %ne3A_3351 = arith.xori %lt3A_3348, %lt3A_3350 : i1
      %and3A_3352 = arith.andi %ne3A_3351, %ne3A_3346 : i1
      %add3A_3353 = arith.addi %rem3A_3344, %select_n3A_3343 : i32
      %select_n3A_3354 = arith.select %and3A_3352, %add3A_3353, %rem3A_3344 : i32
      %dma_wait3A_3355 = arith.constant 3 : i32
      %dma_wait3A_3356 = arith.constant 3072 : i32
      %dma_wait3A_3357 = tpu.memref_slice %arg10[%dma_wait3A_3356] : memref<4096xf32, #tpu.memory_space<vmem>> -> memref<1024xf32, #tpu.memory_space<vmem>>
      %dma_wait3A_3358 = arith.constant 0 : i32
      %dma_wait3A_3359 = tpu.memref_slice %arg4[%select_n3A_3338, %dma_wait3A_3355, %select_n3A_3354, %dma_wait3A_3358] : memref<200x4x128x1024xf32, #tpu.memory_space<hbm>> -> memref<1x1x1x1024xf32, #tpu.memory_space<hbm>>
      %dma_wait3A_3360 = tpu.memref_squeeze %dma_wait3A_3359 : memref<1x1x1x1024xf32, #tpu.memory_space<hbm>> -> memref<1024xf32, #tpu.memory_space<hbm>>
      %dma_wait3A_3361 = arith.constant 0 : i32
      %dma_wait3A_3362 = tpu.memref_slice %arg4[%select_n3A_3338, %dma_wait3A_3355, %select_n3A_3354, %dma_wait3A_3361] : memref<200x4x128x1024xf32, #tpu.memory_space<hbm>> -> memref<1x1x1x1024xf32, #tpu.memory_space<hbm>>
      %dma_wait3A_3363 = tpu.memref_squeeze %dma_wait3A_3362 : memref<1x1x1x1024xf32, #tpu.memory_space<hbm>> -> memref<1024xf32, #tpu.memory_space<hbm>>
      %dma_wait3A_3364 = arith.constant 3072 : i32
      %dma_wait3A_3365 = tpu.memref_slice %arg10[%dma_wait3A_3364] : memref<4096xf32, #tpu.memory_space<vmem>> -> memref<1024xf32, #tpu.memory_space<vmem>>
      tpu.wait_dma2 semaphore(%arg16 : memref<!tpu.dma_semaphore, #tpu.memory_space<semaphore_mem>>) src(%dma_wait3A_3365 : memref<1024xf32, #tpu.memory_space<vmem>>) dst(%dma_wait3A_3363 : memref<1024xf32, #tpu.memory_space<hbm>>)
      %parallel_loop3A_3366 = arith.constant 0 : i32
      %parallel_loop3A_3367 = arith.constant 32 : i32
      %parallel_loop3A_3368 = arith.constant 1 : i32
      scf.for %parallel_loop3A_3666 = %parallel_loop3A_3366 to %parallel_loop3A_3367 step %parallel_loop3A_3368  : i32 {
        %parallel_loop3A_3667 = arith.constant 4 : i32
        %parallel_loop3A_3668 = arith.muli %parallel_loop3A_3666, %parallel_loop3A_3667 : i32
        %parallel_loop3A_3669 = arith.constant 0 : i32
        %parallel_loop3A_3670 = arith.addi %parallel_loop3A_3668, %parallel_loop3A_3669 : i32
        %parallel_loop3A_3671 = vector.broadcast %parallel_loop3A_3670 : i32 to vector<16xi32>
        %parallel_loop3A_3672 = arith.addi %mul3A_5, %parallel_loop3A_3671 : vector<16xi32>
        %parallel_loop3A_3673 = arith.index_cast %parallel_loop3A_3670 : i32 to index
        %parallel_loop3A_3674 = arith.constant 0 : index
        %parallel_loop3A_3675 = tpu.vector_load %arg8[%parallel_loop3A_3673, %parallel_loop3A_3674] {strides = array<i32>} : memref<128x32xf32, #tpu.memory_space<vmem>>, vector<16xf32>,
        tpu.vector_store_idx %arg10[%parallel_loop3A_3672], %parallel_loop3A_3675 : memref<4096xf32, #tpu.memory_space<vmem>>[vector<16xi32>], vector<16xf32>,
        %parallel_loop3A_3676 = vector.broadcast %parallel_loop3A_3670 : i32 to vector<16xi32>
        %parallel_loop3A_3677 = arith.addi %mul3A_11, %parallel_loop3A_3676 : vector<16xi32>
        %parallel_loop3A_3678 = arith.index_cast %parallel_loop3A_3670 : i32 to index
        %parallel_loop3A_3679 = arith.constant 16 : index
        %parallel_loop3A_3680 = tpu.vector_load %arg8[%parallel_loop3A_3678, %parallel_loop3A_3679] {strides = array<i32>} : memref<128x32xf32, #tpu.memory_space<vmem>>, vector<16xf32>,
        tpu.vector_store_idx %arg10[%parallel_loop3A_3677], %parallel_loop3A_3680 : memref<4096xf32, #tpu.memory_space<vmem>>[vector<16xi32>], vector<16xf32>,
        %parallel_loop3A_3681 = arith.constant 4 : i32
        %parallel_loop3A_3682 = arith.muli %parallel_loop3A_3666, %parallel_loop3A_3681 : i32
        %parallel_loop3A_3683 = arith.constant 1 : i32
        %parallel_loop3A_3684 = arith.addi %parallel_loop3A_3682, %parallel_loop3A_3683 : i32
        %parallel_loop3A_3685 = vector.broadcast %parallel_loop3A_3684 : i32 to vector<16xi32>
        %parallel_loop3A_3686 = arith.addi %mul3A_5, %parallel_loop3A_3685 : vector<16xi32>
        %parallel_loop3A_3687 = arith.index_cast %parallel_loop3A_3684 : i32 to index
        %parallel_loop3A_3688 = arith.constant 0 : index
        %parallel_loop3A_3689 = tpu.vector_load %arg8[%parallel_loop3A_3687, %parallel_loop3A_3688] {strides = array<i32>} : memref<128x32xf32, #tpu.memory_space<vmem>>, vector<16xf32>,
        tpu.vector_store_idx %arg10[%parallel_loop3A_3686], %parallel_loop3A_3689 : memref<4096xf32, #tpu.memory_space<vmem>>[vector<16xi32>], vector<16xf32>,
        %parallel_loop3A_3690 = vector.broadcast %parallel_loop3A_3684 : i32 to vector<16xi32>
        %parallel_loop3A_3691 = arith.addi %mul3A_11, %parallel_loop3A_3690 : vector<16xi32>
        %parallel_loop3A_3692 = arith.index_cast %parallel_loop3A_3684 : i32 to index
        %parallel_loop3A_3693 = arith.constant 16 : index
        %parallel_loop3A_3694 = tpu.vector_load %arg8[%parallel_loop3A_3692, %parallel_loop3A_3693] {strides = array<i32>} : memref<128x32xf32, #tpu.memory_space<vmem>>, vector<16xf32>,
        tpu.vector_store_idx %arg10[%parallel_loop3A_3691], %parallel_loop3A_3694 : memref<4096xf32, #tpu.memory_space<vmem>>[vector<16xi32>], vector<16xf32>,
        %parallel_loop3A_3695 = arith.constant 4 : i32
        %parallel_loop3A_3696 = arith.muli %parallel_loop3A_3666, %parallel_loop3A_3695 : i32
        %parallel_loop3A_3697 = arith.constant 2 : i32
        %parallel_loop3A_3698 = arith.addi %parallel_loop3A_3696, %parallel_loop3A_3697 : i32
        %parallel_loop3A_3699 = vector.broadcast %parallel_loop3A_3698 : i32 to vector<16xi32>
        %parallel_loop3A_3700 = arith.addi %mul3A_5, %parallel_loop3A_3699 : vector<16xi32>
        %parallel_loop3A_3701 = arith.index_cast %parallel_loop3A_3698 : i32 to index
        %parallel_loop3A_3702 = arith.constant 0 : index
        %parallel_loop3A_3703 = tpu.vector_load %arg8[%parallel_loop3A_3701, %parallel_loop3A_3702] {strides = array<i32>} : memref<128x32xf32, #tpu.memory_space<vmem>>, vector<16xf32>,
        tpu.vector_store_idx %arg10[%parallel_loop3A_3700], %parallel_loop3A_3703 : memref<4096xf32, #tpu.memory_space<vmem>>[vector<16xi32>], vector<16xf32>,
        %parallel_loop3A_3704 = vector.broadcast %parallel_loop3A_3698 : i32 to vector<16xi32>
        %parallel_loop3A_3705 = arith.addi %mul3A_11, %parallel_loop3A_3704 : vector<16xi32>
        %parallel_loop3A_3706 = arith.index_cast %parallel_loop3A_3698 : i32 to index
        %parallel_loop3A_3707 = arith.constant 16 : index
        %parallel_loop3A_3708 = tpu.vector_load %arg8[%parallel_loop3A_3706, %parallel_loop3A_3707] {strides = array<i32>} : memref<128x32xf32, #tpu.memory_space<vmem>>, vector<16xf32>,
        tpu.vector_store_idx %arg10[%parallel_loop3A_3705], %parallel_loop3A_3708 : memref<4096xf32, #tpu.memory_space<vmem>>[vector<16xi32>], vector<16xf32>,
        %parallel_loop3A_3709 = arith.constant 4 : i32
        %parallel_loop3A_3710 = arith.muli %parallel_loop3A_3666, %parallel_loop3A_3709 : i32
        %parallel_loop3A_3711 = arith.constant 3 : i32
        %parallel_loop3A_3712 = arith.addi %parallel_loop3A_3710, %parallel_loop3A_3711 : i32
        %parallel_loop3A_3713 = vector.broadcast %parallel_loop3A_3712 : i32 to vector<16xi32>
        %parallel_loop3A_3714 = arith.addi %mul3A_5, %parallel_loop3A_3713 : vector<16xi32>
        %parallel_loop3A_3715 = arith.index_cast %parallel_loop3A_3712 : i32 to index
        %parallel_loop3A_3716 = arith.constant 0 : index
        %parallel_loop3A_3717 = tpu.vector_load %arg8[%parallel_loop3A_3715, %parallel_loop3A_3716] {strides = array<i32>} : memref<128x32xf32, #tpu.memory_space<vmem>>, vector<16xf32>,
        tpu.vector_store_idx %arg10[%parallel_loop3A_3714], %parallel_loop3A_3717 : memref<4096xf32, #tpu.memory_space<vmem>>[vector<16xi32>], vector<16xf32>,
        %parallel_loop3A_3718 = vector.broadcast %parallel_loop3A_3712 : i32 to vector<16xi32>
        %parallel_loop3A_3719 = arith.addi %mul3A_11, %parallel_loop3A_3718 : vector<16xi32>
        %parallel_loop3A_3720 = arith.index_cast %parallel_loop3A_3712 : i32 to index
        %parallel_loop3A_3721 = arith.constant 16 : index
        %parallel_loop3A_3722 = tpu.vector_load %arg8[%parallel_loop3A_3720, %parallel_loop3A_3721] {strides = array<i32>} : memref<128x32xf32, #tpu.memory_space<vmem>>, vector<16xf32>,
        tpu.vector_store_idx %arg10[%parallel_loop3A_3719], %parallel_loop3A_3722 : memref<4096xf32, #tpu.memory_space<vmem>>[vector<16xi32>], vector<16xf32>,
      } {sc.loop_unroll_factor = 1 : i64, sc.parallel_access}
      %add3A_3369 = arith.addi %mul3A_2, %add3A_3060 : i32
      %jit3A_3370 = arith.constant 128 : i32
      %div3A_3371 = arith.divsi %add3A_3369, %jit3A_3370 : i32
      %sign3A_3372 = arith.constant 0 : i32
      %sign3A_3373 = arith.cmpi sgt, %add3A_3369, %sign3A_3372 : i32
      %sign3A_3374 = arith.extui %sign3A_3373 : i1 to i32
      %sign3A_3375 = arith.constant 0 : i32
      %sign3A_3376 = arith.cmpi slt, %add3A_3369, %sign3A_3375 : i32
      %sign3A_3377 = arith.extui %sign3A_3376 : i1 to i32
      %sign3A_3378 = arith.subi %sign3A_3374, %sign3A_3377 : i32
      %sign3A_3379 = arith.constant 0 : i32
      %sign3A_3380 = arith.cmpi sgt, %jit3A_3370, %sign3A_3379 : i32
      %sign3A_3381 = arith.extui %sign3A_3380 : i1 to i32
      %sign3A_3382 = arith.constant 0 : i32
      %sign3A_3383 = arith.cmpi slt, %jit3A_3370, %sign3A_3382 : i32
      %sign3A_3384 = arith.extui %sign3A_3383 : i1 to i32
      %sign3A_3385 = arith.subi %sign3A_3381, %sign3A_3384 : i32
      %ne3A_3386 = arith.cmpi ne, %sign3A_3378, %sign3A_3385 : i32
      %rem3A_3387 = arith.remsi %add3A_3369, %jit3A_3370 : i32
      %ne3A_3388 = arith.constant 0 : i32
      %ne3A_3389 = arith.cmpi ne, %rem3A_3387, %ne3A_3388 : i32
      %and3A_3390 = arith.andi %ne3A_3386, %ne3A_3389 : i1
      %sub3A_3391 = arith.constant 1 : i32
      %sub3A_3392 = arith.subi %div3A_3371, %sub3A_3391 : i32
      %select_n3A_3393 = arith.select %and3A_3390, %sub3A_3392, %div3A_3371 : i32
      %jit3A_3394 = arith.constant 128 : i32
      %eq3A_3395 = arith.constant 0 : i32
      %eq3A_3396 = arith.cmpi eq, %jit3A_3394, %eq3A_3395 : i32
      %jit3A_3397 = arith.constant 1 : i32
      %select_n3A_3398 = arith.select %eq3A_3396, %jit3A_3397, %jit3A_3394 : i32
      %rem3A_3399 = arith.remsi %add3A_3369, %select_n3A_3398 : i32
      %ne3A_3400 = arith.constant 0 : i32
      %ne3A_3401 = arith.cmpi ne, %rem3A_3399, %ne3A_3400 : i32
      %lt3A_3402 = arith.constant 0 : i32
      %lt3A_3403 = arith.cmpi slt, %rem3A_3399, %lt3A_3402 : i32
      %lt3A_3404 = arith.constant 0 : i32
      %lt3A_3405 = arith.cmpi slt, %select_n3A_3398, %lt3A_3404 : i32
      %ne3A_3406 = arith.xori %lt3A_3403, %lt3A_3405 : i1
      %and3A_3407 = arith.andi %ne3A_3406, %ne3A_3401 : i1
      %add3A_3408 = arith.addi %rem3A_3399, %select_n3A_3398 : i32
      %select_n3A_3409 = arith.select %and3A_3407, %add3A_3408, %rem3A_3399 : i32
      %dma_start3A_3410 = arith.constant 0 : i32
      %dma_start3A_3411 = arith.constant 0 : i32
      %dma_start3A_3412 = tpu.memref_slice %arg10[%dma_start3A_3411] : memref<4096xf32, #tpu.memory_space<vmem>> -> memref<1024xf32, #tpu.memory_space<vmem>>
      %dma_start3A_3413 = arith.constant 0 : i32
      %dma_start3A_3414 = tpu.memref_slice %arg4[%select_n3A_3393, %dma_start3A_3410, %select_n3A_3409, %dma_start3A_3413] : memref<200x4x128x1024xf32, #tpu.memory_space<hbm>> -> memref<1x1x1x1024xf32, #tpu.memory_space<hbm>>
      %dma_start3A_3415 = tpu.memref_squeeze %dma_start3A_3414 : memref<1x1x1x1024xf32, #tpu.memory_space<hbm>> -> memref<1024xf32, #tpu.memory_space<hbm>>
      %dma_start3A_3416 = arith.constant 0 : i32
      %dma_start3A_3417 = tpu.memref_slice %arg4[%select_n3A_3393, %dma_start3A_3410, %select_n3A_3409, %dma_start3A_3416] : memref<200x4x128x1024xf32, #tpu.memory_space<hbm>> -> memref<1x1x1x1024xf32, #tpu.memory_space<hbm>>
      %dma_start3A_3418 = tpu.memref_squeeze %dma_start3A_3417 : memref<1x1x1x1024xf32, #tpu.memory_space<hbm>> -> memref<1024xf32, #tpu.memory_space<hbm>>
      %dma_start3A_3419 = arith.constant 0 : i32
      %dma_start3A_3420 = tpu.memref_slice %arg10[%dma_start3A_3419] : memref<4096xf32, #tpu.memory_space<vmem>> -> memref<1024xf32, #tpu.memory_space<vmem>>
      tpu.enqueue_dma source(%dma_start3A_3420 : memref<1024xf32, #tpu.memory_space<vmem>>) target(%dma_start3A_3418 : memref<1024xf32, #tpu.memory_space<hbm>>) target_semaphore(%arg16 : memref<!tpu.dma_semaphore, #tpu.memory_space<semaphore_mem>>)
      %add3A_3421 = arith.addi %mul3A_2, %add3A_3060 : i32
      %jit3A_3422 = arith.constant 128 : i32
      %div3A_3423 = arith.divsi %add3A_3421, %jit3A_3422 : i32
      %sign3A_3424 = arith.constant 0 : i32
      %sign3A_3425 = arith.cmpi sgt, %add3A_3421, %sign3A_3424 : i32
      %sign3A_3426 = arith.extui %sign3A_3425 : i1 to i32
      %sign3A_3427 = arith.constant 0 : i32
      %sign3A_3428 = arith.cmpi slt, %add3A_3421, %sign3A_3427 : i32
      %sign3A_3429 = arith.extui %sign3A_3428 : i1 to i32
      %sign3A_3430 = arith.subi %sign3A_3426, %sign3A_3429 : i32
      %sign3A_3431 = arith.constant 0 : i32
      %sign3A_3432 = arith.cmpi sgt, %jit3A_3422, %sign3A_3431 : i32
      %sign3A_3433 = arith.extui %sign3A_3432 : i1 to i32
      %sign3A_3434 = arith.constant 0 : i32
      %sign3A_3435 = arith.cmpi slt, %jit3A_3422, %sign3A_3434 : i32
      %sign3A_3436 = arith.extui %sign3A_3435 : i1 to i32
      %sign3A_3437 = arith.subi %sign3A_3433, %sign3A_3436 : i32
      %ne3A_3438 = arith.cmpi ne, %sign3A_3430, %sign3A_3437 : i32
      %rem3A_3439 = arith.remsi %add3A_3421, %jit3A_3422 : i32
      %ne3A_3440 = arith.constant 0 : i32
      %ne3A_3441 = arith.cmpi ne, %rem3A_3439, %ne3A_3440 : i32
      %and3A_3442 = arith.andi %ne3A_3438, %ne3A_3441 : i1
      %sub3A_3443 = arith.constant 1 : i32
      %sub3A_3444 = arith.subi %div3A_3423, %sub3A_3443 : i32
      %select_n3A_3445 = arith.select %and3A_3442, %sub3A_3444, %div3A_3423 : i32
      %jit3A_3446 = arith.constant 128 : i32
      %eq3A_3447 = arith.constant 0 : i32
      %eq3A_3448 = arith.cmpi eq, %jit3A_3446, %eq3A_3447 : i32
      %jit3A_3449 = arith.constant 1 : i32
      %select_n3A_3450 = arith.select %eq3A_3448, %jit3A_3449, %jit3A_3446 : i32
      %rem3A_3451 = arith.remsi %add3A_3421, %select_n3A_3450 : i32
      %ne3A_3452 = arith.constant 0 : i32
      %ne3A_3453 = arith.cmpi ne, %rem3A_3451, %ne3A_3452 : i32
      %lt3A_3454 = arith.constant 0 : i32
      %lt3A_3455 = arith.cmpi slt, %rem3A_3451, %lt3A_3454 : i32
      %lt3A_3456 = arith.constant 0 : i32
      %lt3A_3457 = arith.cmpi slt, %select_n3A_3450, %lt3A_3456 : i32
      %ne3A_3458 = arith.xori %lt3A_3455, %lt3A_3457 : i1
      %and3A_3459 = arith.andi %ne3A_3458, %ne3A_3453 : i1
      %add3A_3460 = arith.addi %rem3A_3451, %select_n3A_3450 : i32
      %select_n3A_3461 = arith.select %and3A_3459, %add3A_3460, %rem3A_3451 : i32
      %dma_start3A_3462 = arith.constant 1 : i32
      %dma_start3A_3463 = arith.constant 1024 : i32
      %dma_start3A_3464 = tpu.memref_slice %arg10[%dma_start3A_3463] : memref<4096xf32, #tpu.memory_space<vmem>> -> memref<1024xf32, #tpu.memory_space<vmem>>
      %dma_start3A_3465 = arith.constant 0 : i32
      %dma_start3A_3466 = tpu.memref_slice %arg4[%select_n3A_3445, %dma_start3A_3462, %select_n3A_3461, %dma_start3A_3465] : memref<200x4x128x1024xf32, #tpu.memory_space<hbm>> -> memref<1x1x1x1024xf32, #tpu.memory_space<hbm>>
      %dma_start3A_3467 = tpu.memref_squeeze %dma_start3A_3466 : memref<1x1x1x1024xf32, #tpu.memory_space<hbm>> -> memref<1024xf32, #tpu.memory_space<hbm>>
      %dma_start3A_3468 = arith.constant 0 : i32
      %dma_start3A_3469 = tpu.memref_slice %arg4[%select_n3A_3445, %dma_start3A_3462, %select_n3A_3461, %dma_start3A_3468] : memref<200x4x128x1024xf32, #tpu.memory_space<hbm>> -> memref<1x1x1x1024xf32, #tpu.memory_space<hbm>>
      %dma_start3A_3470 = tpu.memref_squeeze %dma_start3A_3469 : memref<1x1x1x1024xf32, #tpu.memory_space<hbm>> -> memref<1024xf32, #tpu.memory_space<hbm>>
      %dma_start3A_3471 = arith.constant 1024 : i32
      %dma_start3A_3472 = tpu.memref_slice %arg10[%dma_start3A_3471] : memref<4096xf32, #tpu.memory_space<vmem>> -> memref<1024xf32, #tpu.memory_space<vmem>>
      tpu.enqueue_dma source(%dma_start3A_3472 : memref<1024xf32, #tpu.memory_space<vmem>>) target(%dma_start3A_3470 : memref<1024xf32, #tpu.memory_space<hbm>>) target_semaphore(%arg16 : memref<!tpu.dma_semaphore, #tpu.memory_space<semaphore_mem>>)
      %add3A_3473 = arith.addi %mul3A_2, %add3A_3060 : i32
      %jit3A_3474 = arith.constant 128 : i32
      %div3A_3475 = arith.divsi %add3A_3473, %jit3A_3474 : i32
      %sign3A_3476 = arith.constant 0 : i32
      %sign3A_3477 = arith.cmpi sgt, %add3A_3473, %sign3A_3476 : i32
      %sign3A_3478 = arith.extui %sign3A_3477 : i1 to i32
      %sign3A_3479 = arith.constant 0 : i32
      %sign3A_3480 = arith.cmpi slt, %add3A_3473, %sign3A_3479 : i32
      %sign3A_3481 = arith.extui %sign3A_3480 : i1 to i32
      %sign3A_3482 = arith.subi %sign3A_3478, %sign3A_3481 : i32
      %sign3A_3483 = arith.constant 0 : i32
      %sign3A_3484 = arith.cmpi sgt, %jit3A_3474, %sign3A_3483 : i32
      %sign3A_3485 = arith.extui %sign3A_3484 : i1 to i32
      %sign3A_3486 = arith.constant 0 : i32
      %sign3A_3487 = arith.cmpi slt, %jit3A_3474, %sign3A_3486 : i32
      %sign3A_3488 = arith.extui %sign3A_3487 : i1 to i32
      %sign3A_3489 = arith.subi %sign3A_3485, %sign3A_3488 : i32
      %ne3A_3490 = arith.cmpi ne, %sign3A_3482, %sign3A_3489 : i32
      %rem3A_3491 = arith.remsi %add3A_3473, %jit3A_3474 : i32
      %ne3A_3492 = arith.constant 0 : i32
      %ne3A_3493 = arith.cmpi ne, %rem3A_3491, %ne3A_3492 : i32
      %and3A_3494 = arith.andi %ne3A_3490, %ne3A_3493 : i1
      %sub3A_3495 = arith.constant 1 : i32
      %sub3A_3496 = arith.subi %div3A_3475, %sub3A_3495 : i32
      %select_n3A_3497 = arith.select %and3A_3494, %sub3A_3496, %div3A_3475 : i32
      %jit3A_3498 = arith.constant 128 : i32
      %eq3A_3499 = arith.constant 0 : i32
      %eq3A_3500 = arith.cmpi eq, %jit3A_3498, %eq3A_3499 : i32
      %jit3A_3501 = arith.constant 1 : i32
      %select_n3A_3502 = arith.select %eq3A_3500, %jit3A_3501, %jit3A_3498 : i32
      %rem3A_3503 = arith.remsi %add3A_3473, %select_n3A_3502 : i32
      %ne3A_3504 = arith.constant 0 : i32
      %ne3A_3505 = arith.cmpi ne, %rem3A_3503, %ne3A_3504 : i32
      %lt3A_3506 = arith.constant 0 : i32
      %lt3A_3507 = arith.cmpi slt, %rem3A_3503, %lt3A_3506 : i32
      %lt3A_3508 = arith.constant 0 : i32
      %lt3A_3509 = arith.cmpi slt, %select_n3A_3502, %lt3A_3508 : i32
      %ne3A_3510 = arith.xori %lt3A_3507, %lt3A_3509 : i1
      %and3A_3511 = arith.andi %ne3A_3510, %ne3A_3505 : i1
      %add3A_3512 = arith.addi %rem3A_3503, %select_n3A_3502 : i32
      %select_n3A_3513 = arith.select %and3A_3511, %add3A_3512, %rem3A_3503 : i32
      %dma_start3A_3514 = arith.constant 2 : i32
      %dma_start3A_3515 = arith.constant 2048 : i32
      %dma_start3A_3516 = tpu.memref_slice %arg10[%dma_start3A_3515] : memref<4096xf32, #tpu.memory_space<vmem>> -> memref<1024xf32, #tpu.memory_space<vmem>>
      %dma_start3A_3517 = arith.constant 0 : i32
      %dma_start3A_3518 = tpu.memref_slice %arg4[%select_n3A_3497, %dma_start3A_3514, %select_n3A_3513, %dma_start3A_3517] : memref<200x4x128x1024xf32, #tpu.memory_space<hbm>> -> memref<1x1x1x1024xf32, #tpu.memory_space<hbm>>
      %dma_start3A_3519 = tpu.memref_squeeze %dma_start3A_3518 : memref<1x1x1x1024xf32, #tpu.memory_space<hbm>> -> memref<1024xf32, #tpu.memory_space<hbm>>
      %dma_start3A_3520 = arith.constant 0 : i32
      %dma_start3A_3521 = tpu.memref_slice %arg4[%select_n3A_3497, %dma_start3A_3514, %select_n3A_3513, %dma_start3A_3520] : memref<200x4x128x1024xf32, #tpu.memory_space<hbm>> -> memref<1x1x1x1024xf32, #tpu.memory_space<hbm>>
      %dma_start3A_3522 = tpu.memref_squeeze %dma_start3A_3521 : memref<1x1x1x1024xf32, #tpu.memory_space<hbm>> -> memref<1024xf32, #tpu.memory_space<hbm>>
      %dma_start3A_3523 = arith.constant 2048 : i32
      %dma_start3A_3524 = tpu.memref_slice %arg10[%dma_start3A_3523] : memref<4096xf32, #tpu.memory_space<vmem>> -> memref<1024xf32, #tpu.memory_space<vmem>>
      tpu.enqueue_dma source(%dma_start3A_3524 : memref<1024xf32, #tpu.memory_space<vmem>>) target(%dma_start3A_3522 : memref<1024xf32, #tpu.memory_space<hbm>>) target_semaphore(%arg16 : memref<!tpu.dma_semaphore, #tpu.memory_space<semaphore_mem>>)
      %add3A_3525 = arith.addi %mul3A_2, %add3A_3060 : i32
      %jit3A_3526 = arith.constant 128 : i32
      %div3A_3527 = arith.divsi %add3A_3525, %jit3A_3526 : i32
      %sign3A_3528 = arith.constant 0 : i32
      %sign3A_3529 = arith.cmpi sgt, %add3A_3525, %sign3A_3528 : i32
      %sign3A_3530 = arith.extui %sign3A_3529 : i1 to i32
      %sign3A_3531 = arith.constant 0 : i32
      %sign3A_3532 = arith.cmpi slt, %add3A_3525, %sign3A_3531 : i32
      %sign3A_3533 = arith.extui %sign3A_3532 : i1 to i32
      %sign3A_3534 = arith.subi %sign3A_3530, %sign3A_3533 : i32
      %sign3A_3535 = arith.constant 0 : i32
      %sign3A_3536 = arith.cmpi sgt, %jit3A_3526, %sign3A_3535 : i32
      %sign3A_3537 = arith.extui %sign3A_3536 : i1 to i32
      %sign3A_3538 = arith.constant 0 : i32
      %sign3A_3539 = arith.cmpi slt, %jit3A_3526, %sign3A_3538 : i32
      %sign3A_3540 = arith.extui %sign3A_3539 : i1 to i32
      %sign3A_3541 = arith.subi %sign3A_3537, %sign3A_3540 : i32
      %ne3A_3542 = arith.cmpi ne, %sign3A_3534, %sign3A_3541 : i32
      %rem3A_3543 = arith.remsi %add3A_3525, %jit3A_3526 : i32
      %ne3A_3544 = arith.constant 0 : i32
      %ne3A_3545 = arith.cmpi ne, %rem3A_3543, %ne3A_3544 : i32
      %and3A_3546 = arith.andi %ne3A_3542, %ne3A_3545 : i1
      %sub3A_3547 = arith.constant 1 : i32
      %sub3A_3548 = arith.subi %div3A_3527, %sub3A_3547 : i32
      %select_n3A_3549 = arith.select %and3A_3546, %sub3A_3548, %div3A_3527 : i32
      %jit3A_3550 = arith.constant 128 : i32
      %eq3A_3551 = arith.constant 0 : i32
      %eq3A_3552 = arith.cmpi eq, %jit3A_3550, %eq3A_3551 : i32
      %jit3A_3553 = arith.constant 1 : i32
      %select_n3A_3554 = arith.select %eq3A_3552, %jit3A_3553, %jit3A_3550 : i32
      %rem3A_3555 = arith.remsi %add3A_3525, %select_n3A_3554 : i32
      %ne3A_3556 = arith.constant 0 : i32
      %ne3A_3557 = arith.cmpi ne, %rem3A_3555, %ne3A_3556 : i32
      %lt3A_3558 = arith.constant 0 : i32
      %lt3A_3559 = arith.cmpi slt, %rem3A_3555, %lt3A_3558 : i32
      %lt3A_3560 = arith.constant 0 : i32
      %lt3A_3561 = arith.cmpi slt, %select_n3A_3554, %lt3A_3560 : i32
      %ne3A_3562 = arith.xori %lt3A_3559, %lt3A_3561 : i1
      %and3A_3563 = arith.andi %ne3A_3562, %ne3A_3557 : i1
      %add3A_3564 = arith.addi %rem3A_3555, %select_n3A_3554 : i32
      %select_n3A_3565 = arith.select %and3A_3563, %add3A_3564, %rem3A_3555 : i32
      %dma_start3A_3566 = arith.constant 3 : i32
      %dma_start3A_3567 = arith.constant 3072 : i32
      %dma_start3A_3568 = tpu.memref_slice %arg10[%dma_start3A_3567] : memref<4096xf32, #tpu.memory_space<vmem>> -> memref<1024xf32, #tpu.memory_space<vmem>>
      %dma_start3A_3569 = arith.constant 0 : i32
      %dma_start3A_3570 = tpu.memref_slice %arg4[%select_n3A_3549, %dma_start3A_3566, %select_n3A_3565, %dma_start3A_3569] : memref<200x4x128x1024xf32, #tpu.memory_space<hbm>> -> memref<1x1x1x1024xf32, #tpu.memory_space<hbm>>
      %dma_start3A_3571 = tpu.memref_squeeze %dma_start3A_3570 : memref<1x1x1x1024xf32, #tpu.memory_space<hbm>> -> memref<1024xf32, #tpu.memory_space<hbm>>
      %dma_start3A_3572 = arith.constant 0 : i32
      %dma_start3A_3573 = tpu.memref_slice %arg4[%select_n3A_3549, %dma_start3A_3566, %select_n3A_3565, %dma_start3A_3572] : memref<200x4x128x1024xf32, #tpu.memory_space<hbm>> -> memref<1x1x1x1024xf32, #tpu.memory_space<hbm>>
      %dma_start3A_3574 = tpu.memref_squeeze %dma_start3A_3573 : memref<1x1x1x1024xf32, #tpu.memory_space<hbm>> -> memref<1024xf32, #tpu.memory_space<hbm>>
      %dma_start3A_3575 = arith.constant 3072 : i32
      %dma_start3A_3576 = tpu.memref_slice %arg10[%dma_start3A_3575] : memref<4096xf32, #tpu.memory_space<vmem>> -> memref<1024xf32, #tpu.memory_space<vmem>>
      tpu.enqueue_dma source(%dma_start3A_3576 : memref<1024xf32, #tpu.memory_space<vmem>>) target(%dma_start3A_3574 : memref<1024xf32, #tpu.memory_space<hbm>>) target_semaphore(%arg16 : memref<!tpu.dma_semaphore, #tpu.memory_space<semaphore_mem>>)
      %add3A_3577 = arith.constant 2 : i32
      %add3A_3578 = arith.addi %add3A_3060, %add3A_3577 : i32
      %add3A_3579 = arith.addi %mul3A_2, %add3A_3578 : i32
      %jit3A_3580 = arith.constant 128 : i32
      %div3A_3581 = arith.divsi %add3A_3579, %jit3A_3580 : i32
      %sign3A_3582 = arith.constant 0 : i32
      %sign3A_3583 = arith.cmpi sgt, %add3A_3579, %sign3A_3582 : i32
      %sign3A_3584 = arith.extui %sign3A_3583 : i1 to i32
      %sign3A_3585 = arith.constant 0 : i32
      %sign3A_3586 = arith.cmpi slt, %add3A_3579, %sign3A_3585 : i32
      %sign3A_3587 = arith.extui %sign3A_3586 : i1 to i32
      %sign3A_3588 = arith.subi %sign3A_3584, %sign3A_3587 : i32
      %sign3A_3589 = arith.constant 0 : i32
      %sign3A_3590 = arith.cmpi sgt, %jit3A_3580, %sign3A_3589 : i32
      %sign3A_3591 = arith.extui %sign3A_3590 : i1 to i32
      %sign3A_3592 = arith.constant 0 : i32
      %sign3A_3593 = arith.cmpi slt, %jit3A_3580, %sign3A_3592 : i32
      %sign3A_3594 = arith.extui %sign3A_3593 : i1 to i32
      %sign3A_3595 = arith.subi %sign3A_3591, %sign3A_3594 : i32
      %ne3A_3596 = arith.cmpi ne, %sign3A_3588, %sign3A_3595 : i32
      %rem3A_3597 = arith.remsi %add3A_3579, %jit3A_3580 : i32
      %ne3A_3598 = arith.constant 0 : i32
      %ne3A_3599 = arith.cmpi ne, %rem3A_3597, %ne3A_3598 : i32
      %and3A_3600 = arith.andi %ne3A_3596, %ne3A_3599 : i1
      %sub3A_3601 = arith.constant 1 : i32
      %sub3A_3602 = arith.subi %div3A_3581, %sub3A_3601 : i32
      %select_n3A_3603 = arith.select %and3A_3600, %sub3A_3602, %div3A_3581 : i32
      %jit3A_3604 = arith.constant 128 : i32
      %eq3A_3605 = arith.constant 0 : i32
      %eq3A_3606 = arith.cmpi eq, %jit3A_3604, %eq3A_3605 : i32
      %jit3A_3607 = arith.constant 1 : i32
      %select_n3A_3608 = arith.select %eq3A_3606, %jit3A_3607, %jit3A_3604 : i32
      %rem3A_3609 = arith.remsi %add3A_3579, %select_n3A_3608 : i32
      %ne3A_3610 = arith.constant 0 : i32
      %ne3A_3611 = arith.cmpi ne, %rem3A_3609, %ne3A_3610 : i32
      %lt3A_3612 = arith.constant 0 : i32
      %lt3A_3613 = arith.cmpi slt, %rem3A_3609, %lt3A_3612 : i32
      %lt3A_3614 = arith.constant 0 : i32
      %lt3A_3615 = arith.cmpi slt, %select_n3A_3608, %lt3A_3614 : i32
      %ne3A_3616 = arith.xori %lt3A_3613, %lt3A_3615 : i1
      %and3A_3617 = arith.andi %ne3A_3616, %ne3A_3611 : i1
      %add3A_3618 = arith.addi %rem3A_3609, %select_n3A_3608 : i32
      %select_n3A_3619 = arith.select %and3A_3617, %add3A_3618, %rem3A_3609 : i32
      %jit3A_3620 = arith.constant 8 : i32
      %div3A_3621 = arith.divsi %select_n3A_3603, %jit3A_3620 : i32
      %sign3A_3622 = arith.constant 0 : i32
      %sign3A_3623 = arith.cmpi sgt, %select_n3A_3603, %sign3A_3622 : i32
      %sign3A_3624 = arith.extui %sign3A_3623 : i1 to i32
      %sign3A_3625 = arith.constant 0 : i32
      %sign3A_3626 = arith.cmpi slt, %select_n3A_3603, %sign3A_3625 : i32
      %sign3A_3627 = arith.extui %sign3A_3626 : i1 to i32
      %sign3A_3628 = arith.subi %sign3A_3624, %sign3A_3627 : i32
      %sign3A_3629 = arith.constant 0 : i32
      %sign3A_3630 = arith.cmpi sgt, %jit3A_3620, %sign3A_3629 : i32
      %sign3A_3631 = arith.extui %sign3A_3630 : i1 to i32
      %sign3A_3632 = arith.constant 0 : i32
      %sign3A_3633 = arith.cmpi slt, %jit3A_3620, %sign3A_3632 : i32
      %sign3A_3634 = arith.extui %sign3A_3633 : i1 to i32
      %sign3A_3635 = arith.subi %sign3A_3631, %sign3A_3634 : i32
      %ne3A_3636 = arith.cmpi ne, %sign3A_3628, %sign3A_3635 : i32
      %rem3A_3637 = arith.remsi %select_n3A_3603, %jit3A_3620 : i32
      %ne3A_3638 = arith.constant 0 : i32
      %ne3A_3639 = arith.cmpi ne, %rem3A_3637, %ne3A_3638 : i32
      %and3A_3640 = arith.andi %ne3A_3636, %ne3A_3639 : i1
      %sub3A_3641 = arith.constant 1 : i32
      %sub3A_3642 = arith.subi %div3A_3621, %sub3A_3641 : i32
      %select_n3A_3643 = arith.select %and3A_3640, %sub3A_3642, %div3A_3621 : i32
      %jit3A_3644 = arith.constant 8 : i32
      %eq3A_3645 = arith.constant 0 : i32
      %eq3A_3646 = arith.cmpi eq, %jit3A_3644, %eq3A_3645 : i32
      %jit3A_3647 = arith.constant 1 : i32
      %select_n3A_3648 = arith.select %eq3A_3646, %jit3A_3647, %jit3A_3644 : i32
      %rem3A_3649 = arith.remsi %select_n3A_3603, %select_n3A_3648 : i32
      %ne3A_3650 = arith.constant 0 : i32
      %ne3A_3651 = arith.cmpi ne, %rem3A_3649, %ne3A_3650 : i32
      %lt3A_3652 = arith.constant 0 : i32
      %lt3A_3653 = arith.cmpi slt, %rem3A_3649, %lt3A_3652 : i32
      %lt3A_3654 = arith.constant 0 : i32
      %lt3A_3655 = arith.cmpi slt, %select_n3A_3648, %lt3A_3654 : i32
      %ne3A_3656 = arith.xori %lt3A_3653, %lt3A_3655 : i1
      %and3A_3657 = arith.andi %ne3A_3656, %ne3A_3651 : i1
      %add3A_3658 = arith.addi %rem3A_3649, %select_n3A_3648 : i32
      %select_n3A_3659 = arith.select %and3A_3657, %add3A_3658, %rem3A_3649 : i32
      %dma_start3A_3660 = arith.constant 0 : i32
      %dma_start3A_3661 = tpu.memref_slice %arg2[%select_n3A_3643, %select_n3A_3619, %select_n3A_3659, %dma_start3A_3660] : memref<25x128x8x128xi32, #tpu.memory_space<hbm>> -> memref<1x1x1x128xi32, #tpu.memory_space<hbm>>
      %dma_start3A_3662 = tpu.memref_squeeze %dma_start3A_3661 : memref<1x1x1x128xi32, #tpu.memory_space<hbm>> -> memref<128xi32, #tpu.memory_space<hbm>>
      %dma_start3A_3663 = arith.constant 0 : i32
      %dma_start3A_3664 = tpu.memref_slice %arg2[%select_n3A_3643, %select_n3A_3619, %select_n3A_3659, %dma_start3A_3663] : memref<25x128x8x128xi32, #tpu.memory_space<hbm>> -> memref<1x1x1x128xi32, #tpu.memory_space<hbm>>
      %dma_start3A_3665 = tpu.memref_squeeze %dma_start3A_3664 : memref<1x1x1x128xi32, #tpu.memory_space<hbm>> -> memref<128xi32, #tpu.memory_space<hbm>>
      tpu.enqueue_dma source(%dma_start3A_3665 : memref<128xi32, #tpu.memory_space<hbm>>) target(%arg6 : memref<128xi32, #tpu.memory_space<vmem>>) target_semaphore(%arg12 : memref<!tpu.dma_semaphore, #tpu.memory_space<semaphore_mem>>)
    }
    %scan3A_1063 = arith.constant 398 : i32
    %dma_wait3A_1064 = arith.constant 0 : i32
    %dma_wait3A_1065 = arith.constant 0 : i32
    %dma_wait3A_1066 = tpu.memref_slice %arg3[%dma_wait3A_1064, %dma_wait3A_1065] : memref<1000000x32xf32, #tpu.memory_space<hbm>> -> memref<1000000x32xf32, #tpu.memory_space<hbm>>
    tpu.wait_indirect_dma semaphore(%arg13 : memref<!tpu.dma_semaphore, #tpu.memory_space<semaphore_mem>>) src(%dma_wait3A_1066 : memref<1000000x32xf32, #tpu.memory_space<hbm>>) dst(%arg7 : memref<128x32xf32, #tpu.memory_space<vmem>>)
    %add3A_1067 = arith.constant 799 : i32
    %add3A_1068 = arith.addi %mul3A_2, %add3A_1067 : i32
    %jit3A_1069 = arith.constant 128 : i32
    %div3A_1070 = arith.divsi %add3A_1068, %jit3A_1069 : i32
    %sign3A_1071 = arith.constant 0 : i32
    %sign3A_1072 = arith.cmpi sgt, %add3A_1068, %sign3A_1071 : i32
    %sign3A_1073 = arith.extui %sign3A_1072 : i1 to i32
    %sign3A_1074 = arith.constant 0 : i32
    %sign3A_1075 = arith.cmpi slt, %add3A_1068, %sign3A_1074 : i32
    %sign3A_1076 = arith.extui %sign3A_1075 : i1 to i32
    %sign3A_1077 = arith.subi %sign3A_1073, %sign3A_1076 : i32
    %sign3A_1078 = arith.constant 0 : i32
    %sign3A_1079 = arith.cmpi sgt, %jit3A_1069, %sign3A_1078 : i32
    %sign3A_1080 = arith.extui %sign3A_1079 : i1 to i32
    %sign3A_1081 = arith.constant 0 : i32
    %sign3A_1082 = arith.cmpi slt, %jit3A_1069, %sign3A_1081 : i32
    %sign3A_1083 = arith.extui %sign3A_1082 : i1 to i32
    %sign3A_1084 = arith.subi %sign3A_1080, %sign3A_1083 : i32
    %ne3A_1085 = arith.cmpi ne, %sign3A_1077, %sign3A_1084 : i32
    %rem3A_1086 = arith.remsi %add3A_1068, %jit3A_1069 : i32
    %ne3A_1087 = arith.constant 0 : i32
    %ne3A_1088 = arith.cmpi ne, %rem3A_1086, %ne3A_1087 : i32
    %and3A_1089 = arith.andi %ne3A_1085, %ne3A_1088 : i1
    %sub3A_1090 = arith.constant 1 : i32
    %sub3A_1091 = arith.subi %div3A_1070, %sub3A_1090 : i32
    %select_n3A_1092 = arith.select %and3A_1089, %sub3A_1091, %div3A_1070 : i32
    %jit3A_1093 = arith.constant 128 : i32
    %eq3A_1094 = arith.constant 0 : i32
    %eq3A_1095 = arith.cmpi eq, %jit3A_1093, %eq3A_1094 : i32
    %jit3A_1096 = arith.constant 1 : i32
    %select_n3A_1097 = arith.select %eq3A_1095, %jit3A_1096, %jit3A_1093 : i32
    %rem3A_1098 = arith.remsi %add3A_1068, %select_n3A_1097 : i32
    %ne3A_1099 = arith.constant 0 : i32
    %ne3A_1100 = arith.cmpi ne, %rem3A_1098, %ne3A_1099 : i32
    %lt3A_1101 = arith.constant 0 : i32
    %lt3A_1102 = arith.cmpi slt, %rem3A_1098, %lt3A_1101 : i32
    %lt3A_1103 = arith.constant 0 : i32
    %lt3A_1104 = arith.cmpi slt, %select_n3A_1097, %lt3A_1103 : i32
    %ne3A_1105 = arith.xori %lt3A_1102, %lt3A_1104 : i1
    %and3A_1106 = arith.andi %ne3A_1105, %ne3A_1100 : i1
    %add3A_1107 = arith.addi %rem3A_1098, %select_n3A_1097 : i32
    %select_n3A_1108 = arith.select %and3A_1106, %add3A_1107, %rem3A_1098 : i32
    %jit3A_1109 = arith.constant 8 : i32
    %div3A_1110 = arith.divsi %select_n3A_1092, %jit3A_1109 : i32
    %sign3A_1111 = arith.constant 0 : i32
    %sign3A_1112 = arith.cmpi sgt, %select_n3A_1092, %sign3A_1111 : i32
    %sign3A_1113 = arith.extui %sign3A_1112 : i1 to i32
    %sign3A_1114 = arith.constant 0 : i32
    %sign3A_1115 = arith.cmpi slt, %select_n3A_1092, %sign3A_1114 : i32
    %sign3A_1116 = arith.extui %sign3A_1115 : i1 to i32
    %sign3A_1117 = arith.subi %sign3A_1113, %sign3A_1116 : i32
    %sign3A_1118 = arith.constant 0 : i32
    %sign3A_1119 = arith.cmpi sgt, %jit3A_1109, %sign3A_1118 : i32
    %sign3A_1120 = arith.extui %sign3A_1119 : i1 to i32
    %sign3A_1121 = arith.constant 0 : i32
    %sign3A_1122 = arith.cmpi slt, %jit3A_1109, %sign3A_1121 : i32
    %sign3A_1123 = arith.extui %sign3A_1122 : i1 to i32
    %sign3A_1124 = arith.subi %sign3A_1120, %sign3A_1123 : i32
    %ne3A_1125 = arith.cmpi ne, %sign3A_1117, %sign3A_1124 : i32
    %rem3A_1126 = arith.remsi %select_n3A_1092, %jit3A_1109 : i32
    %ne3A_1127 = arith.constant 0 : i32
    %ne3A_1128 = arith.cmpi ne, %rem3A_1126, %ne3A_1127 : i32
    %and3A_1129 = arith.andi %ne3A_1125, %ne3A_1128 : i1
    %sub3A_1130 = arith.constant 1 : i32
    %sub3A_1131 = arith.subi %div3A_1110, %sub3A_1130 : i32
    %select_n3A_1132 = arith.select %and3A_1129, %sub3A_1131, %div3A_1110 : i32
    %jit3A_1133 = arith.constant 8 : i32
    %eq3A_1134 = arith.constant 0 : i32
    %eq3A_1135 = arith.cmpi eq, %jit3A_1133, %eq3A_1134 : i32
    %jit3A_1136 = arith.constant 1 : i32
    %select_n3A_1137 = arith.select %eq3A_1135, %jit3A_1136, %jit3A_1133 : i32
    %rem3A_1138 = arith.remsi %select_n3A_1092, %select_n3A_1137 : i32
    %ne3A_1139 = arith.constant 0 : i32
    %ne3A_1140 = arith.cmpi ne, %rem3A_1138, %ne3A_1139 : i32
    %lt3A_1141 = arith.constant 0 : i32
    %lt3A_1142 = arith.cmpi slt, %rem3A_1138, %lt3A_1141 : i32
    %lt3A_1143 = arith.constant 0 : i32
    %lt3A_1144 = arith.cmpi slt, %select_n3A_1137, %lt3A_1143 : i32
    %ne3A_1145 = arith.xori %lt3A_1142, %lt3A_1144 : i1
    %and3A_1146 = arith.andi %ne3A_1145, %ne3A_1140 : i1
    %add3A_1147 = arith.addi %rem3A_1138, %select_n3A_1137 : i32
    %select_n3A_1148 = arith.select %and3A_1146, %add3A_1147, %rem3A_1138 : i32
    %dma_wait3A_1149 = arith.constant 0 : i32
    %dma_wait3A_1150 = tpu.memref_slice %arg2[%select_n3A_1132, %select_n3A_1108, %select_n3A_1148, %dma_wait3A_1149] : memref<25x128x8x128xi32, #tpu.memory_space<hbm>> -> memref<1x1x1x128xi32, #tpu.memory_space<hbm>>
    %dma_wait3A_1151 = tpu.memref_squeeze %dma_wait3A_1150 : memref<1x1x1x128xi32, #tpu.memory_space<hbm>> -> memref<128xi32, #tpu.memory_space<hbm>>
    %dma_wait3A_1152 = arith.constant 0 : i32
    %dma_wait3A_1153 = tpu.memref_slice %arg2[%select_n3A_1132, %select_n3A_1108, %select_n3A_1148, %dma_wait3A_1152] : memref<25x128x8x128xi32, #tpu.memory_space<hbm>> -> memref<1x1x1x128xi32, #tpu.memory_space<hbm>>
    %dma_wait3A_1154 = tpu.memref_squeeze %dma_wait3A_1153 : memref<1x1x1x128xi32, #tpu.memory_space<hbm>> -> memref<128xi32, #tpu.memory_space<hbm>>
    tpu.wait_dma2 semaphore(%arg12 : memref<!tpu.dma_semaphore, #tpu.memory_space<semaphore_mem>>) src(%dma_wait3A_1154 : memref<128xi32, #tpu.memory_space<hbm>>) dst(%arg6 : memref<128xi32, #tpu.memory_space<vmem>>)
    %dma_start3A_1155 = arith.constant 0 : i32
    %dma_start3A_1156 = arith.constant 0 : i32
    %dma_start3A_1157 = tpu.memref_slice %arg3[%dma_start3A_1155, %dma_start3A_1156] : memref<1000000x32xf32, #tpu.memory_space<hbm>> -> memref<1000000x32xf32, #tpu.memory_space<hbm>>
    tpu.enqueue_indirect_dma source(%dma_start3A_1157 : memref<1000000x32xf32, #tpu.memory_space<hbm>>) target(%arg8 : memref<128x32xf32, #tpu.memory_space<vmem>>) offsets(%arg6 : memref<128xi32, #tpu.memory_space<vmem>>) semaphore(%arg14 : memref<!tpu.dma_semaphore, #tpu.memory_space<semaphore_mem>>)
    %add3A_1158 = arith.constant 796 : i32
    %add3A_1159 = arith.addi %mul3A_2, %add3A_1158 : i32
    %jit3A_1160 = arith.constant 128 : i32
    %div3A_1161 = arith.divsi %add3A_1159, %jit3A_1160 : i32
    %sign3A_1162 = arith.constant 0 : i32
    %sign3A_1163 = arith.cmpi sgt, %add3A_1159, %sign3A_1162 : i32
    %sign3A_1164 = arith.extui %sign3A_1163 : i1 to i32
    %sign3A_1165 = arith.constant 0 : i32
    %sign3A_1166 = arith.cmpi slt, %add3A_1159, %sign3A_1165 : i32
    %sign3A_1167 = arith.extui %sign3A_1166 : i1 to i32
    %sign3A_1168 = arith.subi %sign3A_1164, %sign3A_1167 : i32
    %sign3A_1169 = arith.constant 0 : i32
    %sign3A_1170 = arith.cmpi sgt, %jit3A_1160, %sign3A_1169 : i32
    %sign3A_1171 = arith.extui %sign3A_1170 : i1 to i32
    %sign3A_1172 = arith.constant 0 : i32
    %sign3A_1173 = arith.cmpi slt, %jit3A_1160, %sign3A_1172 : i32
    %sign3A_1174 = arith.extui %sign3A_1173 : i1 to i32
    %sign3A_1175 = arith.subi %sign3A_1171, %sign3A_1174 : i32
    %ne3A_1176 = arith.cmpi ne, %sign3A_1168, %sign3A_1175 : i32
    %rem3A_1177 = arith.remsi %add3A_1159, %jit3A_1160 : i32
    %ne3A_1178 = arith.constant 0 : i32
    %ne3A_1179 = arith.cmpi ne, %rem3A_1177, %ne3A_1178 : i32
    %and3A_1180 = arith.andi %ne3A_1176, %ne3A_1179 : i1
    %sub3A_1181 = arith.constant 1 : i32
    %sub3A_1182 = arith.subi %div3A_1161, %sub3A_1181 : i32
    %select_n3A_1183 = arith.select %and3A_1180, %sub3A_1182, %div3A_1161 : i32
    %jit3A_1184 = arith.constant 128 : i32
    %eq3A_1185 = arith.constant 0 : i32
    %eq3A_1186 = arith.cmpi eq, %jit3A_1184, %eq3A_1185 : i32
    %jit3A_1187 = arith.constant 1 : i32
    %select_n3A_1188 = arith.select %eq3A_1186, %jit3A_1187, %jit3A_1184 : i32
    %rem3A_1189 = arith.remsi %add3A_1159, %select_n3A_1188 : i32
    %ne3A_1190 = arith.constant 0 : i32
    %ne3A_1191 = arith.cmpi ne, %rem3A_1189, %ne3A_1190 : i32
    %lt3A_1192 = arith.constant 0 : i32
    %lt3A_1193 = arith.cmpi slt, %rem3A_1189, %lt3A_1192 : i32
    %lt3A_1194 = arith.constant 0 : i32
    %lt3A_1195 = arith.cmpi slt, %select_n3A_1188, %lt3A_1194 : i32
    %ne3A_1196 = arith.xori %lt3A_1193, %lt3A_1195 : i1
    %and3A_1197 = arith.andi %ne3A_1196, %ne3A_1191 : i1
    %add3A_1198 = arith.addi %rem3A_1189, %select_n3A_1188 : i32
    %select_n3A_1199 = arith.select %and3A_1197, %add3A_1198, %rem3A_1189 : i32
    %dma_wait3A_1200 = arith.constant 0 : i32
    %dma_wait3A_1201 = arith.constant 0 : i32
    %dma_wait3A_1202 = tpu.memref_slice %arg9[%dma_wait3A_1201] : memref<4096xf32, #tpu.memory_space<vmem>> -> memref<1024xf32, #tpu.memory_space<vmem>>
    %dma_wait3A_1203 = arith.constant 0 : i32
    %dma_wait3A_1204 = tpu.memref_slice %arg4[%select_n3A_1183, %dma_wait3A_1200, %select_n3A_1199, %dma_wait3A_1203] : memref<200x4x128x1024xf32, #tpu.memory_space<hbm>> -> memref<1x1x1x1024xf32, #tpu.memory_space<hbm>>
    %dma_wait3A_1205 = tpu.memref_squeeze %dma_wait3A_1204 : memref<1x1x1x1024xf32, #tpu.memory_space<hbm>> -> memref<1024xf32, #tpu.memory_space<hbm>>
    %dma_wait3A_1206 = arith.constant 0 : i32
    %dma_wait3A_1207 = tpu.memref_slice %arg4[%select_n3A_1183, %dma_wait3A_1200, %select_n3A_1199, %dma_wait3A_1206] : memref<200x4x128x1024xf32, #tpu.memory_space<hbm>> -> memref<1x1x1x1024xf32, #tpu.memory_space<hbm>>
    %dma_wait3A_1208 = tpu.memref_squeeze %dma_wait3A_1207 : memref<1x1x1x1024xf32, #tpu.memory_space<hbm>> -> memref<1024xf32, #tpu.memory_space<hbm>>
    %dma_wait3A_1209 = arith.constant 0 : i32
    %dma_wait3A_1210 = tpu.memref_slice %arg9[%dma_wait3A_1209] : memref<4096xf32, #tpu.memory_space<vmem>> -> memref<1024xf32, #tpu.memory_space<vmem>>
    tpu.wait_dma2 semaphore(%arg15 : memref<!tpu.dma_semaphore, #tpu.memory_space<semaphore_mem>>) src(%dma_wait3A_1210 : memref<1024xf32, #tpu.memory_space<vmem>>) dst(%dma_wait3A_1208 : memref<1024xf32, #tpu.memory_space<hbm>>)
    %add3A_1211 = arith.constant 796 : i32
    %add3A_1212 = arith.addi %mul3A_2, %add3A_1211 : i32
    %jit3A_1213 = arith.constant 128 : i32
    %div3A_1214 = arith.divsi %add3A_1212, %jit3A_1213 : i32
    %sign3A_1215 = arith.constant 0 : i32
    %sign3A_1216 = arith.cmpi sgt, %add3A_1212, %sign3A_1215 : i32
    %sign3A_1217 = arith.extui %sign3A_1216 : i1 to i32
    %sign3A_1218 = arith.constant 0 : i32
    %sign3A_1219 = arith.cmpi slt, %add3A_1212, %sign3A_1218 : i32
    %sign3A_1220 = arith.extui %sign3A_1219 : i1 to i32
    %sign3A_1221 = arith.subi %sign3A_1217, %sign3A_1220 : i32
    %sign3A_1222 = arith.constant 0 : i32
    %sign3A_1223 = arith.cmpi sgt, %jit3A_1213, %sign3A_1222 : i32
    %sign3A_1224 = arith.extui %sign3A_1223 : i1 to i32
    %sign3A_1225 = arith.constant 0 : i32
    %sign3A_1226 = arith.cmpi slt, %jit3A_1213, %sign3A_1225 : i32
    %sign3A_1227 = arith.extui %sign3A_1226 : i1 to i32
    %sign3A_1228 = arith.subi %sign3A_1224, %sign3A_1227 : i32
    %ne3A_1229 = arith.cmpi ne, %sign3A_1221, %sign3A_1228 : i32
    %rem3A_1230 = arith.remsi %add3A_1212, %jit3A_1213 : i32
    %ne3A_1231 = arith.constant 0 : i32
    %ne3A_1232 = arith.cmpi ne, %rem3A_1230, %ne3A_1231 : i32
    %and3A_1233 = arith.andi %ne3A_1229, %ne3A_1232 : i1
    %sub3A_1234 = arith.constant 1 : i32
    %sub3A_1235 = arith.subi %div3A_1214, %sub3A_1234 : i32
    %select_n3A_1236 = arith.select %and3A_1233, %sub3A_1235, %div3A_1214 : i32
    %jit3A_1237 = arith.constant 128 : i32
    %eq3A_1238 = arith.constant 0 : i32
    %eq3A_1239 = arith.cmpi eq, %jit3A_1237, %eq3A_1238 : i32
    %jit3A_1240 = arith.constant 1 : i32
    %select_n3A_1241 = arith.select %eq3A_1239, %jit3A_1240, %jit3A_1237 : i32
    %rem3A_1242 = arith.remsi %add3A_1212, %select_n3A_1241 : i32
    %ne3A_1243 = arith.constant 0 : i32
    %ne3A_1244 = arith.cmpi ne, %rem3A_1242, %ne3A_1243 : i32
    %lt3A_1245 = arith.constant 0 : i32
    %lt3A_1246 = arith.cmpi slt, %rem3A_1242, %lt3A_1245 : i32
    %lt3A_1247 = arith.constant 0 : i32
    %lt3A_1248 = arith.cmpi slt, %select_n3A_1241, %lt3A_1247 : i32
    %ne3A_1249 = arith.xori %lt3A_1246, %lt3A_1248 : i1
    %and3A_1250 = arith.andi %ne3A_1249, %ne3A_1244 : i1
    %add3A_1251 = arith.addi %rem3A_1242, %select_n3A_1241 : i32
    %select_n3A_1252 = arith.select %and3A_1250, %add3A_1251, %rem3A_1242 : i32
    %dma_wait3A_1253 = arith.constant 1 : i32
    %dma_wait3A_1254 = arith.constant 1024 : i32
    %dma_wait3A_1255 = tpu.memref_slice %arg9[%dma_wait3A_1254] : memref<4096xf32, #tpu.memory_space<vmem>> -> memref<1024xf32, #tpu.memory_space<vmem>>
    %dma_wait3A_1256 = arith.constant 0 : i32
    %dma_wait3A_1257 = tpu.memref_slice %arg4[%select_n3A_1236, %dma_wait3A_1253, %select_n3A_1252, %dma_wait3A_1256] : memref<200x4x128x1024xf32, #tpu.memory_space<hbm>> -> memref<1x1x1x1024xf32, #tpu.memory_space<hbm>>
    %dma_wait3A_1258 = tpu.memref_squeeze %dma_wait3A_1257 : memref<1x1x1x1024xf32, #tpu.memory_space<hbm>> -> memref<1024xf32, #tpu.memory_space<hbm>>
    %dma_wait3A_1259 = arith.constant 0 : i32
    %dma_wait3A_1260 = tpu.memref_slice %arg4[%select_n3A_1236, %dma_wait3A_1253, %select_n3A_1252, %dma_wait3A_1259] : memref<200x4x128x1024xf32, #tpu.memory_space<hbm>> -> memref<1x1x1x1024xf32, #tpu.memory_space<hbm>>
    %dma_wait3A_1261 = tpu.memref_squeeze %dma_wait3A_1260 : memref<1x1x1x1024xf32, #tpu.memory_space<hbm>> -> memref<1024xf32, #tpu.memory_space<hbm>>
    %dma_wait3A_1262 = arith.constant 1024 : i32
    %dma_wait3A_1263 = tpu.memref_slice %arg9[%dma_wait3A_1262] : memref<4096xf32, #tpu.memory_space<vmem>> -> memref<1024xf32, #tpu.memory_space<vmem>>
    tpu.wait_dma2 semaphore(%arg15 : memref<!tpu.dma_semaphore, #tpu.memory_space<semaphore_mem>>) src(%dma_wait3A_1263 : memref<1024xf32, #tpu.memory_space<vmem>>) dst(%dma_wait3A_1261 : memref<1024xf32, #tpu.memory_space<hbm>>)
    %add3A_1264 = arith.constant 796 : i32
    %add3A_1265 = arith.addi %mul3A_2, %add3A_1264 : i32
    %jit3A_1266 = arith.constant 128 : i32
    %div3A_1267 = arith.divsi %add3A_1265, %jit3A_1266 : i32
    %sign3A_1268 = arith.constant 0 : i32
    %sign3A_1269 = arith.cmpi sgt, %add3A_1265, %sign3A_1268 : i32
    %sign3A_1270 = arith.extui %sign3A_1269 : i1 to i32
    %sign3A_1271 = arith.constant 0 : i32
    %sign3A_1272 = arith.cmpi slt, %add3A_1265, %sign3A_1271 : i32
    %sign3A_1273 = arith.extui %sign3A_1272 : i1 to i32
    %sign3A_1274 = arith.subi %sign3A_1270, %sign3A_1273 : i32
    %sign3A_1275 = arith.constant 0 : i32
    %sign3A_1276 = arith.cmpi sgt, %jit3A_1266, %sign3A_1275 : i32
    %sign3A_1277 = arith.extui %sign3A_1276 : i1 to i32
    %sign3A_1278 = arith.constant 0 : i32
    %sign3A_1279 = arith.cmpi slt, %jit3A_1266, %sign3A_1278 : i32
    %sign3A_1280 = arith.extui %sign3A_1279 : i1 to i32
    %sign3A_1281 = arith.subi %sign3A_1277, %sign3A_1280 : i32
    %ne3A_1282 = arith.cmpi ne, %sign3A_1274, %sign3A_1281 : i32
    %rem3A_1283 = arith.remsi %add3A_1265, %jit3A_1266 : i32
    %ne3A_1284 = arith.constant 0 : i32
    %ne3A_1285 = arith.cmpi ne, %rem3A_1283, %ne3A_1284 : i32
    %and3A_1286 = arith.andi %ne3A_1282, %ne3A_1285 : i1
    %sub3A_1287 = arith.constant 1 : i32
    %sub3A_1288 = arith.subi %div3A_1267, %sub3A_1287 : i32
    %select_n3A_1289 = arith.select %and3A_1286, %sub3A_1288, %div3A_1267 : i32
    %jit3A_1290 = arith.constant 128 : i32
    %eq3A_1291 = arith.constant 0 : i32
    %eq3A_1292 = arith.cmpi eq, %jit3A_1290, %eq3A_1291 : i32
    %jit3A_1293 = arith.constant 1 : i32
    %select_n3A_1294 = arith.select %eq3A_1292, %jit3A_1293, %jit3A_1290 : i32
    %rem3A_1295 = arith.remsi %add3A_1265, %select_n3A_1294 : i32
    %ne3A_1296 = arith.constant 0 : i32
    %ne3A_1297 = arith.cmpi ne, %rem3A_1295, %ne3A_1296 : i32
    %lt3A_1298 = arith.constant 0 : i32
    %lt3A_1299 = arith.cmpi slt, %rem3A_1295, %lt3A_1298 : i32
    %lt3A_1300 = arith.constant 0 : i32
    %lt3A_1301 = arith.cmpi slt, %select_n3A_1294, %lt3A_1300 : i32
    %ne3A_1302 = arith.xori %lt3A_1299, %lt3A_1301 : i1
    %and3A_1303 = arith.andi %ne3A_1302, %ne3A_1297 : i1
    %add3A_1304 = arith.addi %rem3A_1295, %select_n3A_1294 : i32
    %select_n3A_1305 = arith.select %and3A_1303, %add3A_1304, %rem3A_1295 : i32
    %dma_wait3A_1306 = arith.constant 2 : i32
    %dma_wait3A_1307 = arith.constant 2048 : i32
    %dma_wait3A_1308 = tpu.memref_slice %arg9[%dma_wait3A_1307] : memref<4096xf32, #tpu.memory_space<vmem>> -> memref<1024xf32, #tpu.memory_space<vmem>>
    %dma_wait3A_1309 = arith.constant 0 : i32
    %dma_wait3A_1310 = tpu.memref_slice %arg4[%select_n3A_1289, %dma_wait3A_1306, %select_n3A_1305, %dma_wait3A_1309] : memref<200x4x128x1024xf32, #tpu.memory_space<hbm>> -> memref<1x1x1x1024xf32, #tpu.memory_space<hbm>>
    %dma_wait3A_1311 = tpu.memref_squeeze %dma_wait3A_1310 : memref<1x1x1x1024xf32, #tpu.memory_space<hbm>> -> memref<1024xf32, #tpu.memory_space<hbm>>
    %dma_wait3A_1312 = arith.constant 0 : i32
    %dma_wait3A_1313 = tpu.memref_slice %arg4[%select_n3A_1289, %dma_wait3A_1306, %select_n3A_1305, %dma_wait3A_1312] : memref<200x4x128x1024xf32, #tpu.memory_space<hbm>> -> memref<1x1x1x1024xf32, #tpu.memory_space<hbm>>
    %dma_wait3A_1314 = tpu.memref_squeeze %dma_wait3A_1313 : memref<1x1x1x1024xf32, #tpu.memory_space<hbm>> -> memref<1024xf32, #tpu.memory_space<hbm>>
    %dma_wait3A_1315 = arith.constant 2048 : i32
    %dma_wait3A_1316 = tpu.memref_slice %arg9[%dma_wait3A_1315] : memref<4096xf32, #tpu.memory_space<vmem>> -> memref<1024xf32, #tpu.memory_space<vmem>>
    tpu.wait_dma2 semaphore(%arg15 : memref<!tpu.dma_semaphore, #tpu.memory_space<semaphore_mem>>) src(%dma_wait3A_1316 : memref<1024xf32, #tpu.memory_space<vmem>>) dst(%dma_wait3A_1314 : memref<1024xf32, #tpu.memory_space<hbm>>)
    %add3A_1317 = arith.constant 796 : i32
    %add3A_1318 = arith.addi %mul3A_2, %add3A_1317 : i32
    %jit3A_1319 = arith.constant 128 : i32
    %div3A_1320 = arith.divsi %add3A_1318, %jit3A_1319 : i32
    %sign3A_1321 = arith.constant 0 : i32
    %sign3A_1322 = arith.cmpi sgt, %add3A_1318, %sign3A_1321 : i32
    %sign3A_1323 = arith.extui %sign3A_1322 : i1 to i32
    %sign3A_1324 = arith.constant 0 : i32
    %sign3A_1325 = arith.cmpi slt, %add3A_1318, %sign3A_1324 : i32
    %sign3A_1326 = arith.extui %sign3A_1325 : i1 to i32
    %sign3A_1327 = arith.subi %sign3A_1323, %sign3A_1326 : i32
    %sign3A_1328 = arith.constant 0 : i32
    %sign3A_1329 = arith.cmpi sgt, %jit3A_1319, %sign3A_1328 : i32
    %sign3A_1330 = arith.extui %sign3A_1329 : i1 to i32
    %sign3A_1331 = arith.constant 0 : i32
    %sign3A_1332 = arith.cmpi slt, %jit3A_1319, %sign3A_1331 : i32
    %sign3A_1333 = arith.extui %sign3A_1332 : i1 to i32
    %sign3A_1334 = arith.subi %sign3A_1330, %sign3A_1333 : i32
    %ne3A_1335 = arith.cmpi ne, %sign3A_1327, %sign3A_1334 : i32
    %rem3A_1336 = arith.remsi %add3A_1318, %jit3A_1319 : i32
    %ne3A_1337 = arith.constant 0 : i32
    %ne3A_1338 = arith.cmpi ne, %rem3A_1336, %ne3A_1337 : i32
    %and3A_1339 = arith.andi %ne3A_1335, %ne3A_1338 : i1
    %sub3A_1340 = arith.constant 1 : i32
    %sub3A_1341 = arith.subi %div3A_1320, %sub3A_1340 : i32
    %select_n3A_1342 = arith.select %and3A_1339, %sub3A_1341, %div3A_1320 : i32
    %jit3A_1343 = arith.constant 128 : i32
    %eq3A_1344 = arith.constant 0 : i32
    %eq3A_1345 = arith.cmpi eq, %jit3A_1343, %eq3A_1344 : i32
    %jit3A_1346 = arith.constant 1 : i32
    %select_n3A_1347 = arith.select %eq3A_1345, %jit3A_1346, %jit3A_1343 : i32
    %rem3A_1348 = arith.remsi %add3A_1318, %select_n3A_1347 : i32
    %ne3A_1349 = arith.constant 0 : i32
    %ne3A_1350 = arith.cmpi ne, %rem3A_1348, %ne3A_1349 : i32
    %lt3A_1351 = arith.constant 0 : i32
    %lt3A_1352 = arith.cmpi slt, %rem3A_1348, %lt3A_1351 : i32
    %lt3A_1353 = arith.constant 0 : i32
    %lt3A_1354 = arith.cmpi slt, %select_n3A_1347, %lt3A_1353 : i32
    %ne3A_1355 = arith.xori %lt3A_1352, %lt3A_1354 : i1
    %and3A_1356 = arith.andi %ne3A_1355, %ne3A_1350 : i1
    %add3A_1357 = arith.addi %rem3A_1348, %select_n3A_1347 : i32
    %select_n3A_1358 = arith.select %and3A_1356, %add3A_1357, %rem3A_1348 : i32
    %dma_wait3A_1359 = arith.constant 3 : i32
    %dma_wait3A_1360 = arith.constant 3072 : i32
    %dma_wait3A_1361 = tpu.memref_slice %arg9[%dma_wait3A_1360] : memref<4096xf32, #tpu.memory_space<vmem>> -> memref<1024xf32, #tpu.memory_space<vmem>>
    %dma_wait3A_1362 = arith.constant 0 : i32
    %dma_wait3A_1363 = tpu.memref_slice %arg4[%select_n3A_1342, %dma_wait3A_1359, %select_n3A_1358, %dma_wait3A_1362] : memref<200x4x128x1024xf32, #tpu.memory_space<hbm>> -> memref<1x1x1x1024xf32, #tpu.memory_space<hbm>>
    %dma_wait3A_1364 = tpu.memref_squeeze %dma_wait3A_1363 : memref<1x1x1x1024xf32, #tpu.memory_space<hbm>> -> memref<1024xf32, #tpu.memory_space<hbm>>
    %dma_wait3A_1365 = arith.constant 0 : i32
    %dma_wait3A_1366 = tpu.memref_slice %arg4[%select_n3A_1342, %dma_wait3A_1359, %select_n3A_1358, %dma_wait3A_1365] : memref<200x4x128x1024xf32, #tpu.memory_space<hbm>> -> memref<1x1x1x1024xf32, #tpu.memory_space<hbm>>
    %dma_wait3A_1367 = tpu.memref_squeeze %dma_wait3A_1366 : memref<1x1x1x1024xf32, #tpu.memory_space<hbm>> -> memref<1024xf32, #tpu.memory_space<hbm>>
    %dma_wait3A_1368 = arith.constant 3072 : i32
    %dma_wait3A_1369 = tpu.memref_slice %arg9[%dma_wait3A_1368] : memref<4096xf32, #tpu.memory_space<vmem>> -> memref<1024xf32, #tpu.memory_space<vmem>>
    tpu.wait_dma2 semaphore(%arg15 : memref<!tpu.dma_semaphore, #tpu.memory_space<semaphore_mem>>) src(%dma_wait3A_1369 : memref<1024xf32, #tpu.memory_space<vmem>>) dst(%dma_wait3A_1367 : memref<1024xf32, #tpu.memory_space<hbm>>)
    %parallel_loop3A_1370 = arith.constant 0 : i32
    %parallel_loop3A_1371 = arith.constant 32 : i32
    %parallel_loop3A_1372 = arith.constant 1 : i32
    scf.for %parallel_loop3A_2439 = %parallel_loop3A_1370 to %parallel_loop3A_1371 step %parallel_loop3A_1372  : i32 {
      %parallel_loop3A_2440 = arith.constant 4 : i32
      %parallel_loop3A_2441 = arith.muli %parallel_loop3A_2439, %parallel_loop3A_2440 : i32
      %parallel_loop3A_2442 = arith.constant 0 : i32
      %parallel_loop3A_2443 = arith.addi %parallel_loop3A_2441, %parallel_loop3A_2442 : i32
      %parallel_loop3A_2444 = vector.broadcast %parallel_loop3A_2443 : i32 to vector<16xi32>
      %parallel_loop3A_2445 = arith.addi %mul3A_5, %parallel_loop3A_2444 : vector<16xi32>
      %parallel_loop3A_2446 = arith.index_cast %parallel_loop3A_2443 : i32 to index
      %parallel_loop3A_2447 = arith.constant 0 : index
      %parallel_loop3A_2448 = tpu.vector_load %arg7[%parallel_loop3A_2446, %parallel_loop3A_2447] {strides = array<i32>} : memref<128x32xf32, #tpu.memory_space<vmem>>, vector<16xf32>,
      tpu.vector_store_idx %arg9[%parallel_loop3A_2445], %parallel_loop3A_2448 : memref<4096xf32, #tpu.memory_space<vmem>>[vector<16xi32>], vector<16xf32>,
      %parallel_loop3A_2449 = vector.broadcast %parallel_loop3A_2443 : i32 to vector<16xi32>
      %parallel_loop3A_2450 = arith.addi %mul3A_11, %parallel_loop3A_2449 : vector<16xi32>
      %parallel_loop3A_2451 = arith.index_cast %parallel_loop3A_2443 : i32 to index
      %parallel_loop3A_2452 = arith.constant 16 : index
      %parallel_loop3A_2453 = tpu.vector_load %arg7[%parallel_loop3A_2451, %parallel_loop3A_2452] {strides = array<i32>} : memref<128x32xf32, #tpu.memory_space<vmem>>, vector<16xf32>,
      tpu.vector_store_idx %arg9[%parallel_loop3A_2450], %parallel_loop3A_2453 : memref<4096xf32, #tpu.memory_space<vmem>>[vector<16xi32>], vector<16xf32>,
      %parallel_loop3A_2454 = arith.constant 4 : i32
      %parallel_loop3A_2455 = arith.muli %parallel_loop3A_2439, %parallel_loop3A_2454 : i32
      %parallel_loop3A_2456 = arith.constant 1 : i32
      %parallel_loop3A_2457 = arith.addi %parallel_loop3A_2455, %parallel_loop3A_2456 : i32
      %parallel_loop3A_2458 = vector.broadcast %parallel_loop3A_2457 : i32 to vector<16xi32>
      %parallel_loop3A_2459 = arith.addi %mul3A_5, %parallel_loop3A_2458 : vector<16xi32>
      %parallel_loop3A_2460 = arith.index_cast %parallel_loop3A_2457 : i32 to index
      %parallel_loop3A_2461 = arith.constant 0 : index
      %parallel_loop3A_2462 = tpu.vector_load %arg7[%parallel_loop3A_2460, %parallel_loop3A_2461] {strides = array<i32>} : memref<128x32xf32, #tpu.memory_space<vmem>>, vector<16xf32>,
      tpu.vector_store_idx %arg9[%parallel_loop3A_2459], %parallel_loop3A_2462 : memref<4096xf32, #tpu.memory_space<vmem>>[vector<16xi32>], vector<16xf32>,
      %parallel_loop3A_2463 = vector.broadcast %parallel_loop3A_2457 : i32 to vector<16xi32>
      %parallel_loop3A_2464 = arith.addi %mul3A_11, %parallel_loop3A_2463 : vector<16xi32>
      %parallel_loop3A_2465 = arith.index_cast %parallel_loop3A_2457 : i32 to index
      %parallel_loop3A_2466 = arith.constant 16 : index
      %parallel_loop3A_2467 = tpu.vector_load %arg7[%parallel_loop3A_2465, %parallel_loop3A_2466] {strides = array<i32>} : memref<128x32xf32, #tpu.memory_space<vmem>>, vector<16xf32>,
      tpu.vector_store_idx %arg9[%parallel_loop3A_2464], %parallel_loop3A_2467 : memref<4096xf32, #tpu.memory_space<vmem>>[vector<16xi32>], vector<16xf32>,
      %parallel_loop3A_2468 = arith.constant 4 : i32
      %parallel_loop3A_2469 = arith.muli %parallel_loop3A_2439, %parallel_loop3A_2468 : i32
      %parallel_loop3A_2470 = arith.constant 2 : i32
      %parallel_loop3A_2471 = arith.addi %parallel_loop3A_2469, %parallel_loop3A_2470 : i32
      %parallel_loop3A_2472 = vector.broadcast %parallel_loop3A_2471 : i32 to vector<16xi32>
      %parallel_loop3A_2473 = arith.addi %mul3A_5, %parallel_loop3A_2472 : vector<16xi32>
      %parallel_loop3A_2474 = arith.index_cast %parallel_loop3A_2471 : i32 to index
      %parallel_loop3A_2475 = arith.constant 0 : index
      %parallel_loop3A_2476 = tpu.vector_load %arg7[%parallel_loop3A_2474, %parallel_loop3A_2475] {strides = array<i32>} : memref<128x32xf32, #tpu.memory_space<vmem>>, vector<16xf32>,
      tpu.vector_store_idx %arg9[%parallel_loop3A_2473], %parallel_loop3A_2476 : memref<4096xf32, #tpu.memory_space<vmem>>[vector<16xi32>], vector<16xf32>,
      %parallel_loop3A_2477 = vector.broadcast %parallel_loop3A_2471 : i32 to vector<16xi32>
      %parallel_loop3A_2478 = arith.addi %mul3A_11, %parallel_loop3A_2477 : vector<16xi32>
      %parallel_loop3A_2479 = arith.index_cast %parallel_loop3A_2471 : i32 to index
      %parallel_loop3A_2480 = arith.constant 16 : index
      %parallel_loop3A_2481 = tpu.vector_load %arg7[%parallel_loop3A_2479, %parallel_loop3A_2480] {strides = array<i32>} : memref<128x32xf32, #tpu.memory_space<vmem>>, vector<16xf32>,
      tpu.vector_store_idx %arg9[%parallel_loop3A_2478], %parallel_loop3A_2481 : memref<4096xf32, #tpu.memory_space<vmem>>[vector<16xi32>], vector<16xf32>,
      %parallel_loop3A_2482 = arith.constant 4 : i32
      %parallel_loop3A_2483 = arith.muli %parallel_loop3A_2439, %parallel_loop3A_2482 : i32
      %parallel_loop3A_2484 = arith.constant 3 : i32
      %parallel_loop3A_2485 = arith.addi %parallel_loop3A_2483, %parallel_loop3A_2484 : i32
      %parallel_loop3A_2486 = vector.broadcast %parallel_loop3A_2485 : i32 to vector<16xi32>
      %parallel_loop3A_2487 = arith.addi %mul3A_5, %parallel_loop3A_2486 : vector<16xi32>
      %parallel_loop3A_2488 = arith.index_cast %parallel_loop3A_2485 : i32 to index
      %parallel_loop3A_2489 = arith.constant 0 : index
      %parallel_loop3A_2490 = tpu.vector_load %arg7[%parallel_loop3A_2488, %parallel_loop3A_2489] {strides = array<i32>} : memref<128x32xf32, #tpu.memory_space<vmem>>, vector<16xf32>,
      tpu.vector_store_idx %arg9[%parallel_loop3A_2487], %parallel_loop3A_2490 : memref<4096xf32, #tpu.memory_space<vmem>>[vector<16xi32>], vector<16xf32>,
      %parallel_loop3A_2491 = vector.broadcast %parallel_loop3A_2485 : i32 to vector<16xi32>
      %parallel_loop3A_2492 = arith.addi %mul3A_11, %parallel_loop3A_2491 : vector<16xi32>
      %parallel_loop3A_2493 = arith.index_cast %parallel_loop3A_2485 : i32 to index
      %parallel_loop3A_2494 = arith.constant 16 : index
      %parallel_loop3A_2495 = tpu.vector_load %arg7[%parallel_loop3A_2493, %parallel_loop3A_2494] {strides = array<i32>} : memref<128x32xf32, #tpu.memory_space<vmem>>, vector<16xf32>,
      tpu.vector_store_idx %arg9[%parallel_loop3A_2492], %parallel_loop3A_2495 : memref<4096xf32, #tpu.memory_space<vmem>>[vector<16xi32>], vector<16xf32>,
    } {sc.loop_unroll_factor = 1 : i64, sc.parallel_access}
    %add3A_1373 = arith.constant 798 : i32
    %add3A_1374 = arith.addi %mul3A_2, %add3A_1373 : i32
    %jit3A_1375 = arith.constant 128 : i32
    %div3A_1376 = arith.divsi %add3A_1374, %jit3A_1375 : i32
    %sign3A_1377 = arith.constant 0 : i32
    %sign3A_1378 = arith.cmpi sgt, %add3A_1374, %sign3A_1377 : i32
    %sign3A_1379 = arith.extui %sign3A_1378 : i1 to i32
    %sign3A_1380 = arith.constant 0 : i32
    %sign3A_1381 = arith.cmpi slt, %add3A_1374, %sign3A_1380 : i32
    %sign3A_1382 = arith.extui %sign3A_1381 : i1 to i32
    %sign3A_1383 = arith.subi %sign3A_1379, %sign3A_1382 : i32
    %sign3A_1384 = arith.constant 0 : i32
    %sign3A_1385 = arith.cmpi sgt, %jit3A_1375, %sign3A_1384 : i32
    %sign3A_1386 = arith.extui %sign3A_1385 : i1 to i32
    %sign3A_1387 = arith.constant 0 : i32
    %sign3A_1388 = arith.cmpi slt, %jit3A_1375, %sign3A_1387 : i32
    %sign3A_1389 = arith.extui %sign3A_1388 : i1 to i32
    %sign3A_1390 = arith.subi %sign3A_1386, %sign3A_1389 : i32
    %ne3A_1391 = arith.cmpi ne, %sign3A_1383, %sign3A_1390 : i32
    %rem3A_1392 = arith.remsi %add3A_1374, %jit3A_1375 : i32
    %ne3A_1393 = arith.constant 0 : i32
    %ne3A_1394 = arith.cmpi ne, %rem3A_1392, %ne3A_1393 : i32
    %and3A_1395 = arith.andi %ne3A_1391, %ne3A_1394 : i1
    %sub3A_1396 = arith.constant 1 : i32
    %sub3A_1397 = arith.subi %div3A_1376, %sub3A_1396 : i32
    %select_n3A_1398 = arith.select %and3A_1395, %sub3A_1397, %div3A_1376 : i32
    %jit3A_1399 = arith.constant 128 : i32
    %eq3A_1400 = arith.constant 0 : i32
    %eq3A_1401 = arith.cmpi eq, %jit3A_1399, %eq3A_1400 : i32
    %jit3A_1402 = arith.constant 1 : i32
    %select_n3A_1403 = arith.select %eq3A_1401, %jit3A_1402, %jit3A_1399 : i32
    %rem3A_1404 = arith.remsi %add3A_1374, %select_n3A_1403 : i32
    %ne3A_1405 = arith.constant 0 : i32
    %ne3A_1406 = arith.cmpi ne, %rem3A_1404, %ne3A_1405 : i32
    %lt3A_1407 = arith.constant 0 : i32
    %lt3A_1408 = arith.cmpi slt, %rem3A_1404, %lt3A_1407 : i32
    %lt3A_1409 = arith.constant 0 : i32
    %lt3A_1410 = arith.cmpi slt, %select_n3A_1403, %lt3A_1409 : i32
    %ne3A_1411 = arith.xori %lt3A_1408, %lt3A_1410 : i1
    %and3A_1412 = arith.andi %ne3A_1411, %ne3A_1406 : i1
    %add3A_1413 = arith.addi %rem3A_1404, %select_n3A_1403 : i32
    %select_n3A_1414 = arith.select %and3A_1412, %add3A_1413, %rem3A_1404 : i32
    %dma_start3A_1415 = arith.constant 0 : i32
    %dma_start3A_1416 = arith.constant 0 : i32
    %dma_start3A_1417 = tpu.memref_slice %arg9[%dma_start3A_1416] : memref<4096xf32, #tpu.memory_space<vmem>> -> memref<1024xf32, #tpu.memory_space<vmem>>
    %dma_start3A_1418 = arith.constant 0 : i32
    %dma_start3A_1419 = tpu.memref_slice %arg4[%select_n3A_1398, %dma_start3A_1415, %select_n3A_1414, %dma_start3A_1418] : memref<200x4x128x1024xf32, #tpu.memory_space<hbm>> -> memref<1x1x1x1024xf32, #tpu.memory_space<hbm>>
    %dma_start3A_1420 = tpu.memref_squeeze %dma_start3A_1419 : memref<1x1x1x1024xf32, #tpu.memory_space<hbm>> -> memref<1024xf32, #tpu.memory_space<hbm>>
    %dma_start3A_1421 = arith.constant 0 : i32
    %dma_start3A_1422 = tpu.memref_slice %arg4[%select_n3A_1398, %dma_start3A_1415, %select_n3A_1414, %dma_start3A_1421] : memref<200x4x128x1024xf32, #tpu.memory_space<hbm>> -> memref<1x1x1x1024xf32, #tpu.memory_space<hbm>>
    %dma_start3A_1423 = tpu.memref_squeeze %dma_start3A_1422 : memref<1x1x1x1024xf32, #tpu.memory_space<hbm>> -> memref<1024xf32, #tpu.memory_space<hbm>>
    %dma_start3A_1424 = arith.constant 0 : i32
    %dma_start3A_1425 = tpu.memref_slice %arg9[%dma_start3A_1424] : memref<4096xf32, #tpu.memory_space<vmem>> -> memref<1024xf32, #tpu.memory_space<vmem>>
    tpu.enqueue_dma source(%dma_start3A_1425 : memref<1024xf32, #tpu.memory_space<vmem>>) target(%dma_start3A_1423 : memref<1024xf32, #tpu.memory_space<hbm>>) target_semaphore(%arg15 : memref<!tpu.dma_semaphore, #tpu.memory_space<semaphore_mem>>)
    %add3A_1426 = arith.constant 798 : i32
    %add3A_1427 = arith.addi %mul3A_2, %add3A_1426 : i32
    %jit3A_1428 = arith.constant 128 : i32
    %div3A_1429 = arith.divsi %add3A_1427, %jit3A_1428 : i32
    %sign3A_1430 = arith.constant 0 : i32
    %sign3A_1431 = arith.cmpi sgt, %add3A_1427, %sign3A_1430 : i32
    %sign3A_1432 = arith.extui %sign3A_1431 : i1 to i32
    %sign3A_1433 = arith.constant 0 : i32
    %sign3A_1434 = arith.cmpi slt, %add3A_1427, %sign3A_1433 : i32
    %sign3A_1435 = arith.extui %sign3A_1434 : i1 to i32
    %sign3A_1436 = arith.subi %sign3A_1432, %sign3A_1435 : i32
    %sign3A_1437 = arith.constant 0 : i32
    %sign3A_1438 = arith.cmpi sgt, %jit3A_1428, %sign3A_1437 : i32
    %sign3A_1439 = arith.extui %sign3A_1438 : i1 to i32
    %sign3A_1440 = arith.constant 0 : i32
    %sign3A_1441 = arith.cmpi slt, %jit3A_1428, %sign3A_1440 : i32
    %sign3A_1442 = arith.extui %sign3A_1441 : i1 to i32
    %sign3A_1443 = arith.subi %sign3A_1439, %sign3A_1442 : i32
    %ne3A_1444 = arith.cmpi ne, %sign3A_1436, %sign3A_1443 : i32
    %rem3A_1445 = arith.remsi %add3A_1427, %jit3A_1428 : i32
    %ne3A_1446 = arith.constant 0 : i32
    %ne3A_1447 = arith.cmpi ne, %rem3A_1445, %ne3A_1446 : i32
    %and3A_1448 = arith.andi %ne3A_1444, %ne3A_1447 : i1
    %sub3A_1449 = arith.constant 1 : i32
    %sub3A_1450 = arith.subi %div3A_1429, %sub3A_1449 : i32
    %select_n3A_1451 = arith.select %and3A_1448, %sub3A_1450, %div3A_1429 : i32
    %jit3A_1452 = arith.constant 128 : i32
    %eq3A_1453 = arith.constant 0 : i32
    %eq3A_1454 = arith.cmpi eq, %jit3A_1452, %eq3A_1453 : i32
    %jit3A_1455 = arith.constant 1 : i32
    %select_n3A_1456 = arith.select %eq3A_1454, %jit3A_1455, %jit3A_1452 : i32
    %rem3A_1457 = arith.remsi %add3A_1427, %select_n3A_1456 : i32
    %ne3A_1458 = arith.constant 0 : i32
    %ne3A_1459 = arith.cmpi ne, %rem3A_1457, %ne3A_1458 : i32
    %lt3A_1460 = arith.constant 0 : i32
    %lt3A_1461 = arith.cmpi slt, %rem3A_1457, %lt3A_1460 : i32
    %lt3A_1462 = arith.constant 0 : i32
    %lt3A_1463 = arith.cmpi slt, %select_n3A_1456, %lt3A_1462 : i32
    %ne3A_1464 = arith.xori %lt3A_1461, %lt3A_1463 : i1
    %and3A_1465 = arith.andi %ne3A_1464, %ne3A_1459 : i1
    %add3A_1466 = arith.addi %rem3A_1457, %select_n3A_1456 : i32
    %select_n3A_1467 = arith.select %and3A_1465, %add3A_1466, %rem3A_1457 : i32
    %dma_start3A_1468 = arith.constant 1 : i32
    %dma_start3A_1469 = arith.constant 1024 : i32
    %dma_start3A_1470 = tpu.memref_slice %arg9[%dma_start3A_1469] : memref<4096xf32, #tpu.memory_space<vmem>> -> memref<1024xf32, #tpu.memory_space<vmem>>
    %dma_start3A_1471 = arith.constant 0 : i32
    %dma_start3A_1472 = tpu.memref_slice %arg4[%select_n3A_1451, %dma_start3A_1468, %select_n3A_1467, %dma_start3A_1471] : memref<200x4x128x1024xf32, #tpu.memory_space<hbm>> -> memref<1x1x1x1024xf32, #tpu.memory_space<hbm>>
    %dma_start3A_1473 = tpu.memref_squeeze %dma_start3A_1472 : memref<1x1x1x1024xf32, #tpu.memory_space<hbm>> -> memref<1024xf32, #tpu.memory_space<hbm>>
    %dma_start3A_1474 = arith.constant 0 : i32
    %dma_start3A_1475 = tpu.memref_slice %arg4[%select_n3A_1451, %dma_start3A_1468, %select_n3A_1467, %dma_start3A_1474] : memref<200x4x128x1024xf32, #tpu.memory_space<hbm>> -> memref<1x1x1x1024xf32, #tpu.memory_space<hbm>>
    %dma_start3A_1476 = tpu.memref_squeeze %dma_start3A_1475 : memref<1x1x1x1024xf32, #tpu.memory_space<hbm>> -> memref<1024xf32, #tpu.memory_space<hbm>>
    %dma_start3A_1477 = arith.constant 1024 : i32
    %dma_start3A_1478 = tpu.memref_slice %arg9[%dma_start3A_1477] : memref<4096xf32, #tpu.memory_space<vmem>> -> memref<1024xf32, #tpu.memory_space<vmem>>
    tpu.enqueue_dma source(%dma_start3A_1478 : memref<1024xf32, #tpu.memory_space<vmem>>) target(%dma_start3A_1476 : memref<1024xf32, #tpu.memory_space<hbm>>) target_semaphore(%arg15 : memref<!tpu.dma_semaphore, #tpu.memory_space<semaphore_mem>>)
    %add3A_1479 = arith.constant 798 : i32
    %add3A_1480 = arith.addi %mul3A_2, %add3A_1479 : i32
    %jit3A_1481 = arith.constant 128 : i32
    %div3A_1482 = arith.divsi %add3A_1480, %jit3A_1481 : i32
    %sign3A_1483 = arith.constant 0 : i32
    %sign3A_1484 = arith.cmpi sgt, %add3A_1480, %sign3A_1483 : i32
    %sign3A_1485 = arith.extui %sign3A_1484 : i1 to i32
    %sign3A_1486 = arith.constant 0 : i32
    %sign3A_1487 = arith.cmpi slt, %add3A_1480, %sign3A_1486 : i32
    %sign3A_1488 = arith.extui %sign3A_1487 : i1 to i32
    %sign3A_1489 = arith.subi %sign3A_1485, %sign3A_1488 : i32
    %sign3A_1490 = arith.constant 0 : i32
    %sign3A_1491 = arith.cmpi sgt, %jit3A_1481, %sign3A_1490 : i32
    %sign3A_1492 = arith.extui %sign3A_1491 : i1 to i32
    %sign3A_1493 = arith.constant 0 : i32
    %sign3A_1494 = arith.cmpi slt, %jit3A_1481, %sign3A_1493 : i32
    %sign3A_1495 = arith.extui %sign3A_1494 : i1 to i32
    %sign3A_1496 = arith.subi %sign3A_1492, %sign3A_1495 : i32
    %ne3A_1497 = arith.cmpi ne, %sign3A_1489, %sign3A_1496 : i32
    %rem3A_1498 = arith.remsi %add3A_1480, %jit3A_1481 : i32
    %ne3A_1499 = arith.constant 0 : i32
    %ne3A_1500 = arith.cmpi ne, %rem3A_1498, %ne3A_1499 : i32
    %and3A_1501 = arith.andi %ne3A_1497, %ne3A_1500 : i1
    %sub3A_1502 = arith.constant 1 : i32
    %sub3A_1503 = arith.subi %div3A_1482, %sub3A_1502 : i32
    %select_n3A_1504 = arith.select %and3A_1501, %sub3A_1503, %div3A_1482 : i32
    %jit3A_1505 = arith.constant 128 : i32
    %eq3A_1506 = arith.constant 0 : i32
    %eq3A_1507 = arith.cmpi eq, %jit3A_1505, %eq3A_1506 : i32
    %jit3A_1508 = arith.constant 1 : i32
    %select_n3A_1509 = arith.select %eq3A_1507, %jit3A_1508, %jit3A_1505 : i32
    %rem3A_1510 = arith.remsi %add3A_1480, %select_n3A_1509 : i32
    %ne3A_1511 = arith.constant 0 : i32
    %ne3A_1512 = arith.cmpi ne, %rem3A_1510, %ne3A_1511 : i32
    %lt3A_1513 = arith.constant 0 : i32
    %lt3A_1514 = arith.cmpi slt, %rem3A_1510, %lt3A_1513 : i32
    %lt3A_1515 = arith.constant 0 : i32
    %lt3A_1516 = arith.cmpi slt, %select_n3A_1509, %lt3A_1515 : i32
    %ne3A_1517 = arith.xori %lt3A_1514, %lt3A_1516 : i1
    %and3A_1518 = arith.andi %ne3A_1517, %ne3A_1512 : i1
    %add3A_1519 = arith.addi %rem3A_1510, %select_n3A_1509 : i32
    %select_n3A_1520 = arith.select %and3A_1518, %add3A_1519, %rem3A_1510 : i32
    %dma_start3A_1521 = arith.constant 2 : i32
    %dma_start3A_1522 = arith.constant 2048 : i32
    %dma_start3A_1523 = tpu.memref_slice %arg9[%dma_start3A_1522] : memref<4096xf32, #tpu.memory_space<vmem>> -> memref<1024xf32, #tpu.memory_space<vmem>>
    %dma_start3A_1524 = arith.constant 0 : i32
    %dma_start3A_1525 = tpu.memref_slice %arg4[%select_n3A_1504, %dma_start3A_1521, %select_n3A_1520, %dma_start3A_1524] : memref<200x4x128x1024xf32, #tpu.memory_space<hbm>> -> memref<1x1x1x1024xf32, #tpu.memory_space<hbm>>
    %dma_start3A_1526 = tpu.memref_squeeze %dma_start3A_1525 : memref<1x1x1x1024xf32, #tpu.memory_space<hbm>> -> memref<1024xf32, #tpu.memory_space<hbm>>
    %dma_start3A_1527 = arith.constant 0 : i32
    %dma_start3A_1528 = tpu.memref_slice %arg4[%select_n3A_1504, %dma_start3A_1521, %select_n3A_1520, %dma_start3A_1527] : memref<200x4x128x1024xf32, #tpu.memory_space<hbm>> -> memref<1x1x1x1024xf32, #tpu.memory_space<hbm>>
    %dma_start3A_1529 = tpu.memref_squeeze %dma_start3A_1528 : memref<1x1x1x1024xf32, #tpu.memory_space<hbm>> -> memref<1024xf32, #tpu.memory_space<hbm>>
    %dma_start3A_1530 = arith.constant 2048 : i32
    %dma_start3A_1531 = tpu.memref_slice %arg9[%dma_start3A_1530] : memref<4096xf32, #tpu.memory_space<vmem>> -> memref<1024xf32, #tpu.memory_space<vmem>>
    tpu.enqueue_dma source(%dma_start3A_1531 : memref<1024xf32, #tpu.memory_space<vmem>>) target(%dma_start3A_1529 : memref<1024xf32, #tpu.memory_space<hbm>>) target_semaphore(%arg15 : memref<!tpu.dma_semaphore, #tpu.memory_space<semaphore_mem>>)
    %add3A_1532 = arith.constant 798 : i32
    %add3A_1533 = arith.addi %mul3A_2, %add3A_1532 : i32
    %jit3A_1534 = arith.constant 128 : i32
    %div3A_1535 = arith.divsi %add3A_1533, %jit3A_1534 : i32
    %sign3A_1536 = arith.constant 0 : i32
    %sign3A_1537 = arith.cmpi sgt, %add3A_1533, %sign3A_1536 : i32
    %sign3A_1538 = arith.extui %sign3A_1537 : i1 to i32
    %sign3A_1539 = arith.constant 0 : i32
    %sign3A_1540 = arith.cmpi slt, %add3A_1533, %sign3A_1539 : i32
    %sign3A_1541 = arith.extui %sign3A_1540 : i1 to i32
    %sign3A_1542 = arith.subi %sign3A_1538, %sign3A_1541 : i32
    %sign3A_1543 = arith.constant 0 : i32
    %sign3A_1544 = arith.cmpi sgt, %jit3A_1534, %sign3A_1543 : i32
    %sign3A_1545 = arith.extui %sign3A_1544 : i1 to i32
    %sign3A_1546 = arith.constant 0 : i32
    %sign3A_1547 = arith.cmpi slt, %jit3A_1534, %sign3A_1546 : i32
    %sign3A_1548 = arith.extui %sign3A_1547 : i1 to i32
    %sign3A_1549 = arith.subi %sign3A_1545, %sign3A_1548 : i32
    %ne3A_1550 = arith.cmpi ne, %sign3A_1542, %sign3A_1549 : i32
    %rem3A_1551 = arith.remsi %add3A_1533, %jit3A_1534 : i32
    %ne3A_1552 = arith.constant 0 : i32
    %ne3A_1553 = arith.cmpi ne, %rem3A_1551, %ne3A_1552 : i32
    %and3A_1554 = arith.andi %ne3A_1550, %ne3A_1553 : i1
    %sub3A_1555 = arith.constant 1 : i32
    %sub3A_1556 = arith.subi %div3A_1535, %sub3A_1555 : i32
    %select_n3A_1557 = arith.select %and3A_1554, %sub3A_1556, %div3A_1535 : i32
    %jit3A_1558 = arith.constant 128 : i32
    %eq3A_1559 = arith.constant 0 : i32
    %eq3A_1560 = arith.cmpi eq, %jit3A_1558, %eq3A_1559 : i32
    %jit3A_1561 = arith.constant 1 : i32
    %select_n3A_1562 = arith.select %eq3A_1560, %jit3A_1561, %jit3A_1558 : i32
    %rem3A_1563 = arith.remsi %add3A_1533, %select_n3A_1562 : i32
    %ne3A_1564 = arith.constant 0 : i32
    %ne3A_1565 = arith.cmpi ne, %rem3A_1563, %ne3A_1564 : i32
    %lt3A_1566 = arith.constant 0 : i32
    %lt3A_1567 = arith.cmpi slt, %rem3A_1563, %lt3A_1566 : i32
    %lt3A_1568 = arith.constant 0 : i32
    %lt3A_1569 = arith.cmpi slt, %select_n3A_1562, %lt3A_1568 : i32
    %ne3A_1570 = arith.xori %lt3A_1567, %lt3A_1569 : i1
    %and3A_1571 = arith.andi %ne3A_1570, %ne3A_1565 : i1
    %add3A_1572 = arith.addi %rem3A_1563, %select_n3A_1562 : i32
    %select_n3A_1573 = arith.select %and3A_1571, %add3A_1572, %rem3A_1563 : i32
    %dma_start3A_1574 = arith.constant 3 : i32
    %dma_start3A_1575 = arith.constant 3072 : i32
    %dma_start3A_1576 = tpu.memref_slice %arg9[%dma_start3A_1575] : memref<4096xf32, #tpu.memory_space<vmem>> -> memref<1024xf32, #tpu.memory_space<vmem>>
    %dma_start3A_1577 = arith.constant 0 : i32
    %dma_start3A_1578 = tpu.memref_slice %arg4[%select_n3A_1557, %dma_start3A_1574, %select_n3A_1573, %dma_start3A_1577] : memref<200x4x128x1024xf32, #tpu.memory_space<hbm>> -> memref<1x1x1x1024xf32, #tpu.memory_space<hbm>>
    %dma_start3A_1579 = tpu.memref_squeeze %dma_start3A_1578 : memref<1x1x1x1024xf32, #tpu.memory_space<hbm>> -> memref<1024xf32, #tpu.memory_space<hbm>>
    %dma_start3A_1580 = arith.constant 0 : i32
    %dma_start3A_1581 = tpu.memref_slice %arg4[%select_n3A_1557, %dma_start3A_1574, %select_n3A_1573, %dma_start3A_1580] : memref<200x4x128x1024xf32, #tpu.memory_space<hbm>> -> memref<1x1x1x1024xf32, #tpu.memory_space<hbm>>
    %dma_start3A_1582 = tpu.memref_squeeze %dma_start3A_1581 : memref<1x1x1x1024xf32, #tpu.memory_space<hbm>> -> memref<1024xf32, #tpu.memory_space<hbm>>
    %dma_start3A_1583 = arith.constant 3072 : i32
    %dma_start3A_1584 = tpu.memref_slice %arg9[%dma_start3A_1583] : memref<4096xf32, #tpu.memory_space<vmem>> -> memref<1024xf32, #tpu.memory_space<vmem>>
    tpu.enqueue_dma source(%dma_start3A_1584 : memref<1024xf32, #tpu.memory_space<vmem>>) target(%dma_start3A_1582 : memref<1024xf32, #tpu.memory_space<hbm>>) target_semaphore(%arg15 : memref<!tpu.dma_semaphore, #tpu.memory_space<semaphore_mem>>)
    %dma_wait3A_1585 = arith.constant 0 : i32
    %dma_wait3A_1586 = arith.constant 0 : i32
    %dma_wait3A_1587 = tpu.memref_slice %arg3[%dma_wait3A_1585, %dma_wait3A_1586] : memref<1000000x32xf32, #tpu.memory_space<hbm>> -> memref<1000000x32xf32, #tpu.memory_space<hbm>>
    tpu.wait_indirect_dma semaphore(%arg14 : memref<!tpu.dma_semaphore, #tpu.memory_space<semaphore_mem>>) src(%dma_wait3A_1587 : memref<1000000x32xf32, #tpu.memory_space<hbm>>) dst(%arg8 : memref<128x32xf32, #tpu.memory_space<vmem>>)
    %add3A_1588 = arith.constant 797 : i32
    %add3A_1589 = arith.addi %mul3A_2, %add3A_1588 : i32
    %jit3A_1590 = arith.constant 128 : i32
    %div3A_1591 = arith.divsi %add3A_1589, %jit3A_1590 : i32
    %sign3A_1592 = arith.constant 0 : i32
    %sign3A_1593 = arith.cmpi sgt, %add3A_1589, %sign3A_1592 : i32
    %sign3A_1594 = arith.extui %sign3A_1593 : i1 to i32
    %sign3A_1595 = arith.constant 0 : i32
    %sign3A_1596 = arith.cmpi slt, %add3A_1589, %sign3A_1595 : i32
    %sign3A_1597 = arith.extui %sign3A_1596 : i1 to i32
    %sign3A_1598 = arith.subi %sign3A_1594, %sign3A_1597 : i32
    %sign3A_1599 = arith.constant 0 : i32
    %sign3A_1600 = arith.cmpi sgt, %jit3A_1590, %sign3A_1599 : i32
    %sign3A_1601 = arith.extui %sign3A_1600 : i1 to i32
    %sign3A_1602 = arith.constant 0 : i32
    %sign3A_1603 = arith.cmpi slt, %jit3A_1590, %sign3A_1602 : i32
    %sign3A_1604 = arith.extui %sign3A_1603 : i1 to i32
    %sign3A_1605 = arith.subi %sign3A_1601, %sign3A_1604 : i32
    %ne3A_1606 = arith.cmpi ne, %sign3A_1598, %sign3A_1605 : i32
    %rem3A_1607 = arith.remsi %add3A_1589, %jit3A_1590 : i32
    %ne3A_1608 = arith.constant 0 : i32
    %ne3A_1609 = arith.cmpi ne, %rem3A_1607, %ne3A_1608 : i32
    %and3A_1610 = arith.andi %ne3A_1606, %ne3A_1609 : i1
    %sub3A_1611 = arith.constant 1 : i32
    %sub3A_1612 = arith.subi %div3A_1591, %sub3A_1611 : i32
    %select_n3A_1613 = arith.select %and3A_1610, %sub3A_1612, %div3A_1591 : i32
    %jit3A_1614 = arith.constant 128 : i32
    %eq3A_1615 = arith.constant 0 : i32
    %eq3A_1616 = arith.cmpi eq, %jit3A_1614, %eq3A_1615 : i32
    %jit3A_1617 = arith.constant 1 : i32
    %select_n3A_1618 = arith.select %eq3A_1616, %jit3A_1617, %jit3A_1614 : i32
    %rem3A_1619 = arith.remsi %add3A_1589, %select_n3A_1618 : i32
    %ne3A_1620 = arith.constant 0 : i32
    %ne3A_1621 = arith.cmpi ne, %rem3A_1619, %ne3A_1620 : i32
    %lt3A_1622 = arith.constant 0 : i32
    %lt3A_1623 = arith.cmpi slt, %rem3A_1619, %lt3A_1622 : i32
    %lt3A_1624 = arith.constant 0 : i32
    %lt3A_1625 = arith.cmpi slt, %select_n3A_1618, %lt3A_1624 : i32
    %ne3A_1626 = arith.xori %lt3A_1623, %lt3A_1625 : i1
    %and3A_1627 = arith.andi %ne3A_1626, %ne3A_1621 : i1
    %add3A_1628 = arith.addi %rem3A_1619, %select_n3A_1618 : i32
    %select_n3A_1629 = arith.select %and3A_1627, %add3A_1628, %rem3A_1619 : i32
    %dma_wait3A_1630 = arith.constant 0 : i32
    %dma_wait3A_1631 = arith.constant 0 : i32
    %dma_wait3A_1632 = tpu.memref_slice %arg10[%dma_wait3A_1631] : memref<4096xf32, #tpu.memory_space<vmem>> -> memref<1024xf32, #tpu.memory_space<vmem>>
    %dma_wait3A_1633 = arith.constant 0 : i32
    %dma_wait3A_1634 = tpu.memref_slice %arg4[%select_n3A_1613, %dma_wait3A_1630, %select_n3A_1629, %dma_wait3A_1633] : memref<200x4x128x1024xf32, #tpu.memory_space<hbm>> -> memref<1x1x1x1024xf32, #tpu.memory_space<hbm>>
    %dma_wait3A_1635 = tpu.memref_squeeze %dma_wait3A_1634 : memref<1x1x1x1024xf32, #tpu.memory_space<hbm>> -> memref<1024xf32, #tpu.memory_space<hbm>>
    %dma_wait3A_1636 = arith.constant 0 : i32
    %dma_wait3A_1637 = tpu.memref_slice %arg4[%select_n3A_1613, %dma_wait3A_1630, %select_n3A_1629, %dma_wait3A_1636] : memref<200x4x128x1024xf32, #tpu.memory_space<hbm>> -> memref<1x1x1x1024xf32, #tpu.memory_space<hbm>>
    %dma_wait3A_1638 = tpu.memref_squeeze %dma_wait3A_1637 : memref<1x1x1x1024xf32, #tpu.memory_space<hbm>> -> memref<1024xf32, #tpu.memory_space<hbm>>
    %dma_wait3A_1639 = arith.constant 0 : i32
    %dma_wait3A_1640 = tpu.memref_slice %arg10[%dma_wait3A_1639] : memref<4096xf32, #tpu.memory_space<vmem>> -> memref<1024xf32, #tpu.memory_space<vmem>>
    tpu.wait_dma2 semaphore(%arg16 : memref<!tpu.dma_semaphore, #tpu.memory_space<semaphore_mem>>) src(%dma_wait3A_1640 : memref<1024xf32, #tpu.memory_space<vmem>>) dst(%dma_wait3A_1638 : memref<1024xf32, #tpu.memory_space<hbm>>)
    %add3A_1641 = arith.constant 797 : i32
    %add3A_1642 = arith.addi %mul3A_2, %add3A_1641 : i32
    %jit3A_1643 = arith.constant 128 : i32
    %div3A_1644 = arith.divsi %add3A_1642, %jit3A_1643 : i32
    %sign3A_1645 = arith.constant 0 : i32
    %sign3A_1646 = arith.cmpi sgt, %add3A_1642, %sign3A_1645 : i32
    %sign3A_1647 = arith.extui %sign3A_1646 : i1 to i32
    %sign3A_1648 = arith.constant 0 : i32
    %sign3A_1649 = arith.cmpi slt, %add3A_1642, %sign3A_1648 : i32
    %sign3A_1650 = arith.extui %sign3A_1649 : i1 to i32
    %sign3A_1651 = arith.subi %sign3A_1647, %sign3A_1650 : i32
    %sign3A_1652 = arith.constant 0 : i32
    %sign3A_1653 = arith.cmpi sgt, %jit3A_1643, %sign3A_1652 : i32
    %sign3A_1654 = arith.extui %sign3A_1653 : i1 to i32
    %sign3A_1655 = arith.constant 0 : i32
    %sign3A_1656 = arith.cmpi slt, %jit3A_1643, %sign3A_1655 : i32
    %sign3A_1657 = arith.extui %sign3A_1656 : i1 to i32
    %sign3A_1658 = arith.subi %sign3A_1654, %sign3A_1657 : i32
    %ne3A_1659 = arith.cmpi ne, %sign3A_1651, %sign3A_1658 : i32
    %rem3A_1660 = arith.remsi %add3A_1642, %jit3A_1643 : i32
    %ne3A_1661 = arith.constant 0 : i32
    %ne3A_1662 = arith.cmpi ne, %rem3A_1660, %ne3A_1661 : i32
    %and3A_1663 = arith.andi %ne3A_1659, %ne3A_1662 : i1
    %sub3A_1664 = arith.constant 1 : i32
    %sub3A_1665 = arith.subi %div3A_1644, %sub3A_1664 : i32
    %select_n3A_1666 = arith.select %and3A_1663, %sub3A_1665, %div3A_1644 : i32
    %jit3A_1667 = arith.constant 128 : i32
    %eq3A_1668 = arith.constant 0 : i32
    %eq3A_1669 = arith.cmpi eq, %jit3A_1667, %eq3A_1668 : i32
    %jit3A_1670 = arith.constant 1 : i32
    %select_n3A_1671 = arith.select %eq3A_1669, %jit3A_1670, %jit3A_1667 : i32
    %rem3A_1672 = arith.remsi %add3A_1642, %select_n3A_1671 : i32
    %ne3A_1673 = arith.constant 0 : i32
    %ne3A_1674 = arith.cmpi ne, %rem3A_1672, %ne3A_1673 : i32
    %lt3A_1675 = arith.constant 0 : i32
    %lt3A_1676 = arith.cmpi slt, %rem3A_1672, %lt3A_1675 : i32
    %lt3A_1677 = arith.constant 0 : i32
    %lt3A_1678 = arith.cmpi slt, %select_n3A_1671, %lt3A_1677 : i32
    %ne3A_1679 = arith.xori %lt3A_1676, %lt3A_1678 : i1
    %and3A_1680 = arith.andi %ne3A_1679, %ne3A_1674 : i1
    %add3A_1681 = arith.addi %rem3A_1672, %select_n3A_1671 : i32
    %select_n3A_1682 = arith.select %and3A_1680, %add3A_1681, %rem3A_1672 : i32
    %dma_wait3A_1683 = arith.constant 1 : i32
    %dma_wait3A_1684 = arith.constant 1024 : i32
    %dma_wait3A_1685 = tpu.memref_slice %arg10[%dma_wait3A_1684] : memref<4096xf32, #tpu.memory_space<vmem>> -> memref<1024xf32, #tpu.memory_space<vmem>>
    %dma_wait3A_1686 = arith.constant 0 : i32
    %dma_wait3A_1687 = tpu.memref_slice %arg4[%select_n3A_1666, %dma_wait3A_1683, %select_n3A_1682, %dma_wait3A_1686] : memref<200x4x128x1024xf32, #tpu.memory_space<hbm>> -> memref<1x1x1x1024xf32, #tpu.memory_space<hbm>>
    %dma_wait3A_1688 = tpu.memref_squeeze %dma_wait3A_1687 : memref<1x1x1x1024xf32, #tpu.memory_space<hbm>> -> memref<1024xf32, #tpu.memory_space<hbm>>
    %dma_wait3A_1689 = arith.constant 0 : i32
    %dma_wait3A_1690 = tpu.memref_slice %arg4[%select_n3A_1666, %dma_wait3A_1683, %select_n3A_1682, %dma_wait3A_1689] : memref<200x4x128x1024xf32, #tpu.memory_space<hbm>> -> memref<1x1x1x1024xf32, #tpu.memory_space<hbm>>
    %dma_wait3A_1691 = tpu.memref_squeeze %dma_wait3A_1690 : memref<1x1x1x1024xf32, #tpu.memory_space<hbm>> -> memref<1024xf32, #tpu.memory_space<hbm>>
    %dma_wait3A_1692 = arith.constant 1024 : i32
    %dma_wait3A_1693 = tpu.memref_slice %arg10[%dma_wait3A_1692] : memref<4096xf32, #tpu.memory_space<vmem>> -> memref<1024xf32, #tpu.memory_space<vmem>>
    tpu.wait_dma2 semaphore(%arg16 : memref<!tpu.dma_semaphore, #tpu.memory_space<semaphore_mem>>) src(%dma_wait3A_1693 : memref<1024xf32, #tpu.memory_space<vmem>>) dst(%dma_wait3A_1691 : memref<1024xf32, #tpu.memory_space<hbm>>)
    %add3A_1694 = arith.constant 797 : i32
    %add3A_1695 = arith.addi %mul3A_2, %add3A_1694 : i32
    %jit3A_1696 = arith.constant 128 : i32
    %div3A_1697 = arith.divsi %add3A_1695, %jit3A_1696 : i32
    %sign3A_1698 = arith.constant 0 : i32
    %sign3A_1699 = arith.cmpi sgt, %add3A_1695, %sign3A_1698 : i32
    %sign3A_1700 = arith.extui %sign3A_1699 : i1 to i32
    %sign3A_1701 = arith.constant 0 : i32
    %sign3A_1702 = arith.cmpi slt, %add3A_1695, %sign3A_1701 : i32
    %sign3A_1703 = arith.extui %sign3A_1702 : i1 to i32
    %sign3A_1704 = arith.subi %sign3A_1700, %sign3A_1703 : i32
    %sign3A_1705 = arith.constant 0 : i32
    %sign3A_1706 = arith.cmpi sgt, %jit3A_1696, %sign3A_1705 : i32
    %sign3A_1707 = arith.extui %sign3A_1706 : i1 to i32
    %sign3A_1708 = arith.constant 0 : i32
    %sign3A_1709 = arith.cmpi slt, %jit3A_1696, %sign3A_1708 : i32
    %sign3A_1710 = arith.extui %sign3A_1709 : i1 to i32
    %sign3A_1711 = arith.subi %sign3A_1707, %sign3A_1710 : i32
    %ne3A_1712 = arith.cmpi ne, %sign3A_1704, %sign3A_1711 : i32
    %rem3A_1713 = arith.remsi %add3A_1695, %jit3A_1696 : i32
    %ne3A_1714 = arith.constant 0 : i32
    %ne3A_1715 = arith.cmpi ne, %rem3A_1713, %ne3A_1714 : i32
    %and3A_1716 = arith.andi %ne3A_1712, %ne3A_1715 : i1
    %sub3A_1717 = arith.constant 1 : i32
    %sub3A_1718 = arith.subi %div3A_1697, %sub3A_1717 : i32
    %select_n3A_1719 = arith.select %and3A_1716, %sub3A_1718, %div3A_1697 : i32
    %jit3A_1720 = arith.constant 128 : i32
    %eq3A_1721 = arith.constant 0 : i32
    %eq3A_1722 = arith.cmpi eq, %jit3A_1720, %eq3A_1721 : i32
    %jit3A_1723 = arith.constant 1 : i32
    %select_n3A_1724 = arith.select %eq3A_1722, %jit3A_1723, %jit3A_1720 : i32
    %rem3A_1725 = arith.remsi %add3A_1695, %select_n3A_1724 : i32
    %ne3A_1726 = arith.constant 0 : i32
    %ne3A_1727 = arith.cmpi ne, %rem3A_1725, %ne3A_1726 : i32
    %lt3A_1728 = arith.constant 0 : i32
    %lt3A_1729 = arith.cmpi slt, %rem3A_1725, %lt3A_1728 : i32
    %lt3A_1730 = arith.constant 0 : i32
    %lt3A_1731 = arith.cmpi slt, %select_n3A_1724, %lt3A_1730 : i32
    %ne3A_1732 = arith.xori %lt3A_1729, %lt3A_1731 : i1
    %and3A_1733 = arith.andi %ne3A_1732, %ne3A_1727 : i1
    %add3A_1734 = arith.addi %rem3A_1725, %select_n3A_1724 : i32
    %select_n3A_1735 = arith.select %and3A_1733, %add3A_1734, %rem3A_1725 : i32
    %dma_wait3A_1736 = arith.constant 2 : i32
    %dma_wait3A_1737 = arith.constant 2048 : i32
    %dma_wait3A_1738 = tpu.memref_slice %arg10[%dma_wait3A_1737] : memref<4096xf32, #tpu.memory_space<vmem>> -> memref<1024xf32, #tpu.memory_space<vmem>>
    %dma_wait3A_1739 = arith.constant 0 : i32
    %dma_wait3A_1740 = tpu.memref_slice %arg4[%select_n3A_1719, %dma_wait3A_1736, %select_n3A_1735, %dma_wait3A_1739] : memref<200x4x128x1024xf32, #tpu.memory_space<hbm>> -> memref<1x1x1x1024xf32, #tpu.memory_space<hbm>>
    %dma_wait3A_1741 = tpu.memref_squeeze %dma_wait3A_1740 : memref<1x1x1x1024xf32, #tpu.memory_space<hbm>> -> memref<1024xf32, #tpu.memory_space<hbm>>
    %dma_wait3A_1742 = arith.constant 0 : i32
    %dma_wait3A_1743 = tpu.memref_slice %arg4[%select_n3A_1719, %dma_wait3A_1736, %select_n3A_1735, %dma_wait3A_1742] : memref<200x4x128x1024xf32, #tpu.memory_space<hbm>> -> memref<1x1x1x1024xf32, #tpu.memory_space<hbm>>
    %dma_wait3A_1744 = tpu.memref_squeeze %dma_wait3A_1743 : memref<1x1x1x1024xf32, #tpu.memory_space<hbm>> -> memref<1024xf32, #tpu.memory_space<hbm>>
    %dma_wait3A_1745 = arith.constant 2048 : i32
    %dma_wait3A_1746 = tpu.memref_slice %arg10[%dma_wait3A_1745] : memref<4096xf32, #tpu.memory_space<vmem>> -> memref<1024xf32, #tpu.memory_space<vmem>>
    tpu.wait_dma2 semaphore(%arg16 : memref<!tpu.dma_semaphore, #tpu.memory_space<semaphore_mem>>) src(%dma_wait3A_1746 : memref<1024xf32, #tpu.memory_space<vmem>>) dst(%dma_wait3A_1744 : memref<1024xf32, #tpu.memory_space<hbm>>)
    %add3A_1747 = arith.constant 797 : i32
    %add3A_1748 = arith.addi %mul3A_2, %add3A_1747 : i32
    %jit3A_1749 = arith.constant 128 : i32
    %div3A_1750 = arith.divsi %add3A_1748, %jit3A_1749 : i32
    %sign3A_1751 = arith.constant 0 : i32
    %sign3A_1752 = arith.cmpi sgt, %add3A_1748, %sign3A_1751 : i32
    %sign3A_1753 = arith.extui %sign3A_1752 : i1 to i32
    %sign3A_1754 = arith.constant 0 : i32
    %sign3A_1755 = arith.cmpi slt, %add3A_1748, %sign3A_1754 : i32
    %sign3A_1756 = arith.extui %sign3A_1755 : i1 to i32
    %sign3A_1757 = arith.subi %sign3A_1753, %sign3A_1756 : i32
    %sign3A_1758 = arith.constant 0 : i32
    %sign3A_1759 = arith.cmpi sgt, %jit3A_1749, %sign3A_1758 : i32
    %sign3A_1760 = arith.extui %sign3A_1759 : i1 to i32
    %sign3A_1761 = arith.constant 0 : i32
    %sign3A_1762 = arith.cmpi slt, %jit3A_1749, %sign3A_1761 : i32
    %sign3A_1763 = arith.extui %sign3A_1762 : i1 to i32
    %sign3A_1764 = arith.subi %sign3A_1760, %sign3A_1763 : i32
    %ne3A_1765 = arith.cmpi ne, %sign3A_1757, %sign3A_1764 : i32
    %rem3A_1766 = arith.remsi %add3A_1748, %jit3A_1749 : i32
    %ne3A_1767 = arith.constant 0 : i32
    %ne3A_1768 = arith.cmpi ne, %rem3A_1766, %ne3A_1767 : i32
    %and3A_1769 = arith.andi %ne3A_1765, %ne3A_1768 : i1
    %sub3A_1770 = arith.constant 1 : i32
    %sub3A_1771 = arith.subi %div3A_1750, %sub3A_1770 : i32
    %select_n3A_1772 = arith.select %and3A_1769, %sub3A_1771, %div3A_1750 : i32
    %jit3A_1773 = arith.constant 128 : i32
    %eq3A_1774 = arith.constant 0 : i32
    %eq3A_1775 = arith.cmpi eq, %jit3A_1773, %eq3A_1774 : i32
    %jit3A_1776 = arith.constant 1 : i32
    %select_n3A_1777 = arith.select %eq3A_1775, %jit3A_1776, %jit3A_1773 : i32
    %rem3A_1778 = arith.remsi %add3A_1748, %select_n3A_1777 : i32
    %ne3A_1779 = arith.constant 0 : i32
    %ne3A_1780 = arith.cmpi ne, %rem3A_1778, %ne3A_1779 : i32
    %lt3A_1781 = arith.constant 0 : i32
    %lt3A_1782 = arith.cmpi slt, %rem3A_1778, %lt3A_1781 : i32
    %lt3A_1783 = arith.constant 0 : i32
    %lt3A_1784 = arith.cmpi slt, %select_n3A_1777, %lt3A_1783 : i32
    %ne3A_1785 = arith.xori %lt3A_1782, %lt3A_1784 : i1
    %and3A_1786 = arith.andi %ne3A_1785, %ne3A_1780 : i1
    %add3A_1787 = arith.addi %rem3A_1778, %select_n3A_1777 : i32
    %select_n3A_1788 = arith.select %and3A_1786, %add3A_1787, %rem3A_1778 : i32
    %dma_wait3A_1789 = arith.constant 3 : i32
    %dma_wait3A_1790 = arith.constant 3072 : i32
    %dma_wait3A_1791 = tpu.memref_slice %arg10[%dma_wait3A_1790] : memref<4096xf32, #tpu.memory_space<vmem>> -> memref<1024xf32, #tpu.memory_space<vmem>>
    %dma_wait3A_1792 = arith.constant 0 : i32
    %dma_wait3A_1793 = tpu.memref_slice %arg4[%select_n3A_1772, %dma_wait3A_1789, %select_n3A_1788, %dma_wait3A_1792] : memref<200x4x128x1024xf32, #tpu.memory_space<hbm>> -> memref<1x1x1x1024xf32, #tpu.memory_space<hbm>>
    %dma_wait3A_1794 = tpu.memref_squeeze %dma_wait3A_1793 : memref<1x1x1x1024xf32, #tpu.memory_space<hbm>> -> memref<1024xf32, #tpu.memory_space<hbm>>
    %dma_wait3A_1795 = arith.constant 0 : i32
    %dma_wait3A_1796 = tpu.memref_slice %arg4[%select_n3A_1772, %dma_wait3A_1789, %select_n3A_1788, %dma_wait3A_1795] : memref<200x4x128x1024xf32, #tpu.memory_space<hbm>> -> memref<1x1x1x1024xf32, #tpu.memory_space<hbm>>
    %dma_wait3A_1797 = tpu.memref_squeeze %dma_wait3A_1796 : memref<1x1x1x1024xf32, #tpu.memory_space<hbm>> -> memref<1024xf32, #tpu.memory_space<hbm>>
    %dma_wait3A_1798 = arith.constant 3072 : i32
    %dma_wait3A_1799 = tpu.memref_slice %arg10[%dma_wait3A_1798] : memref<4096xf32, #tpu.memory_space<vmem>> -> memref<1024xf32, #tpu.memory_space<vmem>>
    tpu.wait_dma2 semaphore(%arg16 : memref<!tpu.dma_semaphore, #tpu.memory_space<semaphore_mem>>) src(%dma_wait3A_1799 : memref<1024xf32, #tpu.memory_space<vmem>>) dst(%dma_wait3A_1797 : memref<1024xf32, #tpu.memory_space<hbm>>)
    %parallel_loop3A_1800 = arith.constant 0 : i32
    %parallel_loop3A_1801 = arith.constant 32 : i32
    %parallel_loop3A_1802 = arith.constant 1 : i32
    scf.for %parallel_loop3A_2439 = %parallel_loop3A_1800 to %parallel_loop3A_1801 step %parallel_loop3A_1802  : i32 {
      %parallel_loop3A_2440 = arith.constant 4 : i32
      %parallel_loop3A_2441 = arith.muli %parallel_loop3A_2439, %parallel_loop3A_2440 : i32
      %parallel_loop3A_2442 = arith.constant 0 : i32
      %parallel_loop3A_2443 = arith.addi %parallel_loop3A_2441, %parallel_loop3A_2442 : i32
      %parallel_loop3A_2444 = vector.broadcast %parallel_loop3A_2443 : i32 to vector<16xi32>
      %parallel_loop3A_2445 = arith.addi %mul3A_5, %parallel_loop3A_2444 : vector<16xi32>
      %parallel_loop3A_2446 = arith.index_cast %parallel_loop3A_2443 : i32 to index
      %parallel_loop3A_2447 = arith.constant 0 : index
      %parallel_loop3A_2448 = tpu.vector_load %arg8[%parallel_loop3A_2446, %parallel_loop3A_2447] {strides = array<i32>} : memref<128x32xf32, #tpu.memory_space<vmem>>, vector<16xf32>,
      tpu.vector_store_idx %arg10[%parallel_loop3A_2445], %parallel_loop3A_2448 : memref<4096xf32, #tpu.memory_space<vmem>>[vector<16xi32>], vector<16xf32>,
      %parallel_loop3A_2449 = vector.broadcast %parallel_loop3A_2443 : i32 to vector<16xi32>
      %parallel_loop3A_2450 = arith.addi %mul3A_11, %parallel_loop3A_2449 : vector<16xi32>
      %parallel_loop3A_2451 = arith.index_cast %parallel_loop3A_2443 : i32 to index
      %parallel_loop3A_2452 = arith.constant 16 : index
      %parallel_loop3A_2453 = tpu.vector_load %arg8[%parallel_loop3A_2451, %parallel_loop3A_2452] {strides = array<i32>} : memref<128x32xf32, #tpu.memory_space<vmem>>, vector<16xf32>,
      tpu.vector_store_idx %arg10[%parallel_loop3A_2450], %parallel_loop3A_2453 : memref<4096xf32, #tpu.memory_space<vmem>>[vector<16xi32>], vector<16xf32>,
      %parallel_loop3A_2454 = arith.constant 4 : i32
      %parallel_loop3A_2455 = arith.muli %parallel_loop3A_2439, %parallel_loop3A_2454 : i32
      %parallel_loop3A_2456 = arith.constant 1 : i32
      %parallel_loop3A_2457 = arith.addi %parallel_loop3A_2455, %parallel_loop3A_2456 : i32
      %parallel_loop3A_2458 = vector.broadcast %parallel_loop3A_2457 : i32 to vector<16xi32>
      %parallel_loop3A_2459 = arith.addi %mul3A_5, %parallel_loop3A_2458 : vector<16xi32>
      %parallel_loop3A_2460 = arith.index_cast %parallel_loop3A_2457 : i32 to index
      %parallel_loop3A_2461 = arith.constant 0 : index
      %parallel_loop3A_2462 = tpu.vector_load %arg8[%parallel_loop3A_2460, %parallel_loop3A_2461] {strides = array<i32>} : memref<128x32xf32, #tpu.memory_space<vmem>>, vector<16xf32>,
      tpu.vector_store_idx %arg10[%parallel_loop3A_2459], %parallel_loop3A_2462 : memref<4096xf32, #tpu.memory_space<vmem>>[vector<16xi32>], vector<16xf32>,
      %parallel_loop3A_2463 = vector.broadcast %parallel_loop3A_2457 : i32 to vector<16xi32>
      %parallel_loop3A_2464 = arith.addi %mul3A_11, %parallel_loop3A_2463 : vector<16xi32>
      %parallel_loop3A_2465 = arith.index_cast %parallel_loop3A_2457 : i32 to index
      %parallel_loop3A_2466 = arith.constant 16 : index
      %parallel_loop3A_2467 = tpu.vector_load %arg8[%parallel_loop3A_2465, %parallel_loop3A_2466] {strides = array<i32>} : memref<128x32xf32, #tpu.memory_space<vmem>>, vector<16xf32>,
      tpu.vector_store_idx %arg10[%parallel_loop3A_2464], %parallel_loop3A_2467 : memref<4096xf32, #tpu.memory_space<vmem>>[vector<16xi32>], vector<16xf32>,
      %parallel_loop3A_2468 = arith.constant 4 : i32
      %parallel_loop3A_2469 = arith.muli %parallel_loop3A_2439, %parallel_loop3A_2468 : i32
      %parallel_loop3A_2470 = arith.constant 2 : i32
      %parallel_loop3A_2471 = arith.addi %parallel_loop3A_2469, %parallel_loop3A_2470 : i32
      %parallel_loop3A_2472 = vector.broadcast %parallel_loop3A_2471 : i32 to vector<16xi32>
      %parallel_loop3A_2473 = arith.addi %mul3A_5, %parallel_loop3A_2472 : vector<16xi32>
      %parallel_loop3A_2474 = arith.index_cast %parallel_loop3A_2471 : i32 to index
      %parallel_loop3A_2475 = arith.constant 0 : index
      %parallel_loop3A_2476 = tpu.vector_load %arg8[%parallel_loop3A_2474, %parallel_loop3A_2475] {strides = array<i32>} : memref<128x32xf32, #tpu.memory_space<vmem>>, vector<16xf32>,
      tpu.vector_store_idx %arg10[%parallel_loop3A_2473], %parallel_loop3A_2476 : memref<4096xf32, #tpu.memory_space<vmem>>[vector<16xi32>], vector<16xf32>,
      %parallel_loop3A_2477 = vector.broadcast %parallel_loop3A_2471 : i32 to vector<16xi32>
      %parallel_loop3A_2478 = arith.addi %mul3A_11, %parallel_loop3A_2477 : vector<16xi32>
      %parallel_loop3A_2479 = arith.index_cast %parallel_loop3A_2471 : i32 to index
      %parallel_loop3A_2480 = arith.constant 16 : index
      %parallel_loop3A_2481 = tpu.vector_load %arg8[%parallel_loop3A_2479, %parallel_loop3A_2480] {strides = array<i32>} : memref<128x32xf32, #tpu.memory_space<vmem>>, vector<16xf32>,
      tpu.vector_store_idx %arg10[%parallel_loop3A_2478], %parallel_loop3A_2481 : memref<4096xf32, #tpu.memory_space<vmem>>[vector<16xi32>], vector<16xf32>,
      %parallel_loop3A_2482 = arith.constant 4 : i32
      %parallel_loop3A_2483 = arith.muli %parallel_loop3A_2439, %parallel_loop3A_2482 : i32
      %parallel_loop3A_2484 = arith.constant 3 : i32
      %parallel_loop3A_2485 = arith.addi %parallel_loop3A_2483, %parallel_loop3A_2484 : i32
      %parallel_loop3A_2486 = vector.broadcast %parallel_loop3A_2485 : i32 to vector<16xi32>
      %parallel_loop3A_2487 = arith.addi %mul3A_5, %parallel_loop3A_2486 : vector<16xi32>
      %parallel_loop3A_2488 = arith.index_cast %parallel_loop3A_2485 : i32 to index
      %parallel_loop3A_2489 = arith.constant 0 : index
      %parallel_loop3A_2490 = tpu.vector_load %arg8[%parallel_loop3A_2488, %parallel_loop3A_2489] {strides = array<i32>} : memref<128x32xf32, #tpu.memory_space<vmem>>, vector<16xf32>,
      tpu.vector_store_idx %arg10[%parallel_loop3A_2487], %parallel_loop3A_2490 : memref<4096xf32, #tpu.memory_space<vmem>>[vector<16xi32>], vector<16xf32>,
      %parallel_loop3A_2491 = vector.broadcast %parallel_loop3A_2485 : i32 to vector<16xi32>
      %parallel_loop3A_2492 = arith.addi %mul3A_11, %parallel_loop3A_2491 : vector<16xi32>
      %parallel_loop3A_2493 = arith.index_cast %parallel_loop3A_2485 : i32 to index
      %parallel_loop3A_2494 = arith.constant 16 : index
      %parallel_loop3A_2495 = tpu.vector_load %arg8[%parallel_loop3A_2493, %parallel_loop3A_2494] {strides = array<i32>} : memref<128x32xf32, #tpu.memory_space<vmem>>, vector<16xf32>,
      tpu.vector_store_idx %arg10[%parallel_loop3A_2492], %parallel_loop3A_2495 : memref<4096xf32, #tpu.memory_space<vmem>>[vector<16xi32>], vector<16xf32>,
    } {sc.loop_unroll_factor = 1 : i64, sc.parallel_access}
    %add3A_1803 = arith.constant 799 : i32
    %add3A_1804 = arith.addi %mul3A_2, %add3A_1803 : i32
    %jit3A_1805 = arith.constant 128 : i32
    %div3A_1806 = arith.divsi %add3A_1804, %jit3A_1805 : i32
    %sign3A_1807 = arith.constant 0 : i32
    %sign3A_1808 = arith.cmpi sgt, %add3A_1804, %sign3A_1807 : i32
    %sign3A_1809 = arith.extui %sign3A_1808 : i1 to i32
    %sign3A_1810 = arith.constant 0 : i32
    %sign3A_1811 = arith.cmpi slt, %add3A_1804, %sign3A_1810 : i32
    %sign3A_1812 = arith.extui %sign3A_1811 : i1 to i32
    %sign3A_1813 = arith.subi %sign3A_1809, %sign3A_1812 : i32
    %sign3A_1814 = arith.constant 0 : i32
    %sign3A_1815 = arith.cmpi sgt, %jit3A_1805, %sign3A_1814 : i32
    %sign3A_1816 = arith.extui %sign3A_1815 : i1 to i32
    %sign3A_1817 = arith.constant 0 : i32
    %sign3A_1818 = arith.cmpi slt, %jit3A_1805, %sign3A_1817 : i32
    %sign3A_1819 = arith.extui %sign3A_1818 : i1 to i32
    %sign3A_1820 = arith.subi %sign3A_1816, %sign3A_1819 : i32
    %ne3A_1821 = arith.cmpi ne, %sign3A_1813, %sign3A_1820 : i32
    %rem3A_1822 = arith.remsi %add3A_1804, %jit3A_1805 : i32
    %ne3A_1823 = arith.constant 0 : i32
    %ne3A_1824 = arith.cmpi ne, %rem3A_1822, %ne3A_1823 : i32
    %and3A_1825 = arith.andi %ne3A_1821, %ne3A_1824 : i1
    %sub3A_1826 = arith.constant 1 : i32
    %sub3A_1827 = arith.subi %div3A_1806, %sub3A_1826 : i32
    %select_n3A_1828 = arith.select %and3A_1825, %sub3A_1827, %div3A_1806 : i32
    %jit3A_1829 = arith.constant 128 : i32
    %eq3A_1830 = arith.constant 0 : i32
    %eq3A_1831 = arith.cmpi eq, %jit3A_1829, %eq3A_1830 : i32
    %jit3A_1832 = arith.constant 1 : i32
    %select_n3A_1833 = arith.select %eq3A_1831, %jit3A_1832, %jit3A_1829 : i32
    %rem3A_1834 = arith.remsi %add3A_1804, %select_n3A_1833 : i32
    %ne3A_1835 = arith.constant 0 : i32
    %ne3A_1836 = arith.cmpi ne, %rem3A_1834, %ne3A_1835 : i32
    %lt3A_1837 = arith.constant 0 : i32
    %lt3A_1838 = arith.cmpi slt, %rem3A_1834, %lt3A_1837 : i32
    %lt3A_1839 = arith.constant 0 : i32
    %lt3A_1840 = arith.cmpi slt, %select_n3A_1833, %lt3A_1839 : i32
    %ne3A_1841 = arith.xori %lt3A_1838, %lt3A_1840 : i1
    %and3A_1842 = arith.andi %ne3A_1841, %ne3A_1836 : i1
    %add3A_1843 = arith.addi %rem3A_1834, %select_n3A_1833 : i32
    %select_n3A_1844 = arith.select %and3A_1842, %add3A_1843, %rem3A_1834 : i32
    %dma_start3A_1845 = arith.constant 0 : i32
    %dma_start3A_1846 = arith.constant 0 : i32
    %dma_start3A_1847 = tpu.memref_slice %arg10[%dma_start3A_1846] : memref<4096xf32, #tpu.memory_space<vmem>> -> memref<1024xf32, #tpu.memory_space<vmem>>
    %dma_start3A_1848 = arith.constant 0 : i32
    %dma_start3A_1849 = tpu.memref_slice %arg4[%select_n3A_1828, %dma_start3A_1845, %select_n3A_1844, %dma_start3A_1848] : memref<200x4x128x1024xf32, #tpu.memory_space<hbm>> -> memref<1x1x1x1024xf32, #tpu.memory_space<hbm>>
    %dma_start3A_1850 = tpu.memref_squeeze %dma_start3A_1849 : memref<1x1x1x1024xf32, #tpu.memory_space<hbm>> -> memref<1024xf32, #tpu.memory_space<hbm>>
    %dma_start3A_1851 = arith.constant 0 : i32
    %dma_start3A_1852 = tpu.memref_slice %arg4[%select_n3A_1828, %dma_start3A_1845, %select_n3A_1844, %dma_start3A_1851] : memref<200x4x128x1024xf32, #tpu.memory_space<hbm>> -> memref<1x1x1x1024xf32, #tpu.memory_space<hbm>>
    %dma_start3A_1853 = tpu.memref_squeeze %dma_start3A_1852 : memref<1x1x1x1024xf32, #tpu.memory_space<hbm>> -> memref<1024xf32, #tpu.memory_space<hbm>>
    %dma_start3A_1854 = arith.constant 0 : i32
    %dma_start3A_1855 = tpu.memref_slice %arg10[%dma_start3A_1854] : memref<4096xf32, #tpu.memory_space<vmem>> -> memref<1024xf32, #tpu.memory_space<vmem>>
    tpu.enqueue_dma source(%dma_start3A_1855 : memref<1024xf32, #tpu.memory_space<vmem>>) target(%dma_start3A_1853 : memref<1024xf32, #tpu.memory_space<hbm>>) target_semaphore(%arg16 : memref<!tpu.dma_semaphore, #tpu.memory_space<semaphore_mem>>)
    %add3A_1856 = arith.constant 799 : i32
    %add3A_1857 = arith.addi %mul3A_2, %add3A_1856 : i32
    %jit3A_1858 = arith.constant 128 : i32
    %div3A_1859 = arith.divsi %add3A_1857, %jit3A_1858 : i32
    %sign3A_1860 = arith.constant 0 : i32
    %sign3A_1861 = arith.cmpi sgt, %add3A_1857, %sign3A_1860 : i32
    %sign3A_1862 = arith.extui %sign3A_1861 : i1 to i32
    %sign3A_1863 = arith.constant 0 : i32
    %sign3A_1864 = arith.cmpi slt, %add3A_1857, %sign3A_1863 : i32
    %sign3A_1865 = arith.extui %sign3A_1864 : i1 to i32
    %sign3A_1866 = arith.subi %sign3A_1862, %sign3A_1865 : i32
    %sign3A_1867 = arith.constant 0 : i32
    %sign3A_1868 = arith.cmpi sgt, %jit3A_1858, %sign3A_1867 : i32
    %sign3A_1869 = arith.extui %sign3A_1868 : i1 to i32
    %sign3A_1870 = arith.constant 0 : i32
    %sign3A_1871 = arith.cmpi slt, %jit3A_1858, %sign3A_1870 : i32
    %sign3A_1872 = arith.extui %sign3A_1871 : i1 to i32
    %sign3A_1873 = arith.subi %sign3A_1869, %sign3A_1872 : i32
    %ne3A_1874 = arith.cmpi ne, %sign3A_1866, %sign3A_1873 : i32
    %rem3A_1875 = arith.remsi %add3A_1857, %jit3A_1858 : i32
    %ne3A_1876 = arith.constant 0 : i32
    %ne3A_1877 = arith.cmpi ne, %rem3A_1875, %ne3A_1876 : i32
    %and3A_1878 = arith.andi %ne3A_1874, %ne3A_1877 : i1
    %sub3A_1879 = arith.constant 1 : i32
    %sub3A_1880 = arith.subi %div3A_1859, %sub3A_1879 : i32
    %select_n3A_1881 = arith.select %and3A_1878, %sub3A_1880, %div3A_1859 : i32
    %jit3A_1882 = arith.constant 128 : i32
    %eq3A_1883 = arith.constant 0 : i32
    %eq3A_1884 = arith.cmpi eq, %jit3A_1882, %eq3A_1883 : i32
    %jit3A_1885 = arith.constant 1 : i32
    %select_n3A_1886 = arith.select %eq3A_1884, %jit3A_1885, %jit3A_1882 : i32
    %rem3A_1887 = arith.remsi %add3A_1857, %select_n3A_1886 : i32
    %ne3A_1888 = arith.constant 0 : i32
    %ne3A_1889 = arith.cmpi ne, %rem3A_1887, %ne3A_1888 : i32
    %lt3A_1890 = arith.constant 0 : i32
    %lt3A_1891 = arith.cmpi slt, %rem3A_1887, %lt3A_1890 : i32
    %lt3A_1892 = arith.constant 0 : i32
    %lt3A_1893 = arith.cmpi slt, %select_n3A_1886, %lt3A_1892 : i32
    %ne3A_1894 = arith.xori %lt3A_1891, %lt3A_1893 : i1
    %and3A_1895 = arith.andi %ne3A_1894, %ne3A_1889 : i1
    %add3A_1896 = arith.addi %rem3A_1887, %select_n3A_1886 : i32
    %select_n3A_1897 = arith.select %and3A_1895, %add3A_1896, %rem3A_1887 : i32
    %dma_start3A_1898 = arith.constant 1 : i32
    %dma_start3A_1899 = arith.constant 1024 : i32
    %dma_start3A_1900 = tpu.memref_slice %arg10[%dma_start3A_1899] : memref<4096xf32, #tpu.memory_space<vmem>> -> memref<1024xf32, #tpu.memory_space<vmem>>
    %dma_start3A_1901 = arith.constant 0 : i32
    %dma_start3A_1902 = tpu.memref_slice %arg4[%select_n3A_1881, %dma_start3A_1898, %select_n3A_1897, %dma_start3A_1901] : memref<200x4x128x1024xf32, #tpu.memory_space<hbm>> -> memref<1x1x1x1024xf32, #tpu.memory_space<hbm>>
    %dma_start3A_1903 = tpu.memref_squeeze %dma_start3A_1902 : memref<1x1x1x1024xf32, #tpu.memory_space<hbm>> -> memref<1024xf32, #tpu.memory_space<hbm>>
    %dma_start3A_1904 = arith.constant 0 : i32
    %dma_start3A_1905 = tpu.memref_slice %arg4[%select_n3A_1881, %dma_start3A_1898, %select_n3A_1897, %dma_start3A_1904] : memref<200x4x128x1024xf32, #tpu.memory_space<hbm>> -> memref<1x1x1x1024xf32, #tpu.memory_space<hbm>>
    %dma_start3A_1906 = tpu.memref_squeeze %dma_start3A_1905 : memref<1x1x1x1024xf32, #tpu.memory_space<hbm>> -> memref<1024xf32, #tpu.memory_space<hbm>>
    %dma_start3A_1907 = arith.constant 1024 : i32
    %dma_start3A_1908 = tpu.memref_slice %arg10[%dma_start3A_1907] : memref<4096xf32, #tpu.memory_space<vmem>> -> memref<1024xf32, #tpu.memory_space<vmem>>
    tpu.enqueue_dma source(%dma_start3A_1908 : memref<1024xf32, #tpu.memory_space<vmem>>) target(%dma_start3A_1906 : memref<1024xf32, #tpu.memory_space<hbm>>) target_semaphore(%arg16 : memref<!tpu.dma_semaphore, #tpu.memory_space<semaphore_mem>>)
    %add3A_1909 = arith.constant 799 : i32
    %add3A_1910 = arith.addi %mul3A_2, %add3A_1909 : i32
    %jit3A_1911 = arith.constant 128 : i32
    %div3A_1912 = arith.divsi %add3A_1910, %jit3A_1911 : i32
    %sign3A_1913 = arith.constant 0 : i32
    %sign3A_1914 = arith.cmpi sgt, %add3A_1910, %sign3A_1913 : i32
    %sign3A_1915 = arith.extui %sign3A_1914 : i1 to i32
    %sign3A_1916 = arith.constant 0 : i32
    %sign3A_1917 = arith.cmpi slt, %add3A_1910, %sign3A_1916 : i32
    %sign3A_1918 = arith.extui %sign3A_1917 : i1 to i32
    %sign3A_1919 = arith.subi %sign3A_1915, %sign3A_1918 : i32
    %sign3A_1920 = arith.constant 0 : i32
    %sign3A_1921 = arith.cmpi sgt, %jit3A_1911, %sign3A_1920 : i32
    %sign3A_1922 = arith.extui %sign3A_1921 : i1 to i32
    %sign3A_1923 = arith.constant 0 : i32
    %sign3A_1924 = arith.cmpi slt, %jit3A_1911, %sign3A_1923 : i32
    %sign3A_1925 = arith.extui %sign3A_1924 : i1 to i32
    %sign3A_1926 = arith.subi %sign3A_1922, %sign3A_1925 : i32
    %ne3A_1927 = arith.cmpi ne, %sign3A_1919, %sign3A_1926 : i32
    %rem3A_1928 = arith.remsi %add3A_1910, %jit3A_1911 : i32
    %ne3A_1929 = arith.constant 0 : i32
    %ne3A_1930 = arith.cmpi ne, %rem3A_1928, %ne3A_1929 : i32
    %and3A_1931 = arith.andi %ne3A_1927, %ne3A_1930 : i1
    %sub3A_1932 = arith.constant 1 : i32
    %sub3A_1933 = arith.subi %div3A_1912, %sub3A_1932 : i32
    %select_n3A_1934 = arith.select %and3A_1931, %sub3A_1933, %div3A_1912 : i32
    %jit3A_1935 = arith.constant 128 : i32
    %eq3A_1936 = arith.constant 0 : i32
    %eq3A_1937 = arith.cmpi eq, %jit3A_1935, %eq3A_1936 : i32
    %jit3A_1938 = arith.constant 1 : i32
    %select_n3A_1939 = arith.select %eq3A_1937, %jit3A_1938, %jit3A_1935 : i32
    %rem3A_1940 = arith.remsi %add3A_1910, %select_n3A_1939 : i32
    %ne3A_1941 = arith.constant 0 : i32
    %ne3A_1942 = arith.cmpi ne, %rem3A_1940, %ne3A_1941 : i32
    %lt3A_1943 = arith.constant 0 : i32
    %lt3A_1944 = arith.cmpi slt, %rem3A_1940, %lt3A_1943 : i32
    %lt3A_1945 = arith.constant 0 : i32
    %lt3A_1946 = arith.cmpi slt, %select_n3A_1939, %lt3A_1945 : i32
    %ne3A_1947 = arith.xori %lt3A_1944, %lt3A_1946 : i1
    %and3A_1948 = arith.andi %ne3A_1947, %ne3A_1942 : i1
    %add3A_1949 = arith.addi %rem3A_1940, %select_n3A_1939 : i32
    %select_n3A_1950 = arith.select %and3A_1948, %add3A_1949, %rem3A_1940 : i32
    %dma_start3A_1951 = arith.constant 2 : i32
    %dma_start3A_1952 = arith.constant 2048 : i32
    %dma_start3A_1953 = tpu.memref_slice %arg10[%dma_start3A_1952] : memref<4096xf32, #tpu.memory_space<vmem>> -> memref<1024xf32, #tpu.memory_space<vmem>>
    %dma_start3A_1954 = arith.constant 0 : i32
    %dma_start3A_1955 = tpu.memref_slice %arg4[%select_n3A_1934, %dma_start3A_1951, %select_n3A_1950, %dma_start3A_1954] : memref<200x4x128x1024xf32, #tpu.memory_space<hbm>> -> memref<1x1x1x1024xf32, #tpu.memory_space<hbm>>
    %dma_start3A_1956 = tpu.memref_squeeze %dma_start3A_1955 : memref<1x1x1x1024xf32, #tpu.memory_space<hbm>> -> memref<1024xf32, #tpu.memory_space<hbm>>
    %dma_start3A_1957 = arith.constant 0 : i32
    %dma_start3A_1958 = tpu.memref_slice %arg4[%select_n3A_1934, %dma_start3A_1951, %select_n3A_1950, %dma_start3A_1957] : memref<200x4x128x1024xf32, #tpu.memory_space<hbm>> -> memref<1x1x1x1024xf32, #tpu.memory_space<hbm>>
    %dma_start3A_1959 = tpu.memref_squeeze %dma_start3A_1958 : memref<1x1x1x1024xf32, #tpu.memory_space<hbm>> -> memref<1024xf32, #tpu.memory_space<hbm>>
    %dma_start3A_1960 = arith.constant 2048 : i32
    %dma_start3A_1961 = tpu.memref_slice %arg10[%dma_start3A_1960] : memref<4096xf32, #tpu.memory_space<vmem>> -> memref<1024xf32, #tpu.memory_space<vmem>>
    tpu.enqueue_dma source(%dma_start3A_1961 : memref<1024xf32, #tpu.memory_space<vmem>>) target(%dma_start3A_1959 : memref<1024xf32, #tpu.memory_space<hbm>>) target_semaphore(%arg16 : memref<!tpu.dma_semaphore, #tpu.memory_space<semaphore_mem>>)
    %add3A_1962 = arith.constant 799 : i32
    %add3A_1963 = arith.addi %mul3A_2, %add3A_1962 : i32
    %jit3A_1964 = arith.constant 128 : i32
    %div3A_1965 = arith.divsi %add3A_1963, %jit3A_1964 : i32
    %sign3A_1966 = arith.constant 0 : i32
    %sign3A_1967 = arith.cmpi sgt, %add3A_1963, %sign3A_1966 : i32
    %sign3A_1968 = arith.extui %sign3A_1967 : i1 to i32
    %sign3A_1969 = arith.constant 0 : i32
    %sign3A_1970 = arith.cmpi slt, %add3A_1963, %sign3A_1969 : i32
    %sign3A_1971 = arith.extui %sign3A_1970 : i1 to i32
    %sign3A_1972 = arith.subi %sign3A_1968, %sign3A_1971 : i32
    %sign3A_1973 = arith.constant 0 : i32
    %sign3A_1974 = arith.cmpi sgt, %jit3A_1964, %sign3A_1973 : i32
    %sign3A_1975 = arith.extui %sign3A_1974 : i1 to i32
    %sign3A_1976 = arith.constant 0 : i32
    %sign3A_1977 = arith.cmpi slt, %jit3A_1964, %sign3A_1976 : i32
    %sign3A_1978 = arith.extui %sign3A_1977 : i1 to i32
    %sign3A_1979 = arith.subi %sign3A_1975, %sign3A_1978 : i32
    %ne3A_1980 = arith.cmpi ne, %sign3A_1972, %sign3A_1979 : i32
    %rem3A_1981 = arith.remsi %add3A_1963, %jit3A_1964 : i32
    %ne3A_1982 = arith.constant 0 : i32
    %ne3A_1983 = arith.cmpi ne, %rem3A_1981, %ne3A_1982 : i32
    %and3A_1984 = arith.andi %ne3A_1980, %ne3A_1983 : i1
    %sub3A_1985 = arith.constant 1 : i32
    %sub3A_1986 = arith.subi %div3A_1965, %sub3A_1985 : i32
    %select_n3A_1987 = arith.select %and3A_1984, %sub3A_1986, %div3A_1965 : i32
    %jit3A_1988 = arith.constant 128 : i32
    %eq3A_1989 = arith.constant 0 : i32
    %eq3A_1990 = arith.cmpi eq, %jit3A_1988, %eq3A_1989 : i32
    %jit3A_1991 = arith.constant 1 : i32
    %select_n3A_1992 = arith.select %eq3A_1990, %jit3A_1991, %jit3A_1988 : i32
    %rem3A_1993 = arith.remsi %add3A_1963, %select_n3A_1992 : i32
    %ne3A_1994 = arith.constant 0 : i32
    %ne3A_1995 = arith.cmpi ne, %rem3A_1993, %ne3A_1994 : i32
    %lt3A_1996 = arith.constant 0 : i32
    %lt3A_1997 = arith.cmpi slt, %rem3A_1993, %lt3A_1996 : i32
    %lt3A_1998 = arith.constant 0 : i32
    %lt3A_1999 = arith.cmpi slt, %select_n3A_1992, %lt3A_1998 : i32
    %ne3A_2000 = arith.xori %lt3A_1997, %lt3A_1999 : i1
    %and3A_2001 = arith.andi %ne3A_2000, %ne3A_1995 : i1
    %add3A_2002 = arith.addi %rem3A_1993, %select_n3A_1992 : i32
    %select_n3A_2003 = arith.select %and3A_2001, %add3A_2002, %rem3A_1993 : i32
    %dma_start3A_2004 = arith.constant 3 : i32
    %dma_start3A_2005 = arith.constant 3072 : i32
    %dma_start3A_2006 = tpu.memref_slice %arg10[%dma_start3A_2005] : memref<4096xf32, #tpu.memory_space<vmem>> -> memref<1024xf32, #tpu.memory_space<vmem>>
    %dma_start3A_2007 = arith.constant 0 : i32
    %dma_start3A_2008 = tpu.memref_slice %arg4[%select_n3A_1987, %dma_start3A_2004, %select_n3A_2003, %dma_start3A_2007] : memref<200x4x128x1024xf32, #tpu.memory_space<hbm>> -> memref<1x1x1x1024xf32, #tpu.memory_space<hbm>>
    %dma_start3A_2009 = tpu.memref_squeeze %dma_start3A_2008 : memref<1x1x1x1024xf32, #tpu.memory_space<hbm>> -> memref<1024xf32, #tpu.memory_space<hbm>>
    %dma_start3A_2010 = arith.constant 0 : i32
    %dma_start3A_2011 = tpu.memref_slice %arg4[%select_n3A_1987, %dma_start3A_2004, %select_n3A_2003, %dma_start3A_2010] : memref<200x4x128x1024xf32, #tpu.memory_space<hbm>> -> memref<1x1x1x1024xf32, #tpu.memory_space<hbm>>
    %dma_start3A_2012 = tpu.memref_squeeze %dma_start3A_2011 : memref<1x1x1x1024xf32, #tpu.memory_space<hbm>> -> memref<1024xf32, #tpu.memory_space<hbm>>
    %dma_start3A_2013 = arith.constant 3072 : i32
    %dma_start3A_2014 = tpu.memref_slice %arg10[%dma_start3A_2013] : memref<4096xf32, #tpu.memory_space<vmem>> -> memref<1024xf32, #tpu.memory_space<vmem>>
    tpu.enqueue_dma source(%dma_start3A_2014 : memref<1024xf32, #tpu.memory_space<vmem>>) target(%dma_start3A_2012 : memref<1024xf32, #tpu.memory_space<hbm>>) target_semaphore(%arg16 : memref<!tpu.dma_semaphore, #tpu.memory_space<semaphore_mem>>)
    %add3A_2015 = arith.constant 798 : i32
    %add3A_2016 = arith.addi %mul3A_2, %add3A_2015 : i32
    %jit3A_2017 = arith.constant 128 : i32
    %div3A_2018 = arith.divsi %add3A_2016, %jit3A_2017 : i32
    %sign3A_2019 = arith.constant 0 : i32
    %sign3A_2020 = arith.cmpi sgt, %add3A_2016, %sign3A_2019 : i32
    %sign3A_2021 = arith.extui %sign3A_2020 : i1 to i32
    %sign3A_2022 = arith.constant 0 : i32
    %sign3A_2023 = arith.cmpi slt, %add3A_2016, %sign3A_2022 : i32
    %sign3A_2024 = arith.extui %sign3A_2023 : i1 to i32
    %sign3A_2025 = arith.subi %sign3A_2021, %sign3A_2024 : i32
    %sign3A_2026 = arith.constant 0 : i32
    %sign3A_2027 = arith.cmpi sgt, %jit3A_2017, %sign3A_2026 : i32
    %sign3A_2028 = arith.extui %sign3A_2027 : i1 to i32
    %sign3A_2029 = arith.constant 0 : i32
    %sign3A_2030 = arith.cmpi slt, %jit3A_2017, %sign3A_2029 : i32
    %sign3A_2031 = arith.extui %sign3A_2030 : i1 to i32
    %sign3A_2032 = arith.subi %sign3A_2028, %sign3A_2031 : i32
    %ne3A_2033 = arith.cmpi ne, %sign3A_2025, %sign3A_2032 : i32
    %rem3A_2034 = arith.remsi %add3A_2016, %jit3A_2017 : i32
    %ne3A_2035 = arith.constant 0 : i32
    %ne3A_2036 = arith.cmpi ne, %rem3A_2034, %ne3A_2035 : i32
    %and3A_2037 = arith.andi %ne3A_2033, %ne3A_2036 : i1
    %sub3A_2038 = arith.constant 1 : i32
    %sub3A_2039 = arith.subi %div3A_2018, %sub3A_2038 : i32
    %select_n3A_2040 = arith.select %and3A_2037, %sub3A_2039, %div3A_2018 : i32
    %jit3A_2041 = arith.constant 128 : i32
    %eq3A_2042 = arith.constant 0 : i32
    %eq3A_2043 = arith.cmpi eq, %jit3A_2041, %eq3A_2042 : i32
    %jit3A_2044 = arith.constant 1 : i32
    %select_n3A_2045 = arith.select %eq3A_2043, %jit3A_2044, %jit3A_2041 : i32
    %rem3A_2046 = arith.remsi %add3A_2016, %select_n3A_2045 : i32
    %ne3A_2047 = arith.constant 0 : i32
    %ne3A_2048 = arith.cmpi ne, %rem3A_2046, %ne3A_2047 : i32
    %lt3A_2049 = arith.constant 0 : i32
    %lt3A_2050 = arith.cmpi slt, %rem3A_2046, %lt3A_2049 : i32
    %lt3A_2051 = arith.constant 0 : i32
    %lt3A_2052 = arith.cmpi slt, %select_n3A_2045, %lt3A_2051 : i32
    %ne3A_2053 = arith.xori %lt3A_2050, %lt3A_2052 : i1
    %and3A_2054 = arith.andi %ne3A_2053, %ne3A_2048 : i1
    %add3A_2055 = arith.addi %rem3A_2046, %select_n3A_2045 : i32
    %select_n3A_2056 = arith.select %and3A_2054, %add3A_2055, %rem3A_2046 : i32
    %dma_wait3A_2057 = arith.constant 0 : i32
    %dma_wait3A_2058 = arith.constant 0 : i32
    %dma_wait3A_2059 = tpu.memref_slice %arg9[%dma_wait3A_2058] : memref<4096xf32, #tpu.memory_space<vmem>> -> memref<1024xf32, #tpu.memory_space<vmem>>
    %dma_wait3A_2060 = arith.constant 0 : i32
    %dma_wait3A_2061 = tpu.memref_slice %arg4[%select_n3A_2040, %dma_wait3A_2057, %select_n3A_2056, %dma_wait3A_2060] : memref<200x4x128x1024xf32, #tpu.memory_space<hbm>> -> memref<1x1x1x1024xf32, #tpu.memory_space<hbm>>
    %dma_wait3A_2062 = tpu.memref_squeeze %dma_wait3A_2061 : memref<1x1x1x1024xf32, #tpu.memory_space<hbm>> -> memref<1024xf32, #tpu.memory_space<hbm>>
    %dma_wait3A_2063 = arith.constant 0 : i32
    %dma_wait3A_2064 = tpu.memref_slice %arg4[%select_n3A_2040, %dma_wait3A_2057, %select_n3A_2056, %dma_wait3A_2063] : memref<200x4x128x1024xf32, #tpu.memory_space<hbm>> -> memref<1x1x1x1024xf32, #tpu.memory_space<hbm>>
    %dma_wait3A_2065 = tpu.memref_squeeze %dma_wait3A_2064 : memref<1x1x1x1024xf32, #tpu.memory_space<hbm>> -> memref<1024xf32, #tpu.memory_space<hbm>>
    %dma_wait3A_2066 = arith.constant 0 : i32
    %dma_wait3A_2067 = tpu.memref_slice %arg9[%dma_wait3A_2066] : memref<4096xf32, #tpu.memory_space<vmem>> -> memref<1024xf32, #tpu.memory_space<vmem>>
    tpu.wait_dma2 semaphore(%arg15 : memref<!tpu.dma_semaphore, #tpu.memory_space<semaphore_mem>>) src(%dma_wait3A_2067 : memref<1024xf32, #tpu.memory_space<vmem>>) dst(%dma_wait3A_2065 : memref<1024xf32, #tpu.memory_space<hbm>>)
    %add3A_2068 = arith.constant 798 : i32
    %add3A_2069 = arith.addi %mul3A_2, %add3A_2068 : i32
    %jit3A_2070 = arith.constant 128 : i32
    %div3A_2071 = arith.divsi %add3A_2069, %jit3A_2070 : i32
    %sign3A_2072 = arith.constant 0 : i32
    %sign3A_2073 = arith.cmpi sgt, %add3A_2069, %sign3A_2072 : i32
    %sign3A_2074 = arith.extui %sign3A_2073 : i1 to i32
    %sign3A_2075 = arith.constant 0 : i32
    %sign3A_2076 = arith.cmpi slt, %add3A_2069, %sign3A_2075 : i32
    %sign3A_2077 = arith.extui %sign3A_2076 : i1 to i32
    %sign3A_2078 = arith.subi %sign3A_2074, %sign3A_2077 : i32
    %sign3A_2079 = arith.constant 0 : i32
    %sign3A_2080 = arith.cmpi sgt, %jit3A_2070, %sign3A_2079 : i32
    %sign3A_2081 = arith.extui %sign3A_2080 : i1 to i32
    %sign3A_2082 = arith.constant 0 : i32
    %sign3A_2083 = arith.cmpi slt, %jit3A_2070, %sign3A_2082 : i32
    %sign3A_2084 = arith.extui %sign3A_2083 : i1 to i32
    %sign3A_2085 = arith.subi %sign3A_2081, %sign3A_2084 : i32
    %ne3A_2086 = arith.cmpi ne, %sign3A_2078, %sign3A_2085 : i32
    %rem3A_2087 = arith.remsi %add3A_2069, %jit3A_2070 : i32
    %ne3A_2088 = arith.constant 0 : i32
    %ne3A_2089 = arith.cmpi ne, %rem3A_2087, %ne3A_2088 : i32
    %and3A_2090 = arith.andi %ne3A_2086, %ne3A_2089 : i1
    %sub3A_2091 = arith.constant 1 : i32
    %sub3A_2092 = arith.subi %div3A_2071, %sub3A_2091 : i32
    %select_n3A_2093 = arith.select %and3A_2090, %sub3A_2092, %div3A_2071 : i32
    %jit3A_2094 = arith.constant 128 : i32
    %eq3A_2095 = arith.constant 0 : i32
    %eq3A_2096 = arith.cmpi eq, %jit3A_2094, %eq3A_2095 : i32
    %jit3A_2097 = arith.constant 1 : i32
    %select_n3A_2098 = arith.select %eq3A_2096, %jit3A_2097, %jit3A_2094 : i32
    %rem3A_2099 = arith.remsi %add3A_2069, %select_n3A_2098 : i32
    %ne3A_2100 = arith.constant 0 : i32
    %ne3A_2101 = arith.cmpi ne, %rem3A_2099, %ne3A_2100 : i32
    %lt3A_2102 = arith.constant 0 : i32
    %lt3A_2103 = arith.cmpi slt, %rem3A_2099, %lt3A_2102 : i32
    %lt3A_2104 = arith.constant 0 : i32
    %lt3A_2105 = arith.cmpi slt, %select_n3A_2098, %lt3A_2104 : i32
    %ne3A_2106 = arith.xori %lt3A_2103, %lt3A_2105 : i1
    %and3A_2107 = arith.andi %ne3A_2106, %ne3A_2101 : i1
    %add3A_2108 = arith.addi %rem3A_2099, %select_n3A_2098 : i32
    %select_n3A_2109 = arith.select %and3A_2107, %add3A_2108, %rem3A_2099 : i32
    %dma_wait3A_2110 = arith.constant 1 : i32
    %dma_wait3A_2111 = arith.constant 1024 : i32
    %dma_wait3A_2112 = tpu.memref_slice %arg9[%dma_wait3A_2111] : memref<4096xf32, #tpu.memory_space<vmem>> -> memref<1024xf32, #tpu.memory_space<vmem>>
    %dma_wait3A_2113 = arith.constant 0 : i32
    %dma_wait3A_2114 = tpu.memref_slice %arg4[%select_n3A_2093, %dma_wait3A_2110, %select_n3A_2109, %dma_wait3A_2113] : memref<200x4x128x1024xf32, #tpu.memory_space<hbm>> -> memref<1x1x1x1024xf32, #tpu.memory_space<hbm>>
    %dma_wait3A_2115 = tpu.memref_squeeze %dma_wait3A_2114 : memref<1x1x1x1024xf32, #tpu.memory_space<hbm>> -> memref<1024xf32, #tpu.memory_space<hbm>>
    %dma_wait3A_2116 = arith.constant 0 : i32
    %dma_wait3A_2117 = tpu.memref_slice %arg4[%select_n3A_2093, %dma_wait3A_2110, %select_n3A_2109, %dma_wait3A_2116] : memref<200x4x128x1024xf32, #tpu.memory_space<hbm>> -> memref<1x1x1x1024xf32, #tpu.memory_space<hbm>>
    %dma_wait3A_2118 = tpu.memref_squeeze %dma_wait3A_2117 : memref<1x1x1x1024xf32, #tpu.memory_space<hbm>> -> memref<1024xf32, #tpu.memory_space<hbm>>
    %dma_wait3A_2119 = arith.constant 1024 : i32
    %dma_wait3A_2120 = tpu.memref_slice %arg9[%dma_wait3A_2119] : memref<4096xf32, #tpu.memory_space<vmem>> -> memref<1024xf32, #tpu.memory_space<vmem>>
    tpu.wait_dma2 semaphore(%arg15 : memref<!tpu.dma_semaphore, #tpu.memory_space<semaphore_mem>>) src(%dma_wait3A_2120 : memref<1024xf32, #tpu.memory_space<vmem>>) dst(%dma_wait3A_2118 : memref<1024xf32, #tpu.memory_space<hbm>>)
    %add3A_2121 = arith.constant 798 : i32
    %add3A_2122 = arith.addi %mul3A_2, %add3A_2121 : i32
    %jit3A_2123 = arith.constant 128 : i32
    %div3A_2124 = arith.divsi %add3A_2122, %jit3A_2123 : i32
    %sign3A_2125 = arith.constant 0 : i32
    %sign3A_2126 = arith.cmpi sgt, %add3A_2122, %sign3A_2125 : i32
    %sign3A_2127 = arith.extui %sign3A_2126 : i1 to i32
    %sign3A_2128 = arith.constant 0 : i32
    %sign3A_2129 = arith.cmpi slt, %add3A_2122, %sign3A_2128 : i32
    %sign3A_2130 = arith.extui %sign3A_2129 : i1 to i32
    %sign3A_2131 = arith.subi %sign3A_2127, %sign3A_2130 : i32
    %sign3A_2132 = arith.constant 0 : i32
    %sign3A_2133 = arith.cmpi sgt, %jit3A_2123, %sign3A_2132 : i32
    %sign3A_2134 = arith.extui %sign3A_2133 : i1 to i32
    %sign3A_2135 = arith.constant 0 : i32
    %sign3A_2136 = arith.cmpi slt, %jit3A_2123, %sign3A_2135 : i32
    %sign3A_2137 = arith.extui %sign3A_2136 : i1 to i32
    %sign3A_2138 = arith.subi %sign3A_2134, %sign3A_2137 : i32
    %ne3A_2139 = arith.cmpi ne, %sign3A_2131, %sign3A_2138 : i32
    %rem3A_2140 = arith.remsi %add3A_2122, %jit3A_2123 : i32
    %ne3A_2141 = arith.constant 0 : i32
    %ne3A_2142 = arith.cmpi ne, %rem3A_2140, %ne3A_2141 : i32
    %and3A_2143 = arith.andi %ne3A_2139, %ne3A_2142 : i1
    %sub3A_2144 = arith.constant 1 : i32
    %sub3A_2145 = arith.subi %div3A_2124, %sub3A_2144 : i32
    %select_n3A_2146 = arith.select %and3A_2143, %sub3A_2145, %div3A_2124 : i32
    %jit3A_2147 = arith.constant 128 : i32
    %eq3A_2148 = arith.constant 0 : i32
    %eq3A_2149 = arith.cmpi eq, %jit3A_2147, %eq3A_2148 : i32
    %jit3A_2150 = arith.constant 1 : i32
    %select_n3A_2151 = arith.select %eq3A_2149, %jit3A_2150, %jit3A_2147 : i32
    %rem3A_2152 = arith.remsi %add3A_2122, %select_n3A_2151 : i32
    %ne3A_2153 = arith.constant 0 : i32
    %ne3A_2154 = arith.cmpi ne, %rem3A_2152, %ne3A_2153 : i32
    %lt3A_2155 = arith.constant 0 : i32
    %lt3A_2156 = arith.cmpi slt, %rem3A_2152, %lt3A_2155 : i32
    %lt3A_2157 = arith.constant 0 : i32
    %lt3A_2158 = arith.cmpi slt, %select_n3A_2151, %lt3A_2157 : i32
    %ne3A_2159 = arith.xori %lt3A_2156, %lt3A_2158 : i1
    %and3A_2160 = arith.andi %ne3A_2159, %ne3A_2154 : i1
    %add3A_2161 = arith.addi %rem3A_2152, %select_n3A_2151 : i32
    %select_n3A_2162 = arith.select %and3A_2160, %add3A_2161, %rem3A_2152 : i32
    %dma_wait3A_2163 = arith.constant 2 : i32
    %dma_wait3A_2164 = arith.constant 2048 : i32
    %dma_wait3A_2165 = tpu.memref_slice %arg9[%dma_wait3A_2164] : memref<4096xf32, #tpu.memory_space<vmem>> -> memref<1024xf32, #tpu.memory_space<vmem>>
    %dma_wait3A_2166 = arith.constant 0 : i32
    %dma_wait3A_2167 = tpu.memref_slice %arg4[%select_n3A_2146, %dma_wait3A_2163, %select_n3A_2162, %dma_wait3A_2166] : memref<200x4x128x1024xf32, #tpu.memory_space<hbm>> -> memref<1x1x1x1024xf32, #tpu.memory_space<hbm>>
    %dma_wait3A_2168 = tpu.memref_squeeze %dma_wait3A_2167 : memref<1x1x1x1024xf32, #tpu.memory_space<hbm>> -> memref<1024xf32, #tpu.memory_space<hbm>>
    %dma_wait3A_2169 = arith.constant 0 : i32
    %dma_wait3A_2170 = tpu.memref_slice %arg4[%select_n3A_2146, %dma_wait3A_2163, %select_n3A_2162, %dma_wait3A_2169] : memref<200x4x128x1024xf32, #tpu.memory_space<hbm>> -> memref<1x1x1x1024xf32, #tpu.memory_space<hbm>>
    %dma_wait3A_2171 = tpu.memref_squeeze %dma_wait3A_2170 : memref<1x1x1x1024xf32, #tpu.memory_space<hbm>> -> memref<1024xf32, #tpu.memory_space<hbm>>
    %dma_wait3A_2172 = arith.constant 2048 : i32
    %dma_wait3A_2173 = tpu.memref_slice %arg9[%dma_wait3A_2172] : memref<4096xf32, #tpu.memory_space<vmem>> -> memref<1024xf32, #tpu.memory_space<vmem>>
    tpu.wait_dma2 semaphore(%arg15 : memref<!tpu.dma_semaphore, #tpu.memory_space<semaphore_mem>>) src(%dma_wait3A_2173 : memref<1024xf32, #tpu.memory_space<vmem>>) dst(%dma_wait3A_2171 : memref<1024xf32, #tpu.memory_space<hbm>>)
    %add3A_2174 = arith.constant 798 : i32
    %add3A_2175 = arith.addi %mul3A_2, %add3A_2174 : i32
    %jit3A_2176 = arith.constant 128 : i32
    %div3A_2177 = arith.divsi %add3A_2175, %jit3A_2176 : i32
    %sign3A_2178 = arith.constant 0 : i32
    %sign3A_2179 = arith.cmpi sgt, %add3A_2175, %sign3A_2178 : i32
    %sign3A_2180 = arith.extui %sign3A_2179 : i1 to i32
    %sign3A_2181 = arith.constant 0 : i32
    %sign3A_2182 = arith.cmpi slt, %add3A_2175, %sign3A_2181 : i32
    %sign3A_2183 = arith.extui %sign3A_2182 : i1 to i32
    %sign3A_2184 = arith.subi %sign3A_2180, %sign3A_2183 : i32
    %sign3A_2185 = arith.constant 0 : i32
    %sign3A_2186 = arith.cmpi sgt, %jit3A_2176, %sign3A_2185 : i32
    %sign3A_2187 = arith.extui %sign3A_2186 : i1 to i32
    %sign3A_2188 = arith.constant 0 : i32
    %sign3A_2189 = arith.cmpi slt, %jit3A_2176, %sign3A_2188 : i32
    %sign3A_2190 = arith.extui %sign3A_2189 : i1 to i32
    %sign3A_2191 = arith.subi %sign3A_2187, %sign3A_2190 : i32
    %ne3A_2192 = arith.cmpi ne, %sign3A_2184, %sign3A_2191 : i32
    %rem3A_2193 = arith.remsi %add3A_2175, %jit3A_2176 : i32
    %ne3A_2194 = arith.constant 0 : i32
    %ne3A_2195 = arith.cmpi ne, %rem3A_2193, %ne3A_2194 : i32
    %and3A_2196 = arith.andi %ne3A_2192, %ne3A_2195 : i1
    %sub3A_2197 = arith.constant 1 : i32
    %sub3A_2198 = arith.subi %div3A_2177, %sub3A_2197 : i32
    %select_n3A_2199 = arith.select %and3A_2196, %sub3A_2198, %div3A_2177 : i32
    %jit3A_2200 = arith.constant 128 : i32
    %eq3A_2201 = arith.constant 0 : i32
    %eq3A_2202 = arith.cmpi eq, %jit3A_2200, %eq3A_2201 : i32
    %jit3A_2203 = arith.constant 1 : i32
    %select_n3A_2204 = arith.select %eq3A_2202, %jit3A_2203, %jit3A_2200 : i32
    %rem3A_2205 = arith.remsi %add3A_2175, %select_n3A_2204 : i32
    %ne3A_2206 = arith.constant 0 : i32
    %ne3A_2207 = arith.cmpi ne, %rem3A_2205, %ne3A_2206 : i32
    %lt3A_2208 = arith.constant 0 : i32
    %lt3A_2209 = arith.cmpi slt, %rem3A_2205, %lt3A_2208 : i32
    %lt3A_2210 = arith.constant 0 : i32
    %lt3A_2211 = arith.cmpi slt, %select_n3A_2204, %lt3A_2210 : i32
    %ne3A_2212 = arith.xori %lt3A_2209, %lt3A_2211 : i1
    %and3A_2213 = arith.andi %ne3A_2212, %ne3A_2207 : i1
    %add3A_2214 = arith.addi %rem3A_2205, %select_n3A_2204 : i32
    %select_n3A_2215 = arith.select %and3A_2213, %add3A_2214, %rem3A_2205 : i32
    %dma_wait3A_2216 = arith.constant 3 : i32
    %dma_wait3A_2217 = arith.constant 3072 : i32
    %dma_wait3A_2218 = tpu.memref_slice %arg9[%dma_wait3A_2217] : memref<4096xf32, #tpu.memory_space<vmem>> -> memref<1024xf32, #tpu.memory_space<vmem>>
    %dma_wait3A_2219 = arith.constant 0 : i32
    %dma_wait3A_2220 = tpu.memref_slice %arg4[%select_n3A_2199, %dma_wait3A_2216, %select_n3A_2215, %dma_wait3A_2219] : memref<200x4x128x1024xf32, #tpu.memory_space<hbm>> -> memref<1x1x1x1024xf32, #tpu.memory_space<hbm>>
    %dma_wait3A_2221 = tpu.memref_squeeze %dma_wait3A_2220 : memref<1x1x1x1024xf32, #tpu.memory_space<hbm>> -> memref<1024xf32, #tpu.memory_space<hbm>>
    %dma_wait3A_2222 = arith.constant 0 : i32
    %dma_wait3A_2223 = tpu.memref_slice %arg4[%select_n3A_2199, %dma_wait3A_2216, %select_n3A_2215, %dma_wait3A_2222] : memref<200x4x128x1024xf32, #tpu.memory_space<hbm>> -> memref<1x1x1x1024xf32, #tpu.memory_space<hbm>>
    %dma_wait3A_2224 = tpu.memref_squeeze %dma_wait3A_2223 : memref<1x1x1x1024xf32, #tpu.memory_space<hbm>> -> memref<1024xf32, #tpu.memory_space<hbm>>
    %dma_wait3A_2225 = arith.constant 3072 : i32
    %dma_wait3A_2226 = tpu.memref_slice %arg9[%dma_wait3A_2225] : memref<4096xf32, #tpu.memory_space<vmem>> -> memref<1024xf32, #tpu.memory_space<vmem>>
    tpu.wait_dma2 semaphore(%arg15 : memref<!tpu.dma_semaphore, #tpu.memory_space<semaphore_mem>>) src(%dma_wait3A_2226 : memref<1024xf32, #tpu.memory_space<vmem>>) dst(%dma_wait3A_2224 : memref<1024xf32, #tpu.memory_space<hbm>>)
    %add3A_2227 = arith.constant 799 : i32
    %add3A_2228 = arith.addi %mul3A_2, %add3A_2227 : i32
    %jit3A_2229 = arith.constant 128 : i32
    %div3A_2230 = arith.divsi %add3A_2228, %jit3A_2229 : i32
    %sign3A_2231 = arith.constant 0 : i32
    %sign3A_2232 = arith.cmpi sgt, %add3A_2228, %sign3A_2231 : i32
    %sign3A_2233 = arith.extui %sign3A_2232 : i1 to i32
    %sign3A_2234 = arith.constant 0 : i32
    %sign3A_2235 = arith.cmpi slt, %add3A_2228, %sign3A_2234 : i32
    %sign3A_2236 = arith.extui %sign3A_2235 : i1 to i32
    %sign3A_2237 = arith.subi %sign3A_2233, %sign3A_2236 : i32
    %sign3A_2238 = arith.constant 0 : i32
    %sign3A_2239 = arith.cmpi sgt, %jit3A_2229, %sign3A_2238 : i32
    %sign3A_2240 = arith.extui %sign3A_2239 : i1 to i32
    %sign3A_2241 = arith.constant 0 : i32
    %sign3A_2242 = arith.cmpi slt, %jit3A_2229, %sign3A_2241 : i32
    %sign3A_2243 = arith.extui %sign3A_2242 : i1 to i32
    %sign3A_2244 = arith.subi %sign3A_2240, %sign3A_2243 : i32
    %ne3A_2245 = arith.cmpi ne, %sign3A_2237, %sign3A_2244 : i32
    %rem3A_2246 = arith.remsi %add3A_2228, %jit3A_2229 : i32
    %ne3A_2247 = arith.constant 0 : i32
    %ne3A_2248 = arith.cmpi ne, %rem3A_2246, %ne3A_2247 : i32
    %and3A_2249 = arith.andi %ne3A_2245, %ne3A_2248 : i1
    %sub3A_2250 = arith.constant 1 : i32
    %sub3A_2251 = arith.subi %div3A_2230, %sub3A_2250 : i32
    %select_n3A_2252 = arith.select %and3A_2249, %sub3A_2251, %div3A_2230 : i32
    %jit3A_2253 = arith.constant 128 : i32
    %eq3A_2254 = arith.constant 0 : i32
    %eq3A_2255 = arith.cmpi eq, %jit3A_2253, %eq3A_2254 : i32
    %jit3A_2256 = arith.constant 1 : i32
    %select_n3A_2257 = arith.select %eq3A_2255, %jit3A_2256, %jit3A_2253 : i32
    %rem3A_2258 = arith.remsi %add3A_2228, %select_n3A_2257 : i32
    %ne3A_2259 = arith.constant 0 : i32
    %ne3A_2260 = arith.cmpi ne, %rem3A_2258, %ne3A_2259 : i32
    %lt3A_2261 = arith.constant 0 : i32
    %lt3A_2262 = arith.cmpi slt, %rem3A_2258, %lt3A_2261 : i32
    %lt3A_2263 = arith.constant 0 : i32
    %lt3A_2264 = arith.cmpi slt, %select_n3A_2257, %lt3A_2263 : i32
    %ne3A_2265 = arith.xori %lt3A_2262, %lt3A_2264 : i1
    %and3A_2266 = arith.andi %ne3A_2265, %ne3A_2260 : i1
    %add3A_2267 = arith.addi %rem3A_2258, %select_n3A_2257 : i32
    %select_n3A_2268 = arith.select %and3A_2266, %add3A_2267, %rem3A_2258 : i32
    %dma_wait3A_2269 = arith.constant 0 : i32
    %dma_wait3A_2270 = arith.constant 0 : i32
    %dma_wait3A_2271 = tpu.memref_slice %arg10[%dma_wait3A_2270] : memref<4096xf32, #tpu.memory_space<vmem>> -> memref<1024xf32, #tpu.memory_space<vmem>>
    %dma_wait3A_2272 = arith.constant 0 : i32
    %dma_wait3A_2273 = tpu.memref_slice %arg4[%select_n3A_2252, %dma_wait3A_2269, %select_n3A_2268, %dma_wait3A_2272] : memref<200x4x128x1024xf32, #tpu.memory_space<hbm>> -> memref<1x1x1x1024xf32, #tpu.memory_space<hbm>>
    %dma_wait3A_2274 = tpu.memref_squeeze %dma_wait3A_2273 : memref<1x1x1x1024xf32, #tpu.memory_space<hbm>> -> memref<1024xf32, #tpu.memory_space<hbm>>
    %dma_wait3A_2275 = arith.constant 0 : i32
    %dma_wait3A_2276 = tpu.memref_slice %arg4[%select_n3A_2252, %dma_wait3A_2269, %select_n3A_2268, %dma_wait3A_2275] : memref<200x4x128x1024xf32, #tpu.memory_space<hbm>> -> memref<1x1x1x1024xf32, #tpu.memory_space<hbm>>
    %dma_wait3A_2277 = tpu.memref_squeeze %dma_wait3A_2276 : memref<1x1x1x1024xf32, #tpu.memory_space<hbm>> -> memref<1024xf32, #tpu.memory_space<hbm>>
    %dma_wait3A_2278 = arith.constant 0 : i32
    %dma_wait3A_2279 = tpu.memref_slice %arg10[%dma_wait3A_2278] : memref<4096xf32, #tpu.memory_space<vmem>> -> memref<1024xf32, #tpu.memory_space<vmem>>
    tpu.wait_dma2 semaphore(%arg16 : memref<!tpu.dma_semaphore, #tpu.memory_space<semaphore_mem>>) src(%dma_wait3A_2279 : memref<1024xf32, #tpu.memory_space<vmem>>) dst(%dma_wait3A_2277 : memref<1024xf32, #tpu.memory_space<hbm>>)
    %add3A_2280 = arith.constant 799 : i32
    %add3A_2281 = arith.addi %mul3A_2, %add3A_2280 : i32
    %jit3A_2282 = arith.constant 128 : i32
    %div3A_2283 = arith.divsi %add3A_2281, %jit3A_2282 : i32
    %sign3A_2284 = arith.constant 0 : i32
    %sign3A_2285 = arith.cmpi sgt, %add3A_2281, %sign3A_2284 : i32
    %sign3A_2286 = arith.extui %sign3A_2285 : i1 to i32
    %sign3A_2287 = arith.constant 0 : i32
    %sign3A_2288 = arith.cmpi slt, %add3A_2281, %sign3A_2287 : i32
    %sign3A_2289 = arith.extui %sign3A_2288 : i1 to i32
    %sign3A_2290 = arith.subi %sign3A_2286, %sign3A_2289 : i32
    %sign3A_2291 = arith.constant 0 : i32
    %sign3A_2292 = arith.cmpi sgt, %jit3A_2282, %sign3A_2291 : i32
    %sign3A_2293 = arith.extui %sign3A_2292 : i1 to i32
    %sign3A_2294 = arith.constant 0 : i32
    %sign3A_2295 = arith.cmpi slt, %jit3A_2282, %sign3A_2294 : i32
    %sign3A_2296 = arith.extui %sign3A_2295 : i1 to i32
    %sign3A_2297 = arith.subi %sign3A_2293, %sign3A_2296 : i32
    %ne3A_2298 = arith.cmpi ne, %sign3A_2290, %sign3A_2297 : i32
    %rem3A_2299 = arith.remsi %add3A_2281, %jit3A_2282 : i32
    %ne3A_2300 = arith.constant 0 : i32
    %ne3A_2301 = arith.cmpi ne, %rem3A_2299, %ne3A_2300 : i32
    %and3A_2302 = arith.andi %ne3A_2298, %ne3A_2301 : i1
    %sub3A_2303 = arith.constant 1 : i32
    %sub3A_2304 = arith.subi %div3A_2283, %sub3A_2303 : i32
    %select_n3A_2305 = arith.select %and3A_2302, %sub3A_2304, %div3A_2283 : i32
    %jit3A_2306 = arith.constant 128 : i32
    %eq3A_2307 = arith.constant 0 : i32
    %eq3A_2308 = arith.cmpi eq, %jit3A_2306, %eq3A_2307 : i32
    %jit3A_2309 = arith.constant 1 : i32
    %select_n3A_2310 = arith.select %eq3A_2308, %jit3A_2309, %jit3A_2306 : i32
    %rem3A_2311 = arith.remsi %add3A_2281, %select_n3A_2310 : i32
    %ne3A_2312 = arith.constant 0 : i32
    %ne3A_2313 = arith.cmpi ne, %rem3A_2311, %ne3A_2312 : i32
    %lt3A_2314 = arith.constant 0 : i32
    %lt3A_2315 = arith.cmpi slt, %rem3A_2311, %lt3A_2314 : i32
    %lt3A_2316 = arith.constant 0 : i32
    %lt3A_2317 = arith.cmpi slt, %select_n3A_2310, %lt3A_2316 : i32
    %ne3A_2318 = arith.xori %lt3A_2315, %lt3A_2317 : i1
    %and3A_2319 = arith.andi %ne3A_2318, %ne3A_2313 : i1
    %add3A_2320 = arith.addi %rem3A_2311, %select_n3A_2310 : i32
    %select_n3A_2321 = arith.select %and3A_2319, %add3A_2320, %rem3A_2311 : i32
    %dma_wait3A_2322 = arith.constant 1 : i32
    %dma_wait3A_2323 = arith.constant 1024 : i32
    %dma_wait3A_2324 = tpu.memref_slice %arg10[%dma_wait3A_2323] : memref<4096xf32, #tpu.memory_space<vmem>> -> memref<1024xf32, #tpu.memory_space<vmem>>
    %dma_wait3A_2325 = arith.constant 0 : i32
    %dma_wait3A_2326 = tpu.memref_slice %arg4[%select_n3A_2305, %dma_wait3A_2322, %select_n3A_2321, %dma_wait3A_2325] : memref<200x4x128x1024xf32, #tpu.memory_space<hbm>> -> memref<1x1x1x1024xf32, #tpu.memory_space<hbm>>
    %dma_wait3A_2327 = tpu.memref_squeeze %dma_wait3A_2326 : memref<1x1x1x1024xf32, #tpu.memory_space<hbm>> -> memref<1024xf32, #tpu.memory_space<hbm>>
    %dma_wait3A_2328 = arith.constant 0 : i32
    %dma_wait3A_2329 = tpu.memref_slice %arg4[%select_n3A_2305, %dma_wait3A_2322, %select_n3A_2321, %dma_wait3A_2328] : memref<200x4x128x1024xf32, #tpu.memory_space<hbm>> -> memref<1x1x1x1024xf32, #tpu.memory_space<hbm>>
    %dma_wait3A_2330 = tpu.memref_squeeze %dma_wait3A_2329 : memref<1x1x1x1024xf32, #tpu.memory_space<hbm>> -> memref<1024xf32, #tpu.memory_space<hbm>>
    %dma_wait3A_2331 = arith.constant 1024 : i32
    %dma_wait3A_2332 = tpu.memref_slice %arg10[%dma_wait3A_2331] : memref<4096xf32, #tpu.memory_space<vmem>> -> memref<1024xf32, #tpu.memory_space<vmem>>
    tpu.wait_dma2 semaphore(%arg16 : memref<!tpu.dma_semaphore, #tpu.memory_space<semaphore_mem>>) src(%dma_wait3A_2332 : memref<1024xf32, #tpu.memory_space<vmem>>) dst(%dma_wait3A_2330 : memref<1024xf32, #tpu.memory_space<hbm>>)
    %add3A_2333 = arith.constant 799 : i32
    %add3A_2334 = arith.addi %mul3A_2, %add3A_2333 : i32
    %jit3A_2335 = arith.constant 128 : i32
    %div3A_2336 = arith.divsi %add3A_2334, %jit3A_2335 : i32
    %sign3A_2337 = arith.constant 0 : i32
    %sign3A_2338 = arith.cmpi sgt, %add3A_2334, %sign3A_2337 : i32
    %sign3A_2339 = arith.extui %sign3A_2338 : i1 to i32
    %sign3A_2340 = arith.constant 0 : i32
    %sign3A_2341 = arith.cmpi slt, %add3A_2334, %sign3A_2340 : i32
    %sign3A_2342 = arith.extui %sign3A_2341 : i1 to i32
    %sign3A_2343 = arith.subi %sign3A_2339, %sign3A_2342 : i32
    %sign3A_2344 = arith.constant 0 : i32
    %sign3A_2345 = arith.cmpi sgt, %jit3A_2335, %sign3A_2344 : i32
    %sign3A_2346 = arith.extui %sign3A_2345 : i1 to i32
    %sign3A_2347 = arith.constant 0 : i32
    %sign3A_2348 = arith.cmpi slt, %jit3A_2335, %sign3A_2347 : i32
    %sign3A_2349 = arith.extui %sign3A_2348 : i1 to i32
    %sign3A_2350 = arith.subi %sign3A_2346, %sign3A_2349 : i32
    %ne3A_2351 = arith.cmpi ne, %sign3A_2343, %sign3A_2350 : i32
    %rem3A_2352 = arith.remsi %add3A_2334, %jit3A_2335 : i32
    %ne3A_2353 = arith.constant 0 : i32
    %ne3A_2354 = arith.cmpi ne, %rem3A_2352, %ne3A_2353 : i32
    %and3A_2355 = arith.andi %ne3A_2351, %ne3A_2354 : i1
    %sub3A_2356 = arith.constant 1 : i32
    %sub3A_2357 = arith.subi %div3A_2336, %sub3A_2356 : i32
    %select_n3A_2358 = arith.select %and3A_2355, %sub3A_2357, %div3A_2336 : i32
    %jit3A_2359 = arith.constant 128 : i32
    %eq3A_2360 = arith.constant 0 : i32
    %eq3A_2361 = arith.cmpi eq, %jit3A_2359, %eq3A_2360 : i32
    %jit3A_2362 = arith.constant 1 : i32
    %select_n3A_2363 = arith.select %eq3A_2361, %jit3A_2362, %jit3A_2359 : i32
    %rem3A_2364 = arith.remsi %add3A_2334, %select_n3A_2363 : i32
    %ne3A_2365 = arith.constant 0 : i32
    %ne3A_2366 = arith.cmpi ne, %rem3A_2364, %ne3A_2365 : i32
    %lt3A_2367 = arith.constant 0 : i32
    %lt3A_2368 = arith.cmpi slt, %rem3A_2364, %lt3A_2367 : i32
    %lt3A_2369 = arith.constant 0 : i32
    %lt3A_2370 = arith.cmpi slt, %select_n3A_2363, %lt3A_2369 : i32
    %ne3A_2371 = arith.xori %lt3A_2368, %lt3A_2370 : i1
    %and3A_2372 = arith.andi %ne3A_2371, %ne3A_2366 : i1
    %add3A_2373 = arith.addi %rem3A_2364, %select_n3A_2363 : i32
    %select_n3A_2374 = arith.select %and3A_2372, %add3A_2373, %rem3A_2364 : i32
    %dma_wait3A_2375 = arith.constant 2 : i32
    %dma_wait3A_2376 = arith.constant 2048 : i32
    %dma_wait3A_2377 = tpu.memref_slice %arg10[%dma_wait3A_2376] : memref<4096xf32, #tpu.memory_space<vmem>> -> memref<1024xf32, #tpu.memory_space<vmem>>
    %dma_wait3A_2378 = arith.constant 0 : i32
    %dma_wait3A_2379 = tpu.memref_slice %arg4[%select_n3A_2358, %dma_wait3A_2375, %select_n3A_2374, %dma_wait3A_2378] : memref<200x4x128x1024xf32, #tpu.memory_space<hbm>> -> memref<1x1x1x1024xf32, #tpu.memory_space<hbm>>
    %dma_wait3A_2380 = tpu.memref_squeeze %dma_wait3A_2379 : memref<1x1x1x1024xf32, #tpu.memory_space<hbm>> -> memref<1024xf32, #tpu.memory_space<hbm>>
    %dma_wait3A_2381 = arith.constant 0 : i32
    %dma_wait3A_2382 = tpu.memref_slice %arg4[%select_n3A_2358, %dma_wait3A_2375, %select_n3A_2374, %dma_wait3A_2381] : memref<200x4x128x1024xf32, #tpu.memory_space<hbm>> -> memref<1x1x1x1024xf32, #tpu.memory_space<hbm>>
    %dma_wait3A_2383 = tpu.memref_squeeze %dma_wait3A_2382 : memref<1x1x1x1024xf32, #tpu.memory_space<hbm>> -> memref<1024xf32, #tpu.memory_space<hbm>>
    %dma_wait3A_2384 = arith.constant 2048 : i32
    %dma_wait3A_2385 = tpu.memref_slice %arg10[%dma_wait3A_2384] : memref<4096xf32, #tpu.memory_space<vmem>> -> memref<1024xf32, #tpu.memory_space<vmem>>
    tpu.wait_dma2 semaphore(%arg16 : memref<!tpu.dma_semaphore, #tpu.memory_space<semaphore_mem>>) src(%dma_wait3A_2385 : memref<1024xf32, #tpu.memory_space<vmem>>) dst(%dma_wait3A_2383 : memref<1024xf32, #tpu.memory_space<hbm>>)
    %add3A_2386 = arith.constant 799 : i32
    %add3A_2387 = arith.addi %mul3A_2, %add3A_2386 : i32
    %jit3A_2388 = arith.constant 128 : i32
    %div3A_2389 = arith.divsi %add3A_2387, %jit3A_2388 : i32
    %sign3A_2390 = arith.constant 0 : i32
    %sign3A_2391 = arith.cmpi sgt, %add3A_2387, %sign3A_2390 : i32
    %sign3A_2392 = arith.extui %sign3A_2391 : i1 to i32
    %sign3A_2393 = arith.constant 0 : i32
    %sign3A_2394 = arith.cmpi slt, %add3A_2387, %sign3A_2393 : i32
    %sign3A_2395 = arith.extui %sign3A_2394 : i1 to i32
    %sign3A_2396 = arith.subi %sign3A_2392, %sign3A_2395 : i32
    %sign3A_2397 = arith.constant 0 : i32
    %sign3A_2398 = arith.cmpi sgt, %jit3A_2388, %sign3A_2397 : i32
    %sign3A_2399 = arith.extui %sign3A_2398 : i1 to i32
    %sign3A_2400 = arith.constant 0 : i32
    %sign3A_2401 = arith.cmpi slt, %jit3A_2388, %sign3A_2400 : i32
    %sign3A_2402 = arith.extui %sign3A_2401 : i1 to i32
    %sign3A_2403 = arith.subi %sign3A_2399, %sign3A_2402 : i32
    %ne3A_2404 = arith.cmpi ne, %sign3A_2396, %sign3A_2403 : i32
    %rem3A_2405 = arith.remsi %add3A_2387, %jit3A_2388 : i32
    %ne3A_2406 = arith.constant 0 : i32
    %ne3A_2407 = arith.cmpi ne, %rem3A_2405, %ne3A_2406 : i32
    %and3A_2408 = arith.andi %ne3A_2404, %ne3A_2407 : i1
    %sub3A_2409 = arith.constant 1 : i32
    %sub3A_2410 = arith.subi %div3A_2389, %sub3A_2409 : i32
    %select_n3A_2411 = arith.select %and3A_2408, %sub3A_2410, %div3A_2389 : i32
    %jit3A_2412 = arith.constant 128 : i32
    %eq3A_2413 = arith.constant 0 : i32
    %eq3A_2414 = arith.cmpi eq, %jit3A_2412, %eq3A_2413 : i32
    %jit3A_2415 = arith.constant 1 : i32
    %select_n3A_2416 = arith.select %eq3A_2414, %jit3A_2415, %jit3A_2412 : i32
    %rem3A_2417 = arith.remsi %add3A_2387, %select_n3A_2416 : i32
    %ne3A_2418 = arith.constant 0 : i32
    %ne3A_2419 = arith.cmpi ne, %rem3A_2417, %ne3A_2418 : i32
    %lt3A_2420 = arith.constant 0 : i32
    %lt3A_2421 = arith.cmpi slt, %rem3A_2417, %lt3A_2420 : i32
    %lt3A_2422 = arith.constant 0 : i32
    %lt3A_2423 = arith.cmpi slt, %select_n3A_2416, %lt3A_2422 : i32
    %ne3A_2424 = arith.xori %lt3A_2421, %lt3A_2423 : i1
    %and3A_2425 = arith.andi %ne3A_2424, %ne3A_2419 : i1
    %add3A_2426 = arith.addi %rem3A_2417, %select_n3A_2416 : i32
    %select_n3A_2427 = arith.select %and3A_2425, %add3A_2426, %rem3A_2417 : i32
    %dma_wait3A_2428 = arith.constant 3 : i32
    %dma_wait3A_2429 = arith.constant 3072 : i32
    %dma_wait3A_2430 = tpu.memref_slice %arg10[%dma_wait3A_2429] : memref<4096xf32, #tpu.memory_space<vmem>> -> memref<1024xf32, #tpu.memory_space<vmem>>
    %dma_wait3A_2431 = arith.constant 0 : i32
    %dma_wait3A_2432 = tpu.memref_slice %arg4[%select_n3A_2411, %dma_wait3A_2428, %select_n3A_2427, %dma_wait3A_2431] : memref<200x4x128x1024xf32, #tpu.memory_space<hbm>> -> memref<1x1x1x1024xf32, #tpu.memory_space<hbm>>
    %dma_wait3A_2433 = tpu.memref_squeeze %dma_wait3A_2432 : memref<1x1x1x1024xf32, #tpu.memory_space<hbm>> -> memref<1024xf32, #tpu.memory_space<hbm>>
    %dma_wait3A_2434 = arith.constant 0 : i32
    %dma_wait3A_2435 = tpu.memref_slice %arg4[%select_n3A_2411, %dma_wait3A_2428, %select_n3A_2427, %dma_wait3A_2434] : memref<200x4x128x1024xf32, #tpu.memory_space<hbm>> -> memref<1x1x1x1024xf32, #tpu.memory_space<hbm>>
    %dma_wait3A_2436 = tpu.memref_squeeze %dma_wait3A_2435 : memref<1x1x1x1024xf32, #tpu.memory_space<hbm>> -> memref<1024xf32, #tpu.memory_space<hbm>>
    %dma_wait3A_2437 = arith.constant 3072 : i32
    %dma_wait3A_2438 = tpu.memref_slice %arg10[%dma_wait3A_2437] : memref<4096xf32, #tpu.memory_space<vmem>> -> memref<1024xf32, #tpu.memory_space<vmem>>
    tpu.wait_dma2 semaphore(%arg16 : memref<!tpu.dma_semaphore, #tpu.memory_space<semaphore_mem>>) src(%dma_wait3A_2438 : memref<1024xf32, #tpu.memory_space<vmem>>) dst(%dma_wait3A_2436 : memref<1024xf32, #tpu.memory_space<hbm>>)
    return
  }
}

</mosaic_0001>

<sc_bundles>
// kernel: kernel.3.cloned.1.call-start
scs
__scs_entry_jumppad:
0x0: {  	(pc) =	sbr.rel $0x88, $3  }
0x1: {  	(tag) =	ssettag $0x0;
	lr =	simm.s32 $0x1  }
0x2: {  	[smem:$0x3F9F] =	sst lr;
	_ =	strace $0xD0000000  }
0x3: {  	_ = 	snop  }
0x4: {  	_ = 	snop  }
0x5: {  	_ = 	snop  }
0x6: {  	_ = 	snop  }
0x7: {  	_ = 	snop  }
__scs_overlays_trampoline_lowered:
0x8: {  	[smem:$0x3FAE] =	sst s0  }
0x9: {  	[smem:$0x3FAF] =	sst s1  }
0xa: {  	[smem:$0x3FB0] =	sst s2  }
0xb: {  	[smem:$0x3FB1] =	sst s3  }
0xc: {  	[smem:$0x3FB2] =	sst s4  }
0xd: {  	[smem:$0x3FB3] =	sst s5  }
0xe: {  	[smem:$0x3FB4] =	sst s6  }
0xf: {  	[smem:$0x3FB5] =	sst s7  }
0x10: {  	[smem:$0x3FB6] =	sst s8  }
0x11: {  	[smem:$0x3FB7] =	sst s9;
	s0 =	simm.s32 @!p0 $0x0  }
0x12: {  	s1 =	sld [smem:$0x3F9D];
	s0 =	simm.s32 @p0 $0x1  }
0x13: {  	[smem:$0x3FB8] =	sst s0;
	s0 =	simm.s32 @!p1 $0x0  }
0x14: {  	s2 =	sld [smem:$0x3F9C];
	s0 =	simm.s32 @p1 $0x1  }
0x15: {  	[smem:$0x3FB9] =	sst s0;
	s0 =	simm.s32 @!p2 $0x0  }
0x16: {  	s3 =	sld [smem:$0x3FDB];
	s0 =	simm.s32 @p2 $0x1  }
0x17: {  	s4 =	simm.s32 $0x1BF5;
	[smem:$0x3FBB] =	sst s0  }
0x18: {  	s0 =	sld [smem:$0x3F9E];
	_ =	swait.ge [sflag:s4], $0x0  }
0x19: {  	s7 =	sld [smem:$0x3F9F]  }
0x1a: {  	s8 =	sadd.s32 $0xFFFFE003, lr  }
0x1b: {  	s9 =	sadd.s32 $0xFFFFFEF7, lr;
	s5 =	simm.s32 $0xFFFFFFFF;
	p2 =	slt.u32 s8, $0xFFFFF086  }
0x1c: {  	p1 =	slt.u32 s9, $0xF7A;
	s5 =	simm.s32 @!p2 $0x0  }
0x1d: {  	s5 =	simm.s32 @p1 $0x1;
	p0 =	seq.s32 s7, s2  }
0x1e: {  	s7 =	smul.u32 @!p0 $0xF7A, s2;
	p2 =	seq.s32 @!p0 s5, $0x0  }
0x1f: {  	s9 =	smul.u32 $0xF7A, s1;
	s8 =	simm.s32 @!p0 $0x1BF5;
	p2 =	por !p2, p0  }
0x20: {  	[sflag:s8] =	ssyncset.s32 @!p0 $0xFFFFF086;
	s6 =	sadd.s32 @!p0 s3, s7;
	s7 =	simm.s32 @!p0 $0x108  }
0x21: {  	s3 =	sadd.s32 s3, s9;
	s6 =	sadd.s32 @!p0 $0x88, s6;
	s7 =	simm.s32 @p2 $0x1082  }
0x22: {  	[simem:s7], [sflag:s8] =	dma.local @!p0 [hbm:s6], $0xF7A  }
0x23: {  	s9 =	sor.u32 $0xD0000000, s2;
	s6 =	simm.s32 $0x108;
	_ =	swait.ge @!p0 [sflag:s8], $0x0  }
0x24: {  	s3 =	sadd.s32 $0x88, s3;
	s6 =	simm.s32 @!p1 $0x1082;
	[sflag:s4] =	ssyncset.s32 $0xFFFFF086  }
0x25: {  	[simem:s6], [sflag:s4] =	dma.local [hbm:s3], $0xF7A  }
0x26: {  	[smem:$0x3F9F] =	sst s1;
	(tag) =	ssettag s2;
	_ =	strace s9  }
0x27: {  	s1 =	sld [smem:$0x3FAF]  }
0x28: {  	s2 =	sld [smem:$0x3FB0]  }
0x29: {  	s4 =	sld [smem:$0x3FB2]  }
0x2a: {  	p0 =	seq.s32 s5, $0x0;
	s5 =	sld [smem:$0x3FB3]  }
0x2b: {  	s6 =	sld [smem:$0x3FB4]  }
0x2c: {  	s7 =	sld [smem:$0x3FB5]  }
0x2d: {  	s3 =	simm.s32 $0x108;
	s8 =	sld [smem:$0x3FB6]  }
0x2e: {  	s3 =	simm.s32 @!p0 $0x1082;
	s9 =	sld [smem:$0x3FB7]  }
0x2f: {  	lr =	sadd.s32 s0, s3;
	s0 =	sld [smem:$0x3FAE]  }
0x30: {  	s3 =	sld [smem:$0x3FB1]  }
0x31: {  	[smem:$0x3FBA] =	sst s10  }
0x32: {  	s10 =	sld [smem:$0x3FB8];
	_ =	sdelay $0x3  }
0x33: {  	p0 =	seq.s32 s10, $0x1;
	s10 =	sld [smem:$0x3FBA];
	_ =	sdelay $0x3  }
0x34: {  	[smem:$0x3FBA] =	sst s10  }
0x35: {  	s10 =	sld [smem:$0x3FB9];
	_ =	sdelay $0x3  }
0x36: {  	p1 =	seq.s32 s10, $0x1;
	s10 =	sld [smem:$0x3FBA];
	_ =	sdelay $0x3  }
0x37: {  	[smem:$0x3FBA] =	sst s10  }
0x38: {  	s10 =	sld [smem:$0x3FBB]  }
0x39: {  	_ = 	snop;
	(pc) =	sbr.ind lr, $3  }
0x3a: {  	_ = 	snop  }
0x3b: {  	_ = 	snop  }
0x3c: {  	p2 =	seq.s32 s10, $0x1;
	s10 =	sld [smem:$0x3FBA]  }
0x3d: {  	_ =	shalt  }
0x3e: {  	_ =	shalt  }
0x3f: {  	_ =	shalt  }
0x40: {  	_ =	shalt  }
0x41: {  	_ =	shalt  }
0x42: {  	_ =	shalt  }
0x43: {  	_ =	shalt  }
0x44: {  	_ =	shalt  }
0x45: {  	_ =	shalt  }
0x46: {  	_ =	shalt  }
0x47: {  	_ =	shalt  }
0x48: {  	_ =	shalt  }
0x49: {  	_ =	shalt  }
0x4a: {  	_ =	shalt  }
0x4b: {  	_ =	shalt  }
0x4c: {  	_ =	shalt  }
0x4d: {  	_ =	shalt  }
0x4e: {  	_ =	shalt  }
0x4f: {  	_ =	shalt  }
0x50: {  	_ =	shalt  }
0x51: {  	_ =	shalt  }
0x52: {  	_ =	shalt  }
0x53: {  	_ =	shalt  }
0x54: {  	_ =	shalt  }
0x55: {  	_ =	shalt  }
0x56: {  	_ =	shalt  }
0x57: {  	_ =	shalt  }
0x58: {  	_ =	shalt  }
0x59: {  	_ =	shalt  }
0x5a: {  	_ =	shalt  }
0x5b: {  	_ =	shalt  }
0x5c: {  	_ =	shalt  }
0x5d: {  	_ =	shalt  }
0x5e: {  	_ =	shalt  }
0x5f: {  	_ =	shalt  }
0x60: {  	_ =	shalt  }
0x61: {  	_ =	shalt  }
0x62: {  	_ =	shalt  }
0x63: {  	_ =	shalt  }
0x64: {  	_ =	shalt  }
0x65: {  	_ =	shalt  }
0x66: {  	_ =	shalt  }
0x67: {  	_ =	shalt  }
0x68: {  	_ =	shalt  }
0x69: {  	_ =	shalt  }
0x6a: {  	_ =	shalt  }
0x6b: {  	_ =	shalt  }
0x6c: {  	_ =	shalt  }
0x6d: {  	_ =	shalt  }
0x6e: {  	_ =	shalt  }
0x6f: {  	_ =	shalt  }
0x70: {  	_ =	shalt  }
0x71: {  	_ =	shalt  }
0x72: {  	_ =	shalt  }
0x73: {  	_ =	shalt  }
0x74: {  	_ =	shalt  }
0x75: {  	_ =	shalt  }
0x76: {  	_ =	shalt  }
0x77: {  	_ =	shalt  }
0x78: {  	_ =	shalt  }
0x79: {  	_ =	shalt  }
0x7a: {  	_ =	shalt  }
0x7b: {  	_ =	shalt  }
0x7c: {  	_ =	shalt  }
0x7d: {  	_ =	shalt  }
0x7e: {  	_ =	shalt  }
0x7f: {  	_ =	shalt  }
0x80: {  	_ =	shalt  }
0x81: {  	_ =	shalt  }
0x82: {  	_ =	shalt  }
0x83: {  	_ =	shalt  }
0x84: {  	_ =	shalt  }
0x85: {  	_ =	shalt  }
0x86: {  	_ =	shalt  }
0x87: {  	_ =	shalt  }
.Lfunc_end0:
.L_simem_size_0:
called_computation_lowered:
.L_overlay_start_0:
0x88: {  	s2 =	sld [smem:$0x3FD9]  }
0x89: {  	s3 =	sld [smem:$0x3FFE];
	_ =	sdelay $0x1  }
0x8a: {  	s1 =	srdreg.scid  }
0x8b: {  	s0 =	sand.u32 $0x1, s1  }
0x8c: {  	s17 =	sshll.u32 s0, $0xA;
	s2 =	sadd.s32 s3, s2  }
0x8d: {  	s2 =	sadd.s32 s2, s17  }
0x8e: {  	[smem:$0x3FC6] =	sst s2  }
0x8f: {  	_ = 	snop  }
0x90: {  	s2 =	sld [smem:$0x3FC9]  }
0x91: {  	s18 =	sld [smem:$0x3FD0];
	(tm) =	ssettm $0x1  }
0x92: {  	s4 =	sld [smem:$0x3FFB];
	_ =	sdelay $0x3  }
0x93: {  	_ =	strace s4  }
0x94: {  	s4 =	sld [smem:$0x3FFC];
	_ =	sdelay $0x3  }
0x95: {  	_ =	strace s4  }
0x96: {  	s4 =	sld [smem:$0x3FFD];
	_ =	sdelay $0x3  }
0x97: {  	_ =	strace s4  }
0x98: {  	_ =	strace $0x8FFFFFFF  }
0x99: {  	s19 =	sld [smem:$0x3FDB];
	_ =	sdelay $0x1  }
0x9a: {  	s5 =	simm.s32 $_scs_section_size  }
0x9b: {  	s6 =	simm.s32 $_size__tile_overlayer_lowered;
	s7 =	simm.s32 $_tile_overlayer_lowered  }
0x9c: {  	s22 =	simm.s32 $0x1BFF;
	s21 =	sshll.u32 s7, $0x1;
	s4 =	sadd.s32 s5, s19  }
0x9d: {  	s8 =	simm.s32 $0x0;
	s20 =	sshll.u32 s6, $0x1;
	s6 =	sadd.s32 s21, s4  }
0x9e: {  	[timem:s8], [sflag:s22] =	dma.local [hbm:s6], s20  }
0x9f: {  	_ =	swait.ge [sflag:s22], s20  }
0xa0: {  	s5 =	ssub.s32 $0x0, s20;
	[sflag:s22] =	ssyncset.done $0x0  }
0xa1: {  	[sflag:s22] =	ssyncadd.s32 s5;
	_ =	sdelay $0x1  }
0xa2: {  	s23 =	simm.s32 $0x1B8B  }
0xa3: {  	_ =	swait.ge [sflag:s23], $0x1  }
0xa4: {  	[sflag:s23] =	ssyncset.done $0x0  }
0xa5: {  	s25 =	simm.s32 $0x1B8E;
	s24 =	sld [smem:$0x3FFE];
	[sflag:s23] =	ssyncadd.s32 $0xFFFFFFFF  }
0xa6: {  	s26 =	simm.s32 $execute0_lowered;
	[smem:$0x3FD2] =	sst s25  }
0xa7: {  	s6 =	sshll.u32 s26, $0x1;
	_ =	strace $0x80000046;
	[dreg:$0x1] =	wrdreg $0xFFFFFFFF  }
0xa8: {  	s28 =	simm.s32 $_size_execute0_lowered;
	s4 =	sadd.s32 s4, s6;
	[dreg:$0x0] =	wrdreg $0x0  }
0xa9: {  	s6 =	sshll.u32 s28, $0x1;
	[dreg:$0x2] =	wrdreg s4  }
0xaa: {  	[dreg:$0x3] =	wrdreg s6  }
0xab: {  	[dreg:$0x4] =	wrdreg $0xC0  }
0xac: {  	_ =	task [dreg:s8], $0x5FFFF  }
0xad: {  	[dreg:$0x1] =	wrdreg $0xFFFFFFFF  }
0xae: {  	[dreg:$0x0] =	wrdreg $0x60  }
0xaf: {  	[dreg:$0x2] =	wrdreg s2  }
0xb0: {  	[dreg:$0x3] =	wrdreg s24  }
0xb1: {  	[dreg:$0x4] =	wrdreg s18  }
0xb2: {  	[dreg:$0x5] =	wrdreg $0x9  }
0xb3: {  	_ =	task.clear_ibuf [dreg:s8], $0x6FFFF;
	_ =	strace $0x90000046  }
0xb4: {  	s29 =	simm.s32 $0x9;
	_ =	strace $0x80000048  }
0xb5: {  	_ =	swait.ge [sflag:s29], $0x1  }
0xb6: {  	[sflag:s29] =	ssyncadd.s32 $0xFFFFFFFF  }
0xb7: {  	_ =	strace $0x90000048  }
0xb8: {  	_ =	sfence  }
0xb9: {  	s30 =	sld [smem:$0x0];
	_ =	sdelay $0x2  }
0xba: {  	s31 =	sshll.u32 s1, $0xD;
	s1 =	sshrl.u32 s1, $0x2  }
0xbb: {  	s3 =	sand.u32 $0x4000, s31;
	s1 =	sadd.s32 s1, s30  }
0xbc: {  	s0 =	sor.u32 s3, s0;
	s1 =	sshll.u32 s1, $0x11  }
0xbd: {  	s0 =	sor.u32 s1, s0  }
0xbe: {  	s0 =	sadd.s32 $0x8F2B, s0  }
0xbf: {  	[sflag:s0] =	ssyncadd.remote.s32 $0x1  }
0xc0: {  	_ =	sfence.sel $0xFFFF  }
0xc1: {  	[dreg:$0x0] =	wrdreg $0xFFFFFFFF;
	(pc) =	sbr.abs _section_cstart, $3  }
0xc2: {  	[dreg:$0x1] =	wrdreg $0xFFFFFFFF  }
0xc3: {  	_ =	task.clear_ibuf [dreg:s8], $0x2FFFF;
	_ =	strace $0x9FFFFFFF  }
0xc4: {  	(tm) =	ssettm $0x7FFFFFFF  }
0xc5: {  	_ =	shalt  }
tec
execute0_lowered:
.L_overlay_start_1:
0x0: {  	(tag) =	ssettag $0x1  }
0x1: {  	s8 =	rddreg [dreg:$0x0]  }
0x2: {  	s0 =	srdreg.scid;
	s1 =	rddreg [dreg:$0x1]  }
0x3: {  	s2 =	stileid.u32;
	s10 =	rddreg [dreg:$0x2]  }
0x4: {  	s4 =	simm.s32 $0x0;
	s0 =	sand.u32 $0x1, s0;
	s2 =	sshll.u32 s2, $0x1  }
0x5: {  	[smem:$0x7FF] =	sst s4;
	s2 =	sor.u32 s0, s2  }
0x6: {  	s11 =	sadd.s32 $0x8000, s10;
	_ =	strace $0x80000047;
	s3 =	smul.u32 $0x320, s2  }
0x7: {  	s0 =	ssub.s32 $0x2, s0;
	s6 =	smul.u32 $0x19000, s2;
	s7 =	sshll.u32 s2, $0xF  }
0x8: {  	s22 =	sshrl.u32 s0, $0x1;
	s2 =	smul.u32 $0x320000, s2;
	s7 =	sand.u32 $0x18000, s7  }
0x9: {  	s0 =	ssub.s32 s0, s22;
	s6 =	sor.u32 s3, s6;
	s9 =	sor.u32 $0x400, s7  }
0xa: {  	s2 =	sand.u32 $0x7F80000, s2;
	s14 =	sor.u32 $0x3, s3;
	s16 =	sadd.s32 $0x31F, s3  }
0xb: {  	s19 =	sor.u32 $0x2, s3;
	s20 =	sor.u32 $0x4, s3;
	[dreg:$0xe] =	wrdreg s14  }
0xc: {  	s0 =	smax.u32 s0, $0x1;
	s6 =	sand.u32 $0x3E0380, s6;
	[dreg:$0xf] =	wrdreg s19  }
0xd: {  	s25 =	sor.u32 s7, s2;
	s2 =	sor.u32 s2, s9;
	[dreg:$0x10] =	wrdreg s20  }
0xe: {  	[dreg:$0x1a] =	wrdreg s0;
	s23 =	sor.u32 s7, s6;
	s6 =	sor.u32 s9, s6  }
0xf: {  	s26 =	sshrl.u32 s25, $0x3;
	s9 =	sadd.s32 $0x31E, s3;
	s3 =	sor.u32 $0x5, s3  }
0x10: {  	s24 =	sshrl.u32 s6, $0x3;
	s6 =	sadd.s32 s10, s26;
	[dreg:$0x11] =	wrdreg s3  }
0x11: {  	s2 =	sshrl.u32 s2, $0x3;
	s29 =	sadd.s32 s26, s11;
	[dreg:$0x6] =	wrdreg s6  }
0x12: {  	s5 =	sadd.s32 $0xF42800, s1;
	s30 =	sadd.s32 s10, s2;
	[dreg:$0x8] =	wrdreg s29  }
0x13: {  	s1 =	sshrl.u32 s23, $0x3;
	s7 =	sadd.s32 s2, s11;
	[dreg:$0xa] =	wrdreg s30  }
0x14: {  	s13 =	sadd.s32 s8, s1;
	s1 =	sadd.s32 s8, s24;
	[dreg:$0xc] =	wrdreg s7  }
0x15: {  	s12 =	sadd.s32 $0xC000, s10;
	s8 =	sadd.s32 $0x4000, s10;
	[dreg:$0x5] =	wrdreg s1  }
0x16: {  	s17 =	sshll.u32 s16, $0x9;
	s28 =	sadd.s32 s26, s8;
	[dreg:$0x4] =	wrdreg s13  }
0x17: {  	s15 =	sshll.u32 s9, $0x9;
	s1 =	sadd.s32 s26, s12;
	[dreg:$0x7] =	wrdreg s28  }
0x18: {  	s6 =	sadd.s32 s2, s8;
	s2 =	sadd.s32 s2, s12;
	[dreg:$0x9] =	wrdreg s1  }
0x19: {  	s29 =	sadd.s32 $0x100, s13;
	[dreg:$0xb] =	wrdreg s6;
	s1 =	sshll.u32 s9, $0x7  }
0x1a: {  	[dreg:$0xd] =	wrdreg s2;
	s2 =	sand.u32 $0x1FF0000, s15;
	s1 =	sand.u32 $0x3F00, s1  }
0x1b: {  	s30 =	sadd.s32 $0x180, s13;
	[dreg:$0x1b] =	wrdreg s29;
	s1 =	sor.u32 s1, s2  }
0x1c: {  	s18 =	sand.u32 $0x1FF0000, s17;
	[dreg:$0x1c] =	wrdreg s30;
	s21 =	sadd.s32 s10, s1  }
0x1d: {  	s6 =	sshll.u32 s16, $0x7;
	s22 =	sadd.s32 s1, s8;
	[dreg:$0x12] =	wrdreg s21  }
0x1e: {  	s6 =	sand.u32 $0x3F80, s6;
	s23 =	sadd.s32 s1, s11;
	[dreg:$0x13] =	wrdreg s22  }
0x1f: {  	s2 =	sor.u32 s6, s18;
	s1 =	sadd.s32 s1, s12;
	[dreg:$0x14] =	wrdreg s23  }
0x20: {  	s31 =	simm.s32 $0x5;
	s24 =	sadd.s32 s10, s2;
	[dreg:$0x15] =	wrdreg s1  }
0x21: {  	s14 =	simm.s32 $0x3;
	s25 =	sadd.s32 s2, s8;
	[dreg:$0x16] =	wrdreg s24  }
0x22: {  	v0 =	vlaneseq.u32;
	s17 =	simm.s32 $0x2100;
	s26 =	sadd.s32 s2, s11;
	[dreg:$0x17] =	wrdreg s25  }
0x23: {  	v0 =	vmul.u32 $0x80, v0;
	s15 =	simm.s32 $0x2;
	s28 =	sadd.s32 s2, s12;
	[dreg:$0x18] =	wrdreg s26  }
0x24: {  	s10 =	simm.s32 $0x80;
	s2 =	simm.s32 $0x6;
	[dreg:$0x19] =	wrdreg s28  }
0x25: {  	v1 =	vor.u32 $0x800, v0;
	s25 =	simm.s32 $0x4;
	s26 =	simm.s32 $0x3100;
	s1 =	simm.s32 $0x0  }
.LBB2_1:
0x26: {  	[dreg:$0x1d] =	wrdreg s1  }
0x27: {  	s0 =	rddreg [dreg:$0x4]  }
0x28: {  	[tilespmem:s4], [sflag:$0x1] =	stream.linear.gather [hbm4b:s0+s4], $0x80, $0x38;
	[tilespmem:$0x4100] =	vst v63  }
0x29: {  	s21 =	rddreg [dreg:$0x5];
	s22 =	simm.s32 $0x1  }
0x2a: {  	[tilespmem:s10], [sflag:$0x2] =	stream.linear.gather [hbm4b:s21+s4], $0x80, $0x38;
	[tilespmem:$0x4100] =	vst v63  }
0x2b: {  	_ =	swait.ge [sflag:s22], $0x80  }
0x2c: {  	[sflag:s22] =	ssyncset.done $0x0  }
0x2d: {  	s23 =	simm.s32 $0x100;
	[sflag:s22] =	ssyncadd.s32 $0xFFFFFF80  }
0x2e: {  	[tilespmem:s23], [sflag:$0x3] =	stream.indirect.gather [hbm4b:s5+s10], $0x20, s4, s10, $0xb8;
	[tilespmem:$0x4100] =	vst v63  }
0x2f: {  	_ =	swait.ge [sflag:s14], $0x1000  }
0x30: {  	[sflag:s14] =	ssyncset.done $0x0  }
0x31: {  	[sflag:s14] =	ssyncadd.s32 $0xFFFFF000  }
0x32: {  	_ =	swait.ge [sflag:s15], $0x80  }
0x33: {  	[sflag:s15] =	ssyncset.done $0x0  }
0x34: {  	s24 =	simm.s32 $0x1100;
	s0 =	simm.s32 $0x140;
	[sflag:s15] =	ssyncadd.s32 $0xFFFFFF80  }
0x35: {  	[tilespmem:s24], [sflag:$0x4] =	stream.indirect.gather [hbm4b:s5+s10], $0x20, s10, s10, $0xb8;
	[tilespmem:$0x4100] =	vst v63  }
0x36: {  	v2 =	vor.u32 s4, v0;
	v3 =	vld [tilespmem:s0+$0xFFFFFFC0];
	_ =	sdelay $0x4  }
0x37: {  	[tilespmem:v2+s17+$0x0] =	vst.idx.msk $0xffff, v3  }
0x38: {  	v2 =	vor.u32 s4, v1;
	v3 =	vld [tilespmem:s0+$0xFFFFFFD0]  }
0x39: {  	s16 =	simm.s32 $0x4;
	s6 =	simm.s32 $0x1C0  }
0x3a: {  	v4 =	vor.u32 s16, v0;
	v5 =	vld [tilespmem:s6+$0xFFFFFFC0];
	_ =	sdelay $0x2  }
0x3b: {  	s29 =	simm.s32 $0x1;
	[tilespmem:v2+s17+$0x0] =	vst.idx.msk $0xffff, v3  }
0x3c: {  	v2 =	vor.u32 s29, v0;
	v3 =	vld [tilespmem:s0+$0xFFFFFFE0]  }
0x3d: {  	[tilespmem:v4+s17+$0x0] =	vst.idx.msk $0xffff, v5  }
0x3e: {  	v4 =	vor.u32 s16, v1;
	v5 =	vld [tilespmem:s6+$0xFFFFFFD0]  }
0x3f: {  	s18 =	simm.s32 $0x8;
	s7 =	simm.s32 $0x240  }
0x40: {  	v6 =	vor.u32 s18, v0;
	v7 =	vld [tilespmem:s7+$0xFFFFFFC0]  }
0x41: {  	[tilespmem:v2+s17+$0x0] =	vst.idx.msk $0xffff, v3  }
0x42: {  	v2 =	vor.u32 s29, v1;
	v3 =	vld [tilespmem:s0+$0xFFFFFFF0]  }
0x43: {  	s30 =	simm.s32 $0x5;
	[tilespmem:v4+s17+$0x0] =	vst.idx.msk $0xffff, v5  }
0x44: {  	v4 =	vor.u32 s30, v0;
	v5 =	vld [tilespmem:s6+$0xFFFFFFE0]  }
0x45: {  	[tilespmem:v6+s17+$0x0] =	vst.idx.msk $0xffff, v7  }
0x46: {  	s13 =	simm.s32 $0x2C0;
	s23 =	simm.s32 $0xC;
	v6 =	vor.u32 s18, v1;
	v7 =	vld [tilespmem:s7+$0xFFFFFFD0]  }
0x47: {  	s3 =	simm.s32 $0x2;
	[tilespmem:v2+s17+$0x0] =	vst.idx.msk $0xffff, v3;
	v2 =	vor.u32 s23, v0;
	v3 =	vld [tilespmem:s13+$0xFFFFFFC0]  }
0x48: {  	v8 =	vor.u32 s3, v0;
	v9 =	vld [tilespmem:s0+$0x0]  }
0x49: {  	[tilespmem:v4+s17+$0x0] =	vst.idx.msk $0xffff, v5  }
0x4a: {  	v4 =	vor.u32 s30, v1;
	v5 =	vld [tilespmem:s6+$0xFFFFFFF0]  }
0x4b: {  	s9 =	simm.s32 $0x9;
	[tilespmem:v6+s17+$0x0] =	vst.idx.msk $0xffff, v7  }
0x4c: {  	v6 =	vor.u32 s9, v0;
	v7 =	vld [tilespmem:s7+$0xFFFFFFE0];
	[tilespmem:v2+s17+$0x0] =	vst.idx.msk $0xffff, v3  }
0x4d: {  	v2 =	vor.u32 s23, v1;
	v3 =	vld [tilespmem:s13+$0xFFFFFFD0];
	[tilespmem:v8+s17+$0x0] =	vst.idx.msk $0xffff, v9  }
0x4e: {  	s1 =	simm.s32 $0x10;
	s24 =	simm.s32 $0x340;
	v8 =	vor.u32 s3, v1;
	v9 =	vld [tilespmem:s0+$0x10]  }
0x4f: {  	s20 =	simm.s32 $0x6;
	[tilespmem:v4+s17+$0x0] =	vst.idx.msk $0xffff, v5;
	v4 =	vor.u32 s1, v0;
	v5 =	vld [tilespmem:s24+$0xFFFFFFC0]  }
0x50: {  	v10 =	vor.u32 s20, v0;
	v11 =	vld [tilespmem:s6+$0x0]  }
0x51: {  	[tilespmem:v6+s17+$0x0] =	vst.idx.msk $0xffff, v7  }
0x52: {  	s21 =	simm.s32 $0xD;
	v6 =	vor.u32 s9, v1;
	v7 =	vld [tilespmem:s7+$0xFFFFFFF0];
	[tilespmem:v2+s17+$0x0] =	vst.idx.msk $0xffff, v3  }
0x53: {  	v12 =	vor.u32 s21, v0;
	s3 =	simm.s32 $0x3;
	v13 =	vld [tilespmem:s13+$0xFFFFFFE0];
	[tilespmem:v8+s17+$0x0] =	vst.idx.msk $0xffff, v9  }
0x54: {  	[tilespmem:v4+s17+$0x0] =	vst.idx.msk $0xffff, v5;
	v3 =	vor.u32 s3, v0;
	v2 =	vld [tilespmem:s0+$0x20]  }
0x55: {  	[tilespmem:v10+s17+$0x0] =	vst.idx.msk $0xffff, v11;
	v8 =	vld [tilespmem:s24+$0xFFFFFFD0];
	v9 =	vor.u32 s1, v1  }
0x56: {  	s28 =	simm.s32 $0x3C0;
	s19 =	simm.s32 $0x14;
	v5 =	vor.u32 s20, v1;
	v4 =	vld [tilespmem:s6+$0x10]  }
0x57: {  	[tilespmem:v6+s17+$0x0] =	vst.idx.msk $0xffff, v7;
	s20 =	simm.s32 $0xA;
	v10 =	vld [tilespmem:s28+$0xFFFFFFC0];
	v11 =	vor.u32 s19, v0  }
0x58: {  	s22 =	simm.s32 $0x18;
	v7 =	vld [tilespmem:s7+$0x0];
	v6 =	vor.u32 s20, v0;
	[tilespmem:v12+s17+$0x0] =	vst.idx.msk $0xffff, v13  }
.LBB2_2:
0x59: {  	p0 =	sne.s32 s22, $0x7C;
	v12 =	vor.u32 s21, v1;
	v13 =	vld [tilespmem:s13+$0xFFFFFFF0];
	[tilespmem:v3+s17+$0x0] =	vst.idx.msk $0xffff, v2  }
0x5a: {  	s21 =	sadd.s32 $0x1, s1;
	v14 =	vor.u32 s3, v1;
	[tilespmem:v9+s17+$0x0] =	vst.idx.msk $0xffff, v8;
	v15 =	vld [tilespmem:s0+$0x30];
	s0 =	smov.u32 s6;
	s6 =	smov.u32 s7  }
0x5b: {  	s3 =	sadd.s32 $0x3, s16;
	v16 =	vor.u32 s21, v0;
	s7 =	smov.u32 s13;
	s13 =	smov.u32 s24;
	v17 =	vld [tilespmem:s24+$0xFFFFFFE0];
	[tilespmem:v5+s17+$0x0] =	vst.idx.msk $0xffff, v4  }
.Ltmp0:
0x5c: {  	s16 =	smov.u32 s18;
	v3 =	vor.u32 s3, v0;
	s24 =	smov.u32 s28;
	[tilespmem:v11+s17+$0x0] =	vst.idx.msk $0xffff, v10;
	v2 =	vld [tilespmem:s0+$0x20];
	(pc) =	sbr.rel @p0 .LBB2_2-.Ltmp0, $4  }
0x5d: {  	s18 =	smov.u32 s23;
	s23 =	smov.u32 s1;
	s1 =	smov.u32 s19;
	v9 =	vor.u32 s19, v1;
	v8 =	vld [tilespmem:s28+$0xFFFFFFD0];
	[tilespmem:v6+s17+$0x0] =	vst.idx.msk $0xffff, v7  }
0x5e: {  	s19 =	smov.u32 s22;
	v5 =	vor.u32 s20, v1;
	s28 =	sadd.s32 $0x80, s28;
	[tilespmem:v12+s17+$0x0] =	vst.idx.msk $0xffff, v13;
	v4 =	vld [tilespmem:s6+$0x10]  }
0x5f: {  	s20 =	sadd.s32 $0x2, s18;
	v11 =	vor.u32 s22, v0;
	v10 =	vld [tilespmem:s28+$0xFFFFFFC0];
	[tilespmem:v14+s17+$0x0] =	vst.idx.msk $0xffff, v15  }
0x60: {  	s22 =	sadd.s32 $0x4, s22;
	v6 =	vor.u32 s20, v0;
	[tilespmem:v16+s17+$0x0] =	vst.idx.msk $0xffff, v17;
	v7 =	vld [tilespmem:s7+$0x0]  }
0x61: {  	_ =	sdelay $0x3  }
0x62: {  	[tilespmem:v11+s17+$0x0] =	vst.idx.msk $0xffff, v10  }
0x63: {  	v10 =	vor.u32 s19, v1;
	v11 =	vld [tilespmem:s28+$0xFFFFFFD0];
	_ =	sdelay $0x1  }
0x64: {  	s9 =	sadd.s32 $0x1, s1;
	[tilespmem:v9+s17+$0x0] =	vst.idx.msk $0xffff, v8  }
0x65: {  	v8 =	vor.u32 s9, v0;
	v9 =	vld [tilespmem:s24+$0xFFFFFFE0];
	_ =	sdelay $0x1  }
0x66: {  	s22 =	sadd.s32 $0x1, s19;
	[tilespmem:v10+s17+$0x0] =	vst.idx.msk $0xffff, v11  }
0x67: {  	v10 =	vor.u32 s22, v0;
	v11 =	vld [tilespmem:s28+$0xFFFFFFE0];
	_ =	sdelay $0x1  }
0x68: {  	[tilespmem:v8+s17+$0x0] =	vst.idx.msk $0xffff, v9  }
0x69: {  	v8 =	vor.u32 s9, v1;
	v9 =	vld [tilespmem:s24+$0xFFFFFFF0];
	_ =	sdelay $0x1  }
0x6a: {  	v12 =	vor.u32 s21, v1;
	v13 =	vld [tilespmem:s13+$0xFFFFFFF0];
	[tilespmem:v10+s17+$0x0] =	vst.idx.msk $0xffff, v11  }
0x6b: {  	v10 =	vor.u32 s22, v1;
	v11 =	vld [tilespmem:s28+$0xFFFFFFF0];
	_ =	sdelay $0x1  }
0x6c: {  	s29 =	sadd.s32 $0x2, s1;
	[tilespmem:v8+s17+$0x0] =	vst.idx.msk $0xffff, v9  }
0x6d: {  	v8 =	vor.u32 s29, v0;
	v9 =	vld [tilespmem:s24+$0x0]  }
0x6e: {  	[tilespmem:v12+s17+$0x0] =	vst.idx.msk $0xffff, v13;
	s22 =	sadd.s32 $0x2, s23  }
0x6f: {  	s30 =	sadd.s32 $0x2, s19;
	v13 =	vld [tilespmem:s13+$0x0];
	v58 =	vor.u32 s22, v0;
	[tilespmem:v10+s17+$0x0] =	vst.idx.msk $0xffff, v11  }
0x70: {  	v10 =	vor.u32 s30, v0;
	v11 =	vld [tilespmem:s28+$0x0]  }
0x71: {  	[tilespmem:v6+s17+$0x0] =	vst.idx.msk $0xffff, v7  }
0x72: {  	v6 =	vor.u32 s20, v1;
	v7 =	vld [tilespmem:s7+$0x10];
	[tilespmem:v8+s17+$0x0] =	vst.idx.msk $0xffff, v9  }
0x73: {  	v8 =	vor.u32 s29, v1;
	v9 =	vld [tilespmem:s24+$0x10]  }
0x74: {  	[tilespmem:v58+s17+$0x0] =	vst.idx.msk $0xffff, v13  }
0x75: {  	v59 =	vor.u32 s22, v1;
	v13 =	vld [tilespmem:s13+$0x10];
	[tilespmem:v10+s17+$0x0] =	vst.idx.msk $0xffff, v11  }
0x76: {  	s16 =	sadd.s32 $0x3, s16;
	[tilespmem:v5+s17+$0x0] =	vst.idx.msk $0xffff, v4;
	v10 =	vor.u32 s30, v1;
	v11 =	vld [tilespmem:s28+$0x10]  }
0x77: {  	s18 =	sadd.s32 $0x3, s18;
	v4 =	vor.u32 s16, v0;
	v5 =	vld [tilespmem:s6+$0x20];
	[tilespmem:v6+s17+$0x0] =	vst.idx.msk $0xffff, v7  }
0x78: {  	s21 =	sadd.s32 $0x3, s1;
	v6 =	vor.u32 s18, v0;
	v7 =	vld [tilespmem:s7+$0x20];
	[tilespmem:v8+s17+$0x0] =	vst.idx.msk $0xffff, v9  }
0x79: {  	[tilespmem:v3+s17+$0x0] =	vst.idx.msk $0xffff, v2;
	v8 =	vor.u32 s21, v0;
	v9 =	vld [tilespmem:s24+$0x20]  }
0x7a: {  	s20 =	sadd.s32 $0x3, s23;
	[tilespmem:v59+s17+$0x0] =	vst.idx.msk $0xffff, v13  }
0x7b: {  	v60 =	vor.u32 s20, v0;
	s22 =	sadd.s32 $0x3, s19;
	v13 =	vld [tilespmem:s13+$0x20];
	[tilespmem:v10+s17+$0x0] =	vst.idx.msk $0xffff, v11  }
0x7c: {  	[tilespmem:v4+s17+$0x0] =	vst.idx.msk $0xffff, v5;
	v2 =	vor.u32 s22, v0;
	v3 =	vld [tilespmem:s28+$0x20]  }
0x7d: {  	v4 =	vor.u32 s16, v1;
	v5 =	vld [tilespmem:s6+$0x30];
	[tilespmem:v6+s17+$0x0] =	vst.idx.msk $0xffff, v7  }
0x7e: {  	v6 =	vor.u32 s18, v1;
	v7 =	vld [tilespmem:s7+$0x30];
	[tilespmem:v8+s17+$0x0] =	vst.idx.msk $0xffff, v9  }
0x7f: {  	v8 =	vor.u32 s21, v1;
	v9 =	vld [tilespmem:s24+$0x30]  }
0x80: {  	v10 =	vor.u32 s3, v1;
	v11 =	vld [tilespmem:s0+$0x30];
	[tilespmem:v60+s17+$0x0] =	vst.idx.msk $0xffff, v13  }
0x81: {  	v61 =	vor.u32 s20, v1;
	v13 =	vld [tilespmem:s13+$0x30];
	[tilespmem:v2+s17+$0x0] =	vst.idx.msk $0xffff, v3  }
0x82: {  	[tilespmem:v4+s17+$0x0] =	vst.idx.msk $0xffff, v5;
	v2 =	vor.u32 s22, v1;
	v3 =	vld [tilespmem:s28+$0x30]  }
0x83: {  	[tilespmem:v6+s17+$0x0] =	vst.idx.msk $0xffff, v7  }
0x84: {  	[tilespmem:v8+s17+$0x0] =	vst.idx.msk $0xffff, v9  }
0x85: {  	[tilespmem:v10+s17+$0x0] =	vst.idx.msk $0xffff, v11  }
0x86: {  	[tilespmem:v61+s17+$0x0] =	vst.idx.msk $0xffff, v13  }
0x87: {  	[tilespmem:v2+s17+$0x0] =	vst.idx.msk $0xffff, v3  }
0x88: {  	s23 =	simm.s32 $0x0;
	s24 =	rddreg [dreg:$0x6]  }
0x89: {  	[hbm4b:s24+s23] =	stream.linear.scatter [tilespmem:s17], [sflag:$0x5], $0x400, $0x38;
	[tilespmem:$0x4100] =	vst v63  }
0x8a: {  	s30 =	simm.s32 $0x2500;
	s29 =	rddreg [dreg:$0x7]  }
0x8b: {  	[hbm4b:s29+s23] =	stream.linear.scatter [tilespmem:s30], [sflag:$0x5], $0x400, $0x38;
	[tilespmem:$0x4100] =	vst v63  }
0x8c: {  	s7 =	simm.s32 $0x2900;
	s6 =	rddreg [dreg:$0x8]  }
0x8d: {  	[hbm4b:s6+s23] =	stream.linear.scatter [tilespmem:s7], [sflag:$0x5], $0x400, $0x38;
	[tilespmem:$0x4100] =	vst v63  }
0x8e: {  	s13 =	simm.s32 $0x2D00;
	s9 =	rddreg [dreg:$0x9]  }
0x8f: {  	[hbm4b:s9+s23] =	stream.linear.scatter [tilespmem:s13], [sflag:$0x5], $0x400, $0x38;
	[tilespmem:$0x4100] =	vst v63  }
0x90: {  	s16 =	rddreg [dreg:$0x1b]  }
0x91: {  	[tilespmem:s23], [sflag:$0x1] =	stream.linear.gather [hbm4b:s16+s23], $0x80, $0x38;
	[tilespmem:$0x4100] =	vst v63  }
0x92: {  	_ =	swait.ge [sflag:s25], $0x1000  }
0x93: {  	[sflag:s25] =	ssyncset.done $0x0  }
0x94: {  	s18 =	simm.s32 $0x1;
	[sflag:s25] =	ssyncadd.s32 $0xFFFFF000  }
0x95: {  	_ =	swait.ge [sflag:s18], $0x80  }
0x96: {  	[sflag:s18] =	ssyncset.done $0x0  }
0x97: {  	s19 =	simm.s32 $0x100;
	s0 =	simm.s32 $0x1140;
	[sflag:s18] =	ssyncadd.s32 $0xFFFFFF80  }
0x98: {  	[tilespmem:s19], [sflag:$0x3] =	stream.indirect.gather [hbm4b:s5+s10], $0x20, s23, s10, $0xb8;
	[tilespmem:$0x4100] =	vst v63  }
0x99: {  	v2 =	vor.u32 s23, v0;
	v3 =	vld [tilespmem:s0+$0xFFFFFFC0];
	_ =	sdelay $0x4  }
0x9a: {  	[tilespmem:v2+s26+$0x0] =	vst.idx.msk $0xffff, v3  }
0x9b: {  	v2 =	vor.u32 s23, v1;
	v3 =	vld [tilespmem:s0+$0xFFFFFFD0]  }
0x9c: {  	s6 =	simm.s32 $0x11C0;
	s16 =	simm.s32 $0x4  }
0x9d: {  	v4 =	vor.u32 s16, v0;
	v5 =	vld [tilespmem:s6+$0xFFFFFFC0];
	_ =	sdelay $0x2  }
0x9e: {  	s20 =	simm.s32 $0x1;
	[tilespmem:v2+s26+$0x0] =	vst.idx.msk $0xffff, v3  }
0x9f: {  	v2 =	vor.u32 s20, v0;
	v3 =	vld [tilespmem:s0+$0xFFFFFFE0]  }
0xa0: {  	[tilespmem:v4+s26+$0x0] =	vst.idx.msk $0xffff, v5  }
0xa1: {  	v4 =	vor.u32 s16, v1;
	v5 =	vld [tilespmem:s6+$0xFFFFFFD0]  }
0xa2: {  	s7 =	simm.s32 $0x1240;
	s18 =	simm.s32 $0x8  }
0xa3: {  	v6 =	vor.u32 s18, v0;
	v7 =	vld [tilespmem:s7+$0xFFFFFFC0]  }
0xa4: {  	[tilespmem:v2+s26+$0x0] =	vst.idx.msk $0xffff, v3  }
0xa5: {  	v2 =	vor.u32 s20, v1;
	v3 =	vld [tilespmem:s0+$0xFFFFFFF0]  }
0xa6: {  	s21 =	simm.s32 $0x5;
	[tilespmem:v4+s26+$0x0] =	vst.idx.msk $0xffff, v5  }
0xa7: {  	v4 =	vor.u32 s21, v0;
	v5 =	vld [tilespmem:s6+$0xFFFFFFE0]  }
0xa8: {  	[tilespmem:v6+s26+$0x0] =	vst.idx.msk $0xffff, v7  }
0xa9: {  	s13 =	simm.s32 $0x12C0;
	s23 =	simm.s32 $0xC;
	v6 =	vor.u32 s18, v1;
	v7 =	vld [tilespmem:s7+$0xFFFFFFD0]  }
0xaa: {  	s22 =	simm.s32 $0x2;
	[tilespmem:v2+s26+$0x0] =	vst.idx.msk $0xffff, v3;
	v2 =	vor.u32 s23, v0;
	v3 =	vld [tilespmem:s13+$0xFFFFFFC0]  }
0xab: {  	v8 =	vor.u32 s22, v0;
	v9 =	vld [tilespmem:s0+$0x0]  }
0xac: {  	[tilespmem:v4+s26+$0x0] =	vst.idx.msk $0xffff, v5  }
0xad: {  	v4 =	vor.u32 s21, v1;
	v5 =	vld [tilespmem:s6+$0xFFFFFFF0]  }
0xae: {  	s29 =	simm.s32 $0x9;
	[tilespmem:v6+s26+$0x0] =	vst.idx.msk $0xffff, v7  }
0xaf: {  	v6 =	vor.u32 s29, v0;
	v7 =	vld [tilespmem:s7+$0xFFFFFFE0];
	[tilespmem:v2+s26+$0x0] =	vst.idx.msk $0xffff, v3  }
0xb0: {  	v2 =	vor.u32 s23, v1;
	v3 =	vld [tilespmem:s13+$0xFFFFFFD0];
	[tilespmem:v8+s26+$0x0] =	vst.idx.msk $0xffff, v9  }
0xb1: {  	s1 =	simm.s32 $0x10;
	s24 =	simm.s32 $0x1340;
	v8 =	vor.u32 s22, v1;
	v9 =	vld [tilespmem:s0+$0x10]  }
0xb2: {  	s30 =	simm.s32 $0x6;
	[tilespmem:v4+s26+$0x0] =	vst.idx.msk $0xffff, v5;
	v4 =	vor.u32 s1, v0;
	v5 =	vld [tilespmem:s24+$0xFFFFFFC0]  }
0xb3: {  	v10 =	vor.u32 s30, v0;
	v11 =	vld [tilespmem:s6+$0x0]  }
0xb4: {  	[tilespmem:v6+s26+$0x0] =	vst.idx.msk $0xffff, v7  }
0xb5: {  	v6 =	vor.u32 s29, v1;
	s21 =	simm.s32 $0xD;
	v7 =	vld [tilespmem:s7+$0xFFFFFFF0];
	[tilespmem:v2+s26+$0x0] =	vst.idx.msk $0xffff, v3  }
0xb6: {  	s3 =	simm.s32 $0x3;
	v62 =	vor.u32 s21, v0;
	v63 =	vld [tilespmem:s13+$0xFFFFFFE0];
	[tilespmem:v8+s26+$0x0] =	vst.idx.msk $0xffff, v9  }
0xb7: {  	[tilespmem:v4+s26+$0x0] =	vst.idx.msk $0xffff, v5;
	v3 =	vor.u32 s3, v0;
	v2 =	vld [tilespmem:s0+$0x20]  }
0xb8: {  	[tilespmem:v10+s26+$0x0] =	vst.idx.msk $0xffff, v11;
	v8 =	vld [tilespmem:s24+$0xFFFFFFD0];
	v9 =	vor.u32 s1, v1  }
0xb9: {  	s28 =	simm.s32 $0x13C0;
	s19 =	simm.s32 $0x14;
	v5 =	vor.u32 s30, v1;
	v4 =	vld [tilespmem:s6+$0x10]  }
0xba: {  	s20 =	simm.s32 $0xA;
	[tilespmem:v6+s26+$0x0] =	vst.idx.msk $0xffff, v7;
	v10 =	vld [tilespmem:s28+$0xFFFFFFC0];
	v11 =	vor.u32 s19, v0  }
0xbb: {  	v6 =	vor.u32 s20, v0;
	v7 =	vld [tilespmem:s7+$0x0];
	s22 =	simm.s32 $0x18;
	[tilespmem:v62+s26+$0x0] =	vst.idx.msk $0xffff, v63  }
.LBB2_4:
0xbc: {  	p0 =	sne.s32 s22, $0x7C;
	v12 =	vor.u32 s21, v1;
	v13 =	vld [tilespmem:s13+$0xFFFFFFF0];
	[tilespmem:v3+s26+$0x0] =	vst.idx.msk $0xffff, v2  }
0xbd: {  	s21 =	sadd.s32 $0x1, s1;
	v14 =	vor.u32 s3, v1;
	[tilespmem:v9+s26+$0x0] =	vst.idx.msk $0xffff, v8;
	v15 =	vld [tilespmem:s0+$0x30];
	s0 =	smov.u32 s6;
	s6 =	smov.u32 s7  }
0xbe: {  	s3 =	sadd.s32 $0x3, s16;
	v16 =	vor.u32 s21, v0;
	s7 =	smov.u32 s13;
	s13 =	smov.u32 s24;
	v17 =	vld [tilespmem:s24+$0xFFFFFFE0];
	[tilespmem:v5+s26+$0x0] =	vst.idx.msk $0xffff, v4  }
.Ltmp1:
0xbf: {  	s16 =	smov.u32 s18;
	v3 =	vor.u32 s3, v0;
	s24 =	smov.u32 s28;
	[tilespmem:v11+s26+$0x0] =	vst.idx.msk $0xffff, v10;
	v2 =	vld [tilespmem:s0+$0x20];
	(pc) =	sbr.rel @p0 .LBB2_4-.Ltmp1, $4  }
0xc0: {  	s18 =	smov.u32 s23;
	s23 =	smov.u32 s1;
	s1 =	smov.u32 s19;
	v9 =	vor.u32 s19, v1;
	v8 =	vld [tilespmem:s28+$0xFFFFFFD0];
	[tilespmem:v6+s26+$0x0] =	vst.idx.msk $0xffff, v7  }
0xc1: {  	s19 =	smov.u32 s22;
	v5 =	vor.u32 s20, v1;
	s28 =	sadd.s32 $0x80, s28;
	[tilespmem:v12+s26+$0x0] =	vst.idx.msk $0xffff, v13;
	v4 =	vld [tilespmem:s6+$0x10]  }
0xc2: {  	s20 =	sadd.s32 $0x2, s18;
	v11 =	vor.u32 s22, v0;
	v10 =	vld [tilespmem:s28+$0xFFFFFFC0];
	[tilespmem:v14+s26+$0x0] =	vst.idx.msk $0xffff, v15  }
0xc3: {  	s22 =	sadd.s32 $0x4, s22;
	v6 =	vor.u32 s20, v0;
	[tilespmem:v16+s26+$0x0] =	vst.idx.msk $0xffff, v17;
	v7 =	vld [tilespmem:s7+$0x0]  }
0xc4: {  	_ =	sdelay $0x3  }
0xc5: {  	[tilespmem:v11+s26+$0x0] =	vst.idx.msk $0xffff, v10  }
0xc6: {  	v42 =	vor.u32 s19, v1;
	v11 =	vld [tilespmem:s28+$0xFFFFFFD0];
	_ =	sdelay $0x3  }
0xc7: {  	s9 =	sadd.s32 $0x1, s1;
	[tilespmem:v9+s26+$0x0] =	vst.idx.msk $0xffff, v8  }
0xc8: {  	s22 =	sadd.s32 $0x1, s19;
	v43 =	vor.u32 s9, v0;
	v9 =	vld [tilespmem:s24+$0xFFFFFFE0];
	[tilespmem:v42+s26+$0x0] =	vst.idx.msk $0xffff, v11  }
0xc9: {  	v44 =	vor.u32 s22, v0;
	v11 =	vld [tilespmem:s28+$0xFFFFFFE0];
	_ =	sdelay $0x3  }
0xca: {  	v12 =	vor.u32 s21, v1;
	v13 =	vld [tilespmem:s13+$0xFFFFFFF0];
	[tilespmem:v43+s26+$0x0] =	vst.idx.msk $0xffff, v9  }
0xcb: {  	v45 =	vor.u32 s9, v1;
	v9 =	vld [tilespmem:s24+$0xFFFFFFF0];
	[tilespmem:v44+s26+$0x0] =	vst.idx.msk $0xffff, v11  }
0xcc: {  	v46 =	vor.u32 s22, v1;
	v11 =	vld [tilespmem:s28+$0xFFFFFFF0];
	_ =	sdelay $0x2  }
0xcd: {  	s22 =	sadd.s32 $0x2, s23;
	[tilespmem:v12+s26+$0x0] =	vst.idx.msk $0xffff, v13  }
0xce: {  	s29 =	sadd.s32 $0x2, s1;
	v47 =	vor.u32 s22, v0;
	v13 =	vld [tilespmem:s13+$0x0];
	[tilespmem:v45+s26+$0x0] =	vst.idx.msk $0xffff, v9  }
0xcf: {  	s30 =	sadd.s32 $0x2, s19;
	v48 =	vor.u32 s29, v0;
	v9 =	vld [tilespmem:s24+$0x0];
	[tilespmem:v46+s26+$0x0] =	vst.idx.msk $0xffff, v11  }
0xd0: {  	v49 =	vor.u32 s30, v0;
	v11 =	vld [tilespmem:s28+$0x0];
	_ =	sdelay $0x1  }
0xd1: {  	[tilespmem:v6+s26+$0x0] =	vst.idx.msk $0xffff, v7  }
0xd2: {  	v50 =	vor.u32 s20, v1;
	v7 =	vld [tilespmem:s7+$0x10];
	[tilespmem:v47+s26+$0x0] =	vst.idx.msk $0xffff, v13  }
0xd3: {  	v51 =	vor.u32 s22, v1;
	v13 =	vld [tilespmem:s13+$0x10];
	[tilespmem:v48+s26+$0x0] =	vst.idx.msk $0xffff, v9  }
0xd4: {  	v52 =	vor.u32 s29, v1;
	v9 =	vld [tilespmem:s24+$0x10];
	[tilespmem:v49+s26+$0x0] =	vst.idx.msk $0xffff, v11  }
0xd5: {  	v53 =	vor.u32 s30, v1;
	v11 =	vld [tilespmem:s28+$0x10]  }
0xd6: {  	s21 =	sadd.s32 $0x3, s16;
	[tilespmem:v5+s26+$0x0] =	vst.idx.msk $0xffff, v4  }
0xd7: {  	v54 =	vor.u32 s21, v0;
	s22 =	sadd.s32 $0x3, s18;
	v5 =	vld [tilespmem:s6+$0x20];
	[tilespmem:v50+s26+$0x0] =	vst.idx.msk $0xffff, v7  }
0xd8: {  	s23 =	sadd.s32 $0x3, s23;
	v55 =	vor.u32 s22, v0;
	v7 =	vld [tilespmem:s7+$0x20];
	[tilespmem:v51+s26+$0x0] =	vst.idx.msk $0xffff, v13  }
0xd9: {  	s29 =	sadd.s32 $0x3, s1;
	v56 =	vor.u32 s23, v0;
	v13 =	vld [tilespmem:s13+$0x20];
	[tilespmem:v52+s26+$0x0] =	vst.idx.msk $0xffff, v9  }
0xda: {  	s30 =	sadd.s32 $0x3, s19;
	v57 =	vor.u32 s29, v0;
	v9 =	vld [tilespmem:s24+$0x20];
	[tilespmem:v53+s26+$0x0] =	vst.idx.msk $0xffff, v11  }
0xdb: {  	[tilespmem:v3+s26+$0x0] =	vst.idx.msk $0xffff, v2;
	v2 =	vor.u32 s30, v0;
	v3 =	vld [tilespmem:s28+$0x20]  }
0xdc: {  	v58 =	vor.u32 s3, v1;
	v59 =	vld [tilespmem:s0+$0x30];
	[tilespmem:v54+s26+$0x0] =	vst.idx.msk $0xffff, v5  }
0xdd: {  	v60 =	vor.u32 s21, v1;
	v5 =	vld [tilespmem:s6+$0x30];
	[tilespmem:v55+s26+$0x0] =	vst.idx.msk $0xffff, v7  }
0xde: {  	v61 =	vor.u32 s22, v1;
	v7 =	vld [tilespmem:s7+$0x30];
	[tilespmem:v56+s26+$0x0] =	vst.idx.msk $0xffff, v13  }
0xdf: {  	v62 =	vor.u32 s23, v1;
	v13 =	vld [tilespmem:s13+$0x30];
	[tilespmem:v57+s26+$0x0] =	vst.idx.msk $0xffff, v9  }
0xe0: {  	v63 =	vor.u32 s29, v1;
	v9 =	vld [tilespmem:s24+$0x30];
	[tilespmem:v2+s26+$0x0] =	vst.idx.msk $0xffff, v3  }
0xe1: {  	[tilespmem:v58+s26+$0x0] =	vst.idx.msk $0xffff, v59;
	v2 =	vor.u32 s30, v1;
	v3 =	vld [tilespmem:s28+$0x30]  }
0xe2: {  	[tilespmem:v60+s26+$0x0] =	vst.idx.msk $0xffff, v5  }
0xe3: {  	[tilespmem:v61+s26+$0x0] =	vst.idx.msk $0xffff, v7  }
0xe4: {  	[tilespmem:v62+s26+$0x0] =	vst.idx.msk $0xffff, v13  }
0xe5: {  	[tilespmem:v63+s26+$0x0] =	vst.idx.msk $0xffff, v9  }
0xe6: {  	[tilespmem:v2+s26+$0x0] =	vst.idx.msk $0xffff, v3  }
0xe7: {  	s7 =	simm.s32 $0x0;
	s20 =	rddreg [dreg:$0xa]  }
0xe8: {  	[hbm4b:s20+s7] =	stream.linear.scatter [tilespmem:s26], [sflag:$0x6], $0x400, $0x38;
	[tilespmem:$0x4100] =	vst v63  }
0xe9: {  	s22 =	simm.s32 $0x3500;
	s21 =	rddreg [dreg:$0xb]  }
0xea: {  	[hbm4b:s21+s7] =	stream.linear.scatter [tilespmem:s22], [sflag:$0x6], $0x400, $0x38;
	[tilespmem:$0x4100] =	vst v63  }
0xeb: {  	s24 =	simm.s32 $0x3900;
	s23 =	rddreg [dreg:$0xc]  }
0xec: {  	[hbm4b:s23+s7] =	stream.linear.scatter [tilespmem:s24], [sflag:$0x6], $0x400, $0x38;
	[tilespmem:$0x4100] =	vst v63  }
0xed: {  	s29 =	simm.s32 $0x3D00;
	s28 =	rddreg [dreg:$0xd]  }
0xee: {  	[hbm4b:s28+s7] =	stream.linear.scatter [tilespmem:s29], [sflag:$0x6], $0x400, $0x38;
	[tilespmem:$0x4100] =	vst v63  }
0xef: {  	s6 =	simm.s32 $0x0;
	s30 =	rddreg [dreg:$0x1c]  }
0xf0: {  	[tilespmem:s10], [sflag:$0x2] =	stream.linear.gather [hbm4b:s30+s7], $0x80, $0x38;
	[tilespmem:$0x4100] =	vst v63  }
.LBB2_6:
0xf1: {  	_ =	swait.ge [sflag:s14], $0x1000  }
0xf2: {  	[sflag:s14] =	ssyncset.done $0x0  }
0xf3: {  	[sflag:s14] =	ssyncadd.s32 $0xFFFFF000  }
0xf4: {  	_ =	swait.ge [sflag:s15], $0x80  }
0xf5: {  	[sflag:s15] =	ssyncset.done $0x0  }
0xf6: {  	s0 =	simm.s32 $0x1100;
	[sflag:s15] =	ssyncadd.s32 $0xFFFFFF80  }
0xf7: {  	[tilespmem:s0], [sflag:$0x4] =	stream.indirect.gather [hbm4b:s5+s10], $0x20, s10, s10, $0xb8;
	[tilespmem:$0x4100] =	vst v63  }
0xf8: {  	_ =	swait.ge [sflag:s31], $0x400  }
0xf9: {  	[sflag:s31] =	ssyncset.done $0x0  }
0xfa: {  	[sflag:s31] =	ssyncadd.s32 $0xFFFFFC00  }
0xfb: {  	_ =	swait.ge [sflag:s31], $0x400  }
0xfc: {  	[sflag:s31] =	ssyncset.done $0x0  }
0xfd: {  	[sflag:s31] =	ssyncadd.s32 $0xFFFFFC00  }
0xfe: {  	_ =	swait.ge [sflag:s31], $0x400  }
0xff: {  	[sflag:s31] =	ssyncset.done $0x0  }
0x100: {  	[sflag:s31] =	ssyncadd.s32 $0xFFFFFC00  }
0x101: {  	_ =	swait.ge [sflag:s31], $0x400  }
0x102: {  	[sflag:s31] =	ssyncset.done $0x0  }
0x103: {  	s0 =	simm.s32 $0x140;
	[sflag:s31] =	ssyncadd.s32 $0xFFFFFC00  }
0x104: {  	v2 =	vor.u32 s7, v0;
	v3 =	vld [tilespmem:s0+$0xFFFFFFC0];
	_ =	sdelay $0x4  }
0x105: {  	[tilespmem:v2+s17+$0x0] =	vst.idx.msk $0xffff, v3  }
0x106: {  	v2 =	vor.u32 s7, v1;
	v3 =	vld [tilespmem:s0+$0xFFFFFFD0]  }
0x107: {  	s23 =	simm.s32 $0x4;
	s13 =	simm.s32 $0x1C0  }
0x108: {  	v4 =	vor.u32 s23, v0;
	v5 =	vld [tilespmem:s13+$0xFFFFFFC0];
	_ =	sdelay $0x2  }
0x109: {  	s1 =	simm.s32 $0x1;
	[tilespmem:v2+s17+$0x0] =	vst.idx.msk $0xffff, v3  }
0x10a: {  	v2 =	vor.u32 s1, v0;
	v3 =	vld [tilespmem:s0+$0xFFFFFFE0]  }
0x10b: {  	[tilespmem:v4+s17+$0x0] =	vst.idx.msk $0xffff, v5  }
0x10c: {  	v4 =	vor.u32 s23, v1;
	v5 =	vld [tilespmem:s13+$0xFFFFFFD0]  }
0x10d: {  	s24 =	simm.s32 $0x8;
	s16 =	simm.s32 $0x240  }
0x10e: {  	v6 =	vor.u32 s24, v0;
	v7 =	vld [tilespmem:s16+$0xFFFFFFC0]  }
0x10f: {  	[tilespmem:v2+s17+$0x0] =	vst.idx.msk $0xffff, v3  }
0x110: {  	v2 =	vor.u32 s1, v1;
	v3 =	vld [tilespmem:s0+$0xFFFFFFF0]  }
0x111: {  	s22 =	simm.s32 $0x5;
	[tilespmem:v4+s17+$0x0] =	vst.idx.msk $0xffff, v5  }
0x112: {  	v4 =	vor.u32 s22, v0;
	v5 =	vld [tilespmem:s13+$0xFFFFFFE0]  }
0x113: {  	[tilespmem:v6+s17+$0x0] =	vst.idx.msk $0xffff, v7  }
0x114: {  	s28 =	simm.s32 $0xC;
	s18 =	simm.s32 $0x2C0;
	v6 =	vor.u32 s24, v1;
	v7 =	vld [tilespmem:s16+$0xFFFFFFD0]  }
0x115: {  	s3 =	simm.s32 $0x2;
	[tilespmem:v2+s17+$0x0] =	vst.idx.msk $0xffff, v3;
	v2 =	vor.u32 s28, v0;
	v3 =	vld [tilespmem:s18+$0xFFFFFFC0]  }
0x116: {  	v8 =	vor.u32 s3, v0;
	v9 =	vld [tilespmem:s0+$0x0]  }
0x117: {  	[tilespmem:v4+s17+$0x0] =	vst.idx.msk $0xffff, v5  }
0x118: {  	v4 =	vor.u32 s22, v1;
	v5 =	vld [tilespmem:s13+$0xFFFFFFF0]  }
0x119: {  	s9 =	simm.s32 $0x9;
	[tilespmem:v6+s17+$0x0] =	vst.idx.msk $0xffff, v7  }
0x11a: {  	v6 =	vor.u32 s9, v0;
	v7 =	vld [tilespmem:s16+$0xFFFFFFE0];
	[tilespmem:v2+s17+$0x0] =	vst.idx.msk $0xffff, v3  }
0x11b: {  	v2 =	vor.u32 s28, v1;
	v3 =	vld [tilespmem:s18+$0xFFFFFFD0];
	[tilespmem:v8+s17+$0x0] =	vst.idx.msk $0xffff, v9  }
0x11c: {  	s29 =	simm.s32 $0x340;
	s1 =	simm.s32 $0x10;
	v8 =	vor.u32 s3, v1;
	v9 =	vld [tilespmem:s0+$0x10]  }
0x11d: {  	s20 =	simm.s32 $0x6;
	[tilespmem:v4+s17+$0x0] =	vst.idx.msk $0xffff, v5;
	v4 =	vor.u32 s1, v0;
	v5 =	vld [tilespmem:s29+$0xFFFFFFC0]  }
0x11e: {  	v10 =	vor.u32 s20, v0;
	v11 =	vld [tilespmem:s13+$0x0]  }
0x11f: {  	[tilespmem:v6+s17+$0x0] =	vst.idx.msk $0xffff, v7  }
0x120: {  	s21 =	simm.s32 $0xD;
	v6 =	vor.u32 s9, v1;
	v7 =	vld [tilespmem:s16+$0xFFFFFFF0];
	[tilespmem:v2+s17+$0x0] =	vst.idx.msk $0xffff, v3  }
0x121: {  	v12 =	vor.u32 s21, v0;
	s3 =	simm.s32 $0x3;
	v13 =	vld [tilespmem:s18+$0xFFFFFFE0];
	[tilespmem:v8+s17+$0x0] =	vst.idx.msk $0xffff, v9  }
0x122: {  	[tilespmem:v4+s17+$0x0] =	vst.idx.msk $0xffff, v5;
	v3 =	vor.u32 s3, v0;
	v2 =	vld [tilespmem:s0+$0x20]  }
0x123: {  	[tilespmem:v10+s17+$0x0] =	vst.idx.msk $0xffff, v11;
	v8 =	vld [tilespmem:s29+$0xFFFFFFD0];
	v9 =	vor.u32 s1, v1  }
0x124: {  	s30 =	simm.s32 $0x3C0;
	s19 =	simm.s32 $0x14;
	v5 =	vor.u32 s20, v1;
	v4 =	vld [tilespmem:s13+$0x10]  }
0x125: {  	[tilespmem:v6+s17+$0x0] =	vst.idx.msk $0xffff, v7;
	s20 =	simm.s32 $0xA;
	v10 =	vld [tilespmem:s30+$0xFFFFFFC0];
	v11 =	vor.u32 s19, v0  }
0x126: {  	s22 =	simm.s32 $0x18;
	v7 =	vld [tilespmem:s16+$0x0];
	v6 =	vor.u32 s20, v0;
	[tilespmem:v12+s17+$0x0] =	vst.idx.msk $0xffff, v13  }
.LBB2_7:
0x127: {  	p0 =	sne.s32 s22, $0x7C;
	v12 =	vor.u32 s21, v1;
	v13 =	vld [tilespmem:s18+$0xFFFFFFF0];
	[tilespmem:v3+s17+$0x0] =	vst.idx.msk $0xffff, v2  }
0x128: {  	s21 =	sadd.s32 $0x1, s1;
	v14 =	vor.u32 s3, v1;
	[tilespmem:v9+s17+$0x0] =	vst.idx.msk $0xffff, v8;
	v15 =	vld [tilespmem:s0+$0x30];
	s0 =	smov.u32 s13;
	s13 =	smov.u32 s16  }
0x129: {  	s3 =	sadd.s32 $0x3, s23;
	v16 =	vor.u32 s21, v0;
	s16 =	smov.u32 s18;
	s18 =	smov.u32 s29;
	v17 =	vld [tilespmem:s29+$0xFFFFFFE0];
	[tilespmem:v5+s17+$0x0] =	vst.idx.msk $0xffff, v4  }
.Ltmp2:
0x12a: {  	s23 =	smov.u32 s24;
	v3 =	vor.u32 s3, v0;
	s29 =	smov.u32 s30;
	[tilespmem:v11+s17+$0x0] =	vst.idx.msk $0xffff, v10;
	v2 =	vld [tilespmem:s0+$0x20];
	(pc) =	sbr.rel @p0 .LBB2_7-.Ltmp2, $4  }
0x12b: {  	s24 =	smov.u32 s28;
	s28 =	smov.u32 s1;
	s1 =	smov.u32 s19;
	v9 =	vor.u32 s19, v1;
	v8 =	vld [tilespmem:s30+$0xFFFFFFD0];
	[tilespmem:v6+s17+$0x0] =	vst.idx.msk $0xffff, v7  }
0x12c: {  	s19 =	smov.u32 s22;
	v5 =	vor.u32 s20, v1;
	s30 =	sadd.s32 $0x80, s30;
	[tilespmem:v12+s17+$0x0] =	vst.idx.msk $0xffff, v13;
	v4 =	vld [tilespmem:s13+$0x10]  }
0x12d: {  	s20 =	sadd.s32 $0x2, s24;
	v11 =	vor.u32 s22, v0;
	v10 =	vld [tilespmem:s30+$0xFFFFFFC0];
	[tilespmem:v14+s17+$0x0] =	vst.idx.msk $0xffff, v15  }
0x12e: {  	s22 =	sadd.s32 $0x4, s22;
	v6 =	vor.u32 s20, v0;
	[tilespmem:v16+s17+$0x0] =	vst.idx.msk $0xffff, v17;
	v7 =	vld [tilespmem:s16+$0x0]  }
0x12f: {  	_ =	sdelay $0x3  }
0x130: {  	[tilespmem:v11+s17+$0x0] =	vst.idx.msk $0xffff, v10  }
0x131: {  	v10 =	vor.u32 s19, v1;
	v11 =	vld [tilespmem:s30+$0xFFFFFFD0];
	_ =	sdelay $0x1  }
0x132: {  	s9 =	sadd.s32 $0x1, s1;
	[tilespmem:v9+s17+$0x0] =	vst.idx.msk $0xffff, v8  }
0x133: {  	v8 =	vor.u32 s9, v0;
	v9 =	vld [tilespmem:s29+$0xFFFFFFE0];
	_ =	sdelay $0x1  }
0x134: {  	s22 =	sadd.s32 $0x1, s19;
	[tilespmem:v10+s17+$0x0] =	vst.idx.msk $0xffff, v11  }
0x135: {  	v10 =	vor.u32 s22, v0;
	v11 =	vld [tilespmem:s30+$0xFFFFFFE0];
	_ =	sdelay $0x1  }
0x136: {  	[tilespmem:v8+s17+$0x0] =	vst.idx.msk $0xffff, v9  }
0x137: {  	v8 =	vor.u32 s9, v1;
	v9 =	vld [tilespmem:s29+$0xFFFFFFF0]  }
0x138: {  	v12 =	vor.u32 s21, v1;
	v13 =	vld [tilespmem:s18+$0xFFFFFFF0]  }
0x139: {  	[tilespmem:v10+s17+$0x0] =	vst.idx.msk $0xffff, v11  }
0x13a: {  	v10 =	vor.u32 s22, v1;
	v11 =	vld [tilespmem:s30+$0xFFFFFFF0];
	_ =	sdelay $0x1  }
0x13b: {  	s21 =	sadd.s32 $0x2, s1;
	[tilespmem:v8+s17+$0x0] =	vst.idx.msk $0xffff, v9  }
0x13c: {  	[tilespmem:v12+s17+$0x0] =	vst.idx.msk $0xffff, v13;
	s9 =	sadd.s32 $0x2, s28;
	v8 =	vor.u32 s21, v0;
	v9 =	vld [tilespmem:s29+$0x0]  }
0x13d: {  	[tilespmem:v5+s17+$0x0] =	vst.idx.msk $0xffff, v4;
	v13 =	vld [tilespmem:s18+$0x0];
	v58 =	vor.u32 s9, v0  }
0x13e: {  	s22 =	sadd.s32 $0x2, s19;
	[tilespmem:v10+s17+$0x0] =	vst.idx.msk $0xffff, v11  }
0x13f: {  	[tilespmem:v6+s17+$0x0] =	vst.idx.msk $0xffff, v7;
	v6 =	vor.u32 s20, v1;
	s20 =	sadd.s32 $0x3, s23;
	v10 =	vor.u32 s22, v0;
	v11 =	vld [tilespmem:s30+$0x0]  }
0x140: {  	v5 =	vld [tilespmem:s13+$0x20];
	v4 =	vor.u32 s20, v0  }
0x141: {  	v7 =	vld [tilespmem:s16+$0x10];
	[tilespmem:v8+s17+$0x0] =	vst.idx.msk $0xffff, v9  }
0x142: {  	[tilespmem:v58+s17+$0x0] =	vst.idx.msk $0xffff, v13;
	v8 =	vor.u32 s21, v1;
	v9 =	vld [tilespmem:s29+$0x10]  }
0x143: {  	v59 =	vor.u32 s9, v1;
	v13 =	vld [tilespmem:s18+$0x10]  }
0x144: {  	[tilespmem:v10+s17+$0x0] =	vst.idx.msk $0xffff, v11  }
0x145: {  	[tilespmem:v4+s17+$0x0] =	vst.idx.msk $0xffff, v5;
	v10 =	vor.u32 s22, v1;
	v11 =	vld [tilespmem:s30+$0x10]  }
0x146: {  	[tilespmem:v6+s17+$0x0] =	vst.idx.msk $0xffff, v7;
	v4 =	vor.u32 s20, v1;
	v5 =	vld [tilespmem:s13+$0x30];
	s21 =	sadd.s32 $0x3, s24  }
0x147: {  	s23 =	sadd.s32 $0x3, s1;
	v7 =	vld [tilespmem:s16+$0x20];
	v6 =	vor.u32 s21, v0;
	[tilespmem:v8+s17+$0x0] =	vst.idx.msk $0xffff, v9  }
0x148: {  	[tilespmem:v59+s17+$0x0] =	vst.idx.msk $0xffff, v13;
	v8 =	vor.u32 s23, v0;
	v9 =	vld [tilespmem:s29+$0x20];
	s22 =	sadd.s32 $0x3, s28  }
0x149: {  	[tilespmem:v3+s17+$0x0] =	vst.idx.msk $0xffff, v2;
	v13 =	vld [tilespmem:s18+$0x20];
	v60 =	vor.u32 s22, v0  }
0x14a: {  	s24 =	sadd.s32 $0x3, s19;
	[tilespmem:v10+s17+$0x0] =	vst.idx.msk $0xffff, v11;
	v10 =	vor.u32 s3, v1;
	v11 =	vld [tilespmem:s0+$0x30]  }
0x14b: {  	[tilespmem:v4+s17+$0x0] =	vst.idx.msk $0xffff, v5;
	v2 =	vor.u32 s24, v0;
	v3 =	vld [tilespmem:s30+$0x20]  }
0x14c: {  	[tilespmem:v6+s17+$0x0] =	vst.idx.msk $0xffff, v7  }
0x14d: {  	[tilespmem:v8+s17+$0x0] =	vst.idx.msk $0xffff, v9  }
0x14e: {  	v6 =	vor.u32 s21, v1;
	v7 =	vld [tilespmem:s16+$0x30];
	[tilespmem:v60+s17+$0x0] =	vst.idx.msk $0xffff, v13  }
0x14f: {  	v61 =	vor.u32 s22, v1;
	v13 =	vld [tilespmem:s18+$0x30];
	[tilespmem:v10+s17+$0x0] =	vst.idx.msk $0xffff, v11  }
0x150: {  	v8 =	vor.u32 s23, v1;
	v9 =	vld [tilespmem:s29+$0x30];
	[tilespmem:v2+s17+$0x0] =	vst.idx.msk $0xffff, v3  }
0x151: {  	s0 =	sshll.u32 s6, $0x1;
	v2 =	vor.u32 s24, v1;
	v3 =	vld [tilespmem:s30+$0x30];
	s20 =	rddreg [dreg:$0xf]  }
0x152: {  	s1 =	sadd.s32 s0, s20  }
0x153: {  	[tilespmem:v6+s17+$0x0] =	vst.idx.msk $0xffff, v7;
	s21 =	sshll.u32 s1, $0x9;
	s1 =	sshll.u32 s1, $0x7  }
0x154: {  	[tilespmem:v61+s17+$0x0] =	vst.idx.msk $0xffff, v13;
	s3 =	sand.u32 $0xFFF0000, s21;
	s1 =	sand.u32 $0x3F00, s1  }
0x155: {  	s22 =	rddreg [dreg:$0x2];
	[tilespmem:v8+s17+$0x0] =	vst.idx.msk $0xffff, v9;
	s1 =	sor.u32 s1, s3  }
0x156: {  	s9 =	simm.s32 $0x0;
	[tilespmem:v2+s17+$0x0] =	vst.idx.msk $0xffff, v3;
	s3 =	sadd.s32 s22, s1  }
0x157: {  	[hbm4b:s3+s9] =	stream.linear.scatter [tilespmem:s17], [sflag:$0x5], $0x400, $0x38;
	[tilespmem:$0x4100] =	vst v63  }
0x158: {  	s24 =	simm.s32 $0x2500;
	s23 =	sadd.s32 s1, s8  }
0x159: {  	[hbm4b:s23+s9] =	stream.linear.scatter [tilespmem:s24], [sflag:$0x5], $0x400, $0x38;
	[tilespmem:$0x4100] =	vst v63  }
0x15a: {  	s18 =	simm.s32 $0x2900;
	s16 =	sadd.s32 s1, s11  }
0x15b: {  	[hbm4b:s16+s9] =	stream.linear.scatter [tilespmem:s18], [sflag:$0x5], $0x400, $0x38;
	[tilespmem:$0x4100] =	vst v63  }
0x15c: {  	s19 =	simm.s32 $0x2D00;
	s1 =	sadd.s32 s1, s12;
	s20 =	rddreg [dreg:$0x10]  }
0x15d: {  	[hbm4b:s1+s9] =	stream.linear.scatter [tilespmem:s19], [sflag:$0x5], $0x400, $0x38;
	[tilespmem:$0x4100] =	vst v63  }
0x15e: {  	s1 =	sadd.s32 s0, s20  }
0x15f: {  	s21 =	sshll.u32 s1, $0xA  }
0x160: {  	s22 =	sshll.u32 s1, $0x7;
	s1 =	sand.u32 $0x380, s1;
	s3 =	sand.u32 $0x1F800, s21  }
0x161: {  	s13 =	sand.u32 $0x7FFE0000, s22;
	s1 =	sor.u32 s1, s3  }
0x162: {  	s1 =	sor.u32 s13, s1  }
0x163: {  	s23 =	rddreg [dreg:$0x0];
	s1 =	sshrl.u32 s1, $0x3  }
0x164: {  	s1 =	sadd.s32 s23, s1  }
0x165: {  	[tilespmem:s9], [sflag:$0x1] =	stream.linear.gather [hbm4b:s1+s9], $0x80, $0x38;
	[tilespmem:$0x4100] =	vst v63  }
0x166: {  	_ =	swait.ge [sflag:s25], $0x1000  }
0x167: {  	[sflag:s25] =	ssyncset.done $0x0  }
0x168: {  	s24 =	simm.s32 $0x1;
	[sflag:s25] =	ssyncadd.s32 $0xFFFFF000  }
0x169: {  	_ =	swait.ge [sflag:s24], $0x80  }
0x16a: {  	[sflag:s24] =	ssyncset.done $0x0  }
0x16b: {  	s3 =	simm.s32 $0x100;
	[sflag:s24] =	ssyncadd.s32 $0xFFFFFF80  }
0x16c: {  	[tilespmem:s3], [sflag:$0x3] =	stream.indirect.gather [hbm4b:s5+s10], $0x20, s9, s10, $0xb8;
	[tilespmem:$0x4100] =	vst v63  }
0x16d: {  	_ =	swait.ge [sflag:s2], $0x400  }
0x16e: {  	[sflag:s2] =	ssyncset.done $0x0  }
0x16f: {  	[sflag:s2] =	ssyncadd.s32 $0xFFFFFC00  }
0x170: {  	_ =	swait.ge [sflag:s2], $0x400  }
0x171: {  	[sflag:s2] =	ssyncset.done $0x0  }
0x172: {  	[sflag:s2] =	ssyncadd.s32 $0xFFFFFC00  }
0x173: {  	_ =	swait.ge [sflag:s2], $0x400  }
0x174: {  	[sflag:s2] =	ssyncset.done $0x0  }
0x175: {  	[sflag:s2] =	ssyncadd.s32 $0xFFFFFC00  }
0x176: {  	_ =	swait.ge [sflag:s2], $0x400  }
0x177: {  	[sflag:s2] =	ssyncset.done $0x0  }
0x178: {  	s13 =	simm.s32 $0x1140;
	[sflag:s2] =	ssyncadd.s32 $0xFFFFFC00  }
0x179: {  	v2 =	vor.u32 s9, v0;
	v3 =	vld [tilespmem:s13+$0xFFFFFFC0];
	_ =	sdelay $0x4  }
0x17a: {  	[tilespmem:v2+s26+$0x0] =	vst.idx.msk $0xffff, v3  }
0x17b: {  	v2 =	vor.u32 s9, v1;
	v3 =	vld [tilespmem:s13+$0xFFFFFFD0]  }
0x17c: {  	s16 =	simm.s32 $0x11C0;
	s24 =	simm.s32 $0x4  }
0x17d: {  	v4 =	vor.u32 s24, v0;
	v5 =	vld [tilespmem:s16+$0xFFFFFFC0];
	_ =	sdelay $0x2  }
0x17e: {  	s9 =	simm.s32 $0x1;
	[tilespmem:v2+s26+$0x0] =	vst.idx.msk $0xffff, v3  }
0x17f: {  	v2 =	vor.u32 s9, v0;
	v3 =	vld [tilespmem:s13+$0xFFFFFFE0]  }
0x180: {  	[tilespmem:v4+s26+$0x0] =	vst.idx.msk $0xffff, v5  }
0x181: {  	v4 =	vor.u32 s24, v1;
	v5 =	vld [tilespmem:s16+$0xFFFFFFD0]  }
0x182: {  	s28 =	simm.s32 $0x8;
	s18 =	simm.s32 $0x1240  }
0x183: {  	v6 =	vor.u32 s28, v0;
	v7 =	vld [tilespmem:s18+$0xFFFFFFC0]  }
0x184: {  	[tilespmem:v2+s26+$0x0] =	vst.idx.msk $0xffff, v3  }
0x185: {  	v2 =	vor.u32 s9, v1;
	v3 =	vld [tilespmem:s13+$0xFFFFFFF0]  }
0x186: {  	s10 =	simm.s32 $0x5;
	[tilespmem:v4+s26+$0x0] =	vst.idx.msk $0xffff, v5  }
0x187: {  	v4 =	vor.u32 s10, v0;
	v5 =	vld [tilespmem:s16+$0xFFFFFFE0]  }
0x188: {  	[tilespmem:v6+s26+$0x0] =	vst.idx.msk $0xffff, v7  }
0x189: {  	s29 =	simm.s32 $0xC;
	s23 =	simm.s32 $0x12C0;
	v6 =	vor.u32 s28, v1;
	v7 =	vld [tilespmem:s18+$0xFFFFFFD0]  }
0x18a: {  	s19 =	simm.s32 $0x2;
	[tilespmem:v2+s26+$0x0] =	vst.idx.msk $0xffff, v3;
	v2 =	vor.u32 s29, v0;
	v3 =	vld [tilespmem:s23+$0xFFFFFFC0]  }
0x18b: {  	v8 =	vor.u32 s19, v0;
	v9 =	vld [tilespmem:s13+$0x0]  }
0x18c: {  	[tilespmem:v4+s26+$0x0] =	vst.idx.msk $0xffff, v5  }
0x18d: {  	v4 =	vor.u32 s10, v1;
	v5 =	vld [tilespmem:s16+$0xFFFFFFF0]  }
0x18e: {  	s20 =	simm.s32 $0x9;
	[tilespmem:v6+s26+$0x0] =	vst.idx.msk $0xffff, v7  }
0x18f: {  	v6 =	vor.u32 s20, v0;
	v7 =	vld [tilespmem:s18+$0xFFFFFFE0];
	[tilespmem:v2+s26+$0x0] =	vst.idx.msk $0xffff, v3  }
0x190: {  	v2 =	vor.u32 s29, v1;
	v3 =	vld [tilespmem:s23+$0xFFFFFFD0];
	[tilespmem:v8+s26+$0x0] =	vst.idx.msk $0xffff, v9  }
0x191: {  	s30 =	simm.s32 $0x1340;
	s3 =	simm.s32 $0x10;
	v8 =	vor.u32 s19, v1;
	v9 =	vld [tilespmem:s13+$0x10]  }
0x192: {  	s21 =	simm.s32 $0x6;
	[tilespmem:v4+s26+$0x0] =	vst.idx.msk $0xffff, v5;
	v4 =	vor.u32 s3, v0;
	v5 =	vld [tilespmem:s30+$0xFFFFFFC0]  }
0x193: {  	v10 =	vor.u32 s21, v0;
	v11 =	vld [tilespmem:s16+$0x0]  }
0x194: {  	[tilespmem:v6+s26+$0x0] =	vst.idx.msk $0xffff, v7  }
0x195: {  	s22 =	simm.s32 $0xD;
	v6 =	vor.u32 s20, v1;
	v7 =	vld [tilespmem:s18+$0xFFFFFFF0];
	[tilespmem:v2+s26+$0x0] =	vst.idx.msk $0xffff, v3  }
0x196: {  	v62 =	vor.u32 s22, v0;
	s19 =	simm.s32 $0x3;
	v63 =	vld [tilespmem:s23+$0xFFFFFFE0];
	[tilespmem:v8+s26+$0x0] =	vst.idx.msk $0xffff, v9  }
0x197: {  	[tilespmem:v4+s26+$0x0] =	vst.idx.msk $0xffff, v5;
	v3 =	vor.u32 s19, v0;
	v2 =	vld [tilespmem:s13+$0x20]  }
0x198: {  	[tilespmem:v10+s26+$0x0] =	vst.idx.msk $0xffff, v11;
	v8 =	vld [tilespmem:s30+$0xFFFFFFD0];
	v9 =	vor.u32 s3, v1  }
0x199: {  	s1 =	simm.s32 $0x13C0;
	s20 =	simm.s32 $0x14;
	v5 =	vor.u32 s21, v1;
	v4 =	vld [tilespmem:s16+$0x10]  }
0x19a: {  	[tilespmem:v6+s26+$0x0] =	vst.idx.msk $0xffff, v7;
	s21 =	simm.s32 $0xA;
	v10 =	vld [tilespmem:s1+$0xFFFFFFC0];
	v11 =	vor.u32 s20, v0  }
0x19b: {  	s9 =	simm.s32 $0x18;
	v7 =	vld [tilespmem:s18+$0x0];
	v6 =	vor.u32 s21, v0;
	[tilespmem:v62+s26+$0x0] =	vst.idx.msk $0xffff, v63  }
.LBB2_9:
0x19c: {  	p0 =	sne.s32 s9, $0x7C;
	v12 =	vor.u32 s22, v1;
	v13 =	vld [tilespmem:s23+$0xFFFFFFF0];
	[tilespmem:v3+s26+$0x0] =	vst.idx.msk $0xffff, v2  }
0x19d: {  	s22 =	sadd.s32 $0x1, s3;
	v14 =	vor.u32 s19, v1;
	[tilespmem:v9+s26+$0x0] =	vst.idx.msk $0xffff, v8;
	v15 =	vld [tilespmem:s13+$0x30];
	s13 =	smov.u32 s16;
	s16 =	smov.u32 s18  }
0x19e: {  	s19 =	sadd.s32 $0x3, s24;
	v16 =	vor.u32 s22, v0;
	s18 =	smov.u32 s23;
	s23 =	smov.u32 s30;
	v17 =	vld [tilespmem:s30+$0xFFFFFFE0];
	[tilespmem:v5+s26+$0x0] =	vst.idx.msk $0xffff, v4  }
.Ltmp3:
0x19f: {  	s24 =	smov.u32 s28;
	v3 =	vor.u32 s19, v0;
	s30 =	smov.u32 s1;
	[tilespmem:v11+s26+$0x0] =	vst.idx.msk $0xffff, v10;
	v2 =	vld [tilespmem:s13+$0x20];
	(pc) =	sbr.rel @p0 .LBB2_9-.Ltmp3, $4  }
0x1a0: {  	s28 =	smov.u32 s29;
	s29 =	smov.u32 s3;
	s3 =	smov.u32 s20;
	v9 =	vor.u32 s20, v1;
	v8 =	vld [tilespmem:s1+$0xFFFFFFD0];
	[tilespmem:v6+s26+$0x0] =	vst.idx.msk $0xffff, v7  }
0x1a1: {  	s20 =	smov.u32 s9;
	v5 =	vor.u32 s21, v1;
	s1 =	sadd.s32 $0x80, s1;
	[tilespmem:v12+s26+$0x0] =	vst.idx.msk $0xffff, v13;
	v4 =	vld [tilespmem:s16+$0x10]  }
0x1a2: {  	s21 =	sadd.s32 $0x2, s28;
	v11 =	vor.u32 s9, v0;
	v10 =	vld [tilespmem:s1+$0xFFFFFFC0];
	[tilespmem:v14+s26+$0x0] =	vst.idx.msk $0xffff, v15  }
0x1a3: {  	s9 =	sadd.s32 $0x4, s9;
	v6 =	vor.u32 s21, v0;
	[tilespmem:v16+s26+$0x0] =	vst.idx.msk $0xffff, v17;
	v7 =	vld [tilespmem:s18+$0x0]  }
0x1a4: {  	_ =	sdelay $0x3  }
0x1a5: {  	[tilespmem:v11+s26+$0x0] =	vst.idx.msk $0xffff, v10  }
0x1a6: {  	v42 =	vor.u32 s20, v1;
	v11 =	vld [tilespmem:s1+$0xFFFFFFD0];
	_ =	sdelay $0x3  }
0x1a7: {  	s9 =	sadd.s32 $0x1, s3;
	[tilespmem:v9+s26+$0x0] =	vst.idx.msk $0xffff, v8  }
0x1a8: {  	s10 =	sadd.s32 $0x1, s20;
	v43 =	vor.u32 s9, v0;
	v9 =	vld [tilespmem:s30+$0xFFFFFFE0];
	[tilespmem:v42+s26+$0x0] =	vst.idx.msk $0xffff, v11  }
0x1a9: {  	v44 =	vor.u32 s10, v0;
	v11 =	vld [tilespmem:s1+$0xFFFFFFE0];
	_ =	sdelay $0x3  }
0x1aa: {  	v12 =	vor.u32 s22, v1;
	v13 =	vld [tilespmem:s23+$0xFFFFFFF0];
	[tilespmem:v43+s26+$0x0] =	vst.idx.msk $0xffff, v9  }
0x1ab: {  	v45 =	vor.u32 s9, v1;
	v9 =	vld [tilespmem:s30+$0xFFFFFFF0];
	[tilespmem:v44+s26+$0x0] =	vst.idx.msk $0xffff, v11  }
0x1ac: {  	v46 =	vor.u32 s10, v1;
	v11 =	vld [tilespmem:s1+$0xFFFFFFF0];
	_ =	sdelay $0x2  }
0x1ad: {  	s9 =	sadd.s32 $0x2, s29;
	[tilespmem:v12+s26+$0x0] =	vst.idx.msk $0xffff, v13  }
0x1ae: {  	s10 =	sadd.s32 $0x2, s3;
	v47 =	vor.u32 s9, v0;
	v13 =	vld [tilespmem:s23+$0x0];
	[tilespmem:v45+s26+$0x0] =	vst.idx.msk $0xffff, v9  }
0x1af: {  	s22 =	sadd.s32 $0x2, s20;
	v48 =	vor.u32 s10, v0;
	v9 =	vld [tilespmem:s30+$0x0];
	[tilespmem:v46+s26+$0x0] =	vst.idx.msk $0xffff, v11  }
0x1b0: {  	v49 =	vor.u32 s22, v0;
	v11 =	vld [tilespmem:s1+$0x0]  }
0x1b1: {  	v50 =	vor.u32 s21, v1;
	s21 =	sadd.s32 $0x3, s24;
	[tilespmem:v5+s26+$0x0] =	vst.idx.msk $0xffff, v4  }
0x1b2: {  	v54 =	vor.u32 s21, v0;
	v5 =	vld [tilespmem:s16+$0x20];
	[tilespmem:v6+s26+$0x0] =	vst.idx.msk $0xffff, v7  }
0x1b3: {  	v7 =	vld [tilespmem:s18+$0x10];
	[tilespmem:v47+s26+$0x0] =	vst.idx.msk $0xffff, v13  }
0x1b4: {  	v51 =	vor.u32 s9, v1;
	v13 =	vld [tilespmem:s23+$0x10];
	[tilespmem:v48+s26+$0x0] =	vst.idx.msk $0xffff, v9  }
0x1b5: {  	v52 =	vor.u32 s10, v1;
	v9 =	vld [tilespmem:s30+$0x10];
	[tilespmem:v49+s26+$0x0] =	vst.idx.msk $0xffff, v11  }
0x1b6: {  	[tilespmem:v3+s26+$0x0] =	vst.idx.msk $0xffff, v2;
	v53 =	vor.u32 s22, v1;
	v11 =	vld [tilespmem:s1+$0x10]  }
0x1b7: {  	v58 =	vor.u32 s19, v1;
	v59 =	vld [tilespmem:s13+$0x30];
	[tilespmem:v54+s26+$0x0] =	vst.idx.msk $0xffff, v5  }
0x1b8: {  	s22 =	sadd.s32 $0x3, s28;
	v60 =	vor.u32 s21, v1;
	v5 =	vld [tilespmem:s16+$0x30];
	[tilespmem:v50+s26+$0x0] =	vst.idx.msk $0xffff, v7  }
0x1b9: {  	s24 =	sadd.s32 $0x3, s29;
	v55 =	vor.u32 s22, v0;
	v7 =	vld [tilespmem:s18+$0x20];
	[tilespmem:v51+s26+$0x0] =	vst.idx.msk $0xffff, v13  }
0x1ba: {  	v56 =	vor.u32 s24, v0;
	s28 =	sadd.s32 $0x3, s3;
	v13 =	vld [tilespmem:s23+$0x20];
	[tilespmem:v52+s26+$0x0] =	vst.idx.msk $0xffff, v9  }
0x1bb: {  	s29 =	sadd.s32 $0x3, s20;
	v57 =	vor.u32 s28, v0;
	v9 =	vld [tilespmem:s30+$0x20];
	[tilespmem:v53+s26+$0x0] =	vst.idx.msk $0xffff, v11  }
0x1bc: {  	v2 =	vor.u32 s29, v0;
	[tilespmem:v58+s26+$0x0] =	vst.idx.msk $0xffff, v59;
	v3 =	vld [tilespmem:s1+$0x20]  }
0x1bd: {  	[tilespmem:v60+s26+$0x0] =	vst.idx.msk $0xffff, v5  }
0x1be: {  	[tilespmem:v55+s26+$0x0] =	vst.idx.msk $0xffff, v7  }
0x1bf: {  	v61 =	vor.u32 s22, v1;
	v7 =	vld [tilespmem:s18+$0x30];
	[tilespmem:v56+s26+$0x0] =	vst.idx.msk $0xffff, v13  }
0x1c0: {  	v62 =	vor.u32 s24, v1;
	v13 =	vld [tilespmem:s23+$0x30];
	[tilespmem:v57+s26+$0x0] =	vst.idx.msk $0xffff, v9  }
0x1c1: {  	v63 =	vor.u32 s28, v1;
	v9 =	vld [tilespmem:s30+$0x30];
	[tilespmem:v2+s26+$0x0] =	vst.idx.msk $0xffff, v3  }
0x1c2: {  	v2 =	vor.u32 s29, v1;
	v3 =	vld [tilespmem:s1+$0x30];
	s10 =	rddreg [dreg:$0xe]  }
0x1c3: {  	s1 =	sadd.s32 s0, s10  }
0x1c4: {  	[tilespmem:v61+s26+$0x0] =	vst.idx.msk $0xffff, v7;
	s13 =	sshll.u32 s1, $0x9;
	s1 =	sshll.u32 s1, $0x7  }
0x1c5: {  	[tilespmem:v62+s26+$0x0] =	vst.idx.msk $0xffff, v13;
	s3 =	sand.u32 $0xFFF0000, s13;
	s1 =	sand.u32 $0x3F80, s1  }
0x1c6: {  	s16 =	rddreg [dreg:$0x2];
	[tilespmem:v63+s26+$0x0] =	vst.idx.msk $0xffff, v9;
	s1 =	sor.u32 s1, s3  }
0x1c7: {  	[tilespmem:v2+s26+$0x0] =	vst.idx.msk $0xffff, v3;
	s3 =	sadd.s32 s16, s1  }
0x1c8: {  	[hbm4b:s3+s4] =	stream.linear.scatter [tilespmem:s26], [sflag:$0x6], $0x400, $0x38;
	[tilespmem:$0x4100] =	vst v63  }
0x1c9: {  	s19 =	simm.s32 $0x3500;
	s6 =	sadd.s32 $0x1, s6;
	s18 =	sadd.s32 s1, s8  }
0x1ca: {  	[hbm4b:s18+s4] =	stream.linear.scatter [tilespmem:s19], [sflag:$0x6], $0x400, $0x38;
	[tilespmem:$0x4100] =	vst v63  }
0x1cb: {  	s21 =	simm.s32 $0x3900;
	s20 =	sadd.s32 s1, s11;
	s23 =	rddreg [dreg:$0x11]  }
0x1cc: {  	[hbm4b:s20+s4] =	stream.linear.scatter [tilespmem:s21], [sflag:$0x6], $0x400, $0x38;
	[tilespmem:$0x4100] =	vst v63  }
0x1cd: {  	s22 =	simm.s32 $0x3D00;
	s1 =	sadd.s32 s1, s12;
	s24 =	sadd.s32 s0, s23  }
0x1ce: {  	[hbm4b:s1+s4] =	stream.linear.scatter [tilespmem:s22], [sflag:$0x6], $0x400, $0x38;
	[tilespmem:$0x4100] =	vst v63  }
0x1cf: {  	p0 =	sne.s32 s6, $0x18E;
	s1 =	sshll.u32 s24, $0xA  }
0x1d0: {  	s28 =	sshll.u32 s24, $0x7;
	s0 =	sand.u32 $0x380, s24;
	s1 =	sand.u32 $0x1FC00, s1  }
.Ltmp4:
0x1d1: {  	s29 =	sand.u32 $0x7FFE0000, s28;
	s0 =	sor.u32 s0, s1;
	(pc) =	sbr.rel @p0 .LBB2_6-.Ltmp4, $4  }
0x1d2: {  	s0 =	sor.u32 s29, s0  }
0x1d3: {  	s30 =	rddreg [dreg:$0x0];
	s0 =	sshrl.u32 s0, $0x3  }
0x1d4: {  	s10 =	simm.s32 $0x80;
	s0 =	sadd.s32 s30, s0  }
0x1d5: {  	[tilespmem:s10], [sflag:$0x2] =	stream.linear.gather [hbm4b:s0+s4], $0x80, $0x38;
	[tilespmem:$0x4100] =	vst v63  }
0x1d6: {  	_ =	swait.ge [sflag:s14], $0x1000  }
0x1d7: {  	[sflag:s14] =	ssyncset.done $0x0  }
0x1d8: {  	[sflag:s14] =	ssyncadd.s32 $0xFFFFF000  }
0x1d9: {  	_ =	swait.ge [sflag:s15], $0x80  }
0x1da: {  	[sflag:s15] =	ssyncset.done $0x0  }
0x1db: {  	s0 =	simm.s32 $0x1100;
	[sflag:s15] =	ssyncadd.s32 $0xFFFFFF80  }
0x1dc: {  	[tilespmem:s0], [sflag:$0x4] =	stream.indirect.gather [hbm4b:s5+s10], $0x20, s10, s10, $0xb8;
	[tilespmem:$0x4100] =	vst v63  }
0x1dd: {  	_ =	swait.ge [sflag:s31], $0x400  }
0x1de: {  	[sflag:s31] =	ssyncset.done $0x0  }
0x1df: {  	[sflag:s31] =	ssyncadd.s32 $0xFFFFFC00  }
0x1e0: {  	_ =	swait.ge [sflag:s31], $0x400  }
0x1e1: {  	[sflag:s31] =	ssyncset.done $0x0  }
0x1e2: {  	[sflag:s31] =	ssyncadd.s32 $0xFFFFFC00  }
0x1e3: {  	_ =	swait.ge [sflag:s31], $0x400  }
0x1e4: {  	[sflag:s31] =	ssyncset.done $0x0  }
0x1e5: {  	[sflag:s31] =	ssyncadd.s32 $0xFFFFFC00  }
0x1e6: {  	_ =	swait.ge [sflag:s31], $0x400  }
0x1e7: {  	[sflag:s31] =	ssyncset.done $0x0  }
0x1e8: {  	s1 =	simm.s32 $0x0;
	s0 =	simm.s32 $0x140;
	[sflag:s31] =	ssyncadd.s32 $0xFFFFFC00  }
0x1e9: {  	v2 =	vor.u32 s1, v0;
	v3 =	vld [tilespmem:s0+$0xFFFFFFC0];
	_ =	sdelay $0x4  }
0x1ea: {  	[tilespmem:v2+s17+$0x0] =	vst.idx.msk $0xffff, v3  }
0x1eb: {  	v2 =	vor.u32 s1, v1;
	v3 =	vld [tilespmem:s0+$0xFFFFFFD0]  }
0x1ec: {  	s16 =	simm.s32 $0x4;
	s6 =	simm.s32 $0x1C0  }
0x1ed: {  	v4 =	vor.u32 s16, v0;
	v5 =	vld [tilespmem:s6+$0xFFFFFFC0];
	_ =	sdelay $0x2  }
0x1ee: {  	s24 =	simm.s32 $0x1;
	[tilespmem:v2+s17+$0x0] =	vst.idx.msk $0xffff, v3  }
0x1ef: {  	v2 =	vor.u32 s24, v0;
	v3 =	vld [tilespmem:s0+$0xFFFFFFE0]  }
0x1f0: {  	[tilespmem:v4+s17+$0x0] =	vst.idx.msk $0xffff, v5  }
0x1f1: {  	v4 =	vor.u32 s16, v1;
	v5 =	vld [tilespmem:s6+$0xFFFFFFD0]  }
0x1f2: {  	s18 =	simm.s32 $0x8;
	s7 =	simm.s32 $0x240  }
0x1f3: {  	v6 =	vor.u32 s18, v0;
	v7 =	vld [tilespmem:s7+$0xFFFFFFC0]  }
0x1f4: {  	[tilespmem:v2+s17+$0x0] =	vst.idx.msk $0xffff, v3  }
0x1f5: {  	v2 =	vor.u32 s24, v1;
	v3 =	vld [tilespmem:s0+$0xFFFFFFF0]  }
0x1f6: {  	s28 =	simm.s32 $0x5;
	[tilespmem:v4+s17+$0x0] =	vst.idx.msk $0xffff, v5  }
0x1f7: {  	v4 =	vor.u32 s28, v0;
	v5 =	vld [tilespmem:s6+$0xFFFFFFE0]  }
0x1f8: {  	[tilespmem:v6+s17+$0x0] =	vst.idx.msk $0xffff, v7  }
0x1f9: {  	s23 =	simm.s32 $0xC;
	s13 =	simm.s32 $0x2C0;
	v6 =	vor.u32 s18, v1;
	v7 =	vld [tilespmem:s7+$0xFFFFFFD0]  }
0x1fa: {  	s9 =	simm.s32 $0x2;
	[tilespmem:v2+s17+$0x0] =	vst.idx.msk $0xffff, v3;
	v2 =	vor.u32 s23, v0;
	v3 =	vld [tilespmem:s13+$0xFFFFFFC0]  }
0x1fb: {  	v8 =	vor.u32 s9, v0;
	v9 =	vld [tilespmem:s0+$0x0]  }
0x1fc: {  	[tilespmem:v4+s17+$0x0] =	vst.idx.msk $0xffff, v5  }
0x1fd: {  	v4 =	vor.u32 s28, v1;
	v5 =	vld [tilespmem:s6+$0xFFFFFFF0]  }
0x1fe: {  	s29 =	simm.s32 $0x9;
	[tilespmem:v6+s17+$0x0] =	vst.idx.msk $0xffff, v7  }
0x1ff: {  	v6 =	vor.u32 s29, v0;
	v7 =	vld [tilespmem:s7+$0xFFFFFFE0];
	[tilespmem:v2+s17+$0x0] =	vst.idx.msk $0xffff, v3  }
0x200: {  	v2 =	vor.u32 s23, v1;
	v3 =	vld [tilespmem:s13+$0xFFFFFFD0];
	[tilespmem:v8+s17+$0x0] =	vst.idx.msk $0xffff, v9  }
0x201: {  	s3 =	simm.s32 $0x10;
	s24 =	simm.s32 $0x340;
	v8 =	vor.u32 s9, v1;
	v9 =	vld [tilespmem:s0+$0x10]  }
0x202: {  	s30 =	simm.s32 $0x6;
	[tilespmem:v4+s17+$0x0] =	vst.idx.msk $0xffff, v5;
	v4 =	vor.u32 s3, v0;
	v5 =	vld [tilespmem:s24+$0xFFFFFFC0]  }
0x203: {  	v10 =	vor.u32 s30, v0;
	v11 =	vld [tilespmem:s6+$0x0]  }
0x204: {  	[tilespmem:v6+s17+$0x0] =	vst.idx.msk $0xffff, v7  }
0x205: {  	s22 =	simm.s32 $0xD;
	v6 =	vor.u32 s29, v1;
	v7 =	vld [tilespmem:s7+$0xFFFFFFF0];
	[tilespmem:v2+s17+$0x0] =	vst.idx.msk $0xffff, v3  }
0x206: {  	s19 =	simm.s32 $0x3;
	v12 =	vor.u32 s22, v0;
	v13 =	vld [tilespmem:s13+$0xFFFFFFE0];
	[tilespmem:v8+s17+$0x0] =	vst.idx.msk $0xffff, v9  }
0x207: {  	[tilespmem:v4+s17+$0x0] =	vst.idx.msk $0xffff, v5;
	v3 =	vor.u32 s19, v0;
	v2 =	vld [tilespmem:s0+$0x20]  }
0x208: {  	[tilespmem:v10+s17+$0x0] =	vst.idx.msk $0xffff, v11;
	v8 =	vld [tilespmem:s24+$0xFFFFFFD0];
	v9 =	vor.u32 s3, v1  }
0x209: {  	s20 =	simm.s32 $0x14;
	s1 =	simm.s32 $0x3C0;
	v5 =	vor.u32 s30, v1;
	v4 =	vld [tilespmem:s6+$0x10]  }
0x20a: {  	s21 =	simm.s32 $0xA;
	[tilespmem:v6+s17+$0x0] =	vst.idx.msk $0xffff, v7;
	v10 =	vld [tilespmem:s1+$0xFFFFFFC0];
	v11 =	vor.u32 s20, v0  }
0x20b: {  	v6 =	vor.u32 s21, v0;
	v7 =	vld [tilespmem:s7+$0x0];
	s9 =	simm.s32 $0x18;
	[tilespmem:v12+s17+$0x0] =	vst.idx.msk $0xffff, v13  }
.LBB2_12:
0x20c: {  	p0 =	sne.s32 s9, $0x7C;
	v12 =	vor.u32 s22, v1;
	v13 =	vld [tilespmem:s13+$0xFFFFFFF0];
	[tilespmem:v3+s17+$0x0] =	vst.idx.msk $0xffff, v2  }
0x20d: {  	s22 =	sadd.s32 $0x1, s3;
	v14 =	vor.u32 s19, v1;
	[tilespmem:v9+s17+$0x0] =	vst.idx.msk $0xffff, v8;
	v15 =	vld [tilespmem:s0+$0x30];
	s0 =	smov.u32 s6;
	s6 =	smov.u32 s7  }
0x20e: {  	s19 =	sadd.s32 $0x3, s16;
	v16 =	vor.u32 s22, v0;
	s7 =	smov.u32 s13;
	s13 =	smov.u32 s24;
	v17 =	vld [tilespmem:s24+$0xFFFFFFE0];
	[tilespmem:v5+s17+$0x0] =	vst.idx.msk $0xffff, v4  }
.Ltmp5:
0x20f: {  	s16 =	smov.u32 s18;
	v3 =	vor.u32 s19, v0;
	s24 =	smov.u32 s1;
	[tilespmem:v11+s17+$0x0] =	vst.idx.msk $0xffff, v10;
	v2 =	vld [tilespmem:s0+$0x20];
	(pc) =	sbr.rel @p0 .LBB2_12-.Ltmp5, $4  }
0x210: {  	s18 =	smov.u32 s23;
	s23 =	smov.u32 s3;
	s3 =	smov.u32 s20;
	v9 =	vor.u32 s20, v1;
	v8 =	vld [tilespmem:s1+$0xFFFFFFD0];
	[tilespmem:v6+s17+$0x0] =	vst.idx.msk $0xffff, v7  }
0x211: {  	s20 =	smov.u32 s9;
	v5 =	vor.u32 s21, v1;
	s1 =	sadd.s32 $0x80, s1;
	[tilespmem:v12+s17+$0x0] =	vst.idx.msk $0xffff, v13;
	v4 =	vld [tilespmem:s6+$0x10]  }
0x212: {  	s21 =	sadd.s32 $0x2, s18;
	v11 =	vor.u32 s9, v0;
	v10 =	vld [tilespmem:s1+$0xFFFFFFC0];
	[tilespmem:v14+s17+$0x0] =	vst.idx.msk $0xffff, v15  }
0x213: {  	s9 =	sadd.s32 $0x4, s9;
	v6 =	vor.u32 s21, v0;
	[tilespmem:v16+s17+$0x0] =	vst.idx.msk $0xffff, v17;
	v7 =	vld [tilespmem:s7+$0x0]  }
0x214: {  	_ =	sdelay $0x3  }
0x215: {  	[tilespmem:v11+s17+$0x0] =	vst.idx.msk $0xffff, v10  }
0x216: {  	v10 =	vor.u32 s20, v1;
	v11 =	vld [tilespmem:s1+$0xFFFFFFD0];
	_ =	sdelay $0x2  }
0x217: {  	s9 =	sadd.s32 $0x1, s3;
	[tilespmem:v9+s17+$0x0] =	vst.idx.msk $0xffff, v8  }
0x218: {  	v8 =	vor.u32 s9, v0;
	v9 =	vld [tilespmem:s24+$0xFFFFFFE0]  }
0x219: {  	s10 =	sadd.s32 $0x1, s20;
	[tilespmem:v10+s17+$0x0] =	vst.idx.msk $0xffff, v11  }
0x21a: {  	v10 =	vor.u32 s10, v0;
	v11 =	vld [tilespmem:s1+$0xFFFFFFE0];
	_ =	sdelay $0x2  }
0x21b: {  	v12 =	vor.u32 s22, v1;
	v13 =	vld [tilespmem:s13+$0xFFFFFFF0];
	[tilespmem:v8+s17+$0x0] =	vst.idx.msk $0xffff, v9  }
0x21c: {  	v8 =	vor.u32 s9, v1;
	v9 =	vld [tilespmem:s24+$0xFFFFFFF0]  }
0x21d: {  	[tilespmem:v10+s17+$0x0] =	vst.idx.msk $0xffff, v11  }
0x21e: {  	v10 =	vor.u32 s10, v1;
	v11 =	vld [tilespmem:s1+$0xFFFFFFF0];
	_ =	sdelay $0x1  }
0x21f: {  	s28 =	sadd.s32 $0x2, s23;
	[tilespmem:v12+s17+$0x0] =	vst.idx.msk $0xffff, v13  }
0x220: {  	s29 =	sadd.s32 $0x2, s3;
	v58 =	vor.u32 s28, v0;
	v13 =	vld [tilespmem:s13+$0x0];
	[tilespmem:v8+s17+$0x0] =	vst.idx.msk $0xffff, v9  }
0x221: {  	v8 =	vor.u32 s29, v0;
	v9 =	vld [tilespmem:s24+$0x0]  }
0x222: {  	s30 =	sadd.s32 $0x2, s20;
	[tilespmem:v10+s17+$0x0] =	vst.idx.msk $0xffff, v11  }
0x223: {  	v10 =	vor.u32 s30, v0;
	v11 =	vld [tilespmem:s1+$0x0]  }
0x224: {  	[tilespmem:v6+s17+$0x0] =	vst.idx.msk $0xffff, v7  }
0x225: {  	v6 =	vor.u32 s21, v1;
	v7 =	vld [tilespmem:s7+$0x10];
	[tilespmem:v58+s17+$0x0] =	vst.idx.msk $0xffff, v13  }
0x226: {  	v59 =	vor.u32 s28, v1;
	v13 =	vld [tilespmem:s13+$0x10];
	[tilespmem:v8+s17+$0x0] =	vst.idx.msk $0xffff, v9  }
0x227: {  	v8 =	vor.u32 s29, v1;
	v9 =	vld [tilespmem:s24+$0x10]  }
0x228: {  	[tilespmem:v10+s17+$0x0] =	vst.idx.msk $0xffff, v11  }
0x229: {  	[tilespmem:v5+s17+$0x0] =	vst.idx.msk $0xffff, v4;
	s21 =	sadd.s32 $0x3, s16;
	v10 =	vor.u32 s30, v1;
	v11 =	vld [tilespmem:s1+$0x10]  }
0x22a: {  	s22 =	sadd.s32 $0x3, s18;
	v5 =	vld [tilespmem:s6+$0x20];
	v4 =	vor.u32 s21, v0;
	[tilespmem:v6+s17+$0x0] =	vst.idx.msk $0xffff, v7  }
0x22b: {  	s28 =	sadd.s32 $0x3, s23;
	v6 =	vor.u32 s22, v0;
	v7 =	vld [tilespmem:s7+$0x20];
	[tilespmem:v59+s17+$0x0] =	vst.idx.msk $0xffff, v13  }
0x22c: {  	v60 =	vor.u32 s28, v0;
	v13 =	vld [tilespmem:s13+$0x20];
	s29 =	sadd.s32 $0x3, s3;
	[tilespmem:v8+s17+$0x0] =	vst.idx.msk $0xffff, v9  }
0x22d: {  	[tilespmem:v3+s17+$0x0] =	vst.idx.msk $0xffff, v2;
	v8 =	vor.u32 s29, v0;
	v9 =	vld [tilespmem:s24+$0x20]  }
0x22e: {  	s30 =	sadd.s32 $0x3, s20;
	[tilespmem:v10+s17+$0x0] =	vst.idx.msk $0xffff, v11  }
0x22f: {  	[tilespmem:v4+s17+$0x0] =	vst.idx.msk $0xffff, v5;
	v2 =	vor.u32 s30, v0;
	v3 =	vld [tilespmem:s1+$0x20]  }
0x230: {  	v4 =	vor.u32 s21, v1;
	v5 =	vld [tilespmem:s6+$0x30];
	[tilespmem:v6+s17+$0x0] =	vst.idx.msk $0xffff, v7  }
0x231: {  	v6 =	vor.u32 s22, v1;
	v7 =	vld [tilespmem:s7+$0x30];
	[tilespmem:v60+s17+$0x0] =	vst.idx.msk $0xffff, v13  }
0x232: {  	v61 =	vor.u32 s28, v1;
	v13 =	vld [tilespmem:s13+$0x30];
	[tilespmem:v8+s17+$0x0] =	vst.idx.msk $0xffff, v9  }
0x233: {  	v8 =	vor.u32 s29, v1;
	v9 =	vld [tilespmem:s24+$0x30]  }
0x234: {  	v10 =	vor.u32 s19, v1;
	v11 =	vld [tilespmem:s0+$0x30];
	[tilespmem:v2+s17+$0x0] =	vst.idx.msk $0xffff, v3  }
0x235: {  	[tilespmem:v4+s17+$0x0] =	vst.idx.msk $0xffff, v5;
	v2 =	vor.u32 s30, v1;
	v3 =	vld [tilespmem:s1+$0x30]  }
0x236: {  	[tilespmem:v6+s17+$0x0] =	vst.idx.msk $0xffff, v7  }
0x237: {  	[tilespmem:v61+s17+$0x0] =	vst.idx.msk $0xffff, v13  }
0x238: {  	[tilespmem:v8+s17+$0x0] =	vst.idx.msk $0xffff, v9  }
0x239: {  	[tilespmem:v10+s17+$0x0] =	vst.idx.msk $0xffff, v11  }
0x23a: {  	[tilespmem:v2+s17+$0x0] =	vst.idx.msk $0xffff, v3  }
0x23b: {  	s10 =	simm.s32 $0x0;
	s13 =	rddreg [dreg:$0x12]  }
0x23c: {  	[hbm4b:s13+s10] =	stream.linear.scatter [tilespmem:s17], [sflag:$0x5], $0x400, $0x38;
	[tilespmem:$0x4100] =	vst v63  }
0x23d: {  	s18 =	simm.s32 $0x2500;
	s16 =	rddreg [dreg:$0x13]  }
0x23e: {  	[hbm4b:s16+s10] =	stream.linear.scatter [tilespmem:s18], [sflag:$0x5], $0x400, $0x38;
	[tilespmem:$0x4100] =	vst v63  }
0x23f: {  	s20 =	simm.s32 $0x2900;
	s19 =	rddreg [dreg:$0x14]  }
0x240: {  	[hbm4b:s19+s10] =	stream.linear.scatter [tilespmem:s20], [sflag:$0x5], $0x400, $0x38;
	[tilespmem:$0x4100] =	vst v63  }
0x241: {  	s22 =	simm.s32 $0x2D00;
	s21 =	rddreg [dreg:$0x15]  }
0x242: {  	[hbm4b:s21+s10] =	stream.linear.scatter [tilespmem:s22], [sflag:$0x5], $0x400, $0x38;
	[tilespmem:$0x4100] =	vst v63  }
0x243: {  	_ =	swait.ge [sflag:s25], $0x1000  }
0x244: {  	[sflag:s25] =	ssyncset.done $0x0  }
0x245: {  	[sflag:s25] =	ssyncadd.s32 $0xFFFFF000  }
0x246: {  	_ =	swait.ge [sflag:s2], $0x400  }
0x247: {  	[sflag:s2] =	ssyncset.done $0x0  }
0x248: {  	[sflag:s2] =	ssyncadd.s32 $0xFFFFFC00  }
0x249: {  	_ =	swait.ge [sflag:s2], $0x400  }
0x24a: {  	[sflag:s2] =	ssyncset.done $0x0  }
0x24b: {  	[sflag:s2] =	ssyncadd.s32 $0xFFFFFC00  }
0x24c: {  	_ =	swait.ge [sflag:s2], $0x400  }
0x24d: {  	[sflag:s2] =	ssyncset.done $0x0  }
0x24e: {  	[sflag:s2] =	ssyncadd.s32 $0xFFFFFC00  }
0x24f: {  	_ =	swait.ge [sflag:s2], $0x400  }
0x250: {  	[sflag:s2] =	ssyncset.done $0x0  }
0x251: {  	s0 =	simm.s32 $0x1140;
	[sflag:s2] =	ssyncadd.s32 $0xFFFFFC00  }
0x252: {  	v2 =	vor.u32 s10, v0;
	v3 =	vld [tilespmem:s0+$0xFFFFFFC0];
	_ =	sdelay $0x4  }
0x253: {  	[tilespmem:v2+s26+$0x0] =	vst.idx.msk $0xffff, v3  }
0x254: {  	v2 =	vor.u32 s10, v1;
	v3 =	vld [tilespmem:s0+$0xFFFFFFD0]  }
0x255: {  	s6 =	simm.s32 $0x11C0;
	s16 =	simm.s32 $0x4  }
0x256: {  	v4 =	vor.u32 s16, v0;
	v5 =	vld [tilespmem:s6+$0xFFFFFFC0];
	_ =	sdelay $0x2  }
0x257: {  	s23 =	simm.s32 $0x1;
	[tilespmem:v2+s26+$0x0] =	vst.idx.msk $0xffff, v3  }
0x258: {  	v2 =	vor.u32 s23, v0;
	v3 =	vld [tilespmem:s0+$0xFFFFFFE0]  }
0x259: {  	[tilespmem:v4+s26+$0x0] =	vst.idx.msk $0xffff, v5  }
0x25a: {  	v4 =	vor.u32 s16, v1;
	v5 =	vld [tilespmem:s6+$0xFFFFFFD0]  }
0x25b: {  	s7 =	simm.s32 $0x1240;
	s18 =	simm.s32 $0x8  }
0x25c: {  	v6 =	vor.u32 s18, v0;
	v7 =	vld [tilespmem:s7+$0xFFFFFFC0]  }
0x25d: {  	[tilespmem:v2+s26+$0x0] =	vst.idx.msk $0xffff, v3  }
0x25e: {  	v2 =	vor.u32 s23, v1;
	v3 =	vld [tilespmem:s0+$0xFFFFFFF0]  }
0x25f: {  	s24 =	simm.s32 $0x5;
	[tilespmem:v4+s26+$0x0] =	vst.idx.msk $0xffff, v5  }
0x260: {  	v4 =	vor.u32 s24, v0;
	v5 =	vld [tilespmem:s6+$0xFFFFFFE0]  }
0x261: {  	[tilespmem:v6+s26+$0x0] =	vst.idx.msk $0xffff, v7  }
0x262: {  	s13 =	simm.s32 $0x12C0;
	v6 =	vor.u32 s18, v1;
	v7 =	vld [tilespmem:s7+$0xFFFFFFD0];
	s23 =	simm.s32 $0xC  }
0x263: {  	s28 =	simm.s32 $0x2;
	[tilespmem:v2+s26+$0x0] =	vst.idx.msk $0xffff, v3;
	v2 =	vor.u32 s23, v0;
	v3 =	vld [tilespmem:s13+$0xFFFFFFC0]  }
0x264: {  	v8 =	vor.u32 s28, v0;
	v9 =	vld [tilespmem:s0+$0x0]  }
0x265: {  	[tilespmem:v4+s26+$0x0] =	vst.idx.msk $0xffff, v5  }
0x266: {  	v4 =	vor.u32 s24, v1;
	v5 =	vld [tilespmem:s6+$0xFFFFFFF0]  }
0x267: {  	s29 =	simm.s32 $0x9;
	[tilespmem:v6+s26+$0x0] =	vst.idx.msk $0xffff, v7  }
0x268: {  	v6 =	vor.u32 s29, v0;
	v7 =	vld [tilespmem:s7+$0xFFFFFFE0];
	[tilespmem:v2+s26+$0x0] =	vst.idx.msk $0xffff, v3  }
0x269: {  	v2 =	vor.u32 s23, v1;
	v3 =	vld [tilespmem:s13+$0xFFFFFFD0];
	[tilespmem:v8+s26+$0x0] =	vst.idx.msk $0xffff, v9  }
0x26a: {  	s3 =	simm.s32 $0x10;
	s24 =	simm.s32 $0x1340;
	v8 =	vor.u32 s28, v1;
	v9 =	vld [tilespmem:s0+$0x10]  }
0x26b: {  	s30 =	simm.s32 $0x6;
	[tilespmem:v4+s26+$0x0] =	vst.idx.msk $0xffff, v5;
	v4 =	vor.u32 s3, v0;
	v5 =	vld [tilespmem:s24+$0xFFFFFFC0]  }
0x26c: {  	v10 =	vor.u32 s30, v0;
	v11 =	vld [tilespmem:s6+$0x0]  }
0x26d: {  	[tilespmem:v6+s26+$0x0] =	vst.idx.msk $0xffff, v7  }
0x26e: {  	s22 =	simm.s32 $0xD;
	v6 =	vor.u32 s29, v1;
	v7 =	vld [tilespmem:s7+$0xFFFFFFF0];
	[tilespmem:v2+s26+$0x0] =	vst.idx.msk $0xffff, v3  }
0x26f: {  	s19 =	simm.s32 $0x3;
	v62 =	vor.u32 s22, v0;
	v63 =	vld [tilespmem:s13+$0xFFFFFFE0];
	[tilespmem:v8+s26+$0x0] =	vst.idx.msk $0xffff, v9  }
0x270: {  	[tilespmem:v4+s26+$0x0] =	vst.idx.msk $0xffff, v5;
	v3 =	vor.u32 s19, v0;
	v2 =	vld [tilespmem:s0+$0x20]  }
0x271: {  	[tilespmem:v10+s26+$0x0] =	vst.idx.msk $0xffff, v11;
	v8 =	vld [tilespmem:s24+$0xFFFFFFD0];
	v9 =	vor.u32 s3, v1  }
0x272: {  	s1 =	simm.s32 $0x13C0;
	s20 =	simm.s32 $0x14;
	v5 =	vor.u32 s30, v1;
	v4 =	vld [tilespmem:s6+$0x10]  }
0x273: {  	s21 =	simm.s32 $0xA;
	[tilespmem:v6+s26+$0x0] =	vst.idx.msk $0xffff, v7;
	v10 =	vld [tilespmem:s1+$0xFFFFFFC0];
	v11 =	vor.u32 s20, v0  }
0x274: {  	s9 =	simm.s32 $0x18;
	v6 =	vor.u32 s21, v0;
	v7 =	vld [tilespmem:s7+$0x0];
	[tilespmem:v62+s26+$0x0] =	vst.idx.msk $0xffff, v63  }
.LBB2_14:
0x275: {  	p0 =	sne.s32 s9, $0x7C;
	v12 =	vor.u32 s22, v1;
	v13 =	vld [tilespmem:s13+$0xFFFFFFF0];
	[tilespmem:v3+s26+$0x0] =	vst.idx.msk $0xffff, v2  }
0x276: {  	s22 =	sadd.s32 $0x1, s3;
	v14 =	vor.u32 s19, v1;
	[tilespmem:v9+s26+$0x0] =	vst.idx.msk $0xffff, v8;
	v15 =	vld [tilespmem:s0+$0x30];
	s0 =	smov.u32 s6;
	s6 =	smov.u32 s7  }
0x277: {  	s19 =	sadd.s32 $0x3, s16;
	v16 =	vor.u32 s22, v0;
	s7 =	smov.u32 s13;
	s13 =	smov.u32 s24;
	v17 =	vld [tilespmem:s24+$0xFFFFFFE0];
	[tilespmem:v5+s26+$0x0] =	vst.idx.msk $0xffff, v4  }
.Ltmp6:
0x278: {  	s16 =	smov.u32 s18;
	v3 =	vor.u32 s19, v0;
	s24 =	smov.u32 s1;
	[tilespmem:v11+s26+$0x0] =	vst.idx.msk $0xffff, v10;
	v2 =	vld [tilespmem:s0+$0x20];
	(pc) =	sbr.rel @p0 .LBB2_14-.Ltmp6, $4  }
0x279: {  	s18 =	smov.u32 s23;
	s23 =	smov.u32 s3;
	s3 =	smov.u32 s20;
	v9 =	vor.u32 s20, v1;
	v8 =	vld [tilespmem:s1+$0xFFFFFFD0];
	[tilespmem:v6+s26+$0x0] =	vst.idx.msk $0xffff, v7  }
0x27a: {  	s20 =	smov.u32 s9;
	v5 =	vor.u32 s21, v1;
	s1 =	sadd.s32 $0x80, s1;
	[tilespmem:v12+s26+$0x0] =	vst.idx.msk $0xffff, v13;
	v4 =	vld [tilespmem:s6+$0x10]  }
0x27b: {  	s21 =	sadd.s32 $0x2, s18;
	v11 =	vor.u32 s9, v0;
	v10 =	vld [tilespmem:s1+$0xFFFFFFC0];
	[tilespmem:v14+s26+$0x0] =	vst.idx.msk $0xffff, v15  }
0x27c: {  	s9 =	sadd.s32 $0x4, s9;
	v6 =	vor.u32 s21, v0;
	[tilespmem:v16+s26+$0x0] =	vst.idx.msk $0xffff, v17;
	v7 =	vld [tilespmem:s7+$0x0]  }
0x27d: {  	_ =	sdelay $0x3  }
0x27e: {  	[tilespmem:v11+s26+$0x0] =	vst.idx.msk $0xffff, v10  }
0x27f: {  	v42 =	vor.u32 s20, v1;
	v11 =	vld [tilespmem:s1+$0xFFFFFFD0];
	_ =	sdelay $0x3  }
0x280: {  	s9 =	sadd.s32 $0x1, s3;
	[tilespmem:v9+s26+$0x0] =	vst.idx.msk $0xffff, v8  }
0x281: {  	s10 =	sadd.s32 $0x1, s20;
	v43 =	vor.u32 s9, v0;
	v9 =	vld [tilespmem:s24+$0xFFFFFFE0];
	[tilespmem:v42+s26+$0x0] =	vst.idx.msk $0xffff, v11  }
0x282: {  	v44 =	vor.u32 s10, v0;
	v11 =	vld [tilespmem:s1+$0xFFFFFFE0];
	_ =	sdelay $0x3  }
0x283: {  	v12 =	vor.u32 s22, v1;
	v13 =	vld [tilespmem:s13+$0xFFFFFFF0];
	[tilespmem:v43+s26+$0x0] =	vst.idx.msk $0xffff, v9  }
0x284: {  	v45 =	vor.u32 s9, v1;
	v9 =	vld [tilespmem:s24+$0xFFFFFFF0];
	[tilespmem:v44+s26+$0x0] =	vst.idx.msk $0xffff, v11  }
0x285: {  	v46 =	vor.u32 s10, v1;
	v11 =	vld [tilespmem:s1+$0xFFFFFFF0];
	_ =	sdelay $0x2  }
0x286: {  	s28 =	sadd.s32 $0x2, s23;
	[tilespmem:v12+s26+$0x0] =	vst.idx.msk $0xffff, v13  }
0x287: {  	s29 =	sadd.s32 $0x2, s3;
	v47 =	vor.u32 s28, v0;
	v13 =	vld [tilespmem:s13+$0x0];
	[tilespmem:v45+s26+$0x0] =	vst.idx.msk $0xffff, v9  }
0x288: {  	s30 =	sadd.s32 $0x2, s20;
	v48 =	vor.u32 s29, v0;
	v9 =	vld [tilespmem:s24+$0x0];
	[tilespmem:v46+s26+$0x0] =	vst.idx.msk $0xffff, v11  }
0x289: {  	v49 =	vor.u32 s30, v0;
	v11 =	vld [tilespmem:s1+$0x0];
	_ =	sdelay $0x1  }
0x28a: {  	[tilespmem:v6+s26+$0x0] =	vst.idx.msk $0xffff, v7  }
0x28b: {  	v50 =	vor.u32 s21, v1;
	v7 =	vld [tilespmem:s7+$0x10];
	[tilespmem:v47+s26+$0x0] =	vst.idx.msk $0xffff, v13  }
0x28c: {  	v51 =	vor.u32 s28, v1;
	v13 =	vld [tilespmem:s13+$0x10];
	[tilespmem:v48+s26+$0x0] =	vst.idx.msk $0xffff, v9  }
0x28d: {  	v52 =	vor.u32 s29, v1;
	v9 =	vld [tilespmem:s24+$0x10];
	[tilespmem:v49+s26+$0x0] =	vst.idx.msk $0xffff, v11  }
0x28e: {  	v53 =	vor.u32 s30, v1;
	v11 =	vld [tilespmem:s1+$0x10]  }
0x28f: {  	s21 =	sadd.s32 $0x3, s16;
	[tilespmem:v5+s26+$0x0] =	vst.idx.msk $0xffff, v4  }
0x290: {  	s22 =	sadd.s32 $0x3, s18;
	v54 =	vor.u32 s21, v0;
	v5 =	vld [tilespmem:s6+$0x20];
	[tilespmem:v50+s26+$0x0] =	vst.idx.msk $0xffff, v7  }
0x291: {  	v55 =	vor.u32 s22, v0;
	s28 =	sadd.s32 $0x3, s23;
	v7 =	vld [tilespmem:s7+$0x20];
	[tilespmem:v51+s26+$0x0] =	vst.idx.msk $0xffff, v13  }
0x292: {  	s29 =	sadd.s32 $0x3, s3;
	v56 =	vor.u32 s28, v0;
	v13 =	vld [tilespmem:s13+$0x20];
	[tilespmem:v52+s26+$0x0] =	vst.idx.msk $0xffff, v9  }
0x293: {  	s30 =	sadd.s32 $0x3, s20;
	v57 =	vor.u32 s29, v0;
	v9 =	vld [tilespmem:s24+$0x20];
	[tilespmem:v53+s26+$0x0] =	vst.idx.msk $0xffff, v11  }
0x294: {  	[tilespmem:v3+s26+$0x0] =	vst.idx.msk $0xffff, v2;
	v2 =	vor.u32 s30, v0;
	v3 =	vld [tilespmem:s1+$0x20]  }
0x295: {  	v58 =	vor.u32 s19, v1;
	v59 =	vld [tilespmem:s0+$0x30];
	[tilespmem:v54+s26+$0x0] =	vst.idx.msk $0xffff, v5  }
0x296: {  	v60 =	vor.u32 s21, v1;
	v5 =	vld [tilespmem:s6+$0x30];
	[tilespmem:v55+s26+$0x0] =	vst.idx.msk $0xffff, v7  }
0x297: {  	v61 =	vor.u32 s22, v1;
	v7 =	vld [tilespmem:s7+$0x30];
	[tilespmem:v56+s26+$0x0] =	vst.idx.msk $0xffff, v13  }
0x298: {  	v62 =	vor.u32 s28, v1;
	v13 =	vld [tilespmem:s13+$0x30];
	[tilespmem:v57+s26+$0x0] =	vst.idx.msk $0xffff, v9  }
0x299: {  	v63 =	vor.u32 s29, v1;
	v9 =	vld [tilespmem:s24+$0x30];
	[tilespmem:v2+s26+$0x0] =	vst.idx.msk $0xffff, v3  }
0x29a: {  	[tilespmem:v58+s26+$0x0] =	vst.idx.msk $0xffff, v59;
	v2 =	vor.u32 s30, v1;
	v3 =	vld [tilespmem:s1+$0x30]  }
0x29b: {  	[tilespmem:v60+s26+$0x0] =	vst.idx.msk $0xffff, v5  }
0x29c: {  	[tilespmem:v61+s26+$0x0] =	vst.idx.msk $0xffff, v7  }
0x29d: {  	[tilespmem:v62+s26+$0x0] =	vst.idx.msk $0xffff, v13  }
0x29e: {  	[tilespmem:v63+s26+$0x0] =	vst.idx.msk $0xffff, v9  }
0x29f: {  	[tilespmem:v2+s26+$0x0] =	vst.idx.msk $0xffff, v3  }
0x2a0: {  	s19 =	rddreg [dreg:$0x16]  }
0x2a1: {  	[hbm4b:s19+s4] =	stream.linear.scatter [tilespmem:s26], [sflag:$0x6], $0x400, $0x38;
	[tilespmem:$0x4100] =	vst v63  }
0x2a2: {  	s21 =	simm.s32 $0x3500;
	s20 =	rddreg [dreg:$0x17]  }
0x2a3: {  	[hbm4b:s20+s4] =	stream.linear.scatter [tilespmem:s21], [sflag:$0x6], $0x400, $0x38;
	[tilespmem:$0x4100] =	vst v63  }
0x2a4: {  	s23 =	simm.s32 $0x3900;
	s22 =	rddreg [dreg:$0x18]  }
0x2a5: {  	[hbm4b:s22+s4] =	stream.linear.scatter [tilespmem:s23], [sflag:$0x6], $0x400, $0x38;
	[tilespmem:$0x4100] =	vst v63  }
0x2a6: {  	s28 =	simm.s32 $0x3D00;
	s24 =	rddreg [dreg:$0x19]  }
0x2a7: {  	[hbm4b:s24+s4] =	stream.linear.scatter [tilespmem:s28], [sflag:$0x6], $0x400, $0x38;
	[tilespmem:$0x4100] =	vst v63  }
0x2a8: {  	_ =	swait.ge [sflag:s31], $0x400  }
0x2a9: {  	[sflag:s31] =	ssyncset.done $0x0  }
0x2aa: {  	[sflag:s31] =	ssyncadd.s32 $0xFFFFFC00  }
0x2ab: {  	_ =	swait.ge [sflag:s31], $0x400  }
0x2ac: {  	[sflag:s31] =	ssyncset.done $0x0  }
0x2ad: {  	[sflag:s31] =	ssyncadd.s32 $0xFFFFFC00  }
0x2ae: {  	_ =	swait.ge [sflag:s31], $0x400  }
0x2af: {  	[sflag:s31] =	ssyncset.done $0x0  }
0x2b0: {  	[sflag:s31] =	ssyncadd.s32 $0xFFFFFC00  }
0x2b1: {  	_ =	swait.ge [sflag:s31], $0x400  }
0x2b2: {  	[sflag:s31] =	ssyncset.done $0x0  }
0x2b3: {  	[sflag:s31] =	ssyncadd.s32 $0xFFFFFC00  }
0x2b4: {  	_ =	swait.ge [sflag:s2], $0x400  }
0x2b5: {  	[sflag:s2] =	ssyncset.done $0x0  }
0x2b6: {  	[sflag:s2] =	ssyncadd.s32 $0xFFFFFC00  }
0x2b7: {  	_ =	swait.ge [sflag:s2], $0x400  }
0x2b8: {  	[sflag:s2] =	ssyncset.done $0x0  }
0x2b9: {  	[sflag:s2] =	ssyncadd.s32 $0xFFFFFC00  }
0x2ba: {  	_ =	swait.ge [sflag:s2], $0x400  }
0x2bb: {  	[sflag:s2] =	ssyncset.done $0x0  }
0x2bc: {  	[sflag:s2] =	ssyncadd.s32 $0xFFFFFC00  }
0x2bd: {  	_ =	swait.ge [sflag:s2], $0x400  }
0x2be: {  	s29 =	rddreg [dreg:$0x1d]  }
0x2bf: {  	s30 =	rddreg [dreg:$0x1a];
	s1 =	sadd.s32 $0x1, s29  }
0x2c0: {  	p0 =	sne.s32 s1, s30  }
.Ltmp7:
0x2c1: {  	_ = 	snop;
	(pc) =	sbr.rel @p0 .LBB2_1-.Ltmp7, $3  }
0x2c2: {  	_ =	sdelay $0x1  }
0x2c3: {  	[sflag:s2] =	ssyncset.done $0x0  }
0x2c4: {  	s10 =	simm.s32 $0x80;
	[sflag:s2] =	ssyncadd.s32 $0xFFFFFC00  }
0x2c5: {  	_ =	sfence.sel $0x180000  }
0x2c6: {  	[bflag:$0x0] =	sbarrier.arrive $0xFFFF  }
0x2c7: {  	_ =	strace $0x90000047  }
0x2c8: {  	s0 =	stileid.u32;
	[bflag:$0x2] =	sbarrier.arrive $0xFFFF  }
0x2c9: {  	p0 =	sne.s32 s0, $0x0;
	s0 =	rddreg [dreg:$0x3]  }
0x2ca: {  	s0 =	sadd.s32 @!p0 $0x100000, s0  }
0x2cb: {  	[sflag:s0] =	ssyncadd.tile.s32 @!p0 $0x1;
	_ =	shalt  }
.Lfunc_end2:
_tile_overlayer_lowered:
.L_overlay_start_2:
0x2cc: {  	(tag) =	ssettag $0x2  }
0x2cd: {  	s0 =	rddreg [dreg:$0x0];
	s2 =	stileid.u32  }
0x2ce: {  	s1 =	rddreg [dreg:$0x1];
	p0 =	sne.s32 s2, $0x0  }
0x2cf: {  	s3 =	rddreg [dreg:$0x2];
	[bflag:$0x3] =	sbarrier.arrive $0xFFFF;
	s2 =	simm.s32 @!p0 $0x1C07  }
0x2d0: {  	[timem:s3], [sflag:s2] =	dma.local @!p0 [hbm:s0], s1  }
0x2d1: {  	s0 =	simm.s32 @!p0 $0x7  }
0x2d2: {  	_ =	swait.ge @!p0 [sflag:s0], s1  }
0x2d3: {  	s1 =	ssub.s32 @!p0 $0x0, s1;
	[sflag:s0] =	ssyncset.done @!p0 $0x0  }
0x2d4: {  	[sflag:s0] =	ssyncadd.s32 @!p0 s1  }
0x2d5: {  	[bflag:$0x3] =	sbarrier.arrive $0xFFFF  }
0x2d6: {  	_ =	shalt  }

</sc_bundles>
